<compile_context>
chip_gen: v7x
topology: tpu7x:2x2x1
jax: 0.10.2.dev20260603
libtpu: 0.0.44.dev20260713+nightly
codegen_flags: <defaults>
</compile_context>

<pallas_src>
import functools

import jax
import jax.numpy as jnp
from jax import lax
from jax.experimental import pallas as pl
from jax.experimental.pallas import tpu as pltpu
from jax.experimental.pallas import tpu_sc as plsc

_INFO = plsc.get_sparse_core_info()
_NC = _INFO.num_cores
_NS = _INFO.num_subcores
_NL = _INFO.num_lanes
_NW = _NC * _NS

_C = 80
_NB = 4


def _deg_pass(ei5, npad):
    _, _, nph, cpp, c_w = ei5.shape
    nch = nph * cpp
    rpt = npad // _NS
    mesh = plsc.VectorSubcoreMesh(core_axis_name="c", subcore_axis_name="s")

    @functools.partial(
        pl.kernel,
        out_type=(jax.ShapeDtypeStruct((npad,), jnp.float32),
                  jax.ShapeDtypeStruct((npad,), jnp.float32)),
        mesh=mesh,
        scratch_types=[
            pltpu.VMEM_SHARED((npad,), jnp.float32),
            pltpu.VMEM((nch, c_w), jnp.int32),
            pltpu.VMEM((((c_w + _NL - 1) // _NL) * _NL,), jnp.float32),
            pltpu.VMEM((((rpt + _NL - 1) // _NL) * _NL,), jnp.float32),
            pltpu.SemaphoreType.DMA,
        ],
    )
    def k(ei_hbm, d0_hbm, d1_hbm, deg_sh, cidx, ones_v, zbuf, sem):
        c = lax.axis_index("c")
        s = lax.axis_index("s")
        w = c * _NS + s
        rbase = s * rpt

        def zrow(i, _):
            zbuf[pl.ds(i * _NL, _NL)] = jnp.zeros((_NL,), jnp.float32)
            return 0
        lax.fori_loop(0, zbuf.shape[0] // _NL, zrow, 0)
        for t in range(ones_v.shape[0] // _NL):
            ones_v[pl.ds(t * _NL, _NL)] = jnp.ones((_NL,), jnp.float32)
        pltpu.sync_copy(zbuf.at[pl.ds(0, rpt)], deg_sh.at[pl.ds(rbase, rpt)])
        for p in range(nph):
            pltpu.sync_copy(ei_hbm.at[1, w, p],
                            cidx.at[pl.ds(p * cpp, cpp)])
        plsc.subcore_barrier()

        def fire(k_, _):
            pltpu.async_copy(ones_v.at[pl.ds(0, c_w)],
                             deg_sh.at[cidx.at[k_]], sem, add=True)
            return 0
        lax.fori_loop(0, nch, fire, 0)

        def drain(k_, _):
            pltpu.make_async_copy(ones_v.at[pl.ds(0, c_w)],
                                  deg_sh.at[cidx.at[0]], sem).wait()
            return 0
        lax.fori_loop(0, nch, drain, 0)
        plsc.subcore_barrier()

        @pl.when(c == 0)
        def _():
            pltpu.sync_copy(deg_sh.at[pl.ds(rbase, rpt)],
                            d0_hbm.at[pl.ds(rbase, rpt)])

        @pl.when(c != 0)
        def _():
            pltpu.sync_copy(deg_sh.at[pl.ds(rbase, rpt)],
                            d1_hbm.at[pl.ds(rbase, rpt)])

    return k(ei5)


def _edge_pass(y, ei5):
    npad, d = y.shape
    _, _, nph, cpp, c_w = ei5.shape
    assert cpp > _NB
    ngrp = cpp // _NB
    ntail = cpp - ngrp * _NB
    rpt = npad // _NS
    assert rpt % 8 == 0
    mesh = plsc.VectorSubcoreMesh(core_axis_name="c", subcore_axis_name="s")

    @functools.partial(
        pl.kernel,
        out_type=(jax.ShapeDtypeStruct((npad, d), jnp.float32),
                  jax.ShapeDtypeStruct((npad, d), jnp.float32)),
        mesh=mesh,
        scratch_types=(
            [pltpu.VMEM_SHARED((npad, d), jnp.float32),
             pltpu.VMEM((cpp, c_w), jnp.int32),
             pltpu.VMEM((cpp, c_w), jnp.int32)]
            + [pltpu.VMEM((c_w, d), jnp.float32)] * _NB
            + [pltpu.SemaphoreType.DMA] * (2 * _NB + 1)
        ),
    )
    def k(y_hbm, ei_hbm, p0_hbm, p1_hbm,
          acc_sh, ridx, cidx, *bufs_and_sems):
        m = bufs_and_sems[:_NB]
        gs = bufs_and_sems[_NB:2 * _NB]
        ss = bufs_and_sems[2 * _NB:3 * _NB]
        si = bufs_and_sems[3 * _NB]
        c = lax.axis_index("c")
        s = lax.axis_index("s")
        w = c * _NS + s
        rbase = s * rpt

        @pl.when(c == 0)
        def _():
            pltpu.sync_copy(y_hbm.at[pl.ds(rbase, rpt)],
                            acc_sh.at[pl.ds(rbase, rpt)])

        @pl.when(c != 0)
        def _():
            def zrow(i, _):
                for jj in range(d // _NL):
                    m[0][i, pl.ds(jj * _NL, _NL)] = jnp.zeros((_NL,), jnp.float32)
                return 0
            lax.fori_loop(0, c_w, zrow, 0)
            zc = (c_w // 8) * 8
            nfull = rpt // zc
            for t in range(nfull):
                pltpu.sync_copy(m[0].at[pl.ds(0, zc)],
                                acc_sh.at[pl.ds(rbase + t * zc, zc)])
            rem = rpt - nfull * zc
            if rem:
                pltpu.sync_copy(
                    m[0].at[pl.ds(0, rem)],
                    acc_sh.at[pl.ds(rbase + nfull * zc, rem)])

        plsc.subcore_barrier()

        def start(k_, b):
            pltpu.async_copy(y_hbm.at[ridx.at[k_]], m[b], gs[b])

        def wait_g(b):
            pltpu.make_async_copy(y_hbm.at[ridx.at[0]], m[b], gs[b]).wait()

        def scat(k_, b):
            pltpu.async_copy(m[b], acc_sh.at[cidx.at[k_]], ss[b], add=True)

        def wait_s(b):
            pltpu.make_async_copy(m[b], acc_sh.at[cidx.at[0]], ss[b]).wait()

        pltpu.sync_copy(ei_hbm.at[0, w, 0], ridx)
        for b in range(_NB):
            start(b, b)
        pltpu.sync_copy(ei_hbm.at[1, w, 0], cidx)

        def phase(p, _):
            def group(g, _):
                for b in range(_NB):
                    k_ = g * _NB + b
                    wait_g(b)
                    scat(k_, b)
                for b in range(_NB):
                    kn = (g + 1) * _NB + b

                    @pl.when(kn < cpp)
                    def _():
                        wait_s(b)
                        start(kn, b)
                return 0

            lax.fori_loop(0, ngrp, group, 0)
            for b in range(ntail):
                k_ = ngrp * _NB + b
                wait_g(b)
                scat(k_, b)

            @pl.when(p + 1 < nph)
            def _():
                pltpu.async_copy(ei_hbm.at[0, w, p + 1], ridx, si)
            for b in range(_NB):
                wait_s(b)

            @pl.when(p + 1 < nph)
            def _():
                pltpu.make_async_copy(ei_hbm.at[0, w, 0], ridx, si).wait()
                for b in range(_NB):
                    start(b, b)
                pltpu.sync_copy(ei_hbm.at[1, w, p + 1], cidx)
            return 0

        lax.fori_loop(0, nph, phase, 0)
        plsc.subcore_barrier()

        @pl.when(c == 0)
        def _():
            pltpu.sync_copy(acc_sh.at[pl.ds(rbase, rpt)],
                            p0_hbm.at[pl.ds(rbase, rpt)])

        @pl.when(c != 0)
        def _():
            pltpu.sync_copy(acc_sh.at[pl.ds(rbase, rpt)],
                            p1_hbm.at[pl.ds(rbase, rpt)])

    return k(y, ei5)


_NROWBLK = 8


def _t1_body(x_ref, w_ref, dg_ref, o_ref):
    dis = lax.rsqrt(dg_ref[...] + 1.0)
    o_ref[...] = dis * jnp.dot(x_ref[...], w_ref[...],
                               preferred_element_type=jnp.float32)


def _t1(x, w, dg, npad):
    _, d_in = x.shape
    d_out = w.shape[1]
    bm = npad // _NROWBLK
    return pl.pallas_call(
        _t1_body,
        out_shape=jax.ShapeDtypeStruct((npad, d_out), jnp.float32),
        grid=(_NROWBLK,),
        in_specs=[
            pl.BlockSpec((bm, d_in), lambda i: (i, 0)),
            pl.BlockSpec((d_in, d_out), lambda i: (0, 0)),
            pl.BlockSpec((bm, 1), lambda i: (i, 0)),
        ],
        out_specs=pl.BlockSpec((bm, d_out), lambda i: (i, 0)),
    )(x, w, dg)


def _t2_body(p0_ref, p1_ref, dg_ref, b_ref, w_ref, o_ref):
    dis = lax.rsqrt(dg_ref[...] + 1.0)
    h = jnp.maximum(dis * (p0_ref[...] + p1_ref[...]) + b_ref[...], 0.0)
    o_ref[...] = dis * jnp.dot(h, w_ref[...],
                               preferred_element_type=jnp.float32)


def _t2(p0, p1, dg, b, w):
    npad, d = p0.shape
    d_out = w.shape[1]
    bm = npad // _NROWBLK
    return pl.pallas_call(
        _t2_body,
        out_shape=jax.ShapeDtypeStruct((npad, d_out), jnp.float32),
        grid=(_NROWBLK,),
        in_specs=[
            pl.BlockSpec((bm, d), lambda i: (i, 0)),
            pl.BlockSpec((bm, d), lambda i: (i, 0)),
            pl.BlockSpec((bm, 1), lambda i: (i, 0)),
            pl.BlockSpec((1, d), lambda i: (0, 0)),
            pl.BlockSpec((d, d_out), lambda i: (0, 0)),
        ],
        out_specs=pl.BlockSpec((bm, d_out), lambda i: (i, 0)),
    )(p0, p1, dg, b, w)


def _t3_body(q0_ref, q1_ref, dg_ref, b_ref, o_ref):
    dis = lax.rsqrt(dg_ref[...] + 1.0)
    o_ref[...] = dis * (q0_ref[...] + q1_ref[...]) + b_ref[...]


def _t3(q0, q1, dg, b, n):
    npad, d = q0.shape
    bm = npad // _NROWBLK
    return pl.pallas_call(
        _t3_body,
        out_shape=jax.ShapeDtypeStruct((n, d), jnp.float32),
        grid=(_NROWBLK,),
        in_specs=[
            pl.BlockSpec((bm, d), lambda i: (i, 0)),
            pl.BlockSpec((bm, d), lambda i: (i, 0)),
            pl.BlockSpec((bm, 1), lambda i: (i, 0)),
            pl.BlockSpec((1, d), lambda i: (0, 0)),
        ],
        out_specs=pl.BlockSpec((bm, d), lambda i: (i, 0)),
    )(q0, q1, dg, b)


def kernel(x, edge_index, W0, b0, W1, b1):
    n, _ = x.shape
    e = edge_index.shape[1]
    assert e % (_NW * _C) == 0, (e, _NW, _C)
    grp = _NS * 8
    npad = ((n + grp - 1) // grp) * grp
    assert npad % (_NROWBLK * 8) == 0

    nch = e // (_NW * _C)
    nph = 5
    assert nch % nph == 0 and nch // nph > _NB
    ei5 = edge_index.reshape(2, _NW, nph, nch // nph, _C)

    deg_grp = _NS * 128
    npad_deg = ((n + deg_grp - 1) // deg_grp) * deg_grp
    d0, d1 = _deg_pass(ei5, npad_deg)
    dg = (d0 + d1)[:npad, None]

    y0 = _t1(x, W0, dg, npad)
    p0, p1 = _edge_pass(y0, ei5)
    y1 = _t2(p0, p1, dg, b0[None, :], W1)
    q0, q1 = _edge_pass(y1, ei5)
    return _t3(q0, q1, dg, b1[None, :], n)

# --- scband reference (transcript-rebuilt; emitter-appended) ---
"""Pipeline reference for scband-gcn-22428319219930 (READ-ONLY COPY).

The authoritative reference and input builder live on the scoring server;
editing this copy changes nothing except your own understanding.
"""

import jax, jax.numpy as jnp
import numpy as np

N, D_IN, D_HID, D_OUT, E = 10000, 128, 128, 128, 320000


def gcn_conv(x, edge_index, W, b):
    n = x.shape[0]
    # add self-loops (PyG GCNConv default)
    loop = jnp.arange(n, dtype=edge_index.dtype)
    row = jnp.concatenate([edge_index[0], loop])
    col = jnp.concatenate([edge_index[1], loop])
    ew = jnp.ones(row.shape[0], dtype=x.dtype)
    # symmetric normalization D^{-1/2} A_hat D^{-1/2}
    deg = jnp.zeros((n,), dtype=x.dtype).at[col].add(ew)
    deg_inv_sqrt = jnp.where(deg > 0, jax.lax.rsqrt(jnp.maximum(deg, 1e-12)), 0.0)
    norm = deg_inv_sqrt[row] * deg_inv_sqrt[col]
    # transform then propagate: gather at src, scatter-add at dst
    xw = x @ W
    msg = xw[row] * norm[:, None]
    out = jnp.zeros((n, W.shape[1]), dtype=x.dtype).at[col].add(msg)
    return out + b


def setup_inputs(seed: int = 0) -> dict:
    key = jax.random.key(seed)
    ks = jax.random.split(key, 6)
    x = jax.random.normal(ks[0], (N, D_IN), dtype=jnp.float32)
    edge_index = jax.random.randint(ks[1], (2, E), 0, N, dtype=jnp.int32)
    s0 = 1.0 / np.sqrt(D_IN)
    s1 = 1.0 / np.sqrt(D_HID)
    W0 = jax.random.uniform(ks[2], (D_IN, D_HID), dtype=jnp.float32, minval=-s0, maxval=s0)
    b0 = jnp.zeros((D_HID,), dtype=jnp.float32)
    W1 = jax.random.uniform(ks[3], (D_HID, D_OUT), dtype=jnp.float32, minval=-s1, maxval=s1)
    b1 = jnp.zeros((D_OUT,), dtype=jnp.float32)
    return {"x": x, "edge_index": edge_index, "W0": W0, "b0": b0, "W1": W1, "b1": b1}


def reference(x, edge_index, W0, b0, W1, b1):
    h = gcn_conv(x, edge_index, W0, b0)
    h = jax.nn.relu(h)
    out = gcn_conv(h, edge_index, W1, b1)
    return out

if __name__ == "__main__":
    import jax
    _d = setup_inputs()
    print(jax.jit(kernel)(*tuple(_d.values())))

</pallas_src>

<mosaic_0001>
#map = affine_map<(d0, d1) -> (0, 0)>
#map1 = affine_map<(d0, d1) -> (0, 0, 0, 0, 0)>
module attributes {stable_mosaic.version = 14 : i64} {
  func.func @k(%arg0: i32, %arg1: i32, %arg2: memref<10112x128xf32, #tpu.memory_space<hbm>>, %arg3: memref<2x32x5x25x80xi32, #tpu.memory_space<hbm>>, %arg4: memref<10112x128xf32, #tpu.memory_space<hbm>>, %arg5: memref<10112x128xf32, #tpu.memory_space<hbm>>, %arg6: memref<10112x128xf32, #tpu.memory_space<vmem_shared>>, %arg7: memref<25x80xi32, #tpu.memory_space<vmem>>, %arg8: memref<25x80xi32, #tpu.memory_space<vmem>>, %arg9: memref<80x128xf32, #tpu.memory_space<vmem>>, %arg10: memref<80x128xf32, #tpu.memory_space<vmem>>, %arg11: memref<80x128xf32, #tpu.memory_space<vmem>>, %arg12: memref<80x128xf32, #tpu.memory_space<vmem>>, %arg13: memref<!tpu.dma_semaphore, #tpu.memory_space<semaphore_mem>>, %arg14: memref<!tpu.dma_semaphore, #tpu.memory_space<semaphore_mem>>, %arg15: memref<!tpu.dma_semaphore, #tpu.memory_space<semaphore_mem>>, %arg16: memref<!tpu.dma_semaphore, #tpu.memory_space<semaphore_mem>>, %arg17: memref<!tpu.dma_semaphore, #tpu.memory_space<semaphore_mem>>, %arg18: memref<!tpu.dma_semaphore, #tpu.memory_space<semaphore_mem>>, %arg19: memref<!tpu.dma_semaphore, #tpu.memory_space<semaphore_mem>>, %arg20: memref<!tpu.dma_semaphore, #tpu.memory_space<semaphore_mem>>, %arg21: memref<!tpu.dma_semaphore, #tpu.memory_space<semaphore_mem>>) attributes {dimension_semantics = [#tpu.dimension_semantics<core_parallel>, #tpu.dimension_semantics<subcore_parallel>], iteration_bounds = array<i64: 2, 16>, scalar_prefetch = 0 : i64, scratch_operands = 16 : i64, tpu.core_type = #tpu.core_type<sc_vector_subcore>, window_params = [{transform_indices = #map}, {transform_indices = #map1}, {transform_indices = #map}, {transform_indices = #map}]} {
    %mul3A = arith.constant 16 : i32
    %mul3A_0 = arith.muli %arg0, %mul3A : i32
    %add3A = arith.addi %mul3A_0, %arg1 : i32
    %mul3A_1 = arith.constant 632 : i32
    %mul3A_2 = arith.muli %arg1, %mul3A_1 : i32
    %eq3A = arith.constant 0 : i32
    %eq3A_3 = arith.cmpi eq, %arg0, %eq3A : i32
    %convert_element_type3A = arith.extui %eq3A_3 : i1 to i32
    %cond3A = arith.constant 0 : i32
    %cond3A_4 = arith.cmpi ne, %convert_element_type3A, %cond3A : i32
    scf.if %cond3A_4 {
      "tpu.region"() ({
        %run_scoped3A_56 = tpu.sem_alloc : memref<!tpu.dma_semaphore, #tpu.memory_space<semaphore_mem>>
        %dma_start3A_57 = arith.constant 0 : i32
        %dma_start3A_58 = tpu.memref_slice %arg6[%mul3A_2, %dma_start3A_57] : memref<10112x128xf32, #tpu.memory_space<vmem_shared>> -> memref<632x128xf32, #tpu.memory_space<vmem_shared>>
        %dma_start3A_59 = arith.constant 0 : i32
        %dma_start3A_60 = tpu.memref_slice %arg2[%mul3A_2, %dma_start3A_59] : memref<10112x128xf32, #tpu.memory_space<hbm>> -> memref<632x128xf32, #tpu.memory_space<hbm>>
        tpu.enqueue_dma source(%dma_start3A_60 : memref<632x128xf32, #tpu.memory_space<hbm>>) target(%dma_start3A_58 : memref<632x128xf32, #tpu.memory_space<vmem_shared>>) target_semaphore(%run_scoped3A_56 : memref<!tpu.dma_semaphore, #tpu.memory_space<semaphore_mem>>)
        %dma_wait3A = arith.constant 0 : i32
        %dma_wait3A_61 = tpu.memref_slice %arg6[%mul3A_2, %dma_wait3A] : memref<10112x128xf32, #tpu.memory_space<vmem_shared>> -> memref<632x128xf32, #tpu.memory_space<vmem_shared>>
        %dma_wait3A_62 = arith.constant 0 : i32
        %dma_wait3A_63 = tpu.memref_slice %arg2[%mul3A_2, %dma_wait3A_62] : memref<10112x128xf32, #tpu.memory_space<hbm>> -> memref<632x128xf32, #tpu.memory_space<hbm>>
        tpu.wait_dma2 semaphore(%run_scoped3A_56 : memref<!tpu.dma_semaphore, #tpu.memory_space<semaphore_mem>>) src(%dma_wait3A_63 : memref<632x128xf32, #tpu.memory_space<hbm>>) dst(%dma_wait3A_61 : memref<632x128xf32, #tpu.memory_space<vmem_shared>>)
        tpu.yield
      }) : () -> ()
    } else {
    }
    %ne3A = arith.constant 0 : i32
    %ne3A_5 = arith.cmpi ne, %arg0, %ne3A : i32
    %convert_element_type3A_6 = arith.extui %ne3A_5 : i1 to i32
    %cond3A_7 = arith.constant 0 : i32
    %cond3A_8 = arith.cmpi ne, %convert_element_type3A_6, %cond3A_7 : i32
    scf.if %cond3A_8 {
      %scan3A_56 = arith.constant 0 : i32
      %scan3A_57 = arith.constant 0 : i32
      %scan3A_58 = arith.constant 80 : i32
      %scan3A_59 = arith.addi %scan3A_57, %scan3A_58 : i32
      %scan3A_60 = arith.constant 1 : i32
      %scan3A_61 = scf.for %scan3A_79 = %scan3A_57 to %scan3A_59 step %scan3A_60 iter_args(%scan3A_80 = %scan3A_56) -> (i32)  : i32 {
        %broadcast_in_dim3A = arith.constant 0.000000e+00 : f32
        %broadcast_in_dim3A_81 = vector.broadcast %broadcast_in_dim3A : f32 to vector<16xf32>
        %swap3A = arith.index_cast %scan3A_79 : i32 to index
        %swap3A_82 = arith.constant 0 : index
        %swap3A_83 = tpu.vector_load %arg9[%swap3A, %swap3A_82] {strides = array<i32>} : memref<80x128xf32, #tpu.memory_space<vmem>>, vector<1x16xf32>,
        %swap3A_84 = vector.shape_cast %swap3A_83 : vector<1x16xf32> to vector<16xf32>
        %swap3A_85 = vector.shape_cast %broadcast_in_dim3A_81 : vector<16xf32> to vector<1x16xf32>
        tpu.vector_store %arg9[%swap3A, %swap3A_82], %swap3A_85 {strides = array<i32>} : memref<80x128xf32, #tpu.memory_space<vmem>>, vector<1x16xf32>,
        %broadcast_in_dim3A_86 = arith.constant 0.000000e+00 : f32
        %broadcast_in_dim3A_87 = vector.broadcast %broadcast_in_dim3A_86 : f32 to vector<16xf32>
        %swap3A_88 = arith.index_cast %scan3A_79 : i32 to index
        %swap3A_89 = arith.constant 16 : index
        %swap3A_90 = tpu.vector_load %arg9[%swap3A_88, %swap3A_89] {strides = array<i32>} : memref<80x128xf32, #tpu.memory_space<vmem>>, vector<1x16xf32>,
        %swap3A_91 = vector.shape_cast %swap3A_90 : vector<1x16xf32> to vector<16xf32>
        %swap3A_92 = vector.shape_cast %broadcast_in_dim3A_87 : vector<16xf32> to vector<1x16xf32>
        tpu.vector_store %arg9[%swap3A_88, %swap3A_89], %swap3A_92 {strides = array<i32>} : memref<80x128xf32, #tpu.memory_space<vmem>>, vector<1x16xf32>,
        %broadcast_in_dim3A_93 = arith.constant 0.000000e+00 : f32
        %broadcast_in_dim3A_94 = vector.broadcast %broadcast_in_dim3A_93 : f32 to vector<16xf32>
        %swap3A_95 = arith.index_cast %scan3A_79 : i32 to index
        %swap3A_96 = arith.constant 32 : index
        %swap3A_97 = tpu.vector_load %arg9[%swap3A_95, %swap3A_96] {strides = array<i32>} : memref<80x128xf32, #tpu.memory_space<vmem>>, vector<1x16xf32>,
        %swap3A_98 = vector.shape_cast %swap3A_97 : vector<1x16xf32> to vector<16xf32>
        %swap3A_99 = vector.shape_cast %broadcast_in_dim3A_94 : vector<16xf32> to vector<1x16xf32>
        tpu.vector_store %arg9[%swap3A_95, %swap3A_96], %swap3A_99 {strides = array<i32>} : memref<80x128xf32, #tpu.memory_space<vmem>>, vector<1x16xf32>,
        %broadcast_in_dim3A_100 = arith.constant 0.000000e+00 : f32
        %broadcast_in_dim3A_101 = vector.broadcast %broadcast_in_dim3A_100 : f32 to vector<16xf32>
        %swap3A_102 = arith.index_cast %scan3A_79 : i32 to index
        %swap3A_103 = arith.constant 48 : index
        %swap3A_104 = tpu.vector_load %arg9[%swap3A_102, %swap3A_103] {strides = array<i32>} : memref<80x128xf32, #tpu.memory_space<vmem>>, vector<1x16xf32>,
        %swap3A_105 = vector.shape_cast %swap3A_104 : vector<1x16xf32> to vector<16xf32>
        %swap3A_106 = vector.shape_cast %broadcast_in_dim3A_101 : vector<16xf32> to vector<1x16xf32>
        tpu.vector_store %arg9[%swap3A_102, %swap3A_103], %swap3A_106 {strides = array<i32>} : memref<80x128xf32, #tpu.memory_space<vmem>>, vector<1x16xf32>,
        %broadcast_in_dim3A_107 = arith.constant 0.000000e+00 : f32
        %broadcast_in_dim3A_108 = vector.broadcast %broadcast_in_dim3A_107 : f32 to vector<16xf32>
        %swap3A_109 = arith.index_cast %scan3A_79 : i32 to index
        %swap3A_110 = arith.constant 64 : index
        %swap3A_111 = tpu.vector_load %arg9[%swap3A_109, %swap3A_110] {strides = array<i32>} : memref<80x128xf32, #tpu.memory_space<vmem>>, vector<1x16xf32>,
        %swap3A_112 = vector.shape_cast %swap3A_111 : vector<1x16xf32> to vector<16xf32>
        %swap3A_113 = vector.shape_cast %broadcast_in_dim3A_108 : vector<16xf32> to vector<1x16xf32>
        tpu.vector_store %arg9[%swap3A_109, %swap3A_110], %swap3A_113 {strides = array<i32>} : memref<80x128xf32, #tpu.memory_space<vmem>>, vector<1x16xf32>,
        %broadcast_in_dim3A_114 = arith.constant 0.000000e+00 : f32
        %broadcast_in_dim3A_115 = vector.broadcast %broadcast_in_dim3A_114 : f32 to vector<16xf32>
        %swap3A_116 = arith.index_cast %scan3A_79 : i32 to index
        %swap3A_117 = arith.constant 80 : index
        %swap3A_118 = tpu.vector_load %arg9[%swap3A_116, %swap3A_117] {strides = array<i32>} : memref<80x128xf32, #tpu.memory_space<vmem>>, vector<1x16xf32>,
        %swap3A_119 = vector.shape_cast %swap3A_118 : vector<1x16xf32> to vector<16xf32>
        %swap3A_120 = vector.shape_cast %broadcast_in_dim3A_115 : vector<16xf32> to vector<1x16xf32>
        tpu.vector_store %arg9[%swap3A_116, %swap3A_117], %swap3A_120 {strides = array<i32>} : memref<80x128xf32, #tpu.memory_space<vmem>>, vector<1x16xf32>,
        %broadcast_in_dim3A_121 = arith.constant 0.000000e+00 : f32
        %broadcast_in_dim3A_122 = vector.broadcast %broadcast_in_dim3A_121 : f32 to vector<16xf32>
        %swap3A_123 = arith.index_cast %scan3A_79 : i32 to index
        %swap3A_124 = arith.constant 96 : index
        %swap3A_125 = tpu.vector_load %arg9[%swap3A_123, %swap3A_124] {strides = array<i32>} : memref<80x128xf32, #tpu.memory_space<vmem>>, vector<1x16xf32>,
        %swap3A_126 = vector.shape_cast %swap3A_125 : vector<1x16xf32> to vector<16xf32>
        %swap3A_127 = vector.shape_cast %broadcast_in_dim3A_122 : vector<16xf32> to vector<1x16xf32>
        tpu.vector_store %arg9[%swap3A_123, %swap3A_124], %swap3A_127 {strides = array<i32>} : memref<80x128xf32, #tpu.memory_space<vmem>>, vector<1x16xf32>,
        %broadcast_in_dim3A_128 = arith.constant 0.000000e+00 : f32
        %broadcast_in_dim3A_129 = vector.broadcast %broadcast_in_dim3A_128 : f32 to vector<16xf32>
        %swap3A_130 = arith.index_cast %scan3A_79 : i32 to index
        %swap3A_131 = arith.constant 112 : index
        %swap3A_132 = tpu.vector_load %arg9[%swap3A_130, %swap3A_131] {strides = array<i32>} : memref<80x128xf32, #tpu.memory_space<vmem>>, vector<1x16xf32>,
        %swap3A_133 = vector.shape_cast %swap3A_132 : vector<1x16xf32> to vector<16xf32>
        %swap3A_134 = vector.shape_cast %broadcast_in_dim3A_129 : vector<16xf32> to vector<1x16xf32>
        tpu.vector_store %arg9[%swap3A_130, %swap3A_131], %swap3A_134 {strides = array<i32>} : memref<80x128xf32, #tpu.memory_space<vmem>>, vector<1x16xf32>,
        %scan3A_135 = arith.constant 0 : i32
        scf.yield %scan3A_135 : i32
      }
      %scan3A_62 = arith.constant 80 : i32
      %add3A_63 = arith.constant 0 : i32
      %add3A_64 = arith.addi %mul3A_2, %add3A_63 : i32
      "tpu.region"() ({
        %run_scoped3A_79 = tpu.sem_alloc : memref<!tpu.dma_semaphore, #tpu.memory_space<semaphore_mem>>
        %dma_start3A_80 = arith.constant 0 : i32
        %dma_start3A_81 = arith.constant 0 : i32
        %dma_start3A_82 = tpu.memref_slice %arg9[%dma_start3A_80, %dma_start3A_81] : memref<80x128xf32, #tpu.memory_space<vmem>> -> memref<80x128xf32, #tpu.memory_space<vmem>>
        %dma_start3A_83 = arith.constant 0 : i32
        %dma_start3A_84 = tpu.memref_slice %arg6[%add3A_64, %dma_start3A_83] : memref<10112x128xf32, #tpu.memory_space<vmem_shared>> -> memref<80x128xf32, #tpu.memory_space<vmem_shared>>
        %dma_start3A_85 = arith.constant 0 : i32
        %dma_start3A_86 = tpu.memref_slice %arg6[%add3A_64, %dma_start3A_85] : memref<10112x128xf32, #tpu.memory_space<vmem_shared>> -> memref<80x128xf32, #tpu.memory_space<vmem_shared>>
        %dma_start3A_87 = arith.constant 0 : i32
        %dma_start3A_88 = arith.constant 0 : i32
        %dma_start3A_89 = tpu.memref_slice %arg9[%dma_start3A_87, %dma_start3A_88] : memref<80x128xf32, #tpu.memory_space<vmem>> -> memref<80x128xf32, #tpu.memory_space<vmem>>
        tpu.enqueue_dma source(%dma_start3A_89 : memref<80x128xf32, #tpu.memory_space<vmem>>) target(%dma_start3A_86 : memref<80x128xf32, #tpu.memory_space<vmem_shared>>) target_semaphore(%run_scoped3A_79 : memref<!tpu.dma_semaphore, #tpu.memory_space<semaphore_mem>>)
        %dma_wait3A = arith.constant 0 : i32
        %dma_wait3A_90 = arith.constant 0 : i32
        %dma_wait3A_91 = tpu.memref_slice %arg9[%dma_wait3A, %dma_wait3A_90] : memref<80x128xf32, #tpu.memory_space<vmem>> -> memref<80x128xf32, #tpu.memory_space<vmem>>
        %dma_wait3A_92 = arith.constant 0 : i32
        %dma_wait3A_93 = tpu.memref_slice %arg6[%add3A_64, %dma_wait3A_92] : memref<10112x128xf32, #tpu.memory_space<vmem_shared>> -> memref<80x128xf32, #tpu.memory_space<vmem_shared>>
        %dma_wait3A_94 = arith.constant 0 : i32
        %dma_wait3A_95 = tpu.memref_slice %arg6[%add3A_64, %dma_wait3A_94] : memref<10112x128xf32, #tpu.memory_space<vmem_shared>> -> memref<80x128xf32, #tpu.memory_space<vmem_shared>>
        %dma_wait3A_96 = arith.constant 0 : i32
        %dma_wait3A_97 = arith.constant 0 : i32
        %dma_wait3A_98 = tpu.memref_slice %arg9[%dma_wait3A_96, %dma_wait3A_97] : memref<80x128xf32, #tpu.memory_space<vmem>> -> memref<80x128xf32, #tpu.memory_space<vmem>>
        tpu.wait_dma2 semaphore(%run_scoped3A_79 : memref<!tpu.dma_semaphore, #tpu.memory_space<semaphore_mem>>) src(%dma_wait3A_98 : memref<80x128xf32, #tpu.memory_space<vmem>>) dst(%dma_wait3A_95 : memref<80x128xf32, #tpu.memory_space<vmem_shared>>)
        tpu.yield
      }) : () -> ()
      %add3A_65 = arith.constant 80 : i32
      %add3A_66 = arith.addi %mul3A_2, %add3A_65 : i32
      "tpu.region"() ({
        %run_scoped3A_79 = tpu.sem_alloc : memref<!tpu.dma_semaphore, #tpu.memory_space<semaphore_mem>>
        %dma_start3A_80 = arith.constant 0 : i32
        %dma_start3A_81 = arith.constant 0 : i32
        %dma_start3A_82 = tpu.memref_slice %arg9[%dma_start3A_80, %dma_start3A_81] : memref<80x128xf32, #tpu.memory_space<vmem>> -> memref<80x128xf32, #tpu.memory_space<vmem>>
        %dma_start3A_83 = arith.constant 0 : i32
        %dma_start3A_84 = tpu.memref_slice %arg6[%add3A_66, %dma_start3A_83] : memref<10112x128xf32, #tpu.memory_space<vmem_shared>> -> memref<80x128xf32, #tpu.memory_space<vmem_shared>>
        %dma_start3A_85 = arith.constant 0 : i32
        %dma_start3A_86 = tpu.memref_slice %arg6[%add3A_66, %dma_start3A_85] : memref<10112x128xf32, #tpu.memory_space<vmem_shared>> -> memref<80x128xf32, #tpu.memory_space<vmem_shared>>
        %dma_start3A_87 = arith.constant 0 : i32
        %dma_start3A_88 = arith.constant 0 : i32
        %dma_start3A_89 = tpu.memref_slice %arg9[%dma_start3A_87, %dma_start3A_88] : memref<80x128xf32, #tpu.memory_space<vmem>> -> memref<80x128xf32, #tpu.memory_space<vmem>>
        tpu.enqueue_dma source(%dma_start3A_89 : memref<80x128xf32, #tpu.memory_space<vmem>>) target(%dma_start3A_86 : memref<80x128xf32, #tpu.memory_space<vmem_shared>>) target_semaphore(%run_scoped3A_79 : memref<!tpu.dma_semaphore, #tpu.memory_space<semaphore_mem>>)
        %dma_wait3A = arith.constant 0 : i32
        %dma_wait3A_90 = arith.constant 0 : i32
        %dma_wait3A_91 = tpu.memref_slice %arg9[%dma_wait3A, %dma_wait3A_90] : memref<80x128xf32, #tpu.memory_space<vmem>> -> memref<80x128xf32, #tpu.memory_space<vmem>>
        %dma_wait3A_92 = arith.constant 0 : i32
        %dma_wait3A_93 = tpu.memref_slice %arg6[%add3A_66, %dma_wait3A_92] : memref<10112x128xf32, #tpu.memory_space<vmem_shared>> -> memref<80x128xf32, #tpu.memory_space<vmem_shared>>
        %dma_wait3A_94 = arith.constant 0 : i32
        %dma_wait3A_95 = tpu.memref_slice %arg6[%add3A_66, %dma_wait3A_94] : memref<10112x128xf32, #tpu.memory_space<vmem_shared>> -> memref<80x128xf32, #tpu.memory_space<vmem_shared>>
        %dma_wait3A_96 = arith.constant 0 : i32
        %dma_wait3A_97 = arith.constant 0 : i32
        %dma_wait3A_98 = tpu.memref_slice %arg9[%dma_wait3A_96, %dma_wait3A_97] : memref<80x128xf32, #tpu.memory_space<vmem>> -> memref<80x128xf32, #tpu.memory_space<vmem>>
        tpu.wait_dma2 semaphore(%run_scoped3A_79 : memref<!tpu.dma_semaphore, #tpu.memory_space<semaphore_mem>>) src(%dma_wait3A_98 : memref<80x128xf32, #tpu.memory_space<vmem>>) dst(%dma_wait3A_95 : memref<80x128xf32, #tpu.memory_space<vmem_shared>>)
        tpu.yield
      }) : () -> ()
      %add3A_67 = arith.constant 160 : i32
      %add3A_68 = arith.addi %mul3A_2, %add3A_67 : i32
      "tpu.region"() ({
        %run_scoped3A_79 = tpu.sem_alloc : memref<!tpu.dma_semaphore, #tpu.memory_space<semaphore_mem>>
        %dma_start3A_80 = arith.constant 0 : i32
        %dma_start3A_81 = arith.constant 0 : i32
        %dma_start3A_82 = tpu.memref_slice %arg9[%dma_start3A_80, %dma_start3A_81] : memref<80x128xf32, #tpu.memory_space<vmem>> -> memref<80x128xf32, #tpu.memory_space<vmem>>
        %dma_start3A_83 = arith.constant 0 : i32
        %dma_start3A_84 = tpu.memref_slice %arg6[%add3A_68, %dma_start3A_83] : memref<10112x128xf32, #tpu.memory_space<vmem_shared>> -> memref<80x128xf32, #tpu.memory_space<vmem_shared>>
        %dma_start3A_85 = arith.constant 0 : i32
        %dma_start3A_86 = tpu.memref_slice %arg6[%add3A_68, %dma_start3A_85] : memref<10112x128xf32, #tpu.memory_space<vmem_shared>> -> memref<80x128xf32, #tpu.memory_space<vmem_shared>>
        %dma_start3A_87 = arith.constant 0 : i32
        %dma_start3A_88 = arith.constant 0 : i32
        %dma_start3A_89 = tpu.memref_slice %arg9[%dma_start3A_87, %dma_start3A_88] : memref<80x128xf32, #tpu.memory_space<vmem>> -> memref<80x128xf32, #tpu.memory_space<vmem>>
        tpu.enqueue_dma source(%dma_start3A_89 : memref<80x128xf32, #tpu.memory_space<vmem>>) target(%dma_start3A_86 : memref<80x128xf32, #tpu.memory_space<vmem_shared>>) target_semaphore(%run_scoped3A_79 : memref<!tpu.dma_semaphore, #tpu.memory_space<semaphore_mem>>)
        %dma_wait3A = arith.constant 0 : i32
        %dma_wait3A_90 = arith.constant 0 : i32
        %dma_wait3A_91 = tpu.memref_slice %arg9[%dma_wait3A, %dma_wait3A_90] : memref<80x128xf32, #tpu.memory_space<vmem>> -> memref<80x128xf32, #tpu.memory_space<vmem>>
        %dma_wait3A_92 = arith.constant 0 : i32
        %dma_wait3A_93 = tpu.memref_slice %arg6[%add3A_68, %dma_wait3A_92] : memref<10112x128xf32, #tpu.memory_space<vmem_shared>> -> memref<80x128xf32, #tpu.memory_space<vmem_shared>>
        %dma_wait3A_94 = arith.constant 0 : i32
        %dma_wait3A_95 = tpu.memref_slice %arg6[%add3A_68, %dma_wait3A_94] : memref<10112x128xf32, #tpu.memory_space<vmem_shared>> -> memref<80x128xf32, #tpu.memory_space<vmem_shared>>
        %dma_wait3A_96 = arith.constant 0 : i32
        %dma_wait3A_97 = arith.constant 0 : i32
        %dma_wait3A_98 = tpu.memref_slice %arg9[%dma_wait3A_96, %dma_wait3A_97] : memref<80x128xf32, #tpu.memory_space<vmem>> -> memref<80x128xf32, #tpu.memory_space<vmem>>
        tpu.wait_dma2 semaphore(%run_scoped3A_79 : memref<!tpu.dma_semaphore, #tpu.memory_space<semaphore_mem>>) src(%dma_wait3A_98 : memref<80x128xf32, #tpu.memory_space<vmem>>) dst(%dma_wait3A_95 : memref<80x128xf32, #tpu.memory_space<vmem_shared>>)
        tpu.yield
      }) : () -> ()
      %add3A_69 = arith.constant 240 : i32
      %add3A_70 = arith.addi %mul3A_2, %add3A_69 : i32
      "tpu.region"() ({
        %run_scoped3A_79 = tpu.sem_alloc : memref<!tpu.dma_semaphore, #tpu.memory_space<semaphore_mem>>
        %dma_start3A_80 = arith.constant 0 : i32
        %dma_start3A_81 = arith.constant 0 : i32
        %dma_start3A_82 = tpu.memref_slice %arg9[%dma_start3A_80, %dma_start3A_81] : memref<80x128xf32, #tpu.memory_space<vmem>> -> memref<80x128xf32, #tpu.memory_space<vmem>>
        %dma_start3A_83 = arith.constant 0 : i32
        %dma_start3A_84 = tpu.memref_slice %arg6[%add3A_70, %dma_start3A_83] : memref<10112x128xf32, #tpu.memory_space<vmem_shared>> -> memref<80x128xf32, #tpu.memory_space<vmem_shared>>
        %dma_start3A_85 = arith.constant 0 : i32
        %dma_start3A_86 = tpu.memref_slice %arg6[%add3A_70, %dma_start3A_85] : memref<10112x128xf32, #tpu.memory_space<vmem_shared>> -> memref<80x128xf32, #tpu.memory_space<vmem_shared>>
        %dma_start3A_87 = arith.constant 0 : i32
        %dma_start3A_88 = arith.constant 0 : i32
        %dma_start3A_89 = tpu.memref_slice %arg9[%dma_start3A_87, %dma_start3A_88] : memref<80x128xf32, #tpu.memory_space<vmem>> -> memref<80x128xf32, #tpu.memory_space<vmem>>
        tpu.enqueue_dma source(%dma_start3A_89 : memref<80x128xf32, #tpu.memory_space<vmem>>) target(%dma_start3A_86 : memref<80x128xf32, #tpu.memory_space<vmem_shared>>) target_semaphore(%run_scoped3A_79 : memref<!tpu.dma_semaphore, #tpu.memory_space<semaphore_mem>>)
        %dma_wait3A = arith.constant 0 : i32
        %dma_wait3A_90 = arith.constant 0 : i32
        %dma_wait3A_91 = tpu.memref_slice %arg9[%dma_wait3A, %dma_wait3A_90] : memref<80x128xf32, #tpu.memory_space<vmem>> -> memref<80x128xf32, #tpu.memory_space<vmem>>
        %dma_wait3A_92 = arith.constant 0 : i32
        %dma_wait3A_93 = tpu.memref_slice %arg6[%add3A_70, %dma_wait3A_92] : memref<10112x128xf32, #tpu.memory_space<vmem_shared>> -> memref<80x128xf32, #tpu.memory_space<vmem_shared>>
        %dma_wait3A_94 = arith.constant 0 : i32
        %dma_wait3A_95 = tpu.memref_slice %arg6[%add3A_70, %dma_wait3A_94] : memref<10112x128xf32, #tpu.memory_space<vmem_shared>> -> memref<80x128xf32, #tpu.memory_space<vmem_shared>>
        %dma_wait3A_96 = arith.constant 0 : i32
        %dma_wait3A_97 = arith.constant 0 : i32
        %dma_wait3A_98 = tpu.memref_slice %arg9[%dma_wait3A_96, %dma_wait3A_97] : memref<80x128xf32, #tpu.memory_space<vmem>> -> memref<80x128xf32, #tpu.memory_space<vmem>>
        tpu.wait_dma2 semaphore(%run_scoped3A_79 : memref<!tpu.dma_semaphore, #tpu.memory_space<semaphore_mem>>) src(%dma_wait3A_98 : memref<80x128xf32, #tpu.memory_space<vmem>>) dst(%dma_wait3A_95 : memref<80x128xf32, #tpu.memory_space<vmem_shared>>)
        tpu.yield
      }) : () -> ()
      %add3A_71 = arith.constant 320 : i32
      %add3A_72 = arith.addi %mul3A_2, %add3A_71 : i32
      "tpu.region"() ({
        %run_scoped3A_79 = tpu.sem_alloc : memref<!tpu.dma_semaphore, #tpu.memory_space<semaphore_mem>>
        %dma_start3A_80 = arith.constant 0 : i32
        %dma_start3A_81 = arith.constant 0 : i32
        %dma_start3A_82 = tpu.memref_slice %arg9[%dma_start3A_80, %dma_start3A_81] : memref<80x128xf32, #tpu.memory_space<vmem>> -> memref<80x128xf32, #tpu.memory_space<vmem>>
        %dma_start3A_83 = arith.constant 0 : i32
        %dma_start3A_84 = tpu.memref_slice %arg6[%add3A_72, %dma_start3A_83] : memref<10112x128xf32, #tpu.memory_space<vmem_shared>> -> memref<80x128xf32, #tpu.memory_space<vmem_shared>>
        %dma_start3A_85 = arith.constant 0 : i32
        %dma_start3A_86 = tpu.memref_slice %arg6[%add3A_72, %dma_start3A_85] : memref<10112x128xf32, #tpu.memory_space<vmem_shared>> -> memref<80x128xf32, #tpu.memory_space<vmem_shared>>
        %dma_start3A_87 = arith.constant 0 : i32
        %dma_start3A_88 = arith.constant 0 : i32
        %dma_start3A_89 = tpu.memref_slice %arg9[%dma_start3A_87, %dma_start3A_88] : memref<80x128xf32, #tpu.memory_space<vmem>> -> memref<80x128xf32, #tpu.memory_space<vmem>>
        tpu.enqueue_dma source(%dma_start3A_89 : memref<80x128xf32, #tpu.memory_space<vmem>>) target(%dma_start3A_86 : memref<80x128xf32, #tpu.memory_space<vmem_shared>>) target_semaphore(%run_scoped3A_79 : memref<!tpu.dma_semaphore, #tpu.memory_space<semaphore_mem>>)
        %dma_wait3A = arith.constant 0 : i32
        %dma_wait3A_90 = arith.constant 0 : i32
        %dma_wait3A_91 = tpu.memref_slice %arg9[%dma_wait3A, %dma_wait3A_90] : memref<80x128xf32, #tpu.memory_space<vmem>> -> memref<80x128xf32, #tpu.memory_space<vmem>>
        %dma_wait3A_92 = arith.constant 0 : i32
        %dma_wait3A_93 = tpu.memref_slice %arg6[%add3A_72, %dma_wait3A_92] : memref<10112x128xf32, #tpu.memory_space<vmem_shared>> -> memref<80x128xf32, #tpu.memory_space<vmem_shared>>
        %dma_wait3A_94 = arith.constant 0 : i32
        %dma_wait3A_95 = tpu.memref_slice %arg6[%add3A_72, %dma_wait3A_94] : memref<10112x128xf32, #tpu.memory_space<vmem_shared>> -> memref<80x128xf32, #tpu.memory_space<vmem_shared>>
        %dma_wait3A_96 = arith.constant 0 : i32
        %dma_wait3A_97 = arith.constant 0 : i32
        %dma_wait3A_98 = tpu.memref_slice %arg9[%dma_wait3A_96, %dma_wait3A_97] : memref<80x128xf32, #tpu.memory_space<vmem>> -> memref<80x128xf32, #tpu.memory_space<vmem>>
        tpu.wait_dma2 semaphore(%run_scoped3A_79 : memref<!tpu.dma_semaphore, #tpu.memory_space<semaphore_mem>>) src(%dma_wait3A_98 : memref<80x128xf32, #tpu.memory_space<vmem>>) dst(%dma_wait3A_95 : memref<80x128xf32, #tpu.memory_space<vmem_shared>>)
        tpu.yield
      }) : () -> ()
      %add3A_73 = arith.constant 400 : i32
      %add3A_74 = arith.addi %mul3A_2, %add3A_73 : i32
      "tpu.region"() ({
        %run_scoped3A_79 = tpu.sem_alloc : memref<!tpu.dma_semaphore, #tpu.memory_space<semaphore_mem>>
        %dma_start3A_80 = arith.constant 0 : i32
        %dma_start3A_81 = arith.constant 0 : i32
        %dma_start3A_82 = tpu.memref_slice %arg9[%dma_start3A_80, %dma_start3A_81] : memref<80x128xf32, #tpu.memory_space<vmem>> -> memref<80x128xf32, #tpu.memory_space<vmem>>
        %dma_start3A_83 = arith.constant 0 : i32
        %dma_start3A_84 = tpu.memref_slice %arg6[%add3A_74, %dma_start3A_83] : memref<10112x128xf32, #tpu.memory_space<vmem_shared>> -> memref<80x128xf32, #tpu.memory_space<vmem_shared>>
        %dma_start3A_85 = arith.constant 0 : i32
        %dma_start3A_86 = tpu.memref_slice %arg6[%add3A_74, %dma_start3A_85] : memref<10112x128xf32, #tpu.memory_space<vmem_shared>> -> memref<80x128xf32, #tpu.memory_space<vmem_shared>>
        %dma_start3A_87 = arith.constant 0 : i32
        %dma_start3A_88 = arith.constant 0 : i32
        %dma_start3A_89 = tpu.memref_slice %arg9[%dma_start3A_87, %dma_start3A_88] : memref<80x128xf32, #tpu.memory_space<vmem>> -> memref<80x128xf32, #tpu.memory_space<vmem>>
        tpu.enqueue_dma source(%dma_start3A_89 : memref<80x128xf32, #tpu.memory_space<vmem>>) target(%dma_start3A_86 : memref<80x128xf32, #tpu.memory_space<vmem_shared>>) target_semaphore(%run_scoped3A_79 : memref<!tpu.dma_semaphore, #tpu.memory_space<semaphore_mem>>)
        %dma_wait3A = arith.constant 0 : i32
        %dma_wait3A_90 = arith.constant 0 : i32
        %dma_wait3A_91 = tpu.memref_slice %arg9[%dma_wait3A, %dma_wait3A_90] : memref<80x128xf32, #tpu.memory_space<vmem>> -> memref<80x128xf32, #tpu.memory_space<vmem>>
        %dma_wait3A_92 = arith.constant 0 : i32
        %dma_wait3A_93 = tpu.memref_slice %arg6[%add3A_74, %dma_wait3A_92] : memref<10112x128xf32, #tpu.memory_space<vmem_shared>> -> memref<80x128xf32, #tpu.memory_space<vmem_shared>>
        %dma_wait3A_94 = arith.constant 0 : i32
        %dma_wait3A_95 = tpu.memref_slice %arg6[%add3A_74, %dma_wait3A_94] : memref<10112x128xf32, #tpu.memory_space<vmem_shared>> -> memref<80x128xf32, #tpu.memory_space<vmem_shared>>
        %dma_wait3A_96 = arith.constant 0 : i32
        %dma_wait3A_97 = arith.constant 0 : i32
        %dma_wait3A_98 = tpu.memref_slice %arg9[%dma_wait3A_96, %dma_wait3A_97] : memref<80x128xf32, #tpu.memory_space<vmem>> -> memref<80x128xf32, #tpu.memory_space<vmem>>
        tpu.wait_dma2 semaphore(%run_scoped3A_79 : memref<!tpu.dma_semaphore, #tpu.memory_space<semaphore_mem>>) src(%dma_wait3A_98 : memref<80x128xf32, #tpu.memory_space<vmem>>) dst(%dma_wait3A_95 : memref<80x128xf32, #tpu.memory_space<vmem_shared>>)
        tpu.yield
      }) : () -> ()
      %add3A_75 = arith.constant 480 : i32
      %add3A_76 = arith.addi %mul3A_2, %add3A_75 : i32
      "tpu.region"() ({
        %run_scoped3A_79 = tpu.sem_alloc : memref<!tpu.dma_semaphore, #tpu.memory_space<semaphore_mem>>
        %dma_start3A_80 = arith.constant 0 : i32
        %dma_start3A_81 = arith.constant 0 : i32
        %dma_start3A_82 = tpu.memref_slice %arg9[%dma_start3A_80, %dma_start3A_81] : memref<80x128xf32, #tpu.memory_space<vmem>> -> memref<80x128xf32, #tpu.memory_space<vmem>>
        %dma_start3A_83 = arith.constant 0 : i32
        %dma_start3A_84 = tpu.memref_slice %arg6[%add3A_76, %dma_start3A_83] : memref<10112x128xf32, #tpu.memory_space<vmem_shared>> -> memref<80x128xf32, #tpu.memory_space<vmem_shared>>
        %dma_start3A_85 = arith.constant 0 : i32
        %dma_start3A_86 = tpu.memref_slice %arg6[%add3A_76, %dma_start3A_85] : memref<10112x128xf32, #tpu.memory_space<vmem_shared>> -> memref<80x128xf32, #tpu.memory_space<vmem_shared>>
        %dma_start3A_87 = arith.constant 0 : i32
        %dma_start3A_88 = arith.constant 0 : i32
        %dma_start3A_89 = tpu.memref_slice %arg9[%dma_start3A_87, %dma_start3A_88] : memref<80x128xf32, #tpu.memory_space<vmem>> -> memref<80x128xf32, #tpu.memory_space<vmem>>
        tpu.enqueue_dma source(%dma_start3A_89 : memref<80x128xf32, #tpu.memory_space<vmem>>) target(%dma_start3A_86 : memref<80x128xf32, #tpu.memory_space<vmem_shared>>) target_semaphore(%run_scoped3A_79 : memref<!tpu.dma_semaphore, #tpu.memory_space<semaphore_mem>>)
        %dma_wait3A = arith.constant 0 : i32
        %dma_wait3A_90 = arith.constant 0 : i32
        %dma_wait3A_91 = tpu.memref_slice %arg9[%dma_wait3A, %dma_wait3A_90] : memref<80x128xf32, #tpu.memory_space<vmem>> -> memref<80x128xf32, #tpu.memory_space<vmem>>
        %dma_wait3A_92 = arith.constant 0 : i32
        %dma_wait3A_93 = tpu.memref_slice %arg6[%add3A_76, %dma_wait3A_92] : memref<10112x128xf32, #tpu.memory_space<vmem_shared>> -> memref<80x128xf32, #tpu.memory_space<vmem_shared>>
        %dma_wait3A_94 = arith.constant 0 : i32
        %dma_wait3A_95 = tpu.memref_slice %arg6[%add3A_76, %dma_wait3A_94] : memref<10112x128xf32, #tpu.memory_space<vmem_shared>> -> memref<80x128xf32, #tpu.memory_space<vmem_shared>>
        %dma_wait3A_96 = arith.constant 0 : i32
        %dma_wait3A_97 = arith.constant 0 : i32
        %dma_wait3A_98 = tpu.memref_slice %arg9[%dma_wait3A_96, %dma_wait3A_97] : memref<80x128xf32, #tpu.memory_space<vmem>> -> memref<80x128xf32, #tpu.memory_space<vmem>>
        tpu.wait_dma2 semaphore(%run_scoped3A_79 : memref<!tpu.dma_semaphore, #tpu.memory_space<semaphore_mem>>) src(%dma_wait3A_98 : memref<80x128xf32, #tpu.memory_space<vmem>>) dst(%dma_wait3A_95 : memref<80x128xf32, #tpu.memory_space<vmem_shared>>)
        tpu.yield
      }) : () -> ()
      %add3A_77 = arith.constant 560 : i32
      %add3A_78 = arith.addi %mul3A_2, %add3A_77 : i32
      "tpu.region"() ({
        %run_scoped3A_79 = tpu.sem_alloc : memref<!tpu.dma_semaphore, #tpu.memory_space<semaphore_mem>>
        %dma_start3A_80 = arith.constant 0 : i32
        %dma_start3A_81 = arith.constant 0 : i32
        %dma_start3A_82 = tpu.memref_slice %arg9[%dma_start3A_80, %dma_start3A_81] : memref<80x128xf32, #tpu.memory_space<vmem>> -> memref<72x128xf32, #tpu.memory_space<vmem>>
        %dma_start3A_83 = arith.constant 0 : i32
        %dma_start3A_84 = tpu.memref_slice %arg6[%add3A_78, %dma_start3A_83] : memref<10112x128xf32, #tpu.memory_space<vmem_shared>> -> memref<72x128xf32, #tpu.memory_space<vmem_shared>>
        %dma_start3A_85 = arith.constant 0 : i32
        %dma_start3A_86 = tpu.memref_slice %arg6[%add3A_78, %dma_start3A_85] : memref<10112x128xf32, #tpu.memory_space<vmem_shared>> -> memref<72x128xf32, #tpu.memory_space<vmem_shared>>
        %dma_start3A_87 = arith.constant 0 : i32
        %dma_start3A_88 = arith.constant 0 : i32
        %dma_start3A_89 = tpu.memref_slice %arg9[%dma_start3A_87, %dma_start3A_88] : memref<80x128xf32, #tpu.memory_space<vmem>> -> memref<72x128xf32, #tpu.memory_space<vmem>>
        tpu.enqueue_dma source(%dma_start3A_89 : memref<72x128xf32, #tpu.memory_space<vmem>>) target(%dma_start3A_86 : memref<72x128xf32, #tpu.memory_space<vmem_shared>>) target_semaphore(%run_scoped3A_79 : memref<!tpu.dma_semaphore, #tpu.memory_space<semaphore_mem>>)
        %dma_wait3A = arith.constant 0 : i32
        %dma_wait3A_90 = arith.constant 0 : i32
        %dma_wait3A_91 = tpu.memref_slice %arg9[%dma_wait3A, %dma_wait3A_90] : memref<80x128xf32, #tpu.memory_space<vmem>> -> memref<72x128xf32, #tpu.memory_space<vmem>>
        %dma_wait3A_92 = arith.constant 0 : i32
        %dma_wait3A_93 = tpu.memref_slice %arg6[%add3A_78, %dma_wait3A_92] : memref<10112x128xf32, #tpu.memory_space<vmem_shared>> -> memref<72x128xf32, #tpu.memory_space<vmem_shared>>
        %dma_wait3A_94 = arith.constant 0 : i32
        %dma_wait3A_95 = tpu.memref_slice %arg6[%add3A_78, %dma_wait3A_94] : memref<10112x128xf32, #tpu.memory_space<vmem_shared>> -> memref<72x128xf32, #tpu.memory_space<vmem_shared>>
        %dma_wait3A_96 = arith.constant 0 : i32
        %dma_wait3A_97 = arith.constant 0 : i32
        %dma_wait3A_98 = tpu.memref_slice %arg9[%dma_wait3A_96, %dma_wait3A_97] : memref<80x128xf32, #tpu.memory_space<vmem>> -> memref<72x128xf32, #tpu.memory_space<vmem>>
        tpu.wait_dma2 semaphore(%run_scoped3A_79 : memref<!tpu.dma_semaphore, #tpu.memory_space<semaphore_mem>>) src(%dma_wait3A_98 : memref<72x128xf32, #tpu.memory_space<vmem>>) dst(%dma_wait3A_95 : memref<72x128xf32, #tpu.memory_space<vmem_shared>>)
        tpu.yield
      }) : () -> ()
    } else {
    }
    %barrier3A = arith.constant 0 : index
    tpu.barrier barrier_id(%barrier3A)
    %run_scoped3A = arith.constant 0 : i32
    %run_scoped3A_9 = arith.constant 0 : i32
    "tpu.region"() ({
      %run_scoped3A_56 = tpu.sem_alloc : memref<!tpu.dma_semaphore, #tpu.memory_space<semaphore_mem>>
      %dma_start3A_57 = arith.constant 0 : i32
      %dma_start3A_58 = arith.constant 0 : i32
      %dma_start3A_59 = tpu.memref_slice %arg3[%run_scoped3A, %add3A, %run_scoped3A_9, %dma_start3A_57, %dma_start3A_58] : memref<2x32x5x25x80xi32, #tpu.memory_space<hbm>> -> memref<1x1x1x25x80xi32, #tpu.memory_space<hbm>>
      %dma_start3A_60 = tpu.memref_squeeze %dma_start3A_59 : memref<1x1x1x25x80xi32, #tpu.memory_space<hbm>> -> memref<25x80xi32, #tpu.memory_space<hbm>>
      %dma_start3A_61 = arith.constant 0 : i32
      %dma_start3A_62 = arith.constant 0 : i32
      %dma_start3A_63 = tpu.memref_slice %arg3[%run_scoped3A, %add3A, %run_scoped3A_9, %dma_start3A_61, %dma_start3A_62] : memref<2x32x5x25x80xi32, #tpu.memory_space<hbm>> -> memref<1x1x1x25x80xi32, #tpu.memory_space<hbm>>
      %dma_start3A_64 = tpu.memref_squeeze %dma_start3A_63 : memref<1x1x1x25x80xi32, #tpu.memory_space<hbm>> -> memref<25x80xi32, #tpu.memory_space<hbm>>
      tpu.enqueue_dma source(%dma_start3A_64 : memref<25x80xi32, #tpu.memory_space<hbm>>) target(%arg7 : memref<25x80xi32, #tpu.memory_space<vmem>>) target_semaphore(%run_scoped3A_56 : memref<!tpu.dma_semaphore, #tpu.memory_space<semaphore_mem>>)
      %dma_wait3A = arith.constant 0 : i32
      %dma_wait3A_65 = arith.constant 0 : i32
      %dma_wait3A_66 = tpu.memref_slice %arg3[%run_scoped3A, %add3A, %run_scoped3A_9, %dma_wait3A, %dma_wait3A_65] : memref<2x32x5x25x80xi32, #tpu.memory_space<hbm>> -> memref<1x1x1x25x80xi32, #tpu.memory_space<hbm>>
      %dma_wait3A_67 = tpu.memref_squeeze %dma_wait3A_66 : memref<1x1x1x25x80xi32, #tpu.memory_space<hbm>> -> memref<25x80xi32, #tpu.memory_space<hbm>>
      %dma_wait3A_68 = arith.constant 0 : i32
      %dma_wait3A_69 = arith.constant 0 : i32
      %dma_wait3A_70 = tpu.memref_slice %arg3[%run_scoped3A, %add3A, %run_scoped3A_9, %dma_wait3A_68, %dma_wait3A_69] : memref<2x32x5x25x80xi32, #tpu.memory_space<hbm>> -> memref<1x1x1x25x80xi32, #tpu.memory_space<hbm>>
      %dma_wait3A_71 = tpu.memref_squeeze %dma_wait3A_70 : memref<1x1x1x25x80xi32, #tpu.memory_space<hbm>> -> memref<25x80xi32, #tpu.memory_space<hbm>>
      tpu.wait_dma2 semaphore(%run_scoped3A_56 : memref<!tpu.dma_semaphore, #tpu.memory_space<semaphore_mem>>) src(%dma_wait3A_71 : memref<25x80xi32, #tpu.memory_space<hbm>>) dst(%arg7 : memref<25x80xi32, #tpu.memory_space<vmem>>)
      tpu.yield
    }) : () -> ()
    %dma_start3A = arith.constant 0 : i32
    %dma_start3A_10 = arith.constant 0 : i32
    %dma_start3A_11 = tpu.memref_slice %arg7[%dma_start3A, %dma_start3A_10] : memref<25x80xi32, #tpu.memory_space<vmem>> -> memref<1x80xi32, #tpu.memory_space<vmem>>
    %dma_start3A_12 = tpu.memref_squeeze %dma_start3A_11 : memref<1x80xi32, #tpu.memory_space<vmem>> -> memref<80xi32, #tpu.memory_space<vmem>>
    %dma_start3A_13 = arith.constant 0 : i32
    %dma_start3A_14 = arith.constant 0 : i32
    %dma_start3A_15 = tpu.memref_slice %arg2[%dma_start3A_13, %dma_start3A_14] : memref<10112x128xf32, #tpu.memory_space<hbm>> -> memref<10112x128xf32, #tpu.memory_space<hbm>>
    tpu.enqueue_indirect_dma source(%dma_start3A_15 : memref<10112x128xf32, #tpu.memory_space<hbm>>) target(%arg9 : memref<80x128xf32, #tpu.memory_space<vmem>>) offsets(%dma_start3A_12 : memref<80xi32, #tpu.memory_space<vmem>>) semaphore(%arg13 : memref<!tpu.dma_semaphore, #tpu.memory_space<semaphore_mem>>)
    %dma_start3A_16 = arith.constant 1 : i32
    %dma_start3A_17 = arith.constant 0 : i32
    %dma_start3A_18 = tpu.memref_slice %arg7[%dma_start3A_16, %dma_start3A_17] : memref<25x80xi32, #tpu.memory_space<vmem>> -> memref<1x80xi32, #tpu.memory_space<vmem>>
    %dma_start3A_19 = tpu.memref_squeeze %dma_start3A_18 : memref<1x80xi32, #tpu.memory_space<vmem>> -> memref<80xi32, #tpu.memory_space<vmem>>
    %dma_start3A_20 = arith.constant 0 : i32
    %dma_start3A_21 = arith.constant 0 : i32
    %dma_start3A_22 = tpu.memref_slice %arg2[%dma_start3A_20, %dma_start3A_21] : memref<10112x128xf32, #tpu.memory_space<hbm>> -> memref<10112x128xf32, #tpu.memory_space<hbm>>
    tpu.enqueue_indirect_dma source(%dma_start3A_22 : memref<10112x128xf32, #tpu.memory_space<hbm>>) target(%arg10 : memref<80x128xf32, #tpu.memory_space<vmem>>) offsets(%dma_start3A_19 : memref<80xi32, #tpu.memory_space<vmem>>) semaphore(%arg14 : memref<!tpu.dma_semaphore, #tpu.memory_space<semaphore_mem>>)
    %dma_start3A_23 = arith.constant 2 : i32
    %dma_start3A_24 = arith.constant 0 : i32
    %dma_start3A_25 = tpu.memref_slice %arg7[%dma_start3A_23, %dma_start3A_24] : memref<25x80xi32, #tpu.memory_space<vmem>> -> memref<1x80xi32, #tpu.memory_space<vmem>>
    %dma_start3A_26 = tpu.memref_squeeze %dma_start3A_25 : memref<1x80xi32, #tpu.memory_space<vmem>> -> memref<80xi32, #tpu.memory_space<vmem>>
    %dma_start3A_27 = arith.constant 0 : i32
    %dma_start3A_28 = arith.constant 0 : i32
    %dma_start3A_29 = tpu.memref_slice %arg2[%dma_start3A_27, %dma_start3A_28] : memref<10112x128xf32, #tpu.memory_space<hbm>> -> memref<10112x128xf32, #tpu.memory_space<hbm>>
    tpu.enqueue_indirect_dma source(%dma_start3A_29 : memref<10112x128xf32, #tpu.memory_space<hbm>>) target(%arg11 : memref<80x128xf32, #tpu.memory_space<vmem>>) offsets(%dma_start3A_26 : memref<80xi32, #tpu.memory_space<vmem>>) semaphore(%arg15 : memref<!tpu.dma_semaphore, #tpu.memory_space<semaphore_mem>>)
    %dma_start3A_30 = arith.constant 3 : i32
    %dma_start3A_31 = arith.constant 0 : i32
    %dma_start3A_32 = tpu.memref_slice %arg7[%dma_start3A_30, %dma_start3A_31] : memref<25x80xi32, #tpu.memory_space<vmem>> -> memref<1x80xi32, #tpu.memory_space<vmem>>
    %dma_start3A_33 = tpu.memref_squeeze %dma_start3A_32 : memref<1x80xi32, #tpu.memory_space<vmem>> -> memref<80xi32, #tpu.memory_space<vmem>>
    %dma_start3A_34 = arith.constant 0 : i32
    %dma_start3A_35 = arith.constant 0 : i32
    %dma_start3A_36 = tpu.memref_slice %arg2[%dma_start3A_34, %dma_start3A_35] : memref<10112x128xf32, #tpu.memory_space<hbm>> -> memref<10112x128xf32, #tpu.memory_space<hbm>>
    tpu.enqueue_indirect_dma source(%dma_start3A_36 : memref<10112x128xf32, #tpu.memory_space<hbm>>) target(%arg12 : memref<80x128xf32, #tpu.memory_space<vmem>>) offsets(%dma_start3A_33 : memref<80xi32, #tpu.memory_space<vmem>>) semaphore(%arg16 : memref<!tpu.dma_semaphore, #tpu.memory_space<semaphore_mem>>)
    %run_scoped3A_37 = arith.constant 1 : i32
    %run_scoped3A_38 = arith.constant 0 : i32
    "tpu.region"() ({
      %run_scoped3A_56 = tpu.sem_alloc : memref<!tpu.dma_semaphore, #tpu.memory_space<semaphore_mem>>
      %dma_start3A_57 = arith.constant 0 : i32
      %dma_start3A_58 = arith.constant 0 : i32
      %dma_start3A_59 = tpu.memref_slice %arg3[%run_scoped3A_37, %add3A, %run_scoped3A_38, %dma_start3A_57, %dma_start3A_58] : memref<2x32x5x25x80xi32, #tpu.memory_space<hbm>> -> memref<1x1x1x25x80xi32, #tpu.memory_space<hbm>>
      %dma_start3A_60 = tpu.memref_squeeze %dma_start3A_59 : memref<1x1x1x25x80xi32, #tpu.memory_space<hbm>> -> memref<25x80xi32, #tpu.memory_space<hbm>>
      %dma_start3A_61 = arith.constant 0 : i32
      %dma_start3A_62 = arith.constant 0 : i32
      %dma_start3A_63 = tpu.memref_slice %arg3[%run_scoped3A_37, %add3A, %run_scoped3A_38, %dma_start3A_61, %dma_start3A_62] : memref<2x32x5x25x80xi32, #tpu.memory_space<hbm>> -> memref<1x1x1x25x80xi32, #tpu.memory_space<hbm>>
      %dma_start3A_64 = tpu.memref_squeeze %dma_start3A_63 : memref<1x1x1x25x80xi32, #tpu.memory_space<hbm>> -> memref<25x80xi32, #tpu.memory_space<hbm>>
      tpu.enqueue_dma source(%dma_start3A_64 : memref<25x80xi32, #tpu.memory_space<hbm>>) target(%arg8 : memref<25x80xi32, #tpu.memory_space<vmem>>) target_semaphore(%run_scoped3A_56 : memref<!tpu.dma_semaphore, #tpu.memory_space<semaphore_mem>>)
      %dma_wait3A = arith.constant 0 : i32
      %dma_wait3A_65 = arith.constant 0 : i32
      %dma_wait3A_66 = tpu.memref_slice %arg3[%run_scoped3A_37, %add3A, %run_scoped3A_38, %dma_wait3A, %dma_wait3A_65] : memref<2x32x5x25x80xi32, #tpu.memory_space<hbm>> -> memref<1x1x1x25x80xi32, #tpu.memory_space<hbm>>
      %dma_wait3A_67 = tpu.memref_squeeze %dma_wait3A_66 : memref<1x1x1x25x80xi32, #tpu.memory_space<hbm>> -> memref<25x80xi32, #tpu.memory_space<hbm>>
      %dma_wait3A_68 = arith.constant 0 : i32
      %dma_wait3A_69 = arith.constant 0 : i32
      %dma_wait3A_70 = tpu.memref_slice %arg3[%run_scoped3A_37, %add3A, %run_scoped3A_38, %dma_wait3A_68, %dma_wait3A_69] : memref<2x32x5x25x80xi32, #tpu.memory_space<hbm>> -> memref<1x1x1x25x80xi32, #tpu.memory_space<hbm>>
      %dma_wait3A_71 = tpu.memref_squeeze %dma_wait3A_70 : memref<1x1x1x25x80xi32, #tpu.memory_space<hbm>> -> memref<25x80xi32, #tpu.memory_space<hbm>>
      tpu.wait_dma2 semaphore(%run_scoped3A_56 : memref<!tpu.dma_semaphore, #tpu.memory_space<semaphore_mem>>) src(%dma_wait3A_71 : memref<25x80xi32, #tpu.memory_space<hbm>>) dst(%arg8 : memref<25x80xi32, #tpu.memory_space<vmem>>)
      tpu.yield
    }) : () -> ()
    %scan3A = arith.constant 0 : i32
    %scan3A_39 = arith.constant 0 : i32
    %scan3A_40 = arith.constant 5 : i32
    %scan3A_41 = arith.addi %scan3A_39, %scan3A_40 : i32
    %scan3A_42 = arith.constant 1 : i32
    %scan3A_43 = scf.for %scan3A_56 = %scan3A_39 to %scan3A_41 step %scan3A_42 iter_args(%scan3A_57 = %scan3A) -> (i32)  : i32 {
      %scan3A_58 = arith.constant 0 : i32
      %scan3A_59 = arith.constant 0 : i32
      %scan3A_60 = arith.constant 6 : i32
      %scan3A_61 = arith.addi %scan3A_59, %scan3A_60 : i32
      %scan3A_62 = arith.constant 1 : i32
      %scan3A_63 = scf.for %scan3A_120 = %scan3A_59 to %scan3A_61 step %scan3A_62 iter_args(%scan3A_121 = %scan3A_58) -> (i32)  : i32 {
        %mul3A_122 = arith.constant 4 : i32
        %mul3A_123 = arith.muli %scan3A_120, %mul3A_122 : i32
        %add3A_124 = arith.constant 0 : i32
        %add3A_125 = arith.addi %mul3A_123, %add3A_124 : i32
        %dma_wait3A_126 = arith.constant 0 : i32
        %dma_wait3A_127 = arith.constant 0 : i32
        %dma_wait3A_128 = tpu.memref_slice %arg7[%dma_wait3A_126, %dma_wait3A_127] : memref<25x80xi32, #tpu.memory_space<vmem>> -> memref<1x80xi32, #tpu.memory_space<vmem>>
        %dma_wait3A_129 = tpu.memref_squeeze %dma_wait3A_128 : memref<1x80xi32, #tpu.memory_space<vmem>> -> memref<80xi32, #tpu.memory_space<vmem>>
        %dma_wait3A_130 = arith.constant 0 : i32
        %dma_wait3A_131 = arith.constant 0 : i32
        %dma_wait3A_132 = tpu.memref_slice %arg2[%dma_wait3A_130, %dma_wait3A_131] : memref<10112x128xf32, #tpu.memory_space<hbm>> -> memref<10112x128xf32, #tpu.memory_space<hbm>>
        tpu.wait_indirect_dma semaphore(%arg13 : memref<!tpu.dma_semaphore, #tpu.memory_space<semaphore_mem>>) src(%dma_wait3A_132 : memref<10112x128xf32, #tpu.memory_space<hbm>>) dst(%arg9 : memref<80x128xf32, #tpu.memory_space<vmem>>)
        %dma_start3A_133 = arith.constant 0 : i32
        %dma_start3A_134 = tpu.memref_slice %arg8[%add3A_125, %dma_start3A_133] : memref<25x80xi32, #tpu.memory_space<vmem>> -> memref<1x80xi32, #tpu.memory_space<vmem>>
        %dma_start3A_135 = tpu.memref_squeeze %dma_start3A_134 : memref<1x80xi32, #tpu.memory_space<vmem>> -> memref<80xi32, #tpu.memory_space<vmem>>
        %dma_start3A_136 = arith.constant 0 : i32
        %dma_start3A_137 = arith.constant 0 : i32
        %dma_start3A_138 = tpu.memref_slice %arg6[%dma_start3A_136, %dma_start3A_137] : memref<10112x128xf32, #tpu.memory_space<vmem_shared>> -> memref<10112x128xf32, #tpu.memory_space<vmem_shared>>
        tpu.enqueue_indirect_dma source(%arg9 : memref<80x128xf32, #tpu.memory_space<vmem>>) target(%dma_start3A_138 : memref<10112x128xf32, #tpu.memory_space<vmem_shared>>) offsets(%dma_start3A_135 : memref<80xi32, #tpu.memory_space<vmem>>) semaphore(%arg17 : memref<!tpu.dma_semaphore, #tpu.memory_space<semaphore_mem>>) {add = true}
        %mul3A_139 = arith.constant 4 : i32
        %mul3A_140 = arith.muli %scan3A_120, %mul3A_139 : i32
        %add3A_141 = arith.constant 1 : i32
        %add3A_142 = arith.addi %mul3A_140, %add3A_141 : i32
        %dma_wait3A_143 = arith.constant 0 : i32
        %dma_wait3A_144 = arith.constant 0 : i32
        %dma_wait3A_145 = tpu.memref_slice %arg7[%dma_wait3A_143, %dma_wait3A_144] : memref<25x80xi32, #tpu.memory_space<vmem>> -> memref<1x80xi32, #tpu.memory_space<vmem>>
        %dma_wait3A_146 = tpu.memref_squeeze %dma_wait3A_145 : memref<1x80xi32, #tpu.memory_space<vmem>> -> memref<80xi32, #tpu.memory_space<vmem>>
        %dma_wait3A_147 = arith.constant 0 : i32
        %dma_wait3A_148 = arith.constant 0 : i32
        %dma_wait3A_149 = tpu.memref_slice %arg2[%dma_wait3A_147, %dma_wait3A_148] : memref<10112x128xf32, #tpu.memory_space<hbm>> -> memref<10112x128xf32, #tpu.memory_space<hbm>>
        tpu.wait_indirect_dma semaphore(%arg14 : memref<!tpu.dma_semaphore, #tpu.memory_space<semaphore_mem>>) src(%dma_wait3A_149 : memref<10112x128xf32, #tpu.memory_space<hbm>>) dst(%arg10 : memref<80x128xf32, #tpu.memory_space<vmem>>)
        %dma_start3A_150 = arith.constant 0 : i32
        %dma_start3A_151 = tpu.memref_slice %arg8[%add3A_142, %dma_start3A_150] : memref<25x80xi32, #tpu.memory_space<vmem>> -> memref<1x80xi32, #tpu.memory_space<vmem>>
        %dma_start3A_152 = tpu.memref_squeeze %dma_start3A_151 : memref<1x80xi32, #tpu.memory_space<vmem>> -> memref<80xi32, #tpu.memory_space<vmem>>
        %dma_start3A_153 = arith.constant 0 : i32
        %dma_start3A_154 = arith.constant 0 : i32
        %dma_start3A_155 = tpu.memref_slice %arg6[%dma_start3A_153, %dma_start3A_154] : memref<10112x128xf32, #tpu.memory_space<vmem_shared>> -> memref<10112x128xf32, #tpu.memory_space<vmem_shared>>
        tpu.enqueue_indirect_dma source(%arg10 : memref<80x128xf32, #tpu.memory_space<vmem>>) target(%dma_start3A_155 : memref<10112x128xf32, #tpu.memory_space<vmem_shared>>) offsets(%dma_start3A_152 : memref<80xi32, #tpu.memory_space<vmem>>) semaphore(%arg18 : memref<!tpu.dma_semaphore, #tpu.memory_space<semaphore_mem>>) {add = true}
        %mul3A_156 = arith.constant 4 : i32
        %mul3A_157 = arith.muli %scan3A_120, %mul3A_156 : i32
        %add3A_158 = arith.constant 2 : i32
        %add3A_159 = arith.addi %mul3A_157, %add3A_158 : i32
        %dma_wait3A_160 = arith.constant 0 : i32
        %dma_wait3A_161 = arith.constant 0 : i32
        %dma_wait3A_162 = tpu.memref_slice %arg7[%dma_wait3A_160, %dma_wait3A_161] : memref<25x80xi32, #tpu.memory_space<vmem>> -> memref<1x80xi32, #tpu.memory_space<vmem>>
        %dma_wait3A_163 = tpu.memref_squeeze %dma_wait3A_162 : memref<1x80xi32, #tpu.memory_space<vmem>> -> memref<80xi32, #tpu.memory_space<vmem>>
        %dma_wait3A_164 = arith.constant 0 : i32
        %dma_wait3A_165 = arith.constant 0 : i32
        %dma_wait3A_166 = tpu.memref_slice %arg2[%dma_wait3A_164, %dma_wait3A_165] : memref<10112x128xf32, #tpu.memory_space<hbm>> -> memref<10112x128xf32, #tpu.memory_space<hbm>>
        tpu.wait_indirect_dma semaphore(%arg15 : memref<!tpu.dma_semaphore, #tpu.memory_space<semaphore_mem>>) src(%dma_wait3A_166 : memref<10112x128xf32, #tpu.memory_space<hbm>>) dst(%arg11 : memref<80x128xf32, #tpu.memory_space<vmem>>)
        %dma_start3A_167 = arith.constant 0 : i32
        %dma_start3A_168 = tpu.memref_slice %arg8[%add3A_159, %dma_start3A_167] : memref<25x80xi32, #tpu.memory_space<vmem>> -> memref<1x80xi32, #tpu.memory_space<vmem>>
        %dma_start3A_169 = tpu.memref_squeeze %dma_start3A_168 : memref<1x80xi32, #tpu.memory_space<vmem>> -> memref<80xi32, #tpu.memory_space<vmem>>
        %dma_start3A_170 = arith.constant 0 : i32
        %dma_start3A_171 = arith.constant 0 : i32
        %dma_start3A_172 = tpu.memref_slice %arg6[%dma_start3A_170, %dma_start3A_171] : memref<10112x128xf32, #tpu.memory_space<vmem_shared>> -> memref<10112x128xf32, #tpu.memory_space<vmem_shared>>
        tpu.enqueue_indirect_dma source(%arg11 : memref<80x128xf32, #tpu.memory_space<vmem>>) target(%dma_start3A_172 : memref<10112x128xf32, #tpu.memory_space<vmem_shared>>) offsets(%dma_start3A_169 : memref<80xi32, #tpu.memory_space<vmem>>) semaphore(%arg19 : memref<!tpu.dma_semaphore, #tpu.memory_space<semaphore_mem>>) {add = true}
        %mul3A_173 = arith.constant 4 : i32
        %mul3A_174 = arith.muli %scan3A_120, %mul3A_173 : i32
        %add3A_175 = arith.constant 3 : i32
        %add3A_176 = arith.addi %mul3A_174, %add3A_175 : i32
        %dma_wait3A_177 = arith.constant 0 : i32
        %dma_wait3A_178 = arith.constant 0 : i32
        %dma_wait3A_179 = tpu.memref_slice %arg7[%dma_wait3A_177, %dma_wait3A_178] : memref<25x80xi32, #tpu.memory_space<vmem>> -> memref<1x80xi32, #tpu.memory_space<vmem>>
        %dma_wait3A_180 = tpu.memref_squeeze %dma_wait3A_179 : memref<1x80xi32, #tpu.memory_space<vmem>> -> memref<80xi32, #tpu.memory_space<vmem>>
        %dma_wait3A_181 = arith.constant 0 : i32
        %dma_wait3A_182 = arith.constant 0 : i32
        %dma_wait3A_183 = tpu.memref_slice %arg2[%dma_wait3A_181, %dma_wait3A_182] : memref<10112x128xf32, #tpu.memory_space<hbm>> -> memref<10112x128xf32, #tpu.memory_space<hbm>>
        tpu.wait_indirect_dma semaphore(%arg16 : memref<!tpu.dma_semaphore, #tpu.memory_space<semaphore_mem>>) src(%dma_wait3A_183 : memref<10112x128xf32, #tpu.memory_space<hbm>>) dst(%arg12 : memref<80x128xf32, #tpu.memory_space<vmem>>)
        %dma_start3A_184 = arith.constant 0 : i32
        %dma_start3A_185 = tpu.memref_slice %arg8[%add3A_176, %dma_start3A_184] : memref<25x80xi32, #tpu.memory_space<vmem>> -> memref<1x80xi32, #tpu.memory_space<vmem>>
        %dma_start3A_186 = tpu.memref_squeeze %dma_start3A_185 : memref<1x80xi32, #tpu.memory_space<vmem>> -> memref<80xi32, #tpu.memory_space<vmem>>
        %dma_start3A_187 = arith.constant 0 : i32
        %dma_start3A_188 = arith.constant 0 : i32
        %dma_start3A_189 = tpu.memref_slice %arg6[%dma_start3A_187, %dma_start3A_188] : memref<10112x128xf32, #tpu.memory_space<vmem_shared>> -> memref<10112x128xf32, #tpu.memory_space<vmem_shared>>
        tpu.enqueue_indirect_dma source(%arg12 : memref<80x128xf32, #tpu.memory_space<vmem>>) target(%dma_start3A_189 : memref<10112x128xf32, #tpu.memory_space<vmem_shared>>) offsets(%dma_start3A_186 : memref<80xi32, #tpu.memory_space<vmem>>) semaphore(%arg20 : memref<!tpu.dma_semaphore, #tpu.memory_space<semaphore_mem>>) {add = true}
        %add3A_190 = arith.constant 1 : i32
        %add3A_191 = arith.addi %scan3A_120, %add3A_190 : i32
        %mul3A_192 = arith.constant 4 : i32
        %mul3A_193 = arith.muli %add3A_191, %mul3A_192 : i32
        %add3A_194 = arith.constant 0 : i32
        %add3A_195 = arith.addi %mul3A_193, %add3A_194 : i32
        %lt3A_196 = arith.constant 25 : i32
        %lt3A_197 = arith.cmpi slt, %add3A_195, %lt3A_196 : i32
        %convert_element_type3A_198 = arith.extui %lt3A_197 : i1 to i32
        %cond3A_199 = arith.constant 0 : i32
        %cond3A_200 = arith.cmpi ne, %convert_element_type3A_198, %cond3A_199 : i32
        scf.if %cond3A_200 {
          %dma_wait3A_235 = arith.constant 0 : i32
          %dma_wait3A_236 = arith.constant 0 : i32
          %dma_wait3A_237 = tpu.memref_slice %arg8[%dma_wait3A_235, %dma_wait3A_236] : memref<25x80xi32, #tpu.memory_space<vmem>> -> memref<1x80xi32, #tpu.memory_space<vmem>>
          %dma_wait3A_238 = tpu.memref_squeeze %dma_wait3A_237 : memref<1x80xi32, #tpu.memory_space<vmem>> -> memref<80xi32, #tpu.memory_space<vmem>>
          %dma_wait3A_239 = arith.constant 0 : i32
          %dma_wait3A_240 = arith.constant 0 : i32
          %dma_wait3A_241 = tpu.memref_slice %arg6[%dma_wait3A_239, %dma_wait3A_240] : memref<10112x128xf32, #tpu.memory_space<vmem_shared>> -> memref<10112x128xf32, #tpu.memory_space<vmem_shared>>
          tpu.wait_indirect_dma semaphore(%arg17 : memref<!tpu.dma_semaphore, #tpu.memory_space<semaphore_mem>>) src(%arg9 : memref<80x128xf32, #tpu.memory_space<vmem>>) dst(%dma_wait3A_241 : memref<10112x128xf32, #tpu.memory_space<vmem_shared>>)
          %dma_start3A_242 = arith.constant 0 : i32
          %dma_start3A_243 = tpu.memref_slice %arg7[%add3A_195, %dma_start3A_242] : memref<25x80xi32, #tpu.memory_space<vmem>> -> memref<1x80xi32, #tpu.memory_space<vmem>>
          %dma_start3A_244 = tpu.memref_squeeze %dma_start3A_243 : memref<1x80xi32, #tpu.memory_space<vmem>> -> memref<80xi32, #tpu.memory_space<vmem>>
          %dma_start3A_245 = arith.constant 0 : i32
          %dma_start3A_246 = arith.constant 0 : i32
          %dma_start3A_247 = tpu.memref_slice %arg2[%dma_start3A_245, %dma_start3A_246] : memref<10112x128xf32, #tpu.memory_space<hbm>> -> memref<10112x128xf32, #tpu.memory_space<hbm>>
          tpu.enqueue_indirect_dma source(%dma_start3A_247 : memref<10112x128xf32, #tpu.memory_space<hbm>>) target(%arg9 : memref<80x128xf32, #tpu.memory_space<vmem>>) offsets(%dma_start3A_244 : memref<80xi32, #tpu.memory_space<vmem>>) semaphore(%arg13 : memref<!tpu.dma_semaphore, #tpu.memory_space<semaphore_mem>>)
        } else {
        }
        %add3A_201 = arith.constant 1 : i32
        %add3A_202 = arith.addi %scan3A_120, %add3A_201 : i32
        %mul3A_203 = arith.constant 4 : i32
        %mul3A_204 = arith.muli %add3A_202, %mul3A_203 : i32
        %add3A_205 = arith.constant 1 : i32
        %add3A_206 = arith.addi %mul3A_204, %add3A_205 : i32
        %lt3A_207 = arith.constant 25 : i32
        %lt3A_208 = arith.cmpi slt, %add3A_206, %lt3A_207 : i32
        %convert_element_type3A_209 = arith.extui %lt3A_208 : i1 to i32
        %cond3A_210 = arith.constant 0 : i32
        %cond3A_211 = arith.cmpi ne, %convert_element_type3A_209, %cond3A_210 : i32
        scf.if %cond3A_211 {
          %dma_wait3A_235 = arith.constant 0 : i32
          %dma_wait3A_236 = arith.constant 0 : i32
          %dma_wait3A_237 = tpu.memref_slice %arg8[%dma_wait3A_235, %dma_wait3A_236] : memref<25x80xi32, #tpu.memory_space<vmem>> -> memref<1x80xi32, #tpu.memory_space<vmem>>
          %dma_wait3A_238 = tpu.memref_squeeze %dma_wait3A_237 : memref<1x80xi32, #tpu.memory_space<vmem>> -> memref<80xi32, #tpu.memory_space<vmem>>
          %dma_wait3A_239 = arith.constant 0 : i32
          %dma_wait3A_240 = arith.constant 0 : i32
          %dma_wait3A_241 = tpu.memref_slice %arg6[%dma_wait3A_239, %dma_wait3A_240] : memref<10112x128xf32, #tpu.memory_space<vmem_shared>> -> memref<10112x128xf32, #tpu.memory_space<vmem_shared>>
          tpu.wait_indirect_dma semaphore(%arg18 : memref<!tpu.dma_semaphore, #tpu.memory_space<semaphore_mem>>) src(%arg10 : memref<80x128xf32, #tpu.memory_space<vmem>>) dst(%dma_wait3A_241 : memref<10112x128xf32, #tpu.memory_space<vmem_shared>>)
          %dma_start3A_242 = arith.constant 0 : i32
          %dma_start3A_243 = tpu.memref_slice %arg7[%add3A_206, %dma_start3A_242] : memref<25x80xi32, #tpu.memory_space<vmem>> -> memref<1x80xi32, #tpu.memory_space<vmem>>
          %dma_start3A_244 = tpu.memref_squeeze %dma_start3A_243 : memref<1x80xi32, #tpu.memory_space<vmem>> -> memref<80xi32, #tpu.memory_space<vmem>>
          %dma_start3A_245 = arith.constant 0 : i32
          %dma_start3A_246 = arith.constant 0 : i32
          %dma_start3A_247 = tpu.memref_slice %arg2[%dma_start3A_245, %dma_start3A_246] : memref<10112x128xf32, #tpu.memory_space<hbm>> -> memref<10112x128xf32, #tpu.memory_space<hbm>>
          tpu.enqueue_indirect_dma source(%dma_start3A_247 : memref<10112x128xf32, #tpu.memory_space<hbm>>) target(%arg10 : memref<80x128xf32, #tpu.memory_space<vmem>>) offsets(%dma_start3A_244 : memref<80xi32, #tpu.memory_space<vmem>>) semaphore(%arg14 : memref<!tpu.dma_semaphore, #tpu.memory_space<semaphore_mem>>)
        } else {
        }
        %add3A_212 = arith.constant 1 : i32
        %add3A_213 = arith.addi %scan3A_120, %add3A_212 : i32
        %mul3A_214 = arith.constant 4 : i32
        %mul3A_215 = arith.muli %add3A_213, %mul3A_214 : i32
        %add3A_216 = arith.constant 2 : i32
        %add3A_217 = arith.addi %mul3A_215, %add3A_216 : i32
        %lt3A_218 = arith.constant 25 : i32
        %lt3A_219 = arith.cmpi slt, %add3A_217, %lt3A_218 : i32
        %convert_element_type3A_220 = arith.extui %lt3A_219 : i1 to i32
        %cond3A_221 = arith.constant 0 : i32
        %cond3A_222 = arith.cmpi ne, %convert_element_type3A_220, %cond3A_221 : i32
        scf.if %cond3A_222 {
          %dma_wait3A_235 = arith.constant 0 : i32
          %dma_wait3A_236 = arith.constant 0 : i32
          %dma_wait3A_237 = tpu.memref_slice %arg8[%dma_wait3A_235, %dma_wait3A_236] : memref<25x80xi32, #tpu.memory_space<vmem>> -> memref<1x80xi32, #tpu.memory_space<vmem>>
          %dma_wait3A_238 = tpu.memref_squeeze %dma_wait3A_237 : memref<1x80xi32, #tpu.memory_space<vmem>> -> memref<80xi32, #tpu.memory_space<vmem>>
          %dma_wait3A_239 = arith.constant 0 : i32
          %dma_wait3A_240 = arith.constant 0 : i32
          %dma_wait3A_241 = tpu.memref_slice %arg6[%dma_wait3A_239, %dma_wait3A_240] : memref<10112x128xf32, #tpu.memory_space<vmem_shared>> -> memref<10112x128xf32, #tpu.memory_space<vmem_shared>>
          tpu.wait_indirect_dma semaphore(%arg19 : memref<!tpu.dma_semaphore, #tpu.memory_space<semaphore_mem>>) src(%arg11 : memref<80x128xf32, #tpu.memory_space<vmem>>) dst(%dma_wait3A_241 : memref<10112x128xf32, #tpu.memory_space<vmem_shared>>)
          %dma_start3A_242 = arith.constant 0 : i32
          %dma_start3A_243 = tpu.memref_slice %arg7[%add3A_217, %dma_start3A_242] : memref<25x80xi32, #tpu.memory_space<vmem>> -> memref<1x80xi32, #tpu.memory_space<vmem>>
          %dma_start3A_244 = tpu.memref_squeeze %dma_start3A_243 : memref<1x80xi32, #tpu.memory_space<vmem>> -> memref<80xi32, #tpu.memory_space<vmem>>
          %dma_start3A_245 = arith.constant 0 : i32
          %dma_start3A_246 = arith.constant 0 : i32
          %dma_start3A_247 = tpu.memref_slice %arg2[%dma_start3A_245, %dma_start3A_246] : memref<10112x128xf32, #tpu.memory_space<hbm>> -> memref<10112x128xf32, #tpu.memory_space<hbm>>
          tpu.enqueue_indirect_dma source(%dma_start3A_247 : memref<10112x128xf32, #tpu.memory_space<hbm>>) target(%arg11 : memref<80x128xf32, #tpu.memory_space<vmem>>) offsets(%dma_start3A_244 : memref<80xi32, #tpu.memory_space<vmem>>) semaphore(%arg15 : memref<!tpu.dma_semaphore, #tpu.memory_space<semaphore_mem>>)
        } else {
        }
        %add3A_223 = arith.constant 1 : i32
        %add3A_224 = arith.addi %scan3A_120, %add3A_223 : i32
        %mul3A_225 = arith.constant 4 : i32
        %mul3A_226 = arith.muli %add3A_224, %mul3A_225 : i32
        %add3A_227 = arith.constant 3 : i32
        %add3A_228 = arith.addi %mul3A_226, %add3A_227 : i32
        %lt3A_229 = arith.constant 25 : i32
        %lt3A_230 = arith.cmpi slt, %add3A_228, %lt3A_229 : i32
        %convert_element_type3A_231 = arith.extui %lt3A_230 : i1 to i32
        %cond3A_232 = arith.constant 0 : i32
        %cond3A_233 = arith.cmpi ne, %convert_element_type3A_231, %cond3A_232 : i32
        scf.if %cond3A_233 {
          %dma_wait3A_235 = arith.constant 0 : i32
          %dma_wait3A_236 = arith.constant 0 : i32
          %dma_wait3A_237 = tpu.memref_slice %arg8[%dma_wait3A_235, %dma_wait3A_236] : memref<25x80xi32, #tpu.memory_space<vmem>> -> memref<1x80xi32, #tpu.memory_space<vmem>>
          %dma_wait3A_238 = tpu.memref_squeeze %dma_wait3A_237 : memref<1x80xi32, #tpu.memory_space<vmem>> -> memref<80xi32, #tpu.memory_space<vmem>>
          %dma_wait3A_239 = arith.constant 0 : i32
          %dma_wait3A_240 = arith.constant 0 : i32
          %dma_wait3A_241 = tpu.memref_slice %arg6[%dma_wait3A_239, %dma_wait3A_240] : memref<10112x128xf32, #tpu.memory_space<vmem_shared>> -> memref<10112x128xf32, #tpu.memory_space<vmem_shared>>
          tpu.wait_indirect_dma semaphore(%arg20 : memref<!tpu.dma_semaphore, #tpu.memory_space<semaphore_mem>>) src(%arg12 : memref<80x128xf32, #tpu.memory_space<vmem>>) dst(%dma_wait3A_241 : memref<10112x128xf32, #tpu.memory_space<vmem_shared>>)
          %dma_start3A_242 = arith.constant 0 : i32
          %dma_start3A_243 = tpu.memref_slice %arg7[%add3A_228, %dma_start3A_242] : memref<25x80xi32, #tpu.memory_space<vmem>> -> memref<1x80xi32, #tpu.memory_space<vmem>>
          %dma_start3A_244 = tpu.memref_squeeze %dma_start3A_243 : memref<1x80xi32, #tpu.memory_space<vmem>> -> memref<80xi32, #tpu.memory_space<vmem>>
          %dma_start3A_245 = arith.constant 0 : i32
          %dma_start3A_246 = arith.constant 0 : i32
          %dma_start3A_247 = tpu.memref_slice %arg2[%dma_start3A_245, %dma_start3A_246] : memref<10112x128xf32, #tpu.memory_space<hbm>> -> memref<10112x128xf32, #tpu.memory_space<hbm>>
          tpu.enqueue_indirect_dma source(%dma_start3A_247 : memref<10112x128xf32, #tpu.memory_space<hbm>>) target(%arg12 : memref<80x128xf32, #tpu.memory_space<vmem>>) offsets(%dma_start3A_244 : memref<80xi32, #tpu.memory_space<vmem>>) semaphore(%arg16 : memref<!tpu.dma_semaphore, #tpu.memory_space<semaphore_mem>>)
        } else {
        }
        %scan3A_234 = arith.constant 0 : i32
        scf.yield %scan3A_234 : i32
      }
      %scan3A_64 = arith.constant 6 : i32
      %dma_wait3A = arith.constant 0 : i32
      %dma_wait3A_65 = arith.constant 0 : i32
      %dma_wait3A_66 = tpu.memref_slice %arg7[%dma_wait3A, %dma_wait3A_65] : memref<25x80xi32, #tpu.memory_space<vmem>> -> memref<1x80xi32, #tpu.memory_space<vmem>>
      %dma_wait3A_67 = tpu.memref_squeeze %dma_wait3A_66 : memref<1x80xi32, #tpu.memory_space<vmem>> -> memref<80xi32, #tpu.memory_space<vmem>>
      %dma_wait3A_68 = arith.constant 0 : i32
      %dma_wait3A_69 = arith.constant 0 : i32
      %dma_wait3A_70 = tpu.memref_slice %arg2[%dma_wait3A_68, %dma_wait3A_69] : memref<10112x128xf32, #tpu.memory_space<hbm>> -> memref<10112x128xf32, #tpu.memory_space<hbm>>
      tpu.wait_indirect_dma semaphore(%arg13 : memref<!tpu.dma_semaphore, #tpu.memory_space<semaphore_mem>>) src(%dma_wait3A_70 : memref<10112x128xf32, #tpu.memory_space<hbm>>) dst(%arg9 : memref<80x128xf32, #tpu.memory_space<vmem>>)
      %dma_start3A_71 = arith.constant 24 : i32
      %dma_start3A_72 = arith.constant 0 : i32
      %dma_start3A_73 = tpu.memref_slice %arg8[%dma_start3A_71, %dma_start3A_72] : memref<25x80xi32, #tpu.memory_space<vmem>> -> memref<1x80xi32, #tpu.memory_space<vmem>>
      %dma_start3A_74 = tpu.memref_squeeze %dma_start3A_73 : memref<1x80xi32, #tpu.memory_space<vmem>> -> memref<80xi32, #tpu.memory_space<vmem>>
      %dma_start3A_75 = arith.constant 0 : i32
      %dma_start3A_76 = arith.constant 0 : i32
      %dma_start3A_77 = tpu.memref_slice %arg6[%dma_start3A_75, %dma_start3A_76] : memref<10112x128xf32, #tpu.memory_space<vmem_shared>> -> memref<10112x128xf32, #tpu.memory_space<vmem_shared>>
      tpu.enqueue_indirect_dma source(%arg9 : memref<80x128xf32, #tpu.memory_space<vmem>>) target(%dma_start3A_77 : memref<10112x128xf32, #tpu.memory_space<vmem_shared>>) offsets(%dma_start3A_74 : memref<80xi32, #tpu.memory_space<vmem>>) semaphore(%arg17 : memref<!tpu.dma_semaphore, #tpu.memory_space<semaphore_mem>>) {add = true}
      %add3A_78 = arith.constant 1 : i32
      %add3A_79 = arith.addi %scan3A_56, %add3A_78 : i32
      %lt3A = arith.constant 5 : i32
      %lt3A_80 = arith.cmpi slt, %add3A_79, %lt3A : i32
      %convert_element_type3A_81 = arith.extui %lt3A_80 : i1 to i32
      %cond3A_82 = arith.constant 0 : i32
      %cond3A_83 = arith.cmpi ne, %convert_element_type3A_81, %cond3A_82 : i32
      scf.if %cond3A_83 {
        %add3A_120 = arith.constant 1 : i32
        %add3A_121 = arith.addi %scan3A_56, %add3A_120 : i32
        %dma_start3A_122 = arith.constant 0 : i32
        %dma_start3A_123 = arith.constant 0 : i32
        %dma_start3A_124 = arith.constant 0 : i32
        %dma_start3A_125 = tpu.memref_slice %arg3[%dma_start3A_122, %add3A, %add3A_121, %dma_start3A_123, %dma_start3A_124] : memref<2x32x5x25x80xi32, #tpu.memory_space<hbm>> -> memref<1x1x1x25x80xi32, #tpu.memory_space<hbm>>
        %dma_start3A_126 = tpu.memref_squeeze %dma_start3A_125 : memref<1x1x1x25x80xi32, #tpu.memory_space<hbm>> -> memref<25x80xi32, #tpu.memory_space<hbm>>
        %dma_start3A_127 = arith.constant 0 : i32
        %dma_start3A_128 = arith.constant 0 : i32
        %dma_start3A_129 = tpu.memref_slice %arg3[%dma_start3A_122, %add3A, %add3A_121, %dma_start3A_127, %dma_start3A_128] : memref<2x32x5x25x80xi32, #tpu.memory_space<hbm>> -> memref<1x1x1x25x80xi32, #tpu.memory_space<hbm>>
        %dma_start3A_130 = tpu.memref_squeeze %dma_start3A_129 : memref<1x1x1x25x80xi32, #tpu.memory_space<hbm>> -> memref<25x80xi32, #tpu.memory_space<hbm>>
        tpu.enqueue_dma source(%dma_start3A_130 : memref<25x80xi32, #tpu.memory_space<hbm>>) target(%arg7 : memref<25x80xi32, #tpu.memory_space<vmem>>) target_semaphore(%arg21 : memref<!tpu.dma_semaphore, #tpu.memory_space<semaphore_mem>>)
      } else {
      }
      %dma_wait3A_84 = arith.constant 0 : i32
      %dma_wait3A_85 = arith.constant 0 : i32
      %dma_wait3A_86 = tpu.memref_slice %arg8[%dma_wait3A_84, %dma_wait3A_85] : memref<25x80xi32, #tpu.memory_space<vmem>> -> memref<1x80xi32, #tpu.memory_space<vmem>>
      %dma_wait3A_87 = tpu.memref_squeeze %dma_wait3A_86 : memref<1x80xi32, #tpu.memory_space<vmem>> -> memref<80xi32, #tpu.memory_space<vmem>>
      %dma_wait3A_88 = arith.constant 0 : i32
      %dma_wait3A_89 = arith.constant 0 : i32
      %dma_wait3A_90 = tpu.memref_slice %arg6[%dma_wait3A_88, %dma_wait3A_89] : memref<10112x128xf32, #tpu.memory_space<vmem_shared>> -> memref<10112x128xf32, #tpu.memory_space<vmem_shared>>
      tpu.wait_indirect_dma semaphore(%arg17 : memref<!tpu.dma_semaphore, #tpu.memory_space<semaphore_mem>>) src(%arg9 : memref<80x128xf32, #tpu.memory_space<vmem>>) dst(%dma_wait3A_90 : memref<10112x128xf32, #tpu.memory_space<vmem_shared>>)
      %dma_wait3A_91 = arith.constant 0 : i32
      %dma_wait3A_92 = arith.constant 0 : i32
      %dma_wait3A_93 = tpu.memref_slice %arg8[%dma_wait3A_91, %dma_wait3A_92] : memref<25x80xi32, #tpu.memory_space<vmem>> -> memref<1x80xi32, #tpu.memory_space<vmem>>
      %dma_wait3A_94 = tpu.memref_squeeze %dma_wait3A_93 : memref<1x80xi32, #tpu.memory_space<vmem>> -> memref<80xi32, #tpu.memory_space<vmem>>
      %dma_wait3A_95 = arith.constant 0 : i32
      %dma_wait3A_96 = arith.constant 0 : i32
      %dma_wait3A_97 = tpu.memref_slice %arg6[%dma_wait3A_95, %dma_wait3A_96] : memref<10112x128xf32, #tpu.memory_space<vmem_shared>> -> memref<10112x128xf32, #tpu.memory_space<vmem_shared>>
      tpu.wait_indirect_dma semaphore(%arg18 : memref<!tpu.dma_semaphore, #tpu.memory_space<semaphore_mem>>) src(%arg10 : memref<80x128xf32, #tpu.memory_space<vmem>>) dst(%dma_wait3A_97 : memref<10112x128xf32, #tpu.memory_space<vmem_shared>>)
      %dma_wait3A_98 = arith.constant 0 : i32
      %dma_wait3A_99 = arith.constant 0 : i32
      %dma_wait3A_100 = tpu.memref_slice %arg8[%dma_wait3A_98, %dma_wait3A_99] : memref<25x80xi32, #tpu.memory_space<vmem>> -> memref<1x80xi32, #tpu.memory_space<vmem>>
      %dma_wait3A_101 = tpu.memref_squeeze %dma_wait3A_100 : memref<1x80xi32, #tpu.memory_space<vmem>> -> memref<80xi32, #tpu.memory_space<vmem>>
      %dma_wait3A_102 = arith.constant 0 : i32
      %dma_wait3A_103 = arith.constant 0 : i32
      %dma_wait3A_104 = tpu.memref_slice %arg6[%dma_wait3A_102, %dma_wait3A_103] : memref<10112x128xf32, #tpu.memory_space<vmem_shared>> -> memref<10112x128xf32, #tpu.memory_space<vmem_shared>>
      tpu.wait_indirect_dma semaphore(%arg19 : memref<!tpu.dma_semaphore, #tpu.memory_space<semaphore_mem>>) src(%arg11 : memref<80x128xf32, #tpu.memory_space<vmem>>) dst(%dma_wait3A_104 : memref<10112x128xf32, #tpu.memory_space<vmem_shared>>)
      %dma_wait3A_105 = arith.constant 0 : i32
      %dma_wait3A_106 = arith.constant 0 : i32
      %dma_wait3A_107 = tpu.memref_slice %arg8[%dma_wait3A_105, %dma_wait3A_106] : memref<25x80xi32, #tpu.memory_space<vmem>> -> memref<1x80xi32, #tpu.memory_space<vmem>>
      %dma_wait3A_108 = tpu.memref_squeeze %dma_wait3A_107 : memref<1x80xi32, #tpu.memory_space<vmem>> -> memref<80xi32, #tpu.memory_space<vmem>>
      %dma_wait3A_109 = arith.constant 0 : i32
      %dma_wait3A_110 = arith.constant 0 : i32
      %dma_wait3A_111 = tpu.memref_slice %arg6[%dma_wait3A_109, %dma_wait3A_110] : memref<10112x128xf32, #tpu.memory_space<vmem_shared>> -> memref<10112x128xf32, #tpu.memory_space<vmem_shared>>
      tpu.wait_indirect_dma semaphore(%arg20 : memref<!tpu.dma_semaphore, #tpu.memory_space<semaphore_mem>>) src(%arg12 : memref<80x128xf32, #tpu.memory_space<vmem>>) dst(%dma_wait3A_111 : memref<10112x128xf32, #tpu.memory_space<vmem_shared>>)
      %add3A_112 = arith.constant 1 : i32
      %add3A_113 = arith.addi %scan3A_56, %add3A_112 : i32
      %lt3A_114 = arith.constant 5 : i32
      %lt3A_115 = arith.cmpi slt, %add3A_113, %lt3A_114 : i32
      %convert_element_type3A_116 = arith.extui %lt3A_115 : i1 to i32
      %cond3A_117 = arith.constant 0 : i32
      %cond3A_118 = arith.cmpi ne, %convert_element_type3A_116, %cond3A_117 : i32
      scf.if %cond3A_118 {
        %dma_wait3A_120 = arith.constant 0 : i32
        %dma_wait3A_121 = arith.constant 0 : i32
        %dma_wait3A_122 = arith.constant 0 : i32
        %dma_wait3A_123 = arith.constant 0 : i32
        %dma_wait3A_124 = tpu.memref_slice %arg3[%dma_wait3A_120, %add3A, %dma_wait3A_121, %dma_wait3A_122, %dma_wait3A_123] : memref<2x32x5x25x80xi32, #tpu.memory_space<hbm>> -> memref<1x1x1x25x80xi32, #tpu.memory_space<hbm>>
        %dma_wait3A_125 = tpu.memref_squeeze %dma_wait3A_124 : memref<1x1x1x25x80xi32, #tpu.memory_space<hbm>> -> memref<25x80xi32, #tpu.memory_space<hbm>>
        %dma_wait3A_126 = arith.constant 0 : i32
        %dma_wait3A_127 = arith.constant 0 : i32
        %dma_wait3A_128 = tpu.memref_slice %arg3[%dma_wait3A_120, %add3A, %dma_wait3A_121, %dma_wait3A_126, %dma_wait3A_127] : memref<2x32x5x25x80xi32, #tpu.memory_space<hbm>> -> memref<1x1x1x25x80xi32, #tpu.memory_space<hbm>>
        %dma_wait3A_129 = tpu.memref_squeeze %dma_wait3A_128 : memref<1x1x1x25x80xi32, #tpu.memory_space<hbm>> -> memref<25x80xi32, #tpu.memory_space<hbm>>
        tpu.wait_dma2 semaphore(%arg21 : memref<!tpu.dma_semaphore, #tpu.memory_space<semaphore_mem>>) src(%dma_wait3A_129 : memref<25x80xi32, #tpu.memory_space<hbm>>) dst(%arg7 : memref<25x80xi32, #tpu.memory_space<vmem>>)
        %dma_start3A_130 = arith.constant 0 : i32
        %dma_start3A_131 = arith.constant 0 : i32
        %dma_start3A_132 = tpu.memref_slice %arg7[%dma_start3A_130, %dma_start3A_131] : memref<25x80xi32, #tpu.memory_space<vmem>> -> memref<1x80xi32, #tpu.memory_space<vmem>>
        %dma_start3A_133 = tpu.memref_squeeze %dma_start3A_132 : memref<1x80xi32, #tpu.memory_space<vmem>> -> memref<80xi32, #tpu.memory_space<vmem>>
        %dma_start3A_134 = arith.constant 0 : i32
        %dma_start3A_135 = arith.constant 0 : i32
        %dma_start3A_136 = tpu.memref_slice %arg2[%dma_start3A_134, %dma_start3A_135] : memref<10112x128xf32, #tpu.memory_space<hbm>> -> memref<10112x128xf32, #tpu.memory_space<hbm>>
        tpu.enqueue_indirect_dma source(%dma_start3A_136 : memref<10112x128xf32, #tpu.memory_space<hbm>>) target(%arg9 : memref<80x128xf32, #tpu.memory_space<vmem>>) offsets(%dma_start3A_133 : memref<80xi32, #tpu.memory_space<vmem>>) semaphore(%arg13 : memref<!tpu.dma_semaphore, #tpu.memory_space<semaphore_mem>>)
        %dma_start3A_137 = arith.constant 1 : i32
        %dma_start3A_138 = arith.constant 0 : i32
        %dma_start3A_139 = tpu.memref_slice %arg7[%dma_start3A_137, %dma_start3A_138] : memref<25x80xi32, #tpu.memory_space<vmem>> -> memref<1x80xi32, #tpu.memory_space<vmem>>
        %dma_start3A_140 = tpu.memref_squeeze %dma_start3A_139 : memref<1x80xi32, #tpu.memory_space<vmem>> -> memref<80xi32, #tpu.memory_space<vmem>>
        %dma_start3A_141 = arith.constant 0 : i32
        %dma_start3A_142 = arith.constant 0 : i32
        %dma_start3A_143 = tpu.memref_slice %arg2[%dma_start3A_141, %dma_start3A_142] : memref<10112x128xf32, #tpu.memory_space<hbm>> -> memref<10112x128xf32, #tpu.memory_space<hbm>>
        tpu.enqueue_indirect_dma source(%dma_start3A_143 : memref<10112x128xf32, #tpu.memory_space<hbm>>) target(%arg10 : memref<80x128xf32, #tpu.memory_space<vmem>>) offsets(%dma_start3A_140 : memref<80xi32, #tpu.memory_space<vmem>>) semaphore(%arg14 : memref<!tpu.dma_semaphore, #tpu.memory_space<semaphore_mem>>)
        %dma_start3A_144 = arith.constant 2 : i32
        %dma_start3A_145 = arith.constant 0 : i32
        %dma_start3A_146 = tpu.memref_slice %arg7[%dma_start3A_144, %dma_start3A_145] : memref<25x80xi32, #tpu.memory_space<vmem>> -> memref<1x80xi32, #tpu.memory_space<vmem>>
        %dma_start3A_147 = tpu.memref_squeeze %dma_start3A_146 : memref<1x80xi32, #tpu.memory_space<vmem>> -> memref<80xi32, #tpu.memory_space<vmem>>
        %dma_start3A_148 = arith.constant 0 : i32
        %dma_start3A_149 = arith.constant 0 : i32
        %dma_start3A_150 = tpu.memref_slice %arg2[%dma_start3A_148, %dma_start3A_149] : memref<10112x128xf32, #tpu.memory_space<hbm>> -> memref<10112x128xf32, #tpu.memory_space<hbm>>
        tpu.enqueue_indirect_dma source(%dma_start3A_150 : memref<10112x128xf32, #tpu.memory_space<hbm>>) target(%arg11 : memref<80x128xf32, #tpu.memory_space<vmem>>) offsets(%dma_start3A_147 : memref<80xi32, #tpu.memory_space<vmem>>) semaphore(%arg15 : memref<!tpu.dma_semaphore, #tpu.memory_space<semaphore_mem>>)
        %dma_start3A_151 = arith.constant 3 : i32
        %dma_start3A_152 = arith.constant 0 : i32
        %dma_start3A_153 = tpu.memref_slice %arg7[%dma_start3A_151, %dma_start3A_152] : memref<25x80xi32, #tpu.memory_space<vmem>> -> memref<1x80xi32, #tpu.memory_space<vmem>>
        %dma_start3A_154 = tpu.memref_squeeze %dma_start3A_153 : memref<1x80xi32, #tpu.memory_space<vmem>> -> memref<80xi32, #tpu.memory_space<vmem>>
        %dma_start3A_155 = arith.constant 0 : i32
        %dma_start3A_156 = arith.constant 0 : i32
        %dma_start3A_157 = tpu.memref_slice %arg2[%dma_start3A_155, %dma_start3A_156] : memref<10112x128xf32, #tpu.memory_space<hbm>> -> memref<10112x128xf32, #tpu.memory_space<hbm>>
        tpu.enqueue_indirect_dma source(%dma_start3A_157 : memref<10112x128xf32, #tpu.memory_space<hbm>>) target(%arg12 : memref<80x128xf32, #tpu.memory_space<vmem>>) offsets(%dma_start3A_154 : memref<80xi32, #tpu.memory_space<vmem>>) semaphore(%arg16 : memref<!tpu.dma_semaphore, #tpu.memory_space<semaphore_mem>>)
        %add3A_158 = arith.constant 1 : i32
        %add3A_159 = arith.addi %scan3A_56, %add3A_158 : i32
        %run_scoped3A_160 = arith.constant 1 : i32
        "tpu.region"() ({
          %run_scoped3A_161 = tpu.sem_alloc : memref<!tpu.dma_semaphore, #tpu.memory_space<semaphore_mem>>
          %dma_start3A_162 = arith.constant 0 : i32
          %dma_start3A_163 = arith.constant 0 : i32
          %dma_start3A_164 = tpu.memref_slice %arg3[%run_scoped3A_160, %add3A, %add3A_159, %dma_start3A_162, %dma_start3A_163] : memref<2x32x5x25x80xi32, #tpu.memory_space<hbm>> -> memref<1x1x1x25x80xi32, #tpu.memory_space<hbm>>
          %dma_start3A_165 = tpu.memref_squeeze %dma_start3A_164 : memref<1x1x1x25x80xi32, #tpu.memory_space<hbm>> -> memref<25x80xi32, #tpu.memory_space<hbm>>
          %dma_start3A_166 = arith.constant 0 : i32
          %dma_start3A_167 = arith.constant 0 : i32
          %dma_start3A_168 = tpu.memref_slice %arg3[%run_scoped3A_160, %add3A, %add3A_159, %dma_start3A_166, %dma_start3A_167] : memref<2x32x5x25x80xi32, #tpu.memory_space<hbm>> -> memref<1x1x1x25x80xi32, #tpu.memory_space<hbm>>
          %dma_start3A_169 = tpu.memref_squeeze %dma_start3A_168 : memref<1x1x1x25x80xi32, #tpu.memory_space<hbm>> -> memref<25x80xi32, #tpu.memory_space<hbm>>
          tpu.enqueue_dma source(%dma_start3A_169 : memref<25x80xi32, #tpu.memory_space<hbm>>) target(%arg8 : memref<25x80xi32, #tpu.memory_space<vmem>>) target_semaphore(%run_scoped3A_161 : memref<!tpu.dma_semaphore, #tpu.memory_space<semaphore_mem>>)
          %dma_wait3A_170 = arith.constant 0 : i32
          %dma_wait3A_171 = arith.constant 0 : i32
          %dma_wait3A_172 = tpu.memref_slice %arg3[%run_scoped3A_160, %add3A, %add3A_159, %dma_wait3A_170, %dma_wait3A_171] : memref<2x32x5x25x80xi32, #tpu.memory_space<hbm>> -> memref<1x1x1x25x80xi32, #tpu.memory_space<hbm>>
          %dma_wait3A_173 = tpu.memref_squeeze %dma_wait3A_172 : memref<1x1x1x25x80xi32, #tpu.memory_space<hbm>> -> memref<25x80xi32, #tpu.memory_space<hbm>>
          %dma_wait3A_174 = arith.constant 0 : i32
          %dma_wait3A_175 = arith.constant 0 : i32
          %dma_wait3A_176 = tpu.memref_slice %arg3[%run_scoped3A_160, %add3A, %add3A_159, %dma_wait3A_174, %dma_wait3A_175] : memref<2x32x5x25x80xi32, #tpu.memory_space<hbm>> -> memref<1x1x1x25x80xi32, #tpu.memory_space<hbm>>
          %dma_wait3A_177 = tpu.memref_squeeze %dma_wait3A_176 : memref<1x1x1x25x80xi32, #tpu.memory_space<hbm>> -> memref<25x80xi32, #tpu.memory_space<hbm>>
          tpu.wait_dma2 semaphore(%run_scoped3A_161 : memref<!tpu.dma_semaphore, #tpu.memory_space<semaphore_mem>>) src(%dma_wait3A_177 : memref<25x80xi32, #tpu.memory_space<hbm>>) dst(%arg8 : memref<25x80xi32, #tpu.memory_space<vmem>>)
          tpu.yield
        }) : () -> ()
      } else {
      }
      %scan3A_119 = arith.constant 0 : i32
      scf.yield %scan3A_119 : i32
    }
    %scan3A_44 = arith.constant 5 : i32
    %barrier3A_45 = arith.constant 0 : index
    tpu.barrier barrier_id(%barrier3A_45)
    %eq3A_46 = arith.constant 0 : i32
    %eq3A_47 = arith.cmpi eq, %arg0, %eq3A_46 : i32
    %convert_element_type3A_48 = arith.extui %eq3A_47 : i1 to i32
    %cond3A_49 = arith.constant 0 : i32
    %cond3A_50 = arith.cmpi ne, %convert_element_type3A_48, %cond3A_49 : i32
    scf.if %cond3A_50 {
      "tpu.region"() ({
        %run_scoped3A_56 = tpu.sem_alloc : memref<!tpu.dma_semaphore, #tpu.memory_space<semaphore_mem>>
        %dma_start3A_57 = arith.constant 0 : i32
        %dma_start3A_58 = tpu.memref_slice %arg4[%mul3A_2, %dma_start3A_57] : memref<10112x128xf32, #tpu.memory_space<hbm>> -> memref<632x128xf32, #tpu.memory_space<hbm>>
        %dma_start3A_59 = arith.constant 0 : i32
        %dma_start3A_60 = tpu.memref_slice %arg6[%mul3A_2, %dma_start3A_59] : memref<10112x128xf32, #tpu.memory_space<vmem_shared>> -> memref<632x128xf32, #tpu.memory_space<vmem_shared>>
        tpu.enqueue_dma source(%dma_start3A_60 : memref<632x128xf32, #tpu.memory_space<vmem_shared>>) target(%dma_start3A_58 : memref<632x128xf32, #tpu.memory_space<hbm>>) target_semaphore(%run_scoped3A_56 : memref<!tpu.dma_semaphore, #tpu.memory_space<semaphore_mem>>)
        %dma_wait3A = arith.constant 0 : i32
        %dma_wait3A_61 = tpu.memref_slice %arg4[%mul3A_2, %dma_wait3A] : memref<10112x128xf32, #tpu.memory_space<hbm>> -> memref<632x128xf32, #tpu.memory_space<hbm>>
        %dma_wait3A_62 = arith.constant 0 : i32
        %dma_wait3A_63 = tpu.memref_slice %arg6[%mul3A_2, %dma_wait3A_62] : memref<10112x128xf32, #tpu.memory_space<vmem_shared>> -> memref<632x128xf32, #tpu.memory_space<vmem_shared>>
        tpu.wait_dma2 semaphore(%run_scoped3A_56 : memref<!tpu.dma_semaphore, #tpu.memory_space<semaphore_mem>>) src(%dma_wait3A_63 : memref<632x128xf32, #tpu.memory_space<vmem_shared>>) dst(%dma_wait3A_61 : memref<632x128xf32, #tpu.memory_space<hbm>>)
        tpu.yield
      }) : () -> ()
    } else {
    }
    %ne3A_51 = arith.constant 0 : i32
    %ne3A_52 = arith.cmpi ne, %arg0, %ne3A_51 : i32
    %convert_element_type3A_53 = arith.extui %ne3A_52 : i1 to i32
    %cond3A_54 = arith.constant 0 : i32
    %cond3A_55 = arith.cmpi ne, %convert_element_type3A_53, %cond3A_54 : i32
    scf.if %cond3A_55 {
      "tpu.region"() ({
        %run_scoped3A_56 = tpu.sem_alloc : memref<!tpu.dma_semaphore, #tpu.memory_space<semaphore_mem>>
        %dma_start3A_57 = arith.constant 0 : i32
        %dma_start3A_58 = tpu.memref_slice %arg5[%mul3A_2, %dma_start3A_57] : memref<10112x128xf32, #tpu.memory_space<hbm>> -> memref<632x128xf32, #tpu.memory_space<hbm>>
        %dma_start3A_59 = arith.constant 0 : i32
        %dma_start3A_60 = tpu.memref_slice %arg6[%mul3A_2, %dma_start3A_59] : memref<10112x128xf32, #tpu.memory_space<vmem_shared>> -> memref<632x128xf32, #tpu.memory_space<vmem_shared>>
        tpu.enqueue_dma source(%dma_start3A_60 : memref<632x128xf32, #tpu.memory_space<vmem_shared>>) target(%dma_start3A_58 : memref<632x128xf32, #tpu.memory_space<hbm>>) target_semaphore(%run_scoped3A_56 : memref<!tpu.dma_semaphore, #tpu.memory_space<semaphore_mem>>)
        %dma_wait3A = arith.constant 0 : i32
        %dma_wait3A_61 = tpu.memref_slice %arg5[%mul3A_2, %dma_wait3A] : memref<10112x128xf32, #tpu.memory_space<hbm>> -> memref<632x128xf32, #tpu.memory_space<hbm>>
        %dma_wait3A_62 = arith.constant 0 : i32
        %dma_wait3A_63 = tpu.memref_slice %arg6[%mul3A_2, %dma_wait3A_62] : memref<10112x128xf32, #tpu.memory_space<vmem_shared>> -> memref<632x128xf32, #tpu.memory_space<vmem_shared>>
        tpu.wait_dma2 semaphore(%run_scoped3A_56 : memref<!tpu.dma_semaphore, #tpu.memory_space<semaphore_mem>>) src(%dma_wait3A_63 : memref<632x128xf32, #tpu.memory_space<vmem_shared>>) dst(%dma_wait3A_61 : memref<632x128xf32, #tpu.memory_space<hbm>>)
        tpu.yield
      }) : () -> ()
    } else {
    }
    return
  }
}

#map = affine_map<(d0, d1) -> (0, 0)>
#map1 = affine_map<(d0, d1) -> (0, 0, 0, 0, 0)>
module attributes {stable_mosaic.version = 14 : i64} {
  func.func @k(%arg0: i32, %arg1: i32, %arg2: memref<10112x128xf32, #tpu.memory_space<hbm>>, %arg3: memref<2x32x5x25x80xi32, #tpu.memory_space<hbm>>, %arg4: memref<10112x128xf32, #tpu.memory_space<hbm>>, %arg5: memref<10112x128xf32, #tpu.memory_space<hbm>>, %arg6: memref<10112x128xf32, #tpu.memory_space<vmem_shared>>, %arg7: memref<25x80xi32, #tpu.memory_space<vmem>>, %arg8: memref<25x80xi32, #tpu.memory_space<vmem>>, %arg9: memref<80x128xf32, #tpu.memory_space<vmem>>, %arg10: memref<80x128xf32, #tpu.memory_space<vmem>>, %arg11: memref<80x128xf32, #tpu.memory_space<vmem>>, %arg12: memref<80x128xf32, #tpu.memory_space<vmem>>, %arg13: memref<!tpu.dma_semaphore, #tpu.memory_space<semaphore_mem>>, %arg14: memref<!tpu.dma_semaphore, #tpu.memory_space<semaphore_mem>>, %arg15: memref<!tpu.dma_semaphore, #tpu.memory_space<semaphore_mem>>, %arg16: memref<!tpu.dma_semaphore, #tpu.memory_space<semaphore_mem>>, %arg17: memref<!tpu.dma_semaphore, #tpu.memory_space<semaphore_mem>>, %arg18: memref<!tpu.dma_semaphore, #tpu.memory_space<semaphore_mem>>, %arg19: memref<!tpu.dma_semaphore, #tpu.memory_space<semaphore_mem>>, %arg20: memref<!tpu.dma_semaphore, #tpu.memory_space<semaphore_mem>>, %arg21: memref<!tpu.dma_semaphore, #tpu.memory_space<semaphore_mem>>) attributes {dimension_semantics = [#tpu.dimension_semantics<core_parallel>, #tpu.dimension_semantics<subcore_parallel>], iteration_bounds = array<i64: 2, 16>, scalar_prefetch = 0 : i64, scratch_operands = 16 : i64, tpu.core_type = #tpu.core_type<sc_vector_subcore>, window_params = [{transform_indices = #map}, {transform_indices = #map1}, {transform_indices = #map}, {transform_indices = #map}]} {
    %mul3A = arith.constant 16 : i32
    %mul3A_0 = arith.muli %arg0, %mul3A : i32
    %add3A = arith.addi %mul3A_0, %arg1 : i32
    %mul3A_1 = arith.constant 632 : i32
    %mul3A_2 = arith.muli %arg1, %mul3A_1 : i32
    %eq3A = arith.constant 0 : i32
    %eq3A_3 = arith.cmpi eq, %arg0, %eq3A : i32
    %convert_element_type3A = arith.extui %eq3A_3 : i1 to i32
    %cond3A = arith.constant 0 : i32
    %cond3A_4 = arith.cmpi ne, %convert_element_type3A, %cond3A : i32
    scf.if %cond3A_4 {
      "tpu.region"() ({
        %run_scoped3A_56 = tpu.sem_alloc : memref<!tpu.dma_semaphore, #tpu.memory_space<semaphore_mem>>
        %dma_start3A_57 = arith.constant 0 : i32
        %dma_start3A_58 = tpu.memref_slice %arg6[%mul3A_2, %dma_start3A_57] : memref<10112x128xf32, #tpu.memory_space<vmem_shared>> -> memref<632x128xf32, #tpu.memory_space<vmem_shared>>
        %dma_start3A_59 = arith.constant 0 : i32
        %dma_start3A_60 = tpu.memref_slice %arg2[%mul3A_2, %dma_start3A_59] : memref<10112x128xf32, #tpu.memory_space<hbm>> -> memref<632x128xf32, #tpu.memory_space<hbm>>
        tpu.enqueue_dma source(%dma_start3A_60 : memref<632x128xf32, #tpu.memory_space<hbm>>) target(%dma_start3A_58 : memref<632x128xf32, #tpu.memory_space<vmem_shared>>) target_semaphore(%run_scoped3A_56 : memref<!tpu.dma_semaphore, #tpu.memory_space<semaphore_mem>>)
        %dma_wait3A = arith.constant 0 : i32
        %dma_wait3A_61 = tpu.memref_slice %arg6[%mul3A_2, %dma_wait3A] : memref<10112x128xf32, #tpu.memory_space<vmem_shared>> -> memref<632x128xf32, #tpu.memory_space<vmem_shared>>
        %dma_wait3A_62 = arith.constant 0 : i32
        %dma_wait3A_63 = tpu.memref_slice %arg2[%mul3A_2, %dma_wait3A_62] : memref<10112x128xf32, #tpu.memory_space<hbm>> -> memref<632x128xf32, #tpu.memory_space<hbm>>
        tpu.wait_dma2 semaphore(%run_scoped3A_56 : memref<!tpu.dma_semaphore, #tpu.memory_space<semaphore_mem>>) src(%dma_wait3A_63 : memref<632x128xf32, #tpu.memory_space<hbm>>) dst(%dma_wait3A_61 : memref<632x128xf32, #tpu.memory_space<vmem_shared>>)
        tpu.yield
      }) : () -> ()
    } else {
    }
    %ne3A = arith.constant 0 : i32
    %ne3A_5 = arith.cmpi ne, %arg0, %ne3A : i32
    %convert_element_type3A_6 = arith.extui %ne3A_5 : i1 to i32
    %cond3A_7 = arith.constant 0 : i32
    %cond3A_8 = arith.cmpi ne, %convert_element_type3A_6, %cond3A_7 : i32
    scf.if %cond3A_8 {
      %scan3A_56 = arith.constant 0 : i32
      %scan3A_57 = arith.constant 0 : i32
      %scan3A_58 = arith.constant 80 : i32
      %scan3A_59 = arith.addi %scan3A_57, %scan3A_58 : i32
      %scan3A_60 = arith.constant 1 : i32
      %scan3A_61 = scf.for %scan3A_79 = %scan3A_57 to %scan3A_59 step %scan3A_60 iter_args(%scan3A_80 = %scan3A_56) -> (i32)  : i32 {
        %broadcast_in_dim3A = arith.constant 0.000000e+00 : f32
        %broadcast_in_dim3A_81 = vector.broadcast %broadcast_in_dim3A : f32 to vector<16xf32>
        %swap3A = arith.index_cast %scan3A_79 : i32 to index
        %swap3A_82 = arith.constant 0 : index
        %swap3A_83 = tpu.vector_load %arg9[%swap3A, %swap3A_82] {strides = array<i32>} : memref<80x128xf32, #tpu.memory_space<vmem>>, vector<1x16xf32>,
        %swap3A_84 = vector.shape_cast %swap3A_83 : vector<1x16xf32> to vector<16xf32>
        %swap3A_85 = vector.shape_cast %broadcast_in_dim3A_81 : vector<16xf32> to vector<1x16xf32>
        tpu.vector_store %arg9[%swap3A, %swap3A_82], %swap3A_85 {strides = array<i32>} : memref<80x128xf32, #tpu.memory_space<vmem>>, vector<1x16xf32>,
        %broadcast_in_dim3A_86 = arith.constant 0.000000e+00 : f32
        %broadcast_in_dim3A_87 = vector.broadcast %broadcast_in_dim3A_86 : f32 to vector<16xf32>
        %swap3A_88 = arith.index_cast %scan3A_79 : i32 to index
        %swap3A_89 = arith.constant 16 : index
        %swap3A_90 = tpu.vector_load %arg9[%swap3A_88, %swap3A_89] {strides = array<i32>} : memref<80x128xf32, #tpu.memory_space<vmem>>, vector<1x16xf32>,
        %swap3A_91 = vector.shape_cast %swap3A_90 : vector<1x16xf32> to vector<16xf32>
        %swap3A_92 = vector.shape_cast %broadcast_in_dim3A_87 : vector<16xf32> to vector<1x16xf32>
        tpu.vector_store %arg9[%swap3A_88, %swap3A_89], %swap3A_92 {strides = array<i32>} : memref<80x128xf32, #tpu.memory_space<vmem>>, vector<1x16xf32>,
        %broadcast_in_dim3A_93 = arith.constant 0.000000e+00 : f32
        %broadcast_in_dim3A_94 = vector.broadcast %broadcast_in_dim3A_93 : f32 to vector<16xf32>
        %swap3A_95 = arith.index_cast %scan3A_79 : i32 to index
        %swap3A_96 = arith.constant 32 : index
        %swap3A_97 = tpu.vector_load %arg9[%swap3A_95, %swap3A_96] {strides = array<i32>} : memref<80x128xf32, #tpu.memory_space<vmem>>, vector<1x16xf32>,
        %swap3A_98 = vector.shape_cast %swap3A_97 : vector<1x16xf32> to vector<16xf32>
        %swap3A_99 = vector.shape_cast %broadcast_in_dim3A_94 : vector<16xf32> to vector<1x16xf32>
        tpu.vector_store %arg9[%swap3A_95, %swap3A_96], %swap3A_99 {strides = array<i32>} : memref<80x128xf32, #tpu.memory_space<vmem>>, vector<1x16xf32>,
        %broadcast_in_dim3A_100 = arith.constant 0.000000e+00 : f32
        %broadcast_in_dim3A_101 = vector.broadcast %broadcast_in_dim3A_100 : f32 to vector<16xf32>
        %swap3A_102 = arith.index_cast %scan3A_79 : i32 to index
        %swap3A_103 = arith.constant 48 : index
        %swap3A_104 = tpu.vector_load %arg9[%swap3A_102, %swap3A_103] {strides = array<i32>} : memref<80x128xf32, #tpu.memory_space<vmem>>, vector<1x16xf32>,
        %swap3A_105 = vector.shape_cast %swap3A_104 : vector<1x16xf32> to vector<16xf32>
        %swap3A_106 = vector.shape_cast %broadcast_in_dim3A_101 : vector<16xf32> to vector<1x16xf32>
        tpu.vector_store %arg9[%swap3A_102, %swap3A_103], %swap3A_106 {strides = array<i32>} : memref<80x128xf32, #tpu.memory_space<vmem>>, vector<1x16xf32>,
        %broadcast_in_dim3A_107 = arith.constant 0.000000e+00 : f32
        %broadcast_in_dim3A_108 = vector.broadcast %broadcast_in_dim3A_107 : f32 to vector<16xf32>
        %swap3A_109 = arith.index_cast %scan3A_79 : i32 to index
        %swap3A_110 = arith.constant 64 : index
        %swap3A_111 = tpu.vector_load %arg9[%swap3A_109, %swap3A_110] {strides = array<i32>} : memref<80x128xf32, #tpu.memory_space<vmem>>, vector<1x16xf32>,
        %swap3A_112 = vector.shape_cast %swap3A_111 : vector<1x16xf32> to vector<16xf32>
        %swap3A_113 = vector.shape_cast %broadcast_in_dim3A_108 : vector<16xf32> to vector<1x16xf32>
        tpu.vector_store %arg9[%swap3A_109, %swap3A_110], %swap3A_113 {strides = array<i32>} : memref<80x128xf32, #tpu.memory_space<vmem>>, vector<1x16xf32>,
        %broadcast_in_dim3A_114 = arith.constant 0.000000e+00 : f32
        %broadcast_in_dim3A_115 = vector.broadcast %broadcast_in_dim3A_114 : f32 to vector<16xf32>
        %swap3A_116 = arith.index_cast %scan3A_79 : i32 to index
        %swap3A_117 = arith.constant 80 : index
        %swap3A_118 = tpu.vector_load %arg9[%swap3A_116, %swap3A_117] {strides = array<i32>} : memref<80x128xf32, #tpu.memory_space<vmem>>, vector<1x16xf32>,
        %swap3A_119 = vector.shape_cast %swap3A_118 : vector<1x16xf32> to vector<16xf32>
        %swap3A_120 = vector.shape_cast %broadcast_in_dim3A_115 : vector<16xf32> to vector<1x16xf32>
        tpu.vector_store %arg9[%swap3A_116, %swap3A_117], %swap3A_120 {strides = array<i32>} : memref<80x128xf32, #tpu.memory_space<vmem>>, vector<1x16xf32>,
        %broadcast_in_dim3A_121 = arith.constant 0.000000e+00 : f32
        %broadcast_in_dim3A_122 = vector.broadcast %broadcast_in_dim3A_121 : f32 to vector<16xf32>
        %swap3A_123 = arith.index_cast %scan3A_79 : i32 to index
        %swap3A_124 = arith.constant 96 : index
        %swap3A_125 = tpu.vector_load %arg9[%swap3A_123, %swap3A_124] {strides = array<i32>} : memref<80x128xf32, #tpu.memory_space<vmem>>, vector<1x16xf32>,
        %swap3A_126 = vector.shape_cast %swap3A_125 : vector<1x16xf32> to vector<16xf32>
        %swap3A_127 = vector.shape_cast %broadcast_in_dim3A_122 : vector<16xf32> to vector<1x16xf32>
        tpu.vector_store %arg9[%swap3A_123, %swap3A_124], %swap3A_127 {strides = array<i32>} : memref<80x128xf32, #tpu.memory_space<vmem>>, vector<1x16xf32>,
        %broadcast_in_dim3A_128 = arith.constant 0.000000e+00 : f32
        %broadcast_in_dim3A_129 = vector.broadcast %broadcast_in_dim3A_128 : f32 to vector<16xf32>
        %swap3A_130 = arith.index_cast %scan3A_79 : i32 to index
        %swap3A_131 = arith.constant 112 : index
        %swap3A_132 = tpu.vector_load %arg9[%swap3A_130, %swap3A_131] {strides = array<i32>} : memref<80x128xf32, #tpu.memory_space<vmem>>, vector<1x16xf32>,
        %swap3A_133 = vector.shape_cast %swap3A_132 : vector<1x16xf32> to vector<16xf32>
        %swap3A_134 = vector.shape_cast %broadcast_in_dim3A_129 : vector<16xf32> to vector<1x16xf32>
        tpu.vector_store %arg9[%swap3A_130, %swap3A_131], %swap3A_134 {strides = array<i32>} : memref<80x128xf32, #tpu.memory_space<vmem>>, vector<1x16xf32>,
        %scan3A_135 = arith.constant 0 : i32
        scf.yield %scan3A_135 : i32
      }
      %scan3A_62 = arith.constant 80 : i32
      %add3A_63 = arith.constant 0 : i32
      %add3A_64 = arith.addi %mul3A_2, %add3A_63 : i32
      "tpu.region"() ({
        %run_scoped3A_79 = tpu.sem_alloc : memref<!tpu.dma_semaphore, #tpu.memory_space<semaphore_mem>>
        %dma_start3A_80 = arith.constant 0 : i32
        %dma_start3A_81 = arith.constant 0 : i32
        %dma_start3A_82 = tpu.memref_slice %arg9[%dma_start3A_80, %dma_start3A_81] : memref<80x128xf32, #tpu.memory_space<vmem>> -> memref<80x128xf32, #tpu.memory_space<vmem>>
        %dma_start3A_83 = arith.constant 0 : i32
        %dma_start3A_84 = tpu.memref_slice %arg6[%add3A_64, %dma_start3A_83] : memref<10112x128xf32, #tpu.memory_space<vmem_shared>> -> memref<80x128xf32, #tpu.memory_space<vmem_shared>>
        %dma_start3A_85 = arith.constant 0 : i32
        %dma_start3A_86 = tpu.memref_slice %arg6[%add3A_64, %dma_start3A_85] : memref<10112x128xf32, #tpu.memory_space<vmem_shared>> -> memref<80x128xf32, #tpu.memory_space<vmem_shared>>
        %dma_start3A_87 = arith.constant 0 : i32
        %dma_start3A_88 = arith.constant 0 : i32
        %dma_start3A_89 = tpu.memref_slice %arg9[%dma_start3A_87, %dma_start3A_88] : memref<80x128xf32, #tpu.memory_space<vmem>> -> memref<80x128xf32, #tpu.memory_space<vmem>>
        tpu.enqueue_dma source(%dma_start3A_89 : memref<80x128xf32, #tpu.memory_space<vmem>>) target(%dma_start3A_86 : memref<80x128xf32, #tpu.memory_space<vmem_shared>>) target_semaphore(%run_scoped3A_79 : memref<!tpu.dma_semaphore, #tpu.memory_space<semaphore_mem>>)
        %dma_wait3A = arith.constant 0 : i32
        %dma_wait3A_90 = arith.constant 0 : i32
        %dma_wait3A_91 = tpu.memref_slice %arg9[%dma_wait3A, %dma_wait3A_90] : memref<80x128xf32, #tpu.memory_space<vmem>> -> memref<80x128xf32, #tpu.memory_space<vmem>>
        %dma_wait3A_92 = arith.constant 0 : i32
        %dma_wait3A_93 = tpu.memref_slice %arg6[%add3A_64, %dma_wait3A_92] : memref<10112x128xf32, #tpu.memory_space<vmem_shared>> -> memref<80x128xf32, #tpu.memory_space<vmem_shared>>
        %dma_wait3A_94 = arith.constant 0 : i32
        %dma_wait3A_95 = tpu.memref_slice %arg6[%add3A_64, %dma_wait3A_94] : memref<10112x128xf32, #tpu.memory_space<vmem_shared>> -> memref<80x128xf32, #tpu.memory_space<vmem_shared>>
        %dma_wait3A_96 = arith.constant 0 : i32
        %dma_wait3A_97 = arith.constant 0 : i32
        %dma_wait3A_98 = tpu.memref_slice %arg9[%dma_wait3A_96, %dma_wait3A_97] : memref<80x128xf32, #tpu.memory_space<vmem>> -> memref<80x128xf32, #tpu.memory_space<vmem>>
        tpu.wait_dma2 semaphore(%run_scoped3A_79 : memref<!tpu.dma_semaphore, #tpu.memory_space<semaphore_mem>>) src(%dma_wait3A_98 : memref<80x128xf32, #tpu.memory_space<vmem>>) dst(%dma_wait3A_95 : memref<80x128xf32, #tpu.memory_space<vmem_shared>>)
        tpu.yield
      }) : () -> ()
      %add3A_65 = arith.constant 80 : i32
      %add3A_66 = arith.addi %mul3A_2, %add3A_65 : i32
      "tpu.region"() ({
        %run_scoped3A_79 = tpu.sem_alloc : memref<!tpu.dma_semaphore, #tpu.memory_space<semaphore_mem>>
        %dma_start3A_80 = arith.constant 0 : i32
        %dma_start3A_81 = arith.constant 0 : i32
        %dma_start3A_82 = tpu.memref_slice %arg9[%dma_start3A_80, %dma_start3A_81] : memref<80x128xf32, #tpu.memory_space<vmem>> -> memref<80x128xf32, #tpu.memory_space<vmem>>
        %dma_start3A_83 = arith.constant 0 : i32
        %dma_start3A_84 = tpu.memref_slice %arg6[%add3A_66, %dma_start3A_83] : memref<10112x128xf32, #tpu.memory_space<vmem_shared>> -> memref<80x128xf32, #tpu.memory_space<vmem_shared>>
        %dma_start3A_85 = arith.constant 0 : i32
        %dma_start3A_86 = tpu.memref_slice %arg6[%add3A_66, %dma_start3A_85] : memref<10112x128xf32, #tpu.memory_space<vmem_shared>> -> memref<80x128xf32, #tpu.memory_space<vmem_shared>>
        %dma_start3A_87 = arith.constant 0 : i32
        %dma_start3A_88 = arith.constant 0 : i32
        %dma_start3A_89 = tpu.memref_slice %arg9[%dma_start3A_87, %dma_start3A_88] : memref<80x128xf32, #tpu.memory_space<vmem>> -> memref<80x128xf32, #tpu.memory_space<vmem>>
        tpu.enqueue_dma source(%dma_start3A_89 : memref<80x128xf32, #tpu.memory_space<vmem>>) target(%dma_start3A_86 : memref<80x128xf32, #tpu.memory_space<vmem_shared>>) target_semaphore(%run_scoped3A_79 : memref<!tpu.dma_semaphore, #tpu.memory_space<semaphore_mem>>)
        %dma_wait3A = arith.constant 0 : i32
        %dma_wait3A_90 = arith.constant 0 : i32
        %dma_wait3A_91 = tpu.memref_slice %arg9[%dma_wait3A, %dma_wait3A_90] : memref<80x128xf32, #tpu.memory_space<vmem>> -> memref<80x128xf32, #tpu.memory_space<vmem>>
        %dma_wait3A_92 = arith.constant 0 : i32
        %dma_wait3A_93 = tpu.memref_slice %arg6[%add3A_66, %dma_wait3A_92] : memref<10112x128xf32, #tpu.memory_space<vmem_shared>> -> memref<80x128xf32, #tpu.memory_space<vmem_shared>>
        %dma_wait3A_94 = arith.constant 0 : i32
        %dma_wait3A_95 = tpu.memref_slice %arg6[%add3A_66, %dma_wait3A_94] : memref<10112x128xf32, #tpu.memory_space<vmem_shared>> -> memref<80x128xf32, #tpu.memory_space<vmem_shared>>
        %dma_wait3A_96 = arith.constant 0 : i32
        %dma_wait3A_97 = arith.constant 0 : i32
        %dma_wait3A_98 = tpu.memref_slice %arg9[%dma_wait3A_96, %dma_wait3A_97] : memref<80x128xf32, #tpu.memory_space<vmem>> -> memref<80x128xf32, #tpu.memory_space<vmem>>
        tpu.wait_dma2 semaphore(%run_scoped3A_79 : memref<!tpu.dma_semaphore, #tpu.memory_space<semaphore_mem>>) src(%dma_wait3A_98 : memref<80x128xf32, #tpu.memory_space<vmem>>) dst(%dma_wait3A_95 : memref<80x128xf32, #tpu.memory_space<vmem_shared>>)
        tpu.yield
      }) : () -> ()
      %add3A_67 = arith.constant 160 : i32
      %add3A_68 = arith.addi %mul3A_2, %add3A_67 : i32
      "tpu.region"() ({
        %run_scoped3A_79 = tpu.sem_alloc : memref<!tpu.dma_semaphore, #tpu.memory_space<semaphore_mem>>
        %dma_start3A_80 = arith.constant 0 : i32
        %dma_start3A_81 = arith.constant 0 : i32
        %dma_start3A_82 = tpu.memref_slice %arg9[%dma_start3A_80, %dma_start3A_81] : memref<80x128xf32, #tpu.memory_space<vmem>> -> memref<80x128xf32, #tpu.memory_space<vmem>>
        %dma_start3A_83 = arith.constant 0 : i32
        %dma_start3A_84 = tpu.memref_slice %arg6[%add3A_68, %dma_start3A_83] : memref<10112x128xf32, #tpu.memory_space<vmem_shared>> -> memref<80x128xf32, #tpu.memory_space<vmem_shared>>
        %dma_start3A_85 = arith.constant 0 : i32
        %dma_start3A_86 = tpu.memref_slice %arg6[%add3A_68, %dma_start3A_85] : memref<10112x128xf32, #tpu.memory_space<vmem_shared>> -> memref<80x128xf32, #tpu.memory_space<vmem_shared>>
        %dma_start3A_87 = arith.constant 0 : i32
        %dma_start3A_88 = arith.constant 0 : i32
        %dma_start3A_89 = tpu.memref_slice %arg9[%dma_start3A_87, %dma_start3A_88] : memref<80x128xf32, #tpu.memory_space<vmem>> -> memref<80x128xf32, #tpu.memory_space<vmem>>
        tpu.enqueue_dma source(%dma_start3A_89 : memref<80x128xf32, #tpu.memory_space<vmem>>) target(%dma_start3A_86 : memref<80x128xf32, #tpu.memory_space<vmem_shared>>) target_semaphore(%run_scoped3A_79 : memref<!tpu.dma_semaphore, #tpu.memory_space<semaphore_mem>>)
        %dma_wait3A = arith.constant 0 : i32
        %dma_wait3A_90 = arith.constant 0 : i32
        %dma_wait3A_91 = tpu.memref_slice %arg9[%dma_wait3A, %dma_wait3A_90] : memref<80x128xf32, #tpu.memory_space<vmem>> -> memref<80x128xf32, #tpu.memory_space<vmem>>
        %dma_wait3A_92 = arith.constant 0 : i32
        %dma_wait3A_93 = tpu.memref_slice %arg6[%add3A_68, %dma_wait3A_92] : memref<10112x128xf32, #tpu.memory_space<vmem_shared>> -> memref<80x128xf32, #tpu.memory_space<vmem_shared>>
        %dma_wait3A_94 = arith.constant 0 : i32
        %dma_wait3A_95 = tpu.memref_slice %arg6[%add3A_68, %dma_wait3A_94] : memref<10112x128xf32, #tpu.memory_space<vmem_shared>> -> memref<80x128xf32, #tpu.memory_space<vmem_shared>>
        %dma_wait3A_96 = arith.constant 0 : i32
        %dma_wait3A_97 = arith.constant 0 : i32
        %dma_wait3A_98 = tpu.memref_slice %arg9[%dma_wait3A_96, %dma_wait3A_97] : memref<80x128xf32, #tpu.memory_space<vmem>> -> memref<80x128xf32, #tpu.memory_space<vmem>>
        tpu.wait_dma2 semaphore(%run_scoped3A_79 : memref<!tpu.dma_semaphore, #tpu.memory_space<semaphore_mem>>) src(%dma_wait3A_98 : memref<80x128xf32, #tpu.memory_space<vmem>>) dst(%dma_wait3A_95 : memref<80x128xf32, #tpu.memory_space<vmem_shared>>)
        tpu.yield
      }) : () -> ()
      %add3A_69 = arith.constant 240 : i32
      %add3A_70 = arith.addi %mul3A_2, %add3A_69 : i32
      "tpu.region"() ({
        %run_scoped3A_79 = tpu.sem_alloc : memref<!tpu.dma_semaphore, #tpu.memory_space<semaphore_mem>>
        %dma_start3A_80 = arith.constant 0 : i32
        %dma_start3A_81 = arith.constant 0 : i32
        %dma_start3A_82 = tpu.memref_slice %arg9[%dma_start3A_80, %dma_start3A_81] : memref<80x128xf32, #tpu.memory_space<vmem>> -> memref<80x128xf32, #tpu.memory_space<vmem>>
        %dma_start3A_83 = arith.constant 0 : i32
        %dma_start3A_84 = tpu.memref_slice %arg6[%add3A_70, %dma_start3A_83] : memref<10112x128xf32, #tpu.memory_space<vmem_shared>> -> memref<80x128xf32, #tpu.memory_space<vmem_shared>>
        %dma_start3A_85 = arith.constant 0 : i32
        %dma_start3A_86 = tpu.memref_slice %arg6[%add3A_70, %dma_start3A_85] : memref<10112x128xf32, #tpu.memory_space<vmem_shared>> -> memref<80x128xf32, #tpu.memory_space<vmem_shared>>
        %dma_start3A_87 = arith.constant 0 : i32
        %dma_start3A_88 = arith.constant 0 : i32
        %dma_start3A_89 = tpu.memref_slice %arg9[%dma_start3A_87, %dma_start3A_88] : memref<80x128xf32, #tpu.memory_space<vmem>> -> memref<80x128xf32, #tpu.memory_space<vmem>>
        tpu.enqueue_dma source(%dma_start3A_89 : memref<80x128xf32, #tpu.memory_space<vmem>>) target(%dma_start3A_86 : memref<80x128xf32, #tpu.memory_space<vmem_shared>>) target_semaphore(%run_scoped3A_79 : memref<!tpu.dma_semaphore, #tpu.memory_space<semaphore_mem>>)
        %dma_wait3A = arith.constant 0 : i32
        %dma_wait3A_90 = arith.constant 0 : i32
        %dma_wait3A_91 = tpu.memref_slice %arg9[%dma_wait3A, %dma_wait3A_90] : memref<80x128xf32, #tpu.memory_space<vmem>> -> memref<80x128xf32, #tpu.memory_space<vmem>>
        %dma_wait3A_92 = arith.constant 0 : i32
        %dma_wait3A_93 = tpu.memref_slice %arg6[%add3A_70, %dma_wait3A_92] : memref<10112x128xf32, #tpu.memory_space<vmem_shared>> -> memref<80x128xf32, #tpu.memory_space<vmem_shared>>
        %dma_wait3A_94 = arith.constant 0 : i32
        %dma_wait3A_95 = tpu.memref_slice %arg6[%add3A_70, %dma_wait3A_94] : memref<10112x128xf32, #tpu.memory_space<vmem_shared>> -> memref<80x128xf32, #tpu.memory_space<vmem_shared>>
        %dma_wait3A_96 = arith.constant 0 : i32
        %dma_wait3A_97 = arith.constant 0 : i32
        %dma_wait3A_98 = tpu.memref_slice %arg9[%dma_wait3A_96, %dma_wait3A_97] : memref<80x128xf32, #tpu.memory_space<vmem>> -> memref<80x128xf32, #tpu.memory_space<vmem>>
        tpu.wait_dma2 semaphore(%run_scoped3A_79 : memref<!tpu.dma_semaphore, #tpu.memory_space<semaphore_mem>>) src(%dma_wait3A_98 : memref<80x128xf32, #tpu.memory_space<vmem>>) dst(%dma_wait3A_95 : memref<80x128xf32, #tpu.memory_space<vmem_shared>>)
        tpu.yield
      }) : () -> ()
      %add3A_71 = arith.constant 320 : i32
      %add3A_72 = arith.addi %mul3A_2, %add3A_71 : i32
      "tpu.region"() ({
        %run_scoped3A_79 = tpu.sem_alloc : memref<!tpu.dma_semaphore, #tpu.memory_space<semaphore_mem>>
        %dma_start3A_80 = arith.constant 0 : i32
        %dma_start3A_81 = arith.constant 0 : i32
        %dma_start3A_82 = tpu.memref_slice %arg9[%dma_start3A_80, %dma_start3A_81] : memref<80x128xf32, #tpu.memory_space<vmem>> -> memref<80x128xf32, #tpu.memory_space<vmem>>
        %dma_start3A_83 = arith.constant 0 : i32
        %dma_start3A_84 = tpu.memref_slice %arg6[%add3A_72, %dma_start3A_83] : memref<10112x128xf32, #tpu.memory_space<vmem_shared>> -> memref<80x128xf32, #tpu.memory_space<vmem_shared>>
        %dma_start3A_85 = arith.constant 0 : i32
        %dma_start3A_86 = tpu.memref_slice %arg6[%add3A_72, %dma_start3A_85] : memref<10112x128xf32, #tpu.memory_space<vmem_shared>> -> memref<80x128xf32, #tpu.memory_space<vmem_shared>>
        %dma_start3A_87 = arith.constant 0 : i32
        %dma_start3A_88 = arith.constant 0 : i32
        %dma_start3A_89 = tpu.memref_slice %arg9[%dma_start3A_87, %dma_start3A_88] : memref<80x128xf32, #tpu.memory_space<vmem>> -> memref<80x128xf32, #tpu.memory_space<vmem>>
        tpu.enqueue_dma source(%dma_start3A_89 : memref<80x128xf32, #tpu.memory_space<vmem>>) target(%dma_start3A_86 : memref<80x128xf32, #tpu.memory_space<vmem_shared>>) target_semaphore(%run_scoped3A_79 : memref<!tpu.dma_semaphore, #tpu.memory_space<semaphore_mem>>)
        %dma_wait3A = arith.constant 0 : i32
        %dma_wait3A_90 = arith.constant 0 : i32
        %dma_wait3A_91 = tpu.memref_slice %arg9[%dma_wait3A, %dma_wait3A_90] : memref<80x128xf32, #tpu.memory_space<vmem>> -> memref<80x128xf32, #tpu.memory_space<vmem>>
        %dma_wait3A_92 = arith.constant 0 : i32
        %dma_wait3A_93 = tpu.memref_slice %arg6[%add3A_72, %dma_wait3A_92] : memref<10112x128xf32, #tpu.memory_space<vmem_shared>> -> memref<80x128xf32, #tpu.memory_space<vmem_shared>>
        %dma_wait3A_94 = arith.constant 0 : i32
        %dma_wait3A_95 = tpu.memref_slice %arg6[%add3A_72, %dma_wait3A_94] : memref<10112x128xf32, #tpu.memory_space<vmem_shared>> -> memref<80x128xf32, #tpu.memory_space<vmem_shared>>
        %dma_wait3A_96 = arith.constant 0 : i32
        %dma_wait3A_97 = arith.constant 0 : i32
        %dma_wait3A_98 = tpu.memref_slice %arg9[%dma_wait3A_96, %dma_wait3A_97] : memref<80x128xf32, #tpu.memory_space<vmem>> -> memref<80x128xf32, #tpu.memory_space<vmem>>
        tpu.wait_dma2 semaphore(%run_scoped3A_79 : memref<!tpu.dma_semaphore, #tpu.memory_space<semaphore_mem>>) src(%dma_wait3A_98 : memref<80x128xf32, #tpu.memory_space<vmem>>) dst(%dma_wait3A_95 : memref<80x128xf32, #tpu.memory_space<vmem_shared>>)
        tpu.yield
      }) : () -> ()
      %add3A_73 = arith.constant 400 : i32
      %add3A_74 = arith.addi %mul3A_2, %add3A_73 : i32
      "tpu.region"() ({
        %run_scoped3A_79 = tpu.sem_alloc : memref<!tpu.dma_semaphore, #tpu.memory_space<semaphore_mem>>
        %dma_start3A_80 = arith.constant 0 : i32
        %dma_start3A_81 = arith.constant 0 : i32
        %dma_start3A_82 = tpu.memref_slice %arg9[%dma_start3A_80, %dma_start3A_81] : memref<80x128xf32, #tpu.memory_space<vmem>> -> memref<80x128xf32, #tpu.memory_space<vmem>>
        %dma_start3A_83 = arith.constant 0 : i32
        %dma_start3A_84 = tpu.memref_slice %arg6[%add3A_74, %dma_start3A_83] : memref<10112x128xf32, #tpu.memory_space<vmem_shared>> -> memref<80x128xf32, #tpu.memory_space<vmem_shared>>
        %dma_start3A_85 = arith.constant 0 : i32
        %dma_start3A_86 = tpu.memref_slice %arg6[%add3A_74, %dma_start3A_85] : memref<10112x128xf32, #tpu.memory_space<vmem_shared>> -> memref<80x128xf32, #tpu.memory_space<vmem_shared>>
        %dma_start3A_87 = arith.constant 0 : i32
        %dma_start3A_88 = arith.constant 0 : i32
        %dma_start3A_89 = tpu.memref_slice %arg9[%dma_start3A_87, %dma_start3A_88] : memref<80x128xf32, #tpu.memory_space<vmem>> -> memref<80x128xf32, #tpu.memory_space<vmem>>
        tpu.enqueue_dma source(%dma_start3A_89 : memref<80x128xf32, #tpu.memory_space<vmem>>) target(%dma_start3A_86 : memref<80x128xf32, #tpu.memory_space<vmem_shared>>) target_semaphore(%run_scoped3A_79 : memref<!tpu.dma_semaphore, #tpu.memory_space<semaphore_mem>>)
        %dma_wait3A = arith.constant 0 : i32
        %dma_wait3A_90 = arith.constant 0 : i32
        %dma_wait3A_91 = tpu.memref_slice %arg9[%dma_wait3A, %dma_wait3A_90] : memref<80x128xf32, #tpu.memory_space<vmem>> -> memref<80x128xf32, #tpu.memory_space<vmem>>
        %dma_wait3A_92 = arith.constant 0 : i32
        %dma_wait3A_93 = tpu.memref_slice %arg6[%add3A_74, %dma_wait3A_92] : memref<10112x128xf32, #tpu.memory_space<vmem_shared>> -> memref<80x128xf32, #tpu.memory_space<vmem_shared>>
        %dma_wait3A_94 = arith.constant 0 : i32
        %dma_wait3A_95 = tpu.memref_slice %arg6[%add3A_74, %dma_wait3A_94] : memref<10112x128xf32, #tpu.memory_space<vmem_shared>> -> memref<80x128xf32, #tpu.memory_space<vmem_shared>>
        %dma_wait3A_96 = arith.constant 0 : i32
        %dma_wait3A_97 = arith.constant 0 : i32
        %dma_wait3A_98 = tpu.memref_slice %arg9[%dma_wait3A_96, %dma_wait3A_97] : memref<80x128xf32, #tpu.memory_space<vmem>> -> memref<80x128xf32, #tpu.memory_space<vmem>>
        tpu.wait_dma2 semaphore(%run_scoped3A_79 : memref<!tpu.dma_semaphore, #tpu.memory_space<semaphore_mem>>) src(%dma_wait3A_98 : memref<80x128xf32, #tpu.memory_space<vmem>>) dst(%dma_wait3A_95 : memref<80x128xf32, #tpu.memory_space<vmem_shared>>)
        tpu.yield
      }) : () -> ()
      %add3A_75 = arith.constant 480 : i32
      %add3A_76 = arith.addi %mul3A_2, %add3A_75 : i32
      "tpu.region"() ({
        %run_scoped3A_79 = tpu.sem_alloc : memref<!tpu.dma_semaphore, #tpu.memory_space<semaphore_mem>>
        %dma_start3A_80 = arith.constant 0 : i32
        %dma_start3A_81 = arith.constant 0 : i32
        %dma_start3A_82 = tpu.memref_slice %arg9[%dma_start3A_80, %dma_start3A_81] : memref<80x128xf32, #tpu.memory_space<vmem>> -> memref<80x128xf32, #tpu.memory_space<vmem>>
        %dma_start3A_83 = arith.constant 0 : i32
        %dma_start3A_84 = tpu.memref_slice %arg6[%add3A_76, %dma_start3A_83] : memref<10112x128xf32, #tpu.memory_space<vmem_shared>> -> memref<80x128xf32, #tpu.memory_space<vmem_shared>>
        %dma_start3A_85 = arith.constant 0 : i32
        %dma_start3A_86 = tpu.memref_slice %arg6[%add3A_76, %dma_start3A_85] : memref<10112x128xf32, #tpu.memory_space<vmem_shared>> -> memref<80x128xf32, #tpu.memory_space<vmem_shared>>
        %dma_start3A_87 = arith.constant 0 : i32
        %dma_start3A_88 = arith.constant 0 : i32
        %dma_start3A_89 = tpu.memref_slice %arg9[%dma_start3A_87, %dma_start3A_88] : memref<80x128xf32, #tpu.memory_space<vmem>> -> memref<80x128xf32, #tpu.memory_space<vmem>>
        tpu.enqueue_dma source(%dma_start3A_89 : memref<80x128xf32, #tpu.memory_space<vmem>>) target(%dma_start3A_86 : memref<80x128xf32, #tpu.memory_space<vmem_shared>>) target_semaphore(%run_scoped3A_79 : memref<!tpu.dma_semaphore, #tpu.memory_space<semaphore_mem>>)
        %dma_wait3A = arith.constant 0 : i32
        %dma_wait3A_90 = arith.constant 0 : i32
        %dma_wait3A_91 = tpu.memref_slice %arg9[%dma_wait3A, %dma_wait3A_90] : memref<80x128xf32, #tpu.memory_space<vmem>> -> memref<80x128xf32, #tpu.memory_space<vmem>>
        %dma_wait3A_92 = arith.constant 0 : i32
        %dma_wait3A_93 = tpu.memref_slice %arg6[%add3A_76, %dma_wait3A_92] : memref<10112x128xf32, #tpu.memory_space<vmem_shared>> -> memref<80x128xf32, #tpu.memory_space<vmem_shared>>
        %dma_wait3A_94 = arith.constant 0 : i32
        %dma_wait3A_95 = tpu.memref_slice %arg6[%add3A_76, %dma_wait3A_94] : memref<10112x128xf32, #tpu.memory_space<vmem_shared>> -> memref<80x128xf32, #tpu.memory_space<vmem_shared>>
        %dma_wait3A_96 = arith.constant 0 : i32
        %dma_wait3A_97 = arith.constant 0 : i32
        %dma_wait3A_98 = tpu.memref_slice %arg9[%dma_wait3A_96, %dma_wait3A_97] : memref<80x128xf32, #tpu.memory_space<vmem>> -> memref<80x128xf32, #tpu.memory_space<vmem>>
        tpu.wait_dma2 semaphore(%run_scoped3A_79 : memref<!tpu.dma_semaphore, #tpu.memory_space<semaphore_mem>>) src(%dma_wait3A_98 : memref<80x128xf32, #tpu.memory_space<vmem>>) dst(%dma_wait3A_95 : memref<80x128xf32, #tpu.memory_space<vmem_shared>>)
        tpu.yield
      }) : () -> ()
      %add3A_77 = arith.constant 560 : i32
      %add3A_78 = arith.addi %mul3A_2, %add3A_77 : i32
      "tpu.region"() ({
        %run_scoped3A_79 = tpu.sem_alloc : memref<!tpu.dma_semaphore, #tpu.memory_space<semaphore_mem>>
        %dma_start3A_80 = arith.constant 0 : i32
        %dma_start3A_81 = arith.constant 0 : i32
        %dma_start3A_82 = tpu.memref_slice %arg9[%dma_start3A_80, %dma_start3A_81] : memref<80x128xf32, #tpu.memory_space<vmem>> -> memref<72x128xf32, #tpu.memory_space<vmem>>
        %dma_start3A_83 = arith.constant 0 : i32
        %dma_start3A_84 = tpu.memref_slice %arg6[%add3A_78, %dma_start3A_83] : memref<10112x128xf32, #tpu.memory_space<vmem_shared>> -> memref<72x128xf32, #tpu.memory_space<vmem_shared>>
        %dma_start3A_85 = arith.constant 0 : i32
        %dma_start3A_86 = tpu.memref_slice %arg6[%add3A_78, %dma_start3A_85] : memref<10112x128xf32, #tpu.memory_space<vmem_shared>> -> memref<72x128xf32, #tpu.memory_space<vmem_shared>>
        %dma_start3A_87 = arith.constant 0 : i32
        %dma_start3A_88 = arith.constant 0 : i32
        %dma_start3A_89 = tpu.memref_slice %arg9[%dma_start3A_87, %dma_start3A_88] : memref<80x128xf32, #tpu.memory_space<vmem>> -> memref<72x128xf32, #tpu.memory_space<vmem>>
        tpu.enqueue_dma source(%dma_start3A_89 : memref<72x128xf32, #tpu.memory_space<vmem>>) target(%dma_start3A_86 : memref<72x128xf32, #tpu.memory_space<vmem_shared>>) target_semaphore(%run_scoped3A_79 : memref<!tpu.dma_semaphore, #tpu.memory_space<semaphore_mem>>)
        %dma_wait3A = arith.constant 0 : i32
        %dma_wait3A_90 = arith.constant 0 : i32
        %dma_wait3A_91 = tpu.memref_slice %arg9[%dma_wait3A, %dma_wait3A_90] : memref<80x128xf32, #tpu.memory_space<vmem>> -> memref<72x128xf32, #tpu.memory_space<vmem>>
        %dma_wait3A_92 = arith.constant 0 : i32
        %dma_wait3A_93 = tpu.memref_slice %arg6[%add3A_78, %dma_wait3A_92] : memref<10112x128xf32, #tpu.memory_space<vmem_shared>> -> memref<72x128xf32, #tpu.memory_space<vmem_shared>>
        %dma_wait3A_94 = arith.constant 0 : i32
        %dma_wait3A_95 = tpu.memref_slice %arg6[%add3A_78, %dma_wait3A_94] : memref<10112x128xf32, #tpu.memory_space<vmem_shared>> -> memref<72x128xf32, #tpu.memory_space<vmem_shared>>
        %dma_wait3A_96 = arith.constant 0 : i32
        %dma_wait3A_97 = arith.constant 0 : i32
        %dma_wait3A_98 = tpu.memref_slice %arg9[%dma_wait3A_96, %dma_wait3A_97] : memref<80x128xf32, #tpu.memory_space<vmem>> -> memref<72x128xf32, #tpu.memory_space<vmem>>
        tpu.wait_dma2 semaphore(%run_scoped3A_79 : memref<!tpu.dma_semaphore, #tpu.memory_space<semaphore_mem>>) src(%dma_wait3A_98 : memref<72x128xf32, #tpu.memory_space<vmem>>) dst(%dma_wait3A_95 : memref<72x128xf32, #tpu.memory_space<vmem_shared>>)
        tpu.yield
      }) : () -> ()
    } else {
    }
    %barrier3A = arith.constant 0 : index
    tpu.barrier barrier_id(%barrier3A)
    %run_scoped3A = arith.constant 0 : i32
    %run_scoped3A_9 = arith.constant 0 : i32
    "tpu.region"() ({
      %run_scoped3A_56 = tpu.sem_alloc : memref<!tpu.dma_semaphore, #tpu.memory_space<semaphore_mem>>
      %dma_start3A_57 = arith.constant 0 : i32
      %dma_start3A_58 = arith.constant 0 : i32
      %dma_start3A_59 = tpu.memref_slice %arg3[%run_scoped3A, %add3A, %run_scoped3A_9, %dma_start3A_57, %dma_start3A_58] : memref<2x32x5x25x80xi32, #tpu.memory_space<hbm>> -> memref<1x1x1x25x80xi32, #tpu.memory_space<hbm>>
      %dma_start3A_60 = tpu.memref_squeeze %dma_start3A_59 : memref<1x1x1x25x80xi32, #tpu.memory_space<hbm>> -> memref<25x80xi32, #tpu.memory_space<hbm>>
      %dma_start3A_61 = arith.constant 0 : i32
      %dma_start3A_62 = arith.constant 0 : i32
      %dma_start3A_63 = tpu.memref_slice %arg3[%run_scoped3A, %add3A, %run_scoped3A_9, %dma_start3A_61, %dma_start3A_62] : memref<2x32x5x25x80xi32, #tpu.memory_space<hbm>> -> memref<1x1x1x25x80xi32, #tpu.memory_space<hbm>>
      %dma_start3A_64 = tpu.memref_squeeze %dma_start3A_63 : memref<1x1x1x25x80xi32, #tpu.memory_space<hbm>> -> memref<25x80xi32, #tpu.memory_space<hbm>>
      tpu.enqueue_dma source(%dma_start3A_64 : memref<25x80xi32, #tpu.memory_space<hbm>>) target(%arg7 : memref<25x80xi32, #tpu.memory_space<vmem>>) target_semaphore(%run_scoped3A_56 : memref<!tpu.dma_semaphore, #tpu.memory_space<semaphore_mem>>)
      %dma_wait3A = arith.constant 0 : i32
      %dma_wait3A_65 = arith.constant 0 : i32
      %dma_wait3A_66 = tpu.memref_slice %arg3[%run_scoped3A, %add3A, %run_scoped3A_9, %dma_wait3A, %dma_wait3A_65] : memref<2x32x5x25x80xi32, #tpu.memory_space<hbm>> -> memref<1x1x1x25x80xi32, #tpu.memory_space<hbm>>
      %dma_wait3A_67 = tpu.memref_squeeze %dma_wait3A_66 : memref<1x1x1x25x80xi32, #tpu.memory_space<hbm>> -> memref<25x80xi32, #tpu.memory_space<hbm>>
      %dma_wait3A_68 = arith.constant 0 : i32
      %dma_wait3A_69 = arith.constant 0 : i32
      %dma_wait3A_70 = tpu.memref_slice %arg3[%run_scoped3A, %add3A, %run_scoped3A_9, %dma_wait3A_68, %dma_wait3A_69] : memref<2x32x5x25x80xi32, #tpu.memory_space<hbm>> -> memref<1x1x1x25x80xi32, #tpu.memory_space<hbm>>
      %dma_wait3A_71 = tpu.memref_squeeze %dma_wait3A_70 : memref<1x1x1x25x80xi32, #tpu.memory_space<hbm>> -> memref<25x80xi32, #tpu.memory_space<hbm>>
      tpu.wait_dma2 semaphore(%run_scoped3A_56 : memref<!tpu.dma_semaphore, #tpu.memory_space<semaphore_mem>>) src(%dma_wait3A_71 : memref<25x80xi32, #tpu.memory_space<hbm>>) dst(%arg7 : memref<25x80xi32, #tpu.memory_space<vmem>>)
      tpu.yield
    }) : () -> ()
    %dma_start3A = arith.constant 0 : i32
    %dma_start3A_10 = arith.constant 0 : i32
    %dma_start3A_11 = tpu.memref_slice %arg7[%dma_start3A, %dma_start3A_10] : memref<25x80xi32, #tpu.memory_space<vmem>> -> memref<1x80xi32, #tpu.memory_space<vmem>>
    %dma_start3A_12 = tpu.memref_squeeze %dma_start3A_11 : memref<1x80xi32, #tpu.memory_space<vmem>> -> memref<80xi32, #tpu.memory_space<vmem>>
    %dma_start3A_13 = arith.constant 0 : i32
    %dma_start3A_14 = arith.constant 0 : i32
    %dma_start3A_15 = tpu.memref_slice %arg2[%dma_start3A_13, %dma_start3A_14] : memref<10112x128xf32, #tpu.memory_space<hbm>> -> memref<10112x128xf32, #tpu.memory_space<hbm>>
    tpu.enqueue_indirect_dma source(%dma_start3A_15 : memref<10112x128xf32, #tpu.memory_space<hbm>>) target(%arg9 : memref<80x128xf32, #tpu.memory_space<vmem>>) offsets(%dma_start3A_12 : memref<80xi32, #tpu.memory_space<vmem>>) semaphore(%arg13 : memref<!tpu.dma_semaphore, #tpu.memory_space<semaphore_mem>>)
    %dma_start3A_16 = arith.constant 1 : i32
    %dma_start3A_17 = arith.constant 0 : i32
    %dma_start3A_18 = tpu.memref_slice %arg7[%dma_start3A_16, %dma_start3A_17] : memref<25x80xi32, #tpu.memory_space<vmem>> -> memref<1x80xi32, #tpu.memory_space<vmem>>
    %dma_start3A_19 = tpu.memref_squeeze %dma_start3A_18 : memref<1x80xi32, #tpu.memory_space<vmem>> -> memref<80xi32, #tpu.memory_space<vmem>>
    %dma_start3A_20 = arith.constant 0 : i32
    %dma_start3A_21 = arith.constant 0 : i32
    %dma_start3A_22 = tpu.memref_slice %arg2[%dma_start3A_20, %dma_start3A_21] : memref<10112x128xf32, #tpu.memory_space<hbm>> -> memref<10112x128xf32, #tpu.memory_space<hbm>>
    tpu.enqueue_indirect_dma source(%dma_start3A_22 : memref<10112x128xf32, #tpu.memory_space<hbm>>) target(%arg10 : memref<80x128xf32, #tpu.memory_space<vmem>>) offsets(%dma_start3A_19 : memref<80xi32, #tpu.memory_space<vmem>>) semaphore(%arg14 : memref<!tpu.dma_semaphore, #tpu.memory_space<semaphore_mem>>)
    %dma_start3A_23 = arith.constant 2 : i32
    %dma_start3A_24 = arith.constant 0 : i32
    %dma_start3A_25 = tpu.memref_slice %arg7[%dma_start3A_23, %dma_start3A_24] : memref<25x80xi32, #tpu.memory_space<vmem>> -> memref<1x80xi32, #tpu.memory_space<vmem>>
    %dma_start3A_26 = tpu.memref_squeeze %dma_start3A_25 : memref<1x80xi32, #tpu.memory_space<vmem>> -> memref<80xi32, #tpu.memory_space<vmem>>
    %dma_start3A_27 = arith.constant 0 : i32
    %dma_start3A_28 = arith.constant 0 : i32
    %dma_start3A_29 = tpu.memref_slice %arg2[%dma_start3A_27, %dma_start3A_28] : memref<10112x128xf32, #tpu.memory_space<hbm>> -> memref<10112x128xf32, #tpu.memory_space<hbm>>
    tpu.enqueue_indirect_dma source(%dma_start3A_29 : memref<10112x128xf32, #tpu.memory_space<hbm>>) target(%arg11 : memref<80x128xf32, #tpu.memory_space<vmem>>) offsets(%dma_start3A_26 : memref<80xi32, #tpu.memory_space<vmem>>) semaphore(%arg15 : memref<!tpu.dma_semaphore, #tpu.memory_space<semaphore_mem>>)
    %dma_start3A_30 = arith.constant 3 : i32
    %dma_start3A_31 = arith.constant 0 : i32
    %dma_start3A_32 = tpu.memref_slice %arg7[%dma_start3A_30, %dma_start3A_31] : memref<25x80xi32, #tpu.memory_space<vmem>> -> memref<1x80xi32, #tpu.memory_space<vmem>>
    %dma_start3A_33 = tpu.memref_squeeze %dma_start3A_32 : memref<1x80xi32, #tpu.memory_space<vmem>> -> memref<80xi32, #tpu.memory_space<vmem>>
    %dma_start3A_34 = arith.constant 0 : i32
    %dma_start3A_35 = arith.constant 0 : i32
    %dma_start3A_36 = tpu.memref_slice %arg2[%dma_start3A_34, %dma_start3A_35] : memref<10112x128xf32, #tpu.memory_space<hbm>> -> memref<10112x128xf32, #tpu.memory_space<hbm>>
    tpu.enqueue_indirect_dma source(%dma_start3A_36 : memref<10112x128xf32, #tpu.memory_space<hbm>>) target(%arg12 : memref<80x128xf32, #tpu.memory_space<vmem>>) offsets(%dma_start3A_33 : memref<80xi32, #tpu.memory_space<vmem>>) semaphore(%arg16 : memref<!tpu.dma_semaphore, #tpu.memory_space<semaphore_mem>>)
    %run_scoped3A_37 = arith.constant 1 : i32
    %run_scoped3A_38 = arith.constant 0 : i32
    "tpu.region"() ({
      %run_scoped3A_56 = tpu.sem_alloc : memref<!tpu.dma_semaphore, #tpu.memory_space<semaphore_mem>>
      %dma_start3A_57 = arith.constant 0 : i32
      %dma_start3A_58 = arith.constant 0 : i32
      %dma_start3A_59 = tpu.memref_slice %arg3[%run_scoped3A_37, %add3A, %run_scoped3A_38, %dma_start3A_57, %dma_start3A_58] : memref<2x32x5x25x80xi32, #tpu.memory_space<hbm>> -> memref<1x1x1x25x80xi32, #tpu.memory_space<hbm>>
      %dma_start3A_60 = tpu.memref_squeeze %dma_start3A_59 : memref<1x1x1x25x80xi32, #tpu.memory_space<hbm>> -> memref<25x80xi32, #tpu.memory_space<hbm>>
      %dma_start3A_61 = arith.constant 0 : i32
      %dma_start3A_62 = arith.constant 0 : i32
      %dma_start3A_63 = tpu.memref_slice %arg3[%run_scoped3A_37, %add3A, %run_scoped3A_38, %dma_start3A_61, %dma_start3A_62] : memref<2x32x5x25x80xi32, #tpu.memory_space<hbm>> -> memref<1x1x1x25x80xi32, #tpu.memory_space<hbm>>
      %dma_start3A_64 = tpu.memref_squeeze %dma_start3A_63 : memref<1x1x1x25x80xi32, #tpu.memory_space<hbm>> -> memref<25x80xi32, #tpu.memory_space<hbm>>
      tpu.enqueue_dma source(%dma_start3A_64 : memref<25x80xi32, #tpu.memory_space<hbm>>) target(%arg8 : memref<25x80xi32, #tpu.memory_space<vmem>>) target_semaphore(%run_scoped3A_56 : memref<!tpu.dma_semaphore, #tpu.memory_space<semaphore_mem>>)
      %dma_wait3A = arith.constant 0 : i32
      %dma_wait3A_65 = arith.constant 0 : i32
      %dma_wait3A_66 = tpu.memref_slice %arg3[%run_scoped3A_37, %add3A, %run_scoped3A_38, %dma_wait3A, %dma_wait3A_65] : memref<2x32x5x25x80xi32, #tpu.memory_space<hbm>> -> memref<1x1x1x25x80xi32, #tpu.memory_space<hbm>>
      %dma_wait3A_67 = tpu.memref_squeeze %dma_wait3A_66 : memref<1x1x1x25x80xi32, #tpu.memory_space<hbm>> -> memref<25x80xi32, #tpu.memory_space<hbm>>
      %dma_wait3A_68 = arith.constant 0 : i32
      %dma_wait3A_69 = arith.constant 0 : i32
      %dma_wait3A_70 = tpu.memref_slice %arg3[%run_scoped3A_37, %add3A, %run_scoped3A_38, %dma_wait3A_68, %dma_wait3A_69] : memref<2x32x5x25x80xi32, #tpu.memory_space<hbm>> -> memref<1x1x1x25x80xi32, #tpu.memory_space<hbm>>
      %dma_wait3A_71 = tpu.memref_squeeze %dma_wait3A_70 : memref<1x1x1x25x80xi32, #tpu.memory_space<hbm>> -> memref<25x80xi32, #tpu.memory_space<hbm>>
      tpu.wait_dma2 semaphore(%run_scoped3A_56 : memref<!tpu.dma_semaphore, #tpu.memory_space<semaphore_mem>>) src(%dma_wait3A_71 : memref<25x80xi32, #tpu.memory_space<hbm>>) dst(%arg8 : memref<25x80xi32, #tpu.memory_space<vmem>>)
      tpu.yield
    }) : () -> ()
    %scan3A = arith.constant 0 : i32
    %scan3A_39 = arith.constant 0 : i32
    %scan3A_40 = arith.constant 5 : i32
    %scan3A_41 = arith.addi %scan3A_39, %scan3A_40 : i32
    %scan3A_42 = arith.constant 1 : i32
    %scan3A_43 = scf.for %scan3A_56 = %scan3A_39 to %scan3A_41 step %scan3A_42 iter_args(%scan3A_57 = %scan3A) -> (i32)  : i32 {
      %scan3A_58 = arith.constant 0 : i32
      %scan3A_59 = arith.constant 0 : i32
      %scan3A_60 = arith.constant 6 : i32
      %scan3A_61 = arith.addi %scan3A_59, %scan3A_60 : i32
      %scan3A_62 = arith.constant 1 : i32
      %scan3A_63 = scf.for %scan3A_120 = %scan3A_59 to %scan3A_61 step %scan3A_62 iter_args(%scan3A_121 = %scan3A_58) -> (i32)  : i32 {
        %mul3A_122 = arith.constant 4 : i32
        %mul3A_123 = arith.muli %scan3A_120, %mul3A_122 : i32
        %add3A_124 = arith.constant 0 : i32
        %add3A_125 = arith.addi %mul3A_123, %add3A_124 : i32
        %dma_wait3A_126 = arith.constant 0 : i32
        %dma_wait3A_127 = arith.constant 0 : i32
        %dma_wait3A_128 = tpu.memref_slice %arg7[%dma_wait3A_126, %dma_wait3A_127] : memref<25x80xi32, #tpu.memory_space<vmem>> -> memref<1x80xi32, #tpu.memory_space<vmem>>
        %dma_wait3A_129 = tpu.memref_squeeze %dma_wait3A_128 : memref<1x80xi32, #tpu.memory_space<vmem>> -> memref<80xi32, #tpu.memory_space<vmem>>
        %dma_wait3A_130 = arith.constant 0 : i32
        %dma_wait3A_131 = arith.constant 0 : i32
        %dma_wait3A_132 = tpu.memref_slice %arg2[%dma_wait3A_130, %dma_wait3A_131] : memref<10112x128xf32, #tpu.memory_space<hbm>> -> memref<10112x128xf32, #tpu.memory_space<hbm>>
        tpu.wait_indirect_dma semaphore(%arg13 : memref<!tpu.dma_semaphore, #tpu.memory_space<semaphore_mem>>) src(%dma_wait3A_132 : memref<10112x128xf32, #tpu.memory_space<hbm>>) dst(%arg9 : memref<80x128xf32, #tpu.memory_space<vmem>>)
        %dma_start3A_133 = arith.constant 0 : i32
        %dma_start3A_134 = tpu.memref_slice %arg8[%add3A_125, %dma_start3A_133] : memref<25x80xi32, #tpu.memory_space<vmem>> -> memref<1x80xi32, #tpu.memory_space<vmem>>
        %dma_start3A_135 = tpu.memref_squeeze %dma_start3A_134 : memref<1x80xi32, #tpu.memory_space<vmem>> -> memref<80xi32, #tpu.memory_space<vmem>>
        %dma_start3A_136 = arith.constant 0 : i32
        %dma_start3A_137 = arith.constant 0 : i32
        %dma_start3A_138 = tpu.memref_slice %arg6[%dma_start3A_136, %dma_start3A_137] : memref<10112x128xf32, #tpu.memory_space<vmem_shared>> -> memref<10112x128xf32, #tpu.memory_space<vmem_shared>>
        tpu.enqueue_indirect_dma source(%arg9 : memref<80x128xf32, #tpu.memory_space<vmem>>) target(%dma_start3A_138 : memref<10112x128xf32, #tpu.memory_space<vmem_shared>>) offsets(%dma_start3A_135 : memref<80xi32, #tpu.memory_space<vmem>>) semaphore(%arg17 : memref<!tpu.dma_semaphore, #tpu.memory_space<semaphore_mem>>) {add = true}
        %mul3A_139 = arith.constant 4 : i32
        %mul3A_140 = arith.muli %scan3A_120, %mul3A_139 : i32
        %add3A_141 = arith.constant 1 : i32
        %add3A_142 = arith.addi %mul3A_140, %add3A_141 : i32
        %dma_wait3A_143 = arith.constant 0 : i32
        %dma_wait3A_144 = arith.constant 0 : i32
        %dma_wait3A_145 = tpu.memref_slice %arg7[%dma_wait3A_143, %dma_wait3A_144] : memref<25x80xi32, #tpu.memory_space<vmem>> -> memref<1x80xi32, #tpu.memory_space<vmem>>
        %dma_wait3A_146 = tpu.memref_squeeze %dma_wait3A_145 : memref<1x80xi32, #tpu.memory_space<vmem>> -> memref<80xi32, #tpu.memory_space<vmem>>
        %dma_wait3A_147 = arith.constant 0 : i32
        %dma_wait3A_148 = arith.constant 0 : i32
        %dma_wait3A_149 = tpu.memref_slice %arg2[%dma_wait3A_147, %dma_wait3A_148] : memref<10112x128xf32, #tpu.memory_space<hbm>> -> memref<10112x128xf32, #tpu.memory_space<hbm>>
        tpu.wait_indirect_dma semaphore(%arg14 : memref<!tpu.dma_semaphore, #tpu.memory_space<semaphore_mem>>) src(%dma_wait3A_149 : memref<10112x128xf32, #tpu.memory_space<hbm>>) dst(%arg10 : memref<80x128xf32, #tpu.memory_space<vmem>>)
        %dma_start3A_150 = arith.constant 0 : i32
        %dma_start3A_151 = tpu.memref_slice %arg8[%add3A_142, %dma_start3A_150] : memref<25x80xi32, #tpu.memory_space<vmem>> -> memref<1x80xi32, #tpu.memory_space<vmem>>
        %dma_start3A_152 = tpu.memref_squeeze %dma_start3A_151 : memref<1x80xi32, #tpu.memory_space<vmem>> -> memref<80xi32, #tpu.memory_space<vmem>>
        %dma_start3A_153 = arith.constant 0 : i32
        %dma_start3A_154 = arith.constant 0 : i32
        %dma_start3A_155 = tpu.memref_slice %arg6[%dma_start3A_153, %dma_start3A_154] : memref<10112x128xf32, #tpu.memory_space<vmem_shared>> -> memref<10112x128xf32, #tpu.memory_space<vmem_shared>>
        tpu.enqueue_indirect_dma source(%arg10 : memref<80x128xf32, #tpu.memory_space<vmem>>) target(%dma_start3A_155 : memref<10112x128xf32, #tpu.memory_space<vmem_shared>>) offsets(%dma_start3A_152 : memref<80xi32, #tpu.memory_space<vmem>>) semaphore(%arg18 : memref<!tpu.dma_semaphore, #tpu.memory_space<semaphore_mem>>) {add = true}
        %mul3A_156 = arith.constant 4 : i32
        %mul3A_157 = arith.muli %scan3A_120, %mul3A_156 : i32
        %add3A_158 = arith.constant 2 : i32
        %add3A_159 = arith.addi %mul3A_157, %add3A_158 : i32
        %dma_wait3A_160 = arith.constant 0 : i32
        %dma_wait3A_161 = arith.constant 0 : i32
        %dma_wait3A_162 = tpu.memref_slice %arg7[%dma_wait3A_160, %dma_wait3A_161] : memref<25x80xi32, #tpu.memory_space<vmem>> -> memref<1x80xi32, #tpu.memory_space<vmem>>
        %dma_wait3A_163 = tpu.memref_squeeze %dma_wait3A_162 : memref<1x80xi32, #tpu.memory_space<vmem>> -> memref<80xi32, #tpu.memory_space<vmem>>
        %dma_wait3A_164 = arith.constant 0 : i32
        %dma_wait3A_165 = arith.constant 0 : i32
        %dma_wait3A_166 = tpu.memref_slice %arg2[%dma_wait3A_164, %dma_wait3A_165] : memref<10112x128xf32, #tpu.memory_space<hbm>> -> memref<10112x128xf32, #tpu.memory_space<hbm>>
        tpu.wait_indirect_dma semaphore(%arg15 : memref<!tpu.dma_semaphore, #tpu.memory_space<semaphore_mem>>) src(%dma_wait3A_166 : memref<10112x128xf32, #tpu.memory_space<hbm>>) dst(%arg11 : memref<80x128xf32, #tpu.memory_space<vmem>>)
        %dma_start3A_167 = arith.constant 0 : i32
        %dma_start3A_168 = tpu.memref_slice %arg8[%add3A_159, %dma_start3A_167] : memref<25x80xi32, #tpu.memory_space<vmem>> -> memref<1x80xi32, #tpu.memory_space<vmem>>
        %dma_start3A_169 = tpu.memref_squeeze %dma_start3A_168 : memref<1x80xi32, #tpu.memory_space<vmem>> -> memref<80xi32, #tpu.memory_space<vmem>>
        %dma_start3A_170 = arith.constant 0 : i32
        %dma_start3A_171 = arith.constant 0 : i32
        %dma_start3A_172 = tpu.memref_slice %arg6[%dma_start3A_170, %dma_start3A_171] : memref<10112x128xf32, #tpu.memory_space<vmem_shared>> -> memref<10112x128xf32, #tpu.memory_space<vmem_shared>>
        tpu.enqueue_indirect_dma source(%arg11 : memref<80x128xf32, #tpu.memory_space<vmem>>) target(%dma_start3A_172 : memref<10112x128xf32, #tpu.memory_space<vmem_shared>>) offsets(%dma_start3A_169 : memref<80xi32, #tpu.memory_space<vmem>>) semaphore(%arg19 : memref<!tpu.dma_semaphore, #tpu.memory_space<semaphore_mem>>) {add = true}
        %mul3A_173 = arith.constant 4 : i32
        %mul3A_174 = arith.muli %scan3A_120, %mul3A_173 : i32
        %add3A_175 = arith.constant 3 : i32
        %add3A_176 = arith.addi %mul3A_174, %add3A_175 : i32
        %dma_wait3A_177 = arith.constant 0 : i32
        %dma_wait3A_178 = arith.constant 0 : i32
        %dma_wait3A_179 = tpu.memref_slice %arg7[%dma_wait3A_177, %dma_wait3A_178] : memref<25x80xi32, #tpu.memory_space<vmem>> -> memref<1x80xi32, #tpu.memory_space<vmem>>
        %dma_wait3A_180 = tpu.memref_squeeze %dma_wait3A_179 : memref<1x80xi32, #tpu.memory_space<vmem>> -> memref<80xi32, #tpu.memory_space<vmem>>
        %dma_wait3A_181 = arith.constant 0 : i32
        %dma_wait3A_182 = arith.constant 0 : i32
        %dma_wait3A_183 = tpu.memref_slice %arg2[%dma_wait3A_181, %dma_wait3A_182] : memref<10112x128xf32, #tpu.memory_space<hbm>> -> memref<10112x128xf32, #tpu.memory_space<hbm>>
        tpu.wait_indirect_dma semaphore(%arg16 : memref<!tpu.dma_semaphore, #tpu.memory_space<semaphore_mem>>) src(%dma_wait3A_183 : memref<10112x128xf32, #tpu.memory_space<hbm>>) dst(%arg12 : memref<80x128xf32, #tpu.memory_space<vmem>>)
        %dma_start3A_184 = arith.constant 0 : i32
        %dma_start3A_185 = tpu.memref_slice %arg8[%add3A_176, %dma_start3A_184] : memref<25x80xi32, #tpu.memory_space<vmem>> -> memref<1x80xi32, #tpu.memory_space<vmem>>
        %dma_start3A_186 = tpu.memref_squeeze %dma_start3A_185 : memref<1x80xi32, #tpu.memory_space<vmem>> -> memref<80xi32, #tpu.memory_space<vmem>>
        %dma_start3A_187 = arith.constant 0 : i32
        %dma_start3A_188 = arith.constant 0 : i32
        %dma_start3A_189 = tpu.memref_slice %arg6[%dma_start3A_187, %dma_start3A_188] : memref<10112x128xf32, #tpu.memory_space<vmem_shared>> -> memref<10112x128xf32, #tpu.memory_space<vmem_shared>>
        tpu.enqueue_indirect_dma source(%arg12 : memref<80x128xf32, #tpu.memory_space<vmem>>) target(%dma_start3A_189 : memref<10112x128xf32, #tpu.memory_space<vmem_shared>>) offsets(%dma_start3A_186 : memref<80xi32, #tpu.memory_space<vmem>>) semaphore(%arg20 : memref<!tpu.dma_semaphore, #tpu.memory_space<semaphore_mem>>) {add = true}
        %add3A_190 = arith.constant 1 : i32
        %add3A_191 = arith.addi %scan3A_120, %add3A_190 : i32
        %mul3A_192 = arith.constant 4 : i32
        %mul3A_193 = arith.muli %add3A_191, %mul3A_192 : i32
        %add3A_194 = arith.constant 0 : i32
        %add3A_195 = arith.addi %mul3A_193, %add3A_194 : i32
        %lt3A_196 = arith.constant 25 : i32
        %lt3A_197 = arith.cmpi slt, %add3A_195, %lt3A_196 : i32
        %convert_element_type3A_198 = arith.extui %lt3A_197 : i1 to i32
        %cond3A_199 = arith.constant 0 : i32
        %cond3A_200 = arith.cmpi ne, %convert_element_type3A_198, %cond3A_199 : i32
        scf.if %cond3A_200 {
          %dma_wait3A_235 = arith.constant 0 : i32
          %dma_wait3A_236 = arith.constant 0 : i32
          %dma_wait3A_237 = tpu.memref_slice %arg8[%dma_wait3A_235, %dma_wait3A_236] : memref<25x80xi32, #tpu.memory_space<vmem>> -> memref<1x80xi32, #tpu.memory_space<vmem>>
          %dma_wait3A_238 = tpu.memref_squeeze %dma_wait3A_237 : memref<1x80xi32, #tpu.memory_space<vmem>> -> memref<80xi32, #tpu.memory_space<vmem>>
          %dma_wait3A_239 = arith.constant 0 : i32
          %dma_wait3A_240 = arith.constant 0 : i32
          %dma_wait3A_241 = tpu.memref_slice %arg6[%dma_wait3A_239, %dma_wait3A_240] : memref<10112x128xf32, #tpu.memory_space<vmem_shared>> -> memref<10112x128xf32, #tpu.memory_space<vmem_shared>>
          tpu.wait_indirect_dma semaphore(%arg17 : memref<!tpu.dma_semaphore, #tpu.memory_space<semaphore_mem>>) src(%arg9 : memref<80x128xf32, #tpu.memory_space<vmem>>) dst(%dma_wait3A_241 : memref<10112x128xf32, #tpu.memory_space<vmem_shared>>)
          %dma_start3A_242 = arith.constant 0 : i32
          %dma_start3A_243 = tpu.memref_slice %arg7[%add3A_195, %dma_start3A_242] : memref<25x80xi32, #tpu.memory_space<vmem>> -> memref<1x80xi32, #tpu.memory_space<vmem>>
          %dma_start3A_244 = tpu.memref_squeeze %dma_start3A_243 : memref<1x80xi32, #tpu.memory_space<vmem>> -> memref<80xi32, #tpu.memory_space<vmem>>
          %dma_start3A_245 = arith.constant 0 : i32
          %dma_start3A_246 = arith.constant 0 : i32
          %dma_start3A_247 = tpu.memref_slice %arg2[%dma_start3A_245, %dma_start3A_246] : memref<10112x128xf32, #tpu.memory_space<hbm>> -> memref<10112x128xf32, #tpu.memory_space<hbm>>
          tpu.enqueue_indirect_dma source(%dma_start3A_247 : memref<10112x128xf32, #tpu.memory_space<hbm>>) target(%arg9 : memref<80x128xf32, #tpu.memory_space<vmem>>) offsets(%dma_start3A_244 : memref<80xi32, #tpu.memory_space<vmem>>) semaphore(%arg13 : memref<!tpu.dma_semaphore, #tpu.memory_space<semaphore_mem>>)
        } else {
        }
        %add3A_201 = arith.constant 1 : i32
        %add3A_202 = arith.addi %scan3A_120, %add3A_201 : i32
        %mul3A_203 = arith.constant 4 : i32
        %mul3A_204 = arith.muli %add3A_202, %mul3A_203 : i32
        %add3A_205 = arith.constant 1 : i32
        %add3A_206 = arith.addi %mul3A_204, %add3A_205 : i32
        %lt3A_207 = arith.constant 25 : i32
        %lt3A_208 = arith.cmpi slt, %add3A_206, %lt3A_207 : i32
        %convert_element_type3A_209 = arith.extui %lt3A_208 : i1 to i32
        %cond3A_210 = arith.constant 0 : i32
        %cond3A_211 = arith.cmpi ne, %convert_element_type3A_209, %cond3A_210 : i32
        scf.if %cond3A_211 {
          %dma_wait3A_235 = arith.constant 0 : i32
          %dma_wait3A_236 = arith.constant 0 : i32
          %dma_wait3A_237 = tpu.memref_slice %arg8[%dma_wait3A_235, %dma_wait3A_236] : memref<25x80xi32, #tpu.memory_space<vmem>> -> memref<1x80xi32, #tpu.memory_space<vmem>>
          %dma_wait3A_238 = tpu.memref_squeeze %dma_wait3A_237 : memref<1x80xi32, #tpu.memory_space<vmem>> -> memref<80xi32, #tpu.memory_space<vmem>>
          %dma_wait3A_239 = arith.constant 0 : i32
          %dma_wait3A_240 = arith.constant 0 : i32
          %dma_wait3A_241 = tpu.memref_slice %arg6[%dma_wait3A_239, %dma_wait3A_240] : memref<10112x128xf32, #tpu.memory_space<vmem_shared>> -> memref<10112x128xf32, #tpu.memory_space<vmem_shared>>
          tpu.wait_indirect_dma semaphore(%arg18 : memref<!tpu.dma_semaphore, #tpu.memory_space<semaphore_mem>>) src(%arg10 : memref<80x128xf32, #tpu.memory_space<vmem>>) dst(%dma_wait3A_241 : memref<10112x128xf32, #tpu.memory_space<vmem_shared>>)
          %dma_start3A_242 = arith.constant 0 : i32
          %dma_start3A_243 = tpu.memref_slice %arg7[%add3A_206, %dma_start3A_242] : memref<25x80xi32, #tpu.memory_space<vmem>> -> memref<1x80xi32, #tpu.memory_space<vmem>>
          %dma_start3A_244 = tpu.memref_squeeze %dma_start3A_243 : memref<1x80xi32, #tpu.memory_space<vmem>> -> memref<80xi32, #tpu.memory_space<vmem>>
          %dma_start3A_245 = arith.constant 0 : i32
          %dma_start3A_246 = arith.constant 0 : i32
          %dma_start3A_247 = tpu.memref_slice %arg2[%dma_start3A_245, %dma_start3A_246] : memref<10112x128xf32, #tpu.memory_space<hbm>> -> memref<10112x128xf32, #tpu.memory_space<hbm>>
          tpu.enqueue_indirect_dma source(%dma_start3A_247 : memref<10112x128xf32, #tpu.memory_space<hbm>>) target(%arg10 : memref<80x128xf32, #tpu.memory_space<vmem>>) offsets(%dma_start3A_244 : memref<80xi32, #tpu.memory_space<vmem>>) semaphore(%arg14 : memref<!tpu.dma_semaphore, #tpu.memory_space<semaphore_mem>>)
        } else {
        }
        %add3A_212 = arith.constant 1 : i32
        %add3A_213 = arith.addi %scan3A_120, %add3A_212 : i32
        %mul3A_214 = arith.constant 4 : i32
        %mul3A_215 = arith.muli %add3A_213, %mul3A_214 : i32
        %add3A_216 = arith.constant 2 : i32
        %add3A_217 = arith.addi %mul3A_215, %add3A_216 : i32
        %lt3A_218 = arith.constant 25 : i32
        %lt3A_219 = arith.cmpi slt, %add3A_217, %lt3A_218 : i32
        %convert_element_type3A_220 = arith.extui %lt3A_219 : i1 to i32
        %cond3A_221 = arith.constant 0 : i32
        %cond3A_222 = arith.cmpi ne, %convert_element_type3A_220, %cond3A_221 : i32
        scf.if %cond3A_222 {
          %dma_wait3A_235 = arith.constant 0 : i32
          %dma_wait3A_236 = arith.constant 0 : i32
          %dma_wait3A_237 = tpu.memref_slice %arg8[%dma_wait3A_235, %dma_wait3A_236] : memref<25x80xi32, #tpu.memory_space<vmem>> -> memref<1x80xi32, #tpu.memory_space<vmem>>
          %dma_wait3A_238 = tpu.memref_squeeze %dma_wait3A_237 : memref<1x80xi32, #tpu.memory_space<vmem>> -> memref<80xi32, #tpu.memory_space<vmem>>
          %dma_wait3A_239 = arith.constant 0 : i32
          %dma_wait3A_240 = arith.constant 0 : i32
          %dma_wait3A_241 = tpu.memref_slice %arg6[%dma_wait3A_239, %dma_wait3A_240] : memref<10112x128xf32, #tpu.memory_space<vmem_shared>> -> memref<10112x128xf32, #tpu.memory_space<vmem_shared>>
          tpu.wait_indirect_dma semaphore(%arg19 : memref<!tpu.dma_semaphore, #tpu.memory_space<semaphore_mem>>) src(%arg11 : memref<80x128xf32, #tpu.memory_space<vmem>>) dst(%dma_wait3A_241 : memref<10112x128xf32, #tpu.memory_space<vmem_shared>>)
          %dma_start3A_242 = arith.constant 0 : i32
          %dma_start3A_243 = tpu.memref_slice %arg7[%add3A_217, %dma_start3A_242] : memref<25x80xi32, #tpu.memory_space<vmem>> -> memref<1x80xi32, #tpu.memory_space<vmem>>
          %dma_start3A_244 = tpu.memref_squeeze %dma_start3A_243 : memref<1x80xi32, #tpu.memory_space<vmem>> -> memref<80xi32, #tpu.memory_space<vmem>>
          %dma_start3A_245 = arith.constant 0 : i32
          %dma_start3A_246 = arith.constant 0 : i32
          %dma_start3A_247 = tpu.memref_slice %arg2[%dma_start3A_245, %dma_start3A_246] : memref<10112x128xf32, #tpu.memory_space<hbm>> -> memref<10112x128xf32, #tpu.memory_space<hbm>>
          tpu.enqueue_indirect_dma source(%dma_start3A_247 : memref<10112x128xf32, #tpu.memory_space<hbm>>) target(%arg11 : memref<80x128xf32, #tpu.memory_space<vmem>>) offsets(%dma_start3A_244 : memref<80xi32, #tpu.memory_space<vmem>>) semaphore(%arg15 : memref<!tpu.dma_semaphore, #tpu.memory_space<semaphore_mem>>)
        } else {
        }
        %add3A_223 = arith.constant 1 : i32
        %add3A_224 = arith.addi %scan3A_120, %add3A_223 : i32
        %mul3A_225 = arith.constant 4 : i32
        %mul3A_226 = arith.muli %add3A_224, %mul3A_225 : i32
        %add3A_227 = arith.constant 3 : i32
        %add3A_228 = arith.addi %mul3A_226, %add3A_227 : i32
        %lt3A_229 = arith.constant 25 : i32
        %lt3A_230 = arith.cmpi slt, %add3A_228, %lt3A_229 : i32
        %convert_element_type3A_231 = arith.extui %lt3A_230 : i1 to i32
        %cond3A_232 = arith.constant 0 : i32
        %cond3A_233 = arith.cmpi ne, %convert_element_type3A_231, %cond3A_232 : i32
        scf.if %cond3A_233 {
          %dma_wait3A_235 = arith.constant 0 : i32
          %dma_wait3A_236 = arith.constant 0 : i32
          %dma_wait3A_237 = tpu.memref_slice %arg8[%dma_wait3A_235, %dma_wait3A_236] : memref<25x80xi32, #tpu.memory_space<vmem>> -> memref<1x80xi32, #tpu.memory_space<vmem>>
          %dma_wait3A_238 = tpu.memref_squeeze %dma_wait3A_237 : memref<1x80xi32, #tpu.memory_space<vmem>> -> memref<80xi32, #tpu.memory_space<vmem>>
          %dma_wait3A_239 = arith.constant 0 : i32
          %dma_wait3A_240 = arith.constant 0 : i32
          %dma_wait3A_241 = tpu.memref_slice %arg6[%dma_wait3A_239, %dma_wait3A_240] : memref<10112x128xf32, #tpu.memory_space<vmem_shared>> -> memref<10112x128xf32, #tpu.memory_space<vmem_shared>>
          tpu.wait_indirect_dma semaphore(%arg20 : memref<!tpu.dma_semaphore, #tpu.memory_space<semaphore_mem>>) src(%arg12 : memref<80x128xf32, #tpu.memory_space<vmem>>) dst(%dma_wait3A_241 : memref<10112x128xf32, #tpu.memory_space<vmem_shared>>)
          %dma_start3A_242 = arith.constant 0 : i32
          %dma_start3A_243 = tpu.memref_slice %arg7[%add3A_228, %dma_start3A_242] : memref<25x80xi32, #tpu.memory_space<vmem>> -> memref<1x80xi32, #tpu.memory_space<vmem>>
          %dma_start3A_244 = tpu.memref_squeeze %dma_start3A_243 : memref<1x80xi32, #tpu.memory_space<vmem>> -> memref<80xi32, #tpu.memory_space<vmem>>
          %dma_start3A_245 = arith.constant 0 : i32
          %dma_start3A_246 = arith.constant 0 : i32
          %dma_start3A_247 = tpu.memref_slice %arg2[%dma_start3A_245, %dma_start3A_246] : memref<10112x128xf32, #tpu.memory_space<hbm>> -> memref<10112x128xf32, #tpu.memory_space<hbm>>
          tpu.enqueue_indirect_dma source(%dma_start3A_247 : memref<10112x128xf32, #tpu.memory_space<hbm>>) target(%arg12 : memref<80x128xf32, #tpu.memory_space<vmem>>) offsets(%dma_start3A_244 : memref<80xi32, #tpu.memory_space<vmem>>) semaphore(%arg16 : memref<!tpu.dma_semaphore, #tpu.memory_space<semaphore_mem>>)
        } else {
        }
        %scan3A_234 = arith.constant 0 : i32
        scf.yield %scan3A_234 : i32
      }
      %scan3A_64 = arith.constant 6 : i32
      %dma_wait3A = arith.constant 0 : i32
      %dma_wait3A_65 = arith.constant 0 : i32
      %dma_wait3A_66 = tpu.memref_slice %arg7[%dma_wait3A, %dma_wait3A_65] : memref<25x80xi32, #tpu.memory_space<vmem>> -> memref<1x80xi32, #tpu.memory_space<vmem>>
      %dma_wait3A_67 = tpu.memref_squeeze %dma_wait3A_66 : memref<1x80xi32, #tpu.memory_space<vmem>> -> memref<80xi32, #tpu.memory_space<vmem>>
      %dma_wait3A_68 = arith.constant 0 : i32
      %dma_wait3A_69 = arith.constant 0 : i32
      %dma_wait3A_70 = tpu.memref_slice %arg2[%dma_wait3A_68, %dma_wait3A_69] : memref<10112x128xf32, #tpu.memory_space<hbm>> -> memref<10112x128xf32, #tpu.memory_space<hbm>>
      tpu.wait_indirect_dma semaphore(%arg13 : memref<!tpu.dma_semaphore, #tpu.memory_space<semaphore_mem>>) src(%dma_wait3A_70 : memref<10112x128xf32, #tpu.memory_space<hbm>>) dst(%arg9 : memref<80x128xf32, #tpu.memory_space<vmem>>)
      %dma_start3A_71 = arith.constant 24 : i32
      %dma_start3A_72 = arith.constant 0 : i32
      %dma_start3A_73 = tpu.memref_slice %arg8[%dma_start3A_71, %dma_start3A_72] : memref<25x80xi32, #tpu.memory_space<vmem>> -> memref<1x80xi32, #tpu.memory_space<vmem>>
      %dma_start3A_74 = tpu.memref_squeeze %dma_start3A_73 : memref<1x80xi32, #tpu.memory_space<vmem>> -> memref<80xi32, #tpu.memory_space<vmem>>
      %dma_start3A_75 = arith.constant 0 : i32
      %dma_start3A_76 = arith.constant 0 : i32
      %dma_start3A_77 = tpu.memref_slice %arg6[%dma_start3A_75, %dma_start3A_76] : memref<10112x128xf32, #tpu.memory_space<vmem_shared>> -> memref<10112x128xf32, #tpu.memory_space<vmem_shared>>
      tpu.enqueue_indirect_dma source(%arg9 : memref<80x128xf32, #tpu.memory_space<vmem>>) target(%dma_start3A_77 : memref<10112x128xf32, #tpu.memory_space<vmem_shared>>) offsets(%dma_start3A_74 : memref<80xi32, #tpu.memory_space<vmem>>) semaphore(%arg17 : memref<!tpu.dma_semaphore, #tpu.memory_space<semaphore_mem>>) {add = true}
      %add3A_78 = arith.constant 1 : i32
      %add3A_79 = arith.addi %scan3A_56, %add3A_78 : i32
      %lt3A = arith.constant 5 : i32
      %lt3A_80 = arith.cmpi slt, %add3A_79, %lt3A : i32
      %convert_element_type3A_81 = arith.extui %lt3A_80 : i1 to i32
      %cond3A_82 = arith.constant 0 : i32
      %cond3A_83 = arith.cmpi ne, %convert_element_type3A_81, %cond3A_82 : i32
      scf.if %cond3A_83 {
        %add3A_120 = arith.constant 1 : i32
        %add3A_121 = arith.addi %scan3A_56, %add3A_120 : i32
        %dma_start3A_122 = arith.constant 0 : i32
        %dma_start3A_123 = arith.constant 0 : i32
        %dma_start3A_124 = arith.constant 0 : i32
        %dma_start3A_125 = tpu.memref_slice %arg3[%dma_start3A_122, %add3A, %add3A_121, %dma_start3A_123, %dma_start3A_124] : memref<2x32x5x25x80xi32, #tpu.memory_space<hbm>> -> memref<1x1x1x25x80xi32, #tpu.memory_space<hbm>>
        %dma_start3A_126 = tpu.memref_squeeze %dma_start3A_125 : memref<1x1x1x25x80xi32, #tpu.memory_space<hbm>> -> memref<25x80xi32, #tpu.memory_space<hbm>>
        %dma_start3A_127 = arith.constant 0 : i32
        %dma_start3A_128 = arith.constant 0 : i32
        %dma_start3A_129 = tpu.memref_slice %arg3[%dma_start3A_122, %add3A, %add3A_121, %dma_start3A_127, %dma_start3A_128] : memref<2x32x5x25x80xi32, #tpu.memory_space<hbm>> -> memref<1x1x1x25x80xi32, #tpu.memory_space<hbm>>
        %dma_start3A_130 = tpu.memref_squeeze %dma_start3A_129 : memref<1x1x1x25x80xi32, #tpu.memory_space<hbm>> -> memref<25x80xi32, #tpu.memory_space<hbm>>
        tpu.enqueue_dma source(%dma_start3A_130 : memref<25x80xi32, #tpu.memory_space<hbm>>) target(%arg7 : memref<25x80xi32, #tpu.memory_space<vmem>>) target_semaphore(%arg21 : memref<!tpu.dma_semaphore, #tpu.memory_space<semaphore_mem>>)
      } else {
      }
      %dma_wait3A_84 = arith.constant 0 : i32
      %dma_wait3A_85 = arith.constant 0 : i32
      %dma_wait3A_86 = tpu.memref_slice %arg8[%dma_wait3A_84, %dma_wait3A_85] : memref<25x80xi32, #tpu.memory_space<vmem>> -> memref<1x80xi32, #tpu.memory_space<vmem>>
      %dma_wait3A_87 = tpu.memref_squeeze %dma_wait3A_86 : memref<1x80xi32, #tpu.memory_space<vmem>> -> memref<80xi32, #tpu.memory_space<vmem>>
      %dma_wait3A_88 = arith.constant 0 : i32
      %dma_wait3A_89 = arith.constant 0 : i32
      %dma_wait3A_90 = tpu.memref_slice %arg6[%dma_wait3A_88, %dma_wait3A_89] : memref<10112x128xf32, #tpu.memory_space<vmem_shared>> -> memref<10112x128xf32, #tpu.memory_space<vmem_shared>>
      tpu.wait_indirect_dma semaphore(%arg17 : memref<!tpu.dma_semaphore, #tpu.memory_space<semaphore_mem>>) src(%arg9 : memref<80x128xf32, #tpu.memory_space<vmem>>) dst(%dma_wait3A_90 : memref<10112x128xf32, #tpu.memory_space<vmem_shared>>)
      %dma_wait3A_91 = arith.constant 0 : i32
      %dma_wait3A_92 = arith.constant 0 : i32
      %dma_wait3A_93 = tpu.memref_slice %arg8[%dma_wait3A_91, %dma_wait3A_92] : memref<25x80xi32, #tpu.memory_space<vmem>> -> memref<1x80xi32, #tpu.memory_space<vmem>>
      %dma_wait3A_94 = tpu.memref_squeeze %dma_wait3A_93 : memref<1x80xi32, #tpu.memory_space<vmem>> -> memref<80xi32, #tpu.memory_space<vmem>>
      %dma_wait3A_95 = arith.constant 0 : i32
      %dma_wait3A_96 = arith.constant 0 : i32
      %dma_wait3A_97 = tpu.memref_slice %arg6[%dma_wait3A_95, %dma_wait3A_96] : memref<10112x128xf32, #tpu.memory_space<vmem_shared>> -> memref<10112x128xf32, #tpu.memory_space<vmem_shared>>
      tpu.wait_indirect_dma semaphore(%arg18 : memref<!tpu.dma_semaphore, #tpu.memory_space<semaphore_mem>>) src(%arg10 : memref<80x128xf32, #tpu.memory_space<vmem>>) dst(%dma_wait3A_97 : memref<10112x128xf32, #tpu.memory_space<vmem_shared>>)
      %dma_wait3A_98 = arith.constant 0 : i32
      %dma_wait3A_99 = arith.constant 0 : i32
      %dma_wait3A_100 = tpu.memref_slice %arg8[%dma_wait3A_98, %dma_wait3A_99] : memref<25x80xi32, #tpu.memory_space<vmem>> -> memref<1x80xi32, #tpu.memory_space<vmem>>
      %dma_wait3A_101 = tpu.memref_squeeze %dma_wait3A_100 : memref<1x80xi32, #tpu.memory_space<vmem>> -> memref<80xi32, #tpu.memory_space<vmem>>
      %dma_wait3A_102 = arith.constant 0 : i32
      %dma_wait3A_103 = arith.constant 0 : i32
      %dma_wait3A_104 = tpu.memref_slice %arg6[%dma_wait3A_102, %dma_wait3A_103] : memref<10112x128xf32, #tpu.memory_space<vmem_shared>> -> memref<10112x128xf32, #tpu.memory_space<vmem_shared>>
      tpu.wait_indirect_dma semaphore(%arg19 : memref<!tpu.dma_semaphore, #tpu.memory_space<semaphore_mem>>) src(%arg11 : memref<80x128xf32, #tpu.memory_space<vmem>>) dst(%dma_wait3A_104 : memref<10112x128xf32, #tpu.memory_space<vmem_shared>>)
      %dma_wait3A_105 = arith.constant 0 : i32
      %dma_wait3A_106 = arith.constant 0 : i32
      %dma_wait3A_107 = tpu.memref_slice %arg8[%dma_wait3A_105, %dma_wait3A_106] : memref<25x80xi32, #tpu.memory_space<vmem>> -> memref<1x80xi32, #tpu.memory_space<vmem>>
      %dma_wait3A_108 = tpu.memref_squeeze %dma_wait3A_107 : memref<1x80xi32, #tpu.memory_space<vmem>> -> memref<80xi32, #tpu.memory_space<vmem>>
      %dma_wait3A_109 = arith.constant 0 : i32
      %dma_wait3A_110 = arith.constant 0 : i32
      %dma_wait3A_111 = tpu.memref_slice %arg6[%dma_wait3A_109, %dma_wait3A_110] : memref<10112x128xf32, #tpu.memory_space<vmem_shared>> -> memref<10112x128xf32, #tpu.memory_space<vmem_shared>>
      tpu.wait_indirect_dma semaphore(%arg20 : memref<!tpu.dma_semaphore, #tpu.memory_space<semaphore_mem>>) src(%arg12 : memref<80x128xf32, #tpu.memory_space<vmem>>) dst(%dma_wait3A_111 : memref<10112x128xf32, #tpu.memory_space<vmem_shared>>)
      %add3A_112 = arith.constant 1 : i32
      %add3A_113 = arith.addi %scan3A_56, %add3A_112 : i32
      %lt3A_114 = arith.constant 5 : i32
      %lt3A_115 = arith.cmpi slt, %add3A_113, %lt3A_114 : i32
      %convert_element_type3A_116 = arith.extui %lt3A_115 : i1 to i32
      %cond3A_117 = arith.constant 0 : i32
      %cond3A_118 = arith.cmpi ne, %convert_element_type3A_116, %cond3A_117 : i32
      scf.if %cond3A_118 {
        %dma_wait3A_120 = arith.constant 0 : i32
        %dma_wait3A_121 = arith.constant 0 : i32
        %dma_wait3A_122 = arith.constant 0 : i32
        %dma_wait3A_123 = arith.constant 0 : i32
        %dma_wait3A_124 = tpu.memref_slice %arg3[%dma_wait3A_120, %add3A, %dma_wait3A_121, %dma_wait3A_122, %dma_wait3A_123] : memref<2x32x5x25x80xi32, #tpu.memory_space<hbm>> -> memref<1x1x1x25x80xi32, #tpu.memory_space<hbm>>
        %dma_wait3A_125 = tpu.memref_squeeze %dma_wait3A_124 : memref<1x1x1x25x80xi32, #tpu.memory_space<hbm>> -> memref<25x80xi32, #tpu.memory_space<hbm>>
        %dma_wait3A_126 = arith.constant 0 : i32
        %dma_wait3A_127 = arith.constant 0 : i32
        %dma_wait3A_128 = tpu.memref_slice %arg3[%dma_wait3A_120, %add3A, %dma_wait3A_121, %dma_wait3A_126, %dma_wait3A_127] : memref<2x32x5x25x80xi32, #tpu.memory_space<hbm>> -> memref<1x1x1x25x80xi32, #tpu.memory_space<hbm>>
        %dma_wait3A_129 = tpu.memref_squeeze %dma_wait3A_128 : memref<1x1x1x25x80xi32, #tpu.memory_space<hbm>> -> memref<25x80xi32, #tpu.memory_space<hbm>>
        tpu.wait_dma2 semaphore(%arg21 : memref<!tpu.dma_semaphore, #tpu.memory_space<semaphore_mem>>) src(%dma_wait3A_129 : memref<25x80xi32, #tpu.memory_space<hbm>>) dst(%arg7 : memref<25x80xi32, #tpu.memory_space<vmem>>)
        %dma_start3A_130 = arith.constant 0 : i32
        %dma_start3A_131 = arith.constant 0 : i32
        %dma_start3A_132 = tpu.memref_slice %arg7[%dma_start3A_130, %dma_start3A_131] : memref<25x80xi32, #tpu.memory_space<vmem>> -> memref<1x80xi32, #tpu.memory_space<vmem>>
        %dma_start3A_133 = tpu.memref_squeeze %dma_start3A_132 : memref<1x80xi32, #tpu.memory_space<vmem>> -> memref<80xi32, #tpu.memory_space<vmem>>
        %dma_start3A_134 = arith.constant 0 : i32
        %dma_start3A_135 = arith.constant 0 : i32
        %dma_start3A_136 = tpu.memref_slice %arg2[%dma_start3A_134, %dma_start3A_135] : memref<10112x128xf32, #tpu.memory_space<hbm>> -> memref<10112x128xf32, #tpu.memory_space<hbm>>
        tpu.enqueue_indirect_dma source(%dma_start3A_136 : memref<10112x128xf32, #tpu.memory_space<hbm>>) target(%arg9 : memref<80x128xf32, #tpu.memory_space<vmem>>) offsets(%dma_start3A_133 : memref<80xi32, #tpu.memory_space<vmem>>) semaphore(%arg13 : memref<!tpu.dma_semaphore, #tpu.memory_space<semaphore_mem>>)
        %dma_start3A_137 = arith.constant 1 : i32
        %dma_start3A_138 = arith.constant 0 : i32
        %dma_start3A_139 = tpu.memref_slice %arg7[%dma_start3A_137, %dma_start3A_138] : memref<25x80xi32, #tpu.memory_space<vmem>> -> memref<1x80xi32, #tpu.memory_space<vmem>>
        %dma_start3A_140 = tpu.memref_squeeze %dma_start3A_139 : memref<1x80xi32, #tpu.memory_space<vmem>> -> memref<80xi32, #tpu.memory_space<vmem>>
        %dma_start3A_141 = arith.constant 0 : i32
        %dma_start3A_142 = arith.constant 0 : i32
        %dma_start3A_143 = tpu.memref_slice %arg2[%dma_start3A_141, %dma_start3A_142] : memref<10112x128xf32, #tpu.memory_space<hbm>> -> memref<10112x128xf32, #tpu.memory_space<hbm>>
        tpu.enqueue_indirect_dma source(%dma_start3A_143 : memref<10112x128xf32, #tpu.memory_space<hbm>>) target(%arg10 : memref<80x128xf32, #tpu.memory_space<vmem>>) offsets(%dma_start3A_140 : memref<80xi32, #tpu.memory_space<vmem>>) semaphore(%arg14 : memref<!tpu.dma_semaphore, #tpu.memory_space<semaphore_mem>>)
        %dma_start3A_144 = arith.constant 2 : i32
        %dma_start3A_145 = arith.constant 0 : i32
        %dma_start3A_146 = tpu.memref_slice %arg7[%dma_start3A_144, %dma_start3A_145] : memref<25x80xi32, #tpu.memory_space<vmem>> -> memref<1x80xi32, #tpu.memory_space<vmem>>
        %dma_start3A_147 = tpu.memref_squeeze %dma_start3A_146 : memref<1x80xi32, #tpu.memory_space<vmem>> -> memref<80xi32, #tpu.memory_space<vmem>>
        %dma_start3A_148 = arith.constant 0 : i32
        %dma_start3A_149 = arith.constant 0 : i32
        %dma_start3A_150 = tpu.memref_slice %arg2[%dma_start3A_148, %dma_start3A_149] : memref<10112x128xf32, #tpu.memory_space<hbm>> -> memref<10112x128xf32, #tpu.memory_space<hbm>>
        tpu.enqueue_indirect_dma source(%dma_start3A_150 : memref<10112x128xf32, #tpu.memory_space<hbm>>) target(%arg11 : memref<80x128xf32, #tpu.memory_space<vmem>>) offsets(%dma_start3A_147 : memref<80xi32, #tpu.memory_space<vmem>>) semaphore(%arg15 : memref<!tpu.dma_semaphore, #tpu.memory_space<semaphore_mem>>)
        %dma_start3A_151 = arith.constant 3 : i32
        %dma_start3A_152 = arith.constant 0 : i32
        %dma_start3A_153 = tpu.memref_slice %arg7[%dma_start3A_151, %dma_start3A_152] : memref<25x80xi32, #tpu.memory_space<vmem>> -> memref<1x80xi32, #tpu.memory_space<vmem>>
        %dma_start3A_154 = tpu.memref_squeeze %dma_start3A_153 : memref<1x80xi32, #tpu.memory_space<vmem>> -> memref<80xi32, #tpu.memory_space<vmem>>
        %dma_start3A_155 = arith.constant 0 : i32
        %dma_start3A_156 = arith.constant 0 : i32
        %dma_start3A_157 = tpu.memref_slice %arg2[%dma_start3A_155, %dma_start3A_156] : memref<10112x128xf32, #tpu.memory_space<hbm>> -> memref<10112x128xf32, #tpu.memory_space<hbm>>
        tpu.enqueue_indirect_dma source(%dma_start3A_157 : memref<10112x128xf32, #tpu.memory_space<hbm>>) target(%arg12 : memref<80x128xf32, #tpu.memory_space<vmem>>) offsets(%dma_start3A_154 : memref<80xi32, #tpu.memory_space<vmem>>) semaphore(%arg16 : memref<!tpu.dma_semaphore, #tpu.memory_space<semaphore_mem>>)
        %add3A_158 = arith.constant 1 : i32
        %add3A_159 = arith.addi %scan3A_56, %add3A_158 : i32
        %run_scoped3A_160 = arith.constant 1 : i32
        "tpu.region"() ({
          %run_scoped3A_161 = tpu.sem_alloc : memref<!tpu.dma_semaphore, #tpu.memory_space<semaphore_mem>>
          %dma_start3A_162 = arith.constant 0 : i32
          %dma_start3A_163 = arith.constant 0 : i32
          %dma_start3A_164 = tpu.memref_slice %arg3[%run_scoped3A_160, %add3A, %add3A_159, %dma_start3A_162, %dma_start3A_163] : memref<2x32x5x25x80xi32, #tpu.memory_space<hbm>> -> memref<1x1x1x25x80xi32, #tpu.memory_space<hbm>>
          %dma_start3A_165 = tpu.memref_squeeze %dma_start3A_164 : memref<1x1x1x25x80xi32, #tpu.memory_space<hbm>> -> memref<25x80xi32, #tpu.memory_space<hbm>>
          %dma_start3A_166 = arith.constant 0 : i32
          %dma_start3A_167 = arith.constant 0 : i32
          %dma_start3A_168 = tpu.memref_slice %arg3[%run_scoped3A_160, %add3A, %add3A_159, %dma_start3A_166, %dma_start3A_167] : memref<2x32x5x25x80xi32, #tpu.memory_space<hbm>> -> memref<1x1x1x25x80xi32, #tpu.memory_space<hbm>>
          %dma_start3A_169 = tpu.memref_squeeze %dma_start3A_168 : memref<1x1x1x25x80xi32, #tpu.memory_space<hbm>> -> memref<25x80xi32, #tpu.memory_space<hbm>>
          tpu.enqueue_dma source(%dma_start3A_169 : memref<25x80xi32, #tpu.memory_space<hbm>>) target(%arg8 : memref<25x80xi32, #tpu.memory_space<vmem>>) target_semaphore(%run_scoped3A_161 : memref<!tpu.dma_semaphore, #tpu.memory_space<semaphore_mem>>)
          %dma_wait3A_170 = arith.constant 0 : i32
          %dma_wait3A_171 = arith.constant 0 : i32
          %dma_wait3A_172 = tpu.memref_slice %arg3[%run_scoped3A_160, %add3A, %add3A_159, %dma_wait3A_170, %dma_wait3A_171] : memref<2x32x5x25x80xi32, #tpu.memory_space<hbm>> -> memref<1x1x1x25x80xi32, #tpu.memory_space<hbm>>
          %dma_wait3A_173 = tpu.memref_squeeze %dma_wait3A_172 : memref<1x1x1x25x80xi32, #tpu.memory_space<hbm>> -> memref<25x80xi32, #tpu.memory_space<hbm>>
          %dma_wait3A_174 = arith.constant 0 : i32
          %dma_wait3A_175 = arith.constant 0 : i32
          %dma_wait3A_176 = tpu.memref_slice %arg3[%run_scoped3A_160, %add3A, %add3A_159, %dma_wait3A_174, %dma_wait3A_175] : memref<2x32x5x25x80xi32, #tpu.memory_space<hbm>> -> memref<1x1x1x25x80xi32, #tpu.memory_space<hbm>>
          %dma_wait3A_177 = tpu.memref_squeeze %dma_wait3A_176 : memref<1x1x1x25x80xi32, #tpu.memory_space<hbm>> -> memref<25x80xi32, #tpu.memory_space<hbm>>
          tpu.wait_dma2 semaphore(%run_scoped3A_161 : memref<!tpu.dma_semaphore, #tpu.memory_space<semaphore_mem>>) src(%dma_wait3A_177 : memref<25x80xi32, #tpu.memory_space<hbm>>) dst(%arg8 : memref<25x80xi32, #tpu.memory_space<vmem>>)
          tpu.yield
        }) : () -> ()
      } else {
      }
      %scan3A_119 = arith.constant 0 : i32
      scf.yield %scan3A_119 : i32
    }
    %scan3A_44 = arith.constant 5 : i32
    %barrier3A_45 = arith.constant 0 : index
    tpu.barrier barrier_id(%barrier3A_45)
    %eq3A_46 = arith.constant 0 : i32
    %eq3A_47 = arith.cmpi eq, %arg0, %eq3A_46 : i32
    %convert_element_type3A_48 = arith.extui %eq3A_47 : i1 to i32
    %cond3A_49 = arith.constant 0 : i32
    %cond3A_50 = arith.cmpi ne, %convert_element_type3A_48, %cond3A_49 : i32
    scf.if %cond3A_50 {
      "tpu.region"() ({
        %run_scoped3A_56 = tpu.sem_alloc : memref<!tpu.dma_semaphore, #tpu.memory_space<semaphore_mem>>
        %dma_start3A_57 = arith.constant 0 : i32
        %dma_start3A_58 = tpu.memref_slice %arg4[%mul3A_2, %dma_start3A_57] : memref<10112x128xf32, #tpu.memory_space<hbm>> -> memref<632x128xf32, #tpu.memory_space<hbm>>
        %dma_start3A_59 = arith.constant 0 : i32
        %dma_start3A_60 = tpu.memref_slice %arg6[%mul3A_2, %dma_start3A_59] : memref<10112x128xf32, #tpu.memory_space<vmem_shared>> -> memref<632x128xf32, #tpu.memory_space<vmem_shared>>
        tpu.enqueue_dma source(%dma_start3A_60 : memref<632x128xf32, #tpu.memory_space<vmem_shared>>) target(%dma_start3A_58 : memref<632x128xf32, #tpu.memory_space<hbm>>) target_semaphore(%run_scoped3A_56 : memref<!tpu.dma_semaphore, #tpu.memory_space<semaphore_mem>>)
        %dma_wait3A = arith.constant 0 : i32
        %dma_wait3A_61 = tpu.memref_slice %arg4[%mul3A_2, %dma_wait3A] : memref<10112x128xf32, #tpu.memory_space<hbm>> -> memref<632x128xf32, #tpu.memory_space<hbm>>
        %dma_wait3A_62 = arith.constant 0 : i32
        %dma_wait3A_63 = tpu.memref_slice %arg6[%mul3A_2, %dma_wait3A_62] : memref<10112x128xf32, #tpu.memory_space<vmem_shared>> -> memref<632x128xf32, #tpu.memory_space<vmem_shared>>
        tpu.wait_dma2 semaphore(%run_scoped3A_56 : memref<!tpu.dma_semaphore, #tpu.memory_space<semaphore_mem>>) src(%dma_wait3A_63 : memref<632x128xf32, #tpu.memory_space<vmem_shared>>) dst(%dma_wait3A_61 : memref<632x128xf32, #tpu.memory_space<hbm>>)
        tpu.yield
      }) : () -> ()
    } else {
    }
    %ne3A_51 = arith.constant 0 : i32
    %ne3A_52 = arith.cmpi ne, %arg0, %ne3A_51 : i32
    %convert_element_type3A_53 = arith.extui %ne3A_52 : i1 to i32
    %cond3A_54 = arith.constant 0 : i32
    %cond3A_55 = arith.cmpi ne, %convert_element_type3A_53, %cond3A_54 : i32
    scf.if %cond3A_55 {
      "tpu.region"() ({
        %run_scoped3A_56 = tpu.sem_alloc : memref<!tpu.dma_semaphore, #tpu.memory_space<semaphore_mem>>
        %dma_start3A_57 = arith.constant 0 : i32
        %dma_start3A_58 = tpu.memref_slice %arg5[%mul3A_2, %dma_start3A_57] : memref<10112x128xf32, #tpu.memory_space<hbm>> -> memref<632x128xf32, #tpu.memory_space<hbm>>
        %dma_start3A_59 = arith.constant 0 : i32
        %dma_start3A_60 = tpu.memref_slice %arg6[%mul3A_2, %dma_start3A_59] : memref<10112x128xf32, #tpu.memory_space<vmem_shared>> -> memref<632x128xf32, #tpu.memory_space<vmem_shared>>
        tpu.enqueue_dma source(%dma_start3A_60 : memref<632x128xf32, #tpu.memory_space<vmem_shared>>) target(%dma_start3A_58 : memref<632x128xf32, #tpu.memory_space<hbm>>) target_semaphore(%run_scoped3A_56 : memref<!tpu.dma_semaphore, #tpu.memory_space<semaphore_mem>>)
        %dma_wait3A = arith.constant 0 : i32
        %dma_wait3A_61 = tpu.memref_slice %arg5[%mul3A_2, %dma_wait3A] : memref<10112x128xf32, #tpu.memory_space<hbm>> -> memref<632x128xf32, #tpu.memory_space<hbm>>
        %dma_wait3A_62 = arith.constant 0 : i32
        %dma_wait3A_63 = tpu.memref_slice %arg6[%mul3A_2, %dma_wait3A_62] : memref<10112x128xf32, #tpu.memory_space<vmem_shared>> -> memref<632x128xf32, #tpu.memory_space<vmem_shared>>
        tpu.wait_dma2 semaphore(%run_scoped3A_56 : memref<!tpu.dma_semaphore, #tpu.memory_space<semaphore_mem>>) src(%dma_wait3A_63 : memref<632x128xf32, #tpu.memory_space<vmem_shared>>) dst(%dma_wait3A_61 : memref<632x128xf32, #tpu.memory_space<hbm>>)
        tpu.yield
      }) : () -> ()
    } else {
    }
    return
  }
}

#map = affine_map<(d0, d1) -> (0, 0, 0, 0, 0)>
#map1 = affine_map<(d0, d1) -> (0)>
module attributes {stable_mosaic.version = 14 : i64} {
  func.func @k(%arg0: i32, %arg1: i32, %arg2: memref<2x32x5x25x80xi32, #tpu.memory_space<hbm>>, %arg3: memref<10240xf32, #tpu.memory_space<hbm>>, %arg4: memref<10240xf32, #tpu.memory_space<hbm>>, %arg5: memref<10240xf32, #tpu.memory_space<vmem_shared>>, %arg6: memref<125x80xi32, #tpu.memory_space<vmem>>, %arg7: memref<80xf32, #tpu.memory_space<vmem>>, %arg8: memref<640xf32, #tpu.memory_space<vmem>>, %arg9: memref<!tpu.dma_semaphore, #tpu.memory_space<semaphore_mem>>) attributes {dimension_semantics = [#tpu.dimension_semantics<core_parallel>, #tpu.dimension_semantics<subcore_parallel>], iteration_bounds = array<i64: 2, 16>, scalar_prefetch = 0 : i64, scratch_operands = 5 : i64, tpu.core_type = #tpu.core_type<sc_vector_subcore>, window_params = [{transform_indices = #map}, {transform_indices = #map1}, {transform_indices = #map1}]} {
    %mul3A = arith.constant 16 : i32
    %mul3A_0 = arith.muli %arg0, %mul3A : i32
    %add3A = arith.addi %mul3A_0, %arg1 : i32
    %mul3A_1 = arith.constant 640 : i32
    %mul3A_2 = arith.muli %arg1, %mul3A_1 : i32
    %scan3A = arith.constant 0 : i32
    %scan3A_3 = arith.constant 0 : i32
    %scan3A_4 = arith.constant 40 : i32
    %scan3A_5 = arith.addi %scan3A_3, %scan3A_4 : i32
    %scan3A_6 = arith.constant 1 : i32
    %scan3A_7 = scf.for %scan3A_67 = %scan3A_3 to %scan3A_5 step %scan3A_6 iter_args(%scan3A_68 = %scan3A) -> (i32)  : i32 {
      %broadcast_in_dim3A_69 = arith.constant 0.000000e+00 : f32
      %broadcast_in_dim3A_70 = vector.broadcast %broadcast_in_dim3A_69 : f32 to vector<16xf32>
      %mul3A_71 = arith.constant 16 : i32
      %mul3A_72 = arith.muli %scan3A_67, %mul3A_71 : i32
      %swap3A_73 = arith.index_cast %mul3A_72 : i32 to index
      %swap3A_74 = tpu.vector_load %arg8[%swap3A_73] {strides = array<i32>} : memref<640xf32, #tpu.memory_space<vmem>>, vector<16xf32>,
      %swap3A_75 = vector.shape_cast %swap3A_74 : vector<16xf32> to vector<16xf32>
      %swap3A_76 = vector.shape_cast %broadcast_in_dim3A_70 : vector<16xf32> to vector<16xf32>
      tpu.vector_store %arg8[%swap3A_73], %swap3A_76 {strides = array<i32>} : memref<640xf32, #tpu.memory_space<vmem>>, vector<16xf32>,
      %scan3A_77 = arith.constant 0 : i32
      scf.yield %scan3A_77 : i32
    }
    %scan3A_8 = arith.constant 40 : i32
    %broadcast_in_dim3A = arith.constant 1.000000e+00 : f32
    %broadcast_in_dim3A_9 = vector.broadcast %broadcast_in_dim3A : f32 to vector<16xf32>
    %swap3A = arith.constant 0 : index
    %swap3A_10 = tpu.vector_load %arg7[%swap3A] {strides = array<i32>} : memref<80xf32, #tpu.memory_space<vmem>>, vector<16xf32>,
    %swap3A_11 = vector.shape_cast %swap3A_10 : vector<16xf32> to vector<16xf32>
    %swap3A_12 = vector.shape_cast %broadcast_in_dim3A_9 : vector<16xf32> to vector<16xf32>
    tpu.vector_store %arg7[%swap3A], %swap3A_12 {strides = array<i32>} : memref<80xf32, #tpu.memory_space<vmem>>, vector<16xf32>,
    %broadcast_in_dim3A_13 = arith.constant 1.000000e+00 : f32
    %broadcast_in_dim3A_14 = vector.broadcast %broadcast_in_dim3A_13 : f32 to vector<16xf32>
    %swap3A_15 = arith.constant 16 : index
    %swap3A_16 = tpu.vector_load %arg7[%swap3A_15] {strides = array<i32>} : memref<80xf32, #tpu.memory_space<vmem>>, vector<16xf32>,
    %swap3A_17 = vector.shape_cast %swap3A_16 : vector<16xf32> to vector<16xf32>
    %swap3A_18 = vector.shape_cast %broadcast_in_dim3A_14 : vector<16xf32> to vector<16xf32>
    tpu.vector_store %arg7[%swap3A_15], %swap3A_18 {strides = array<i32>} : memref<80xf32, #tpu.memory_space<vmem>>, vector<16xf32>,
    %broadcast_in_dim3A_19 = arith.constant 1.000000e+00 : f32
    %broadcast_in_dim3A_20 = vector.broadcast %broadcast_in_dim3A_19 : f32 to vector<16xf32>
    %swap3A_21 = arith.constant 32 : index
    %swap3A_22 = tpu.vector_load %arg7[%swap3A_21] {strides = array<i32>} : memref<80xf32, #tpu.memory_space<vmem>>, vector<16xf32>,
    %swap3A_23 = vector.shape_cast %swap3A_22 : vector<16xf32> to vector<16xf32>
    %swap3A_24 = vector.shape_cast %broadcast_in_dim3A_20 : vector<16xf32> to vector<16xf32>
    tpu.vector_store %arg7[%swap3A_21], %swap3A_24 {strides = array<i32>} : memref<80xf32, #tpu.memory_space<vmem>>, vector<16xf32>,
    %broadcast_in_dim3A_25 = arith.constant 1.000000e+00 : f32
    %broadcast_in_dim3A_26 = vector.broadcast %broadcast_in_dim3A_25 : f32 to vector<16xf32>
    %swap3A_27 = arith.constant 48 : index
    %swap3A_28 = tpu.vector_load %arg7[%swap3A_27] {strides = array<i32>} : memref<80xf32, #tpu.memory_space<vmem>>, vector<16xf32>,
    %swap3A_29 = vector.shape_cast %swap3A_28 : vector<16xf32> to vector<16xf32>
    %swap3A_30 = vector.shape_cast %broadcast_in_dim3A_26 : vector<16xf32> to vector<16xf32>
    tpu.vector_store %arg7[%swap3A_27], %swap3A_30 {strides = array<i32>} : memref<80xf32, #tpu.memory_space<vmem>>, vector<16xf32>,
    %broadcast_in_dim3A_31 = arith.constant 1.000000e+00 : f32
    %broadcast_in_dim3A_32 = vector.broadcast %broadcast_in_dim3A_31 : f32 to vector<16xf32>
    %swap3A_33 = arith.constant 64 : index
    %swap3A_34 = tpu.vector_load %arg7[%swap3A_33] {strides = array<i32>} : memref<80xf32, #tpu.memory_space<vmem>>, vector<16xf32>,
    %swap3A_35 = vector.shape_cast %swap3A_34 : vector<16xf32> to vector<16xf32>
    %swap3A_36 = vector.shape_cast %broadcast_in_dim3A_32 : vector<16xf32> to vector<16xf32>
    tpu.vector_store %arg7[%swap3A_33], %swap3A_36 {strides = array<i32>} : memref<80xf32, #tpu.memory_space<vmem>>, vector<16xf32>,
    "tpu.region"() ({
      %run_scoped3A_67 = tpu.sem_alloc : memref<!tpu.dma_semaphore, #tpu.memory_space<semaphore_mem>>
      %dma_start3A = arith.constant 0 : i32
      %dma_start3A_68 = tpu.memref_slice %arg8[%dma_start3A] : memref<640xf32, #tpu.memory_space<vmem>> -> memref<640xf32, #tpu.memory_space<vmem>>
      %dma_start3A_69 = tpu.memref_slice %arg5[%mul3A_2] : memref<10240xf32, #tpu.memory_space<vmem_shared>> -> memref<640xf32, #tpu.memory_space<vmem_shared>>
      %dma_start3A_70 = tpu.memref_slice %arg5[%mul3A_2] : memref<10240xf32, #tpu.memory_space<vmem_shared>> -> memref<640xf32, #tpu.memory_space<vmem_shared>>
      %dma_start3A_71 = arith.constant 0 : i32
      %dma_start3A_72 = tpu.memref_slice %arg8[%dma_start3A_71] : memref<640xf32, #tpu.memory_space<vmem>> -> memref<640xf32, #tpu.memory_space<vmem>>
      tpu.enqueue_dma source(%dma_start3A_72 : memref<640xf32, #tpu.memory_space<vmem>>) target(%dma_start3A_70 : memref<640xf32, #tpu.memory_space<vmem_shared>>) target_semaphore(%run_scoped3A_67 : memref<!tpu.dma_semaphore, #tpu.memory_space<semaphore_mem>>)
      %dma_wait3A = arith.constant 0 : i32
      %dma_wait3A_73 = tpu.memref_slice %arg8[%dma_wait3A] : memref<640xf32, #tpu.memory_space<vmem>> -> memref<640xf32, #tpu.memory_space<vmem>>
      %dma_wait3A_74 = tpu.memref_slice %arg5[%mul3A_2] : memref<10240xf32, #tpu.memory_space<vmem_shared>> -> memref<640xf32, #tpu.memory_space<vmem_shared>>
      %dma_wait3A_75 = tpu.memref_slice %arg5[%mul3A_2] : memref<10240xf32, #tpu.memory_space<vmem_shared>> -> memref<640xf32, #tpu.memory_space<vmem_shared>>
      %dma_wait3A_76 = arith.constant 0 : i32
      %dma_wait3A_77 = tpu.memref_slice %arg8[%dma_wait3A_76] : memref<640xf32, #tpu.memory_space<vmem>> -> memref<640xf32, #tpu.memory_space<vmem>>
      tpu.wait_dma2 semaphore(%run_scoped3A_67 : memref<!tpu.dma_semaphore, #tpu.memory_space<semaphore_mem>>) src(%dma_wait3A_77 : memref<640xf32, #tpu.memory_space<vmem>>) dst(%dma_wait3A_75 : memref<640xf32, #tpu.memory_space<vmem_shared>>)
      tpu.yield
    }) : () -> ()
    %run_scoped3A = arith.constant 1 : i32
    %run_scoped3A_37 = arith.constant 0 : i32
    "tpu.region"() ({
      %run_scoped3A_67 = tpu.sem_alloc : memref<!tpu.dma_semaphore, #tpu.memory_space<semaphore_mem>>
      %dma_start3A = arith.constant 0 : i32
      %dma_start3A_68 = arith.constant 0 : i32
      %dma_start3A_69 = tpu.memref_slice %arg6[%dma_start3A, %dma_start3A_68] : memref<125x80xi32, #tpu.memory_space<vmem>> -> memref<25x80xi32, #tpu.memory_space<vmem>>
      %dma_start3A_70 = arith.constant 0 : i32
      %dma_start3A_71 = arith.constant 0 : i32
      %dma_start3A_72 = tpu.memref_slice %arg2[%run_scoped3A, %add3A, %run_scoped3A_37, %dma_start3A_70, %dma_start3A_71] : memref<2x32x5x25x80xi32, #tpu.memory_space<hbm>> -> memref<1x1x1x25x80xi32, #tpu.memory_space<hbm>>
      %dma_start3A_73 = tpu.memref_squeeze %dma_start3A_72 : memref<1x1x1x25x80xi32, #tpu.memory_space<hbm>> -> memref<25x80xi32, #tpu.memory_space<hbm>>
      %dma_start3A_74 = arith.constant 0 : i32
      %dma_start3A_75 = arith.constant 0 : i32
      %dma_start3A_76 = tpu.memref_slice %arg6[%dma_start3A_74, %dma_start3A_75] : memref<125x80xi32, #tpu.memory_space<vmem>> -> memref<25x80xi32, #tpu.memory_space<vmem>>
      %dma_start3A_77 = arith.constant 0 : i32
      %dma_start3A_78 = arith.constant 0 : i32
      %dma_start3A_79 = tpu.memref_slice %arg2[%run_scoped3A, %add3A, %run_scoped3A_37, %dma_start3A_77, %dma_start3A_78] : memref<2x32x5x25x80xi32, #tpu.memory_space<hbm>> -> memref<1x1x1x25x80xi32, #tpu.memory_space<hbm>>
      %dma_start3A_80 = tpu.memref_squeeze %dma_start3A_79 : memref<1x1x1x25x80xi32, #tpu.memory_space<hbm>> -> memref<25x80xi32, #tpu.memory_space<hbm>>
      tpu.enqueue_dma source(%dma_start3A_80 : memref<25x80xi32, #tpu.memory_space<hbm>>) target(%dma_start3A_76 : memref<25x80xi32, #tpu.memory_space<vmem>>) target_semaphore(%run_scoped3A_67 : memref<!tpu.dma_semaphore, #tpu.memory_space<semaphore_mem>>)
      %dma_wait3A = arith.constant 0 : i32
      %dma_wait3A_81 = arith.constant 0 : i32
      %dma_wait3A_82 = tpu.memref_slice %arg6[%dma_wait3A, %dma_wait3A_81] : memref<125x80xi32, #tpu.memory_space<vmem>> -> memref<25x80xi32, #tpu.memory_space<vmem>>
      %dma_wait3A_83 = arith.constant 0 : i32
      %dma_wait3A_84 = arith.constant 0 : i32
      %dma_wait3A_85 = tpu.memref_slice %arg2[%run_scoped3A, %add3A, %run_scoped3A_37, %dma_wait3A_83, %dma_wait3A_84] : memref<2x32x5x25x80xi32, #tpu.memory_space<hbm>> -> memref<1x1x1x25x80xi32, #tpu.memory_space<hbm>>
      %dma_wait3A_86 = tpu.memref_squeeze %dma_wait3A_85 : memref<1x1x1x25x80xi32, #tpu.memory_space<hbm>> -> memref<25x80xi32, #tpu.memory_space<hbm>>
      %dma_wait3A_87 = arith.constant 0 : i32
      %dma_wait3A_88 = arith.constant 0 : i32
      %dma_wait3A_89 = tpu.memref_slice %arg6[%dma_wait3A_87, %dma_wait3A_88] : memref<125x80xi32, #tpu.memory_space<vmem>> -> memref<25x80xi32, #tpu.memory_space<vmem>>
      %dma_wait3A_90 = arith.constant 0 : i32
      %dma_wait3A_91 = arith.constant 0 : i32
      %dma_wait3A_92 = tpu.memref_slice %arg2[%run_scoped3A, %add3A, %run_scoped3A_37, %dma_wait3A_90, %dma_wait3A_91] : memref<2x32x5x25x80xi32, #tpu.memory_space<hbm>> -> memref<1x1x1x25x80xi32, #tpu.memory_space<hbm>>
      %dma_wait3A_93 = tpu.memref_squeeze %dma_wait3A_92 : memref<1x1x1x25x80xi32, #tpu.memory_space<hbm>> -> memref<25x80xi32, #tpu.memory_space<hbm>>
      tpu.wait_dma2 semaphore(%run_scoped3A_67 : memref<!tpu.dma_semaphore, #tpu.memory_space<semaphore_mem>>) src(%dma_wait3A_93 : memref<25x80xi32, #tpu.memory_space<hbm>>) dst(%dma_wait3A_89 : memref<25x80xi32, #tpu.memory_space<vmem>>)
      tpu.yield
    }) : () -> ()
    %run_scoped3A_38 = arith.constant 1 : i32
    %run_scoped3A_39 = arith.constant 1 : i32
    "tpu.region"() ({
      %run_scoped3A_67 = tpu.sem_alloc : memref<!tpu.dma_semaphore, #tpu.memory_space<semaphore_mem>>
      %dma_start3A = arith.constant 25 : i32
      %dma_start3A_68 = arith.constant 0 : i32
      %dma_start3A_69 = tpu.memref_slice %arg6[%dma_start3A, %dma_start3A_68] : memref<125x80xi32, #tpu.memory_space<vmem>> -> memref<25x80xi32, #tpu.memory_space<vmem>>
      %dma_start3A_70 = arith.constant 0 : i32
      %dma_start3A_71 = arith.constant 0 : i32
      %dma_start3A_72 = tpu.memref_slice %arg2[%run_scoped3A_38, %add3A, %run_scoped3A_39, %dma_start3A_70, %dma_start3A_71] : memref<2x32x5x25x80xi32, #tpu.memory_space<hbm>> -> memref<1x1x1x25x80xi32, #tpu.memory_space<hbm>>
      %dma_start3A_73 = tpu.memref_squeeze %dma_start3A_72 : memref<1x1x1x25x80xi32, #tpu.memory_space<hbm>> -> memref<25x80xi32, #tpu.memory_space<hbm>>
      %dma_start3A_74 = arith.constant 25 : i32
      %dma_start3A_75 = arith.constant 0 : i32
      %dma_start3A_76 = tpu.memref_slice %arg6[%dma_start3A_74, %dma_start3A_75] : memref<125x80xi32, #tpu.memory_space<vmem>> -> memref<25x80xi32, #tpu.memory_space<vmem>>
      %dma_start3A_77 = arith.constant 0 : i32
      %dma_start3A_78 = arith.constant 0 : i32
      %dma_start3A_79 = tpu.memref_slice %arg2[%run_scoped3A_38, %add3A, %run_scoped3A_39, %dma_start3A_77, %dma_start3A_78] : memref<2x32x5x25x80xi32, #tpu.memory_space<hbm>> -> memref<1x1x1x25x80xi32, #tpu.memory_space<hbm>>
      %dma_start3A_80 = tpu.memref_squeeze %dma_start3A_79 : memref<1x1x1x25x80xi32, #tpu.memory_space<hbm>> -> memref<25x80xi32, #tpu.memory_space<hbm>>
      tpu.enqueue_dma source(%dma_start3A_80 : memref<25x80xi32, #tpu.memory_space<hbm>>) target(%dma_start3A_76 : memref<25x80xi32, #tpu.memory_space<vmem>>) target_semaphore(%run_scoped3A_67 : memref<!tpu.dma_semaphore, #tpu.memory_space<semaphore_mem>>)
      %dma_wait3A = arith.constant 25 : i32
      %dma_wait3A_81 = arith.constant 0 : i32
      %dma_wait3A_82 = tpu.memref_slice %arg6[%dma_wait3A, %dma_wait3A_81] : memref<125x80xi32, #tpu.memory_space<vmem>> -> memref<25x80xi32, #tpu.memory_space<vmem>>
      %dma_wait3A_83 = arith.constant 0 : i32
      %dma_wait3A_84 = arith.constant 0 : i32
      %dma_wait3A_85 = tpu.memref_slice %arg2[%run_scoped3A_38, %add3A, %run_scoped3A_39, %dma_wait3A_83, %dma_wait3A_84] : memref<2x32x5x25x80xi32, #tpu.memory_space<hbm>> -> memref<1x1x1x25x80xi32, #tpu.memory_space<hbm>>
      %dma_wait3A_86 = tpu.memref_squeeze %dma_wait3A_85 : memref<1x1x1x25x80xi32, #tpu.memory_space<hbm>> -> memref<25x80xi32, #tpu.memory_space<hbm>>
      %dma_wait3A_87 = arith.constant 25 : i32
      %dma_wait3A_88 = arith.constant 0 : i32
      %dma_wait3A_89 = tpu.memref_slice %arg6[%dma_wait3A_87, %dma_wait3A_88] : memref<125x80xi32, #tpu.memory_space<vmem>> -> memref<25x80xi32, #tpu.memory_space<vmem>>
      %dma_wait3A_90 = arith.constant 0 : i32
      %dma_wait3A_91 = arith.constant 0 : i32
      %dma_wait3A_92 = tpu.memref_slice %arg2[%run_scoped3A_38, %add3A, %run_scoped3A_39, %dma_wait3A_90, %dma_wait3A_91] : memref<2x32x5x25x80xi32, #tpu.memory_space<hbm>> -> memref<1x1x1x25x80xi32, #tpu.memory_space<hbm>>
      %dma_wait3A_93 = tpu.memref_squeeze %dma_wait3A_92 : memref<1x1x1x25x80xi32, #tpu.memory_space<hbm>> -> memref<25x80xi32, #tpu.memory_space<hbm>>
      tpu.wait_dma2 semaphore(%run_scoped3A_67 : memref<!tpu.dma_semaphore, #tpu.memory_space<semaphore_mem>>) src(%dma_wait3A_93 : memref<25x80xi32, #tpu.memory_space<hbm>>) dst(%dma_wait3A_89 : memref<25x80xi32, #tpu.memory_space<vmem>>)
      tpu.yield
    }) : () -> ()
    %run_scoped3A_40 = arith.constant 1 : i32
    %run_scoped3A_41 = arith.constant 2 : i32
    "tpu.region"() ({
      %run_scoped3A_67 = tpu.sem_alloc : memref<!tpu.dma_semaphore, #tpu.memory_space<semaphore_mem>>
      %dma_start3A = arith.constant 50 : i32
      %dma_start3A_68 = arith.constant 0 : i32
      %dma_start3A_69 = tpu.memref_slice %arg6[%dma_start3A, %dma_start3A_68] : memref<125x80xi32, #tpu.memory_space<vmem>> -> memref<25x80xi32, #tpu.memory_space<vmem>>
      %dma_start3A_70 = arith.constant 0 : i32
      %dma_start3A_71 = arith.constant 0 : i32
      %dma_start3A_72 = tpu.memref_slice %arg2[%run_scoped3A_40, %add3A, %run_scoped3A_41, %dma_start3A_70, %dma_start3A_71] : memref<2x32x5x25x80xi32, #tpu.memory_space<hbm>> -> memref<1x1x1x25x80xi32, #tpu.memory_space<hbm>>
      %dma_start3A_73 = tpu.memref_squeeze %dma_start3A_72 : memref<1x1x1x25x80xi32, #tpu.memory_space<hbm>> -> memref<25x80xi32, #tpu.memory_space<hbm>>
      %dma_start3A_74 = arith.constant 50 : i32
      %dma_start3A_75 = arith.constant 0 : i32
      %dma_start3A_76 = tpu.memref_slice %arg6[%dma_start3A_74, %dma_start3A_75] : memref<125x80xi32, #tpu.memory_space<vmem>> -> memref<25x80xi32, #tpu.memory_space<vmem>>
      %dma_start3A_77 = arith.constant 0 : i32
      %dma_start3A_78 = arith.constant 0 : i32
      %dma_start3A_79 = tpu.memref_slice %arg2[%run_scoped3A_40, %add3A, %run_scoped3A_41, %dma_start3A_77, %dma_start3A_78] : memref<2x32x5x25x80xi32, #tpu.memory_space<hbm>> -> memref<1x1x1x25x80xi32, #tpu.memory_space<hbm>>
      %dma_start3A_80 = tpu.memref_squeeze %dma_start3A_79 : memref<1x1x1x25x80xi32, #tpu.memory_space<hbm>> -> memref<25x80xi32, #tpu.memory_space<hbm>>
      tpu.enqueue_dma source(%dma_start3A_80 : memref<25x80xi32, #tpu.memory_space<hbm>>) target(%dma_start3A_76 : memref<25x80xi32, #tpu.memory_space<vmem>>) target_semaphore(%run_scoped3A_67 : memref<!tpu.dma_semaphore, #tpu.memory_space<semaphore_mem>>)
      %dma_wait3A = arith.constant 50 : i32
      %dma_wait3A_81 = arith.constant 0 : i32
      %dma_wait3A_82 = tpu.memref_slice %arg6[%dma_wait3A, %dma_wait3A_81] : memref<125x80xi32, #tpu.memory_space<vmem>> -> memref<25x80xi32, #tpu.memory_space<vmem>>
      %dma_wait3A_83 = arith.constant 0 : i32
      %dma_wait3A_84 = arith.constant 0 : i32
      %dma_wait3A_85 = tpu.memref_slice %arg2[%run_scoped3A_40, %add3A, %run_scoped3A_41, %dma_wait3A_83, %dma_wait3A_84] : memref<2x32x5x25x80xi32, #tpu.memory_space<hbm>> -> memref<1x1x1x25x80xi32, #tpu.memory_space<hbm>>
      %dma_wait3A_86 = tpu.memref_squeeze %dma_wait3A_85 : memref<1x1x1x25x80xi32, #tpu.memory_space<hbm>> -> memref<25x80xi32, #tpu.memory_space<hbm>>
      %dma_wait3A_87 = arith.constant 50 : i32
      %dma_wait3A_88 = arith.constant 0 : i32
      %dma_wait3A_89 = tpu.memref_slice %arg6[%dma_wait3A_87, %dma_wait3A_88] : memref<125x80xi32, #tpu.memory_space<vmem>> -> memref<25x80xi32, #tpu.memory_space<vmem>>
      %dma_wait3A_90 = arith.constant 0 : i32
      %dma_wait3A_91 = arith.constant 0 : i32
      %dma_wait3A_92 = tpu.memref_slice %arg2[%run_scoped3A_40, %add3A, %run_scoped3A_41, %dma_wait3A_90, %dma_wait3A_91] : memref<2x32x5x25x80xi32, #tpu.memory_space<hbm>> -> memref<1x1x1x25x80xi32, #tpu.memory_space<hbm>>
      %dma_wait3A_93 = tpu.memref_squeeze %dma_wait3A_92 : memref<1x1x1x25x80xi32, #tpu.memory_space<hbm>> -> memref<25x80xi32, #tpu.memory_space<hbm>>
      tpu.wait_dma2 semaphore(%run_scoped3A_67 : memref<!tpu.dma_semaphore, #tpu.memory_space<semaphore_mem>>) src(%dma_wait3A_93 : memref<25x80xi32, #tpu.memory_space<hbm>>) dst(%dma_wait3A_89 : memref<25x80xi32, #tpu.memory_space<vmem>>)
      tpu.yield
    }) : () -> ()
    %run_scoped3A_42 = arith.constant 1 : i32
    %run_scoped3A_43 = arith.constant 3 : i32
    "tpu.region"() ({
      %run_scoped3A_67 = tpu.sem_alloc : memref<!tpu.dma_semaphore, #tpu.memory_space<semaphore_mem>>
      %dma_start3A = arith.constant 75 : i32
      %dma_start3A_68 = arith.constant 0 : i32
      %dma_start3A_69 = tpu.memref_slice %arg6[%dma_start3A, %dma_start3A_68] : memref<125x80xi32, #tpu.memory_space<vmem>> -> memref<25x80xi32, #tpu.memory_space<vmem>>
      %dma_start3A_70 = arith.constant 0 : i32
      %dma_start3A_71 = arith.constant 0 : i32
      %dma_start3A_72 = tpu.memref_slice %arg2[%run_scoped3A_42, %add3A, %run_scoped3A_43, %dma_start3A_70, %dma_start3A_71] : memref<2x32x5x25x80xi32, #tpu.memory_space<hbm>> -> memref<1x1x1x25x80xi32, #tpu.memory_space<hbm>>
      %dma_start3A_73 = tpu.memref_squeeze %dma_start3A_72 : memref<1x1x1x25x80xi32, #tpu.memory_space<hbm>> -> memref<25x80xi32, #tpu.memory_space<hbm>>
      %dma_start3A_74 = arith.constant 75 : i32
      %dma_start3A_75 = arith.constant 0 : i32
      %dma_start3A_76 = tpu.memref_slice %arg6[%dma_start3A_74, %dma_start3A_75] : memref<125x80xi32, #tpu.memory_space<vmem>> -> memref<25x80xi32, #tpu.memory_space<vmem>>
      %dma_start3A_77 = arith.constant 0 : i32
      %dma_start3A_78 = arith.constant 0 : i32
      %dma_start3A_79 = tpu.memref_slice %arg2[%run_scoped3A_42, %add3A, %run_scoped3A_43, %dma_start3A_77, %dma_start3A_78] : memref<2x32x5x25x80xi32, #tpu.memory_space<hbm>> -> memref<1x1x1x25x80xi32, #tpu.memory_space<hbm>>
      %dma_start3A_80 = tpu.memref_squeeze %dma_start3A_79 : memref<1x1x1x25x80xi32, #tpu.memory_space<hbm>> -> memref<25x80xi32, #tpu.memory_space<hbm>>
      tpu.enqueue_dma source(%dma_start3A_80 : memref<25x80xi32, #tpu.memory_space<hbm>>) target(%dma_start3A_76 : memref<25x80xi32, #tpu.memory_space<vmem>>) target_semaphore(%run_scoped3A_67 : memref<!tpu.dma_semaphore, #tpu.memory_space<semaphore_mem>>)
      %dma_wait3A = arith.constant 75 : i32
      %dma_wait3A_81 = arith.constant 0 : i32
      %dma_wait3A_82 = tpu.memref_slice %arg6[%dma_wait3A, %dma_wait3A_81] : memref<125x80xi32, #tpu.memory_space<vmem>> -> memref<25x80xi32, #tpu.memory_space<vmem>>
      %dma_wait3A_83 = arith.constant 0 : i32
      %dma_wait3A_84 = arith.constant 0 : i32
      %dma_wait3A_85 = tpu.memref_slice %arg2[%run_scoped3A_42, %add3A, %run_scoped3A_43, %dma_wait3A_83, %dma_wait3A_84] : memref<2x32x5x25x80xi32, #tpu.memory_space<hbm>> -> memref<1x1x1x25x80xi32, #tpu.memory_space<hbm>>
      %dma_wait3A_86 = tpu.memref_squeeze %dma_wait3A_85 : memref<1x1x1x25x80xi32, #tpu.memory_space<hbm>> -> memref<25x80xi32, #tpu.memory_space<hbm>>
      %dma_wait3A_87 = arith.constant 75 : i32
      %dma_wait3A_88 = arith.constant 0 : i32
      %dma_wait3A_89 = tpu.memref_slice %arg6[%dma_wait3A_87, %dma_wait3A_88] : memref<125x80xi32, #tpu.memory_space<vmem>> -> memref<25x80xi32, #tpu.memory_space<vmem>>
      %dma_wait3A_90 = arith.constant 0 : i32
      %dma_wait3A_91 = arith.constant 0 : i32
      %dma_wait3A_92 = tpu.memref_slice %arg2[%run_scoped3A_42, %add3A, %run_scoped3A_43, %dma_wait3A_90, %dma_wait3A_91] : memref<2x32x5x25x80xi32, #tpu.memory_space<hbm>> -> memref<1x1x1x25x80xi32, #tpu.memory_space<hbm>>
      %dma_wait3A_93 = tpu.memref_squeeze %dma_wait3A_92 : memref<1x1x1x25x80xi32, #tpu.memory_space<hbm>> -> memref<25x80xi32, #tpu.memory_space<hbm>>
      tpu.wait_dma2 semaphore(%run_scoped3A_67 : memref<!tpu.dma_semaphore, #tpu.memory_space<semaphore_mem>>) src(%dma_wait3A_93 : memref<25x80xi32, #tpu.memory_space<hbm>>) dst(%dma_wait3A_89 : memref<25x80xi32, #tpu.memory_space<vmem>>)
      tpu.yield
    }) : () -> ()
    %run_scoped3A_44 = arith.constant 1 : i32
    %run_scoped3A_45 = arith.constant 4 : i32
    "tpu.region"() ({
      %run_scoped3A_67 = tpu.sem_alloc : memref<!tpu.dma_semaphore, #tpu.memory_space<semaphore_mem>>
      %dma_start3A = arith.constant 100 : i32
      %dma_start3A_68 = arith.constant 0 : i32
      %dma_start3A_69 = tpu.memref_slice %arg6[%dma_start3A, %dma_start3A_68] : memref<125x80xi32, #tpu.memory_space<vmem>> -> memref<25x80xi32, #tpu.memory_space<vmem>>
      %dma_start3A_70 = arith.constant 0 : i32
      %dma_start3A_71 = arith.constant 0 : i32
      %dma_start3A_72 = tpu.memref_slice %arg2[%run_scoped3A_44, %add3A, %run_scoped3A_45, %dma_start3A_70, %dma_start3A_71] : memref<2x32x5x25x80xi32, #tpu.memory_space<hbm>> -> memref<1x1x1x25x80xi32, #tpu.memory_space<hbm>>
      %dma_start3A_73 = tpu.memref_squeeze %dma_start3A_72 : memref<1x1x1x25x80xi32, #tpu.memory_space<hbm>> -> memref<25x80xi32, #tpu.memory_space<hbm>>
      %dma_start3A_74 = arith.constant 100 : i32
      %dma_start3A_75 = arith.constant 0 : i32
      %dma_start3A_76 = tpu.memref_slice %arg6[%dma_start3A_74, %dma_start3A_75] : memref<125x80xi32, #tpu.memory_space<vmem>> -> memref<25x80xi32, #tpu.memory_space<vmem>>
      %dma_start3A_77 = arith.constant 0 : i32
      %dma_start3A_78 = arith.constant 0 : i32
      %dma_start3A_79 = tpu.memref_slice %arg2[%run_scoped3A_44, %add3A, %run_scoped3A_45, %dma_start3A_77, %dma_start3A_78] : memref<2x32x5x25x80xi32, #tpu.memory_space<hbm>> -> memref<1x1x1x25x80xi32, #tpu.memory_space<hbm>>
      %dma_start3A_80 = tpu.memref_squeeze %dma_start3A_79 : memref<1x1x1x25x80xi32, #tpu.memory_space<hbm>> -> memref<25x80xi32, #tpu.memory_space<hbm>>
      tpu.enqueue_dma source(%dma_start3A_80 : memref<25x80xi32, #tpu.memory_space<hbm>>) target(%dma_start3A_76 : memref<25x80xi32, #tpu.memory_space<vmem>>) target_semaphore(%run_scoped3A_67 : memref<!tpu.dma_semaphore, #tpu.memory_space<semaphore_mem>>)
      %dma_wait3A = arith.constant 100 : i32
      %dma_wait3A_81 = arith.constant 0 : i32
      %dma_wait3A_82 = tpu.memref_slice %arg6[%dma_wait3A, %dma_wait3A_81] : memref<125x80xi32, #tpu.memory_space<vmem>> -> memref<25x80xi32, #tpu.memory_space<vmem>>
      %dma_wait3A_83 = arith.constant 0 : i32
      %dma_wait3A_84 = arith.constant 0 : i32
      %dma_wait3A_85 = tpu.memref_slice %arg2[%run_scoped3A_44, %add3A, %run_scoped3A_45, %dma_wait3A_83, %dma_wait3A_84] : memref<2x32x5x25x80xi32, #tpu.memory_space<hbm>> -> memref<1x1x1x25x80xi32, #tpu.memory_space<hbm>>
      %dma_wait3A_86 = tpu.memref_squeeze %dma_wait3A_85 : memref<1x1x1x25x80xi32, #tpu.memory_space<hbm>> -> memref<25x80xi32, #tpu.memory_space<hbm>>
      %dma_wait3A_87 = arith.constant 100 : i32
      %dma_wait3A_88 = arith.constant 0 : i32
      %dma_wait3A_89 = tpu.memref_slice %arg6[%dma_wait3A_87, %dma_wait3A_88] : memref<125x80xi32, #tpu.memory_space<vmem>> -> memref<25x80xi32, #tpu.memory_space<vmem>>
      %dma_wait3A_90 = arith.constant 0 : i32
      %dma_wait3A_91 = arith.constant 0 : i32
      %dma_wait3A_92 = tpu.memref_slice %arg2[%run_scoped3A_44, %add3A, %run_scoped3A_45, %dma_wait3A_90, %dma_wait3A_91] : memref<2x32x5x25x80xi32, #tpu.memory_space<hbm>> -> memref<1x1x1x25x80xi32, #tpu.memory_space<hbm>>
      %dma_wait3A_93 = tpu.memref_squeeze %dma_wait3A_92 : memref<1x1x1x25x80xi32, #tpu.memory_space<hbm>> -> memref<25x80xi32, #tpu.memory_space<hbm>>
      tpu.wait_dma2 semaphore(%run_scoped3A_67 : memref<!tpu.dma_semaphore, #tpu.memory_space<semaphore_mem>>) src(%dma_wait3A_93 : memref<25x80xi32, #tpu.memory_space<hbm>>) dst(%dma_wait3A_89 : memref<25x80xi32, #tpu.memory_space<vmem>>)
      tpu.yield
    }) : () -> ()
    %barrier3A = arith.constant 0 : index
    tpu.barrier barrier_id(%barrier3A)
    %scan3A_46 = arith.constant 0 : i32
    %scan3A_47 = arith.constant 0 : i32
    %scan3A_48 = arith.constant 125 : i32
    %scan3A_49 = arith.addi %scan3A_47, %scan3A_48 : i32
    %scan3A_50 = arith.constant 1 : i32
    %scan3A_51 = scf.for %scan3A_67 = %scan3A_47 to %scan3A_49 step %scan3A_50 iter_args(%scan3A_68 = %scan3A_46) -> (i32)  : i32 {
      %dma_start3A = arith.constant 0 : i32
      %dma_start3A_69 = tpu.memref_slice %arg7[%dma_start3A] : memref<80xf32, #tpu.memory_space<vmem>> -> memref<80xf32, #tpu.memory_space<vmem>>
      %dma_start3A_70 = arith.constant 0 : i32
      %dma_start3A_71 = tpu.memref_slice %arg6[%scan3A_67, %dma_start3A_70] : memref<125x80xi32, #tpu.memory_space<vmem>> -> memref<1x80xi32, #tpu.memory_space<vmem>>
      %dma_start3A_72 = tpu.memref_squeeze %dma_start3A_71 : memref<1x80xi32, #tpu.memory_space<vmem>> -> memref<80xi32, #tpu.memory_space<vmem>>
      %dma_start3A_73 = arith.constant 0 : i32
      %dma_start3A_74 = tpu.memref_slice %arg5[%dma_start3A_73] : memref<10240xf32, #tpu.memory_space<vmem_shared>> -> memref<10240xf32, #tpu.memory_space<vmem_shared>>
      tpu.enqueue_indirect_dma source(%dma_start3A_69 : memref<80xf32, #tpu.memory_space<vmem>>) target(%dma_start3A_74 : memref<10240xf32, #tpu.memory_space<vmem_shared>>) offsets(%dma_start3A_72 : memref<80xi32, #tpu.memory_space<vmem>>) semaphore(%arg9 : memref<!tpu.dma_semaphore, #tpu.memory_space<semaphore_mem>>) {add = true}
      %scan3A_75 = arith.constant 0 : i32
      scf.yield %scan3A_75 : i32
    }
    %scan3A_52 = arith.constant 125 : i32
    %scan3A_53 = arith.constant 0 : i32
    %scan3A_54 = arith.constant 0 : i32
    %scan3A_55 = arith.constant 125 : i32
    %scan3A_56 = arith.addi %scan3A_54, %scan3A_55 : i32
    %scan3A_57 = arith.constant 1 : i32
    %scan3A_58 = scf.for %scan3A_67 = %scan3A_54 to %scan3A_56 step %scan3A_57 iter_args(%scan3A_68 = %scan3A_53) -> (i32)  : i32 {
      %dma_wait3A = arith.constant 0 : i32
      %dma_wait3A_69 = arith.constant 0 : i32
      %dma_wait3A_70 = tpu.memref_slice %arg7[%dma_wait3A_69] : memref<80xf32, #tpu.memory_space<vmem>> -> memref<80xf32, #tpu.memory_space<vmem>>
      %dma_wait3A_71 = arith.constant 0 : i32
      %dma_wait3A_72 = tpu.memref_slice %arg6[%dma_wait3A, %dma_wait3A_71] : memref<125x80xi32, #tpu.memory_space<vmem>> -> memref<1x80xi32, #tpu.memory_space<vmem>>
      %dma_wait3A_73 = tpu.memref_squeeze %dma_wait3A_72 : memref<1x80xi32, #tpu.memory_space<vmem>> -> memref<80xi32, #tpu.memory_space<vmem>>
      %dma_wait3A_74 = arith.constant 0 : i32
      %dma_wait3A_75 = tpu.memref_slice %arg5[%dma_wait3A_74] : memref<10240xf32, #tpu.memory_space<vmem_shared>> -> memref<10240xf32, #tpu.memory_space<vmem_shared>>
      tpu.wait_indirect_dma semaphore(%arg9 : memref<!tpu.dma_semaphore, #tpu.memory_space<semaphore_mem>>) src(%dma_wait3A_70 : memref<80xf32, #tpu.memory_space<vmem>>) dst(%dma_wait3A_75 : memref<10240xf32, #tpu.memory_space<vmem_shared>>)
      %scan3A_76 = arith.constant 0 : i32
      scf.yield %scan3A_76 : i32
    }
    %scan3A_59 = arith.constant 125 : i32
    %barrier3A_60 = arith.constant 0 : index
    tpu.barrier barrier_id(%barrier3A_60)
    %eq3A = arith.constant 0 : i32
    %eq3A_61 = arith.cmpi eq, %arg0, %eq3A : i32
    %convert_element_type3A = arith.extui %eq3A_61 : i1 to i32
    %cond3A = arith.constant 0 : i32
    %cond3A_62 = arith.cmpi ne, %convert_element_type3A, %cond3A : i32
    scf.if %cond3A_62 {
      "tpu.region"() ({
        %run_scoped3A_67 = tpu.sem_alloc : memref<!tpu.dma_semaphore, #tpu.memory_space<semaphore_mem>>
        %dma_start3A = tpu.memref_slice %arg3[%mul3A_2] : memref<10240xf32, #tpu.memory_space<hbm>> -> memref<640xf32, #tpu.memory_space<hbm>>
        %dma_start3A_68 = tpu.memref_slice %arg5[%mul3A_2] : memref<10240xf32, #tpu.memory_space<vmem_shared>> -> memref<640xf32, #tpu.memory_space<vmem_shared>>
        tpu.enqueue_dma source(%dma_start3A_68 : memref<640xf32, #tpu.memory_space<vmem_shared>>) target(%dma_start3A : memref<640xf32, #tpu.memory_space<hbm>>) target_semaphore(%run_scoped3A_67 : memref<!tpu.dma_semaphore, #tpu.memory_space<semaphore_mem>>)
        %dma_wait3A = tpu.memref_slice %arg3[%mul3A_2] : memref<10240xf32, #tpu.memory_space<hbm>> -> memref<640xf32, #tpu.memory_space<hbm>>
        %dma_wait3A_69 = tpu.memref_slice %arg5[%mul3A_2] : memref<10240xf32, #tpu.memory_space<vmem_shared>> -> memref<640xf32, #tpu.memory_space<vmem_shared>>
        tpu.wait_dma2 semaphore(%run_scoped3A_67 : memref<!tpu.dma_semaphore, #tpu.memory_space<semaphore_mem>>) src(%dma_wait3A_69 : memref<640xf32, #tpu.memory_space<vmem_shared>>) dst(%dma_wait3A : memref<640xf32, #tpu.memory_space<hbm>>)
        tpu.yield
      }) : () -> ()
    } else {
    }
    %ne3A = arith.constant 0 : i32
    %ne3A_63 = arith.cmpi ne, %arg0, %ne3A : i32
    %convert_element_type3A_64 = arith.extui %ne3A_63 : i1 to i32
    %cond3A_65 = arith.constant 0 : i32
    %cond3A_66 = arith.cmpi ne, %convert_element_type3A_64, %cond3A_65 : i32
    scf.if %cond3A_66 {
      "tpu.region"() ({
        %run_scoped3A_67 = tpu.sem_alloc : memref<!tpu.dma_semaphore, #tpu.memory_space<semaphore_mem>>
        %dma_start3A = tpu.memref_slice %arg4[%mul3A_2] : memref<10240xf32, #tpu.memory_space<hbm>> -> memref<640xf32, #tpu.memory_space<hbm>>
        %dma_start3A_68 = tpu.memref_slice %arg5[%mul3A_2] : memref<10240xf32, #tpu.memory_space<vmem_shared>> -> memref<640xf32, #tpu.memory_space<vmem_shared>>
        tpu.enqueue_dma source(%dma_start3A_68 : memref<640xf32, #tpu.memory_space<vmem_shared>>) target(%dma_start3A : memref<640xf32, #tpu.memory_space<hbm>>) target_semaphore(%run_scoped3A_67 : memref<!tpu.dma_semaphore, #tpu.memory_space<semaphore_mem>>)
        %dma_wait3A = tpu.memref_slice %arg4[%mul3A_2] : memref<10240xf32, #tpu.memory_space<hbm>> -> memref<640xf32, #tpu.memory_space<hbm>>
        %dma_wait3A_69 = tpu.memref_slice %arg5[%mul3A_2] : memref<10240xf32, #tpu.memory_space<vmem_shared>> -> memref<640xf32, #tpu.memory_space<vmem_shared>>
        tpu.wait_dma2 semaphore(%run_scoped3A_67 : memref<!tpu.dma_semaphore, #tpu.memory_space<semaphore_mem>>) src(%dma_wait3A_69 : memref<640xf32, #tpu.memory_space<vmem_shared>>) dst(%dma_wait3A : memref<640xf32, #tpu.memory_space<hbm>>)
        tpu.yield
      }) : () -> ()
    } else {
    }
    return
  }
}

module attributes {stable_mosaic.version = 14 : i64} {
  func.func @_t1_body(%arg0: i32, %arg1: memref<1264x128xf32, #tpu.memory_space<vmem>>, %arg2: memref<128x128xf32, #tpu.memory_space<vmem>>, %arg3: memref<1264x1xf32, #tpu.memory_space<vmem>>, %arg4: memref<1264x128xf32, #tpu.memory_space<vmem>>) attributes {dimension_semantics = [#tpu.dimension_semantics<arbitrary>], iteration_bounds = array<i64: 8>, scalar_prefetch = 0 : i64, scratch_operands = 0 : i64, tpu.core_type = #tpu.core_type<tc>, window_params = [{transform_indices = @transform_0, window_bounds = array<i64: 1264, 128>}, {pipeline_mode = #tpu.pipeline_mode<synchronous>, transform_indices = @transform_1, window_bounds = array<i64: 128, 128>}, {transform_indices = @transform_2, window_bounds = array<i64: 1264, 1>}, {transform_indices = @transform_3, window_bounds = array<i64: 1264, 128>}]} {
    %get3A = arith.constant 0 : index
    %get3A_0 = arith.constant 0 : index
    %get3A_1 = vector.load %arg3[%get3A, %get3A_0] : memref<1264x1xf32, #tpu.memory_space<vmem>>, vector<1264x1xf32>
    %add3A = arith.constant 1.000000e+00 : f32
    %add3A_2 = vector.broadcast %add3A : f32 to vector<1264x1xf32>
    %add3A_3 = arith.addf %get3A_1, %add3A_2 : vector<1264x1xf32>
    %rsqrt3A = math.rsqrt %add3A_3 : vector<1264x1xf32>
    %get3A_4 = arith.constant 0 : index
    %get3A_5 = arith.constant 0 : index
    %get3A_6 = vector.load %arg1[%get3A_4, %get3A_5] : memref<1264x128xf32, #tpu.memory_space<vmem>>, vector<1264x128xf32>
    %get3A_7 = arith.constant 0 : index
    %get3A_8 = arith.constant 0 : index
    %get3A_9 = vector.load %arg2[%get3A_7, %get3A_8] : memref<128x128xf32, #tpu.memory_space<vmem>>, vector<128x128xf32>
    %dot_general3A = arith.constant dense<0.000000e+00> : vector<1264x128xf32>
    %dot_general3A_10 = tpu.matmul %get3A_6, %get3A_9, %dot_general3A {dimension_numbers = #tpu.dot_dimension_numbers<[1], [0], [0], [1], [0, 0, 1, 1], [], []>, transpose_lhs_hint = false} : vector<1264x128xf32>, vector<128x128xf32>, vector<1264x128xf32> -> vector<1264x128xf32>
    %mul3A = vector.broadcast %rsqrt3A : vector<1264x1xf32> to vector<1264x128xf32>
    %mul3A_11 = arith.mulf %mul3A, %dot_general3A_10 : vector<1264x128xf32>
    %swap3A = arith.constant 0 : index
    %swap3A_12 = arith.constant 0 : index
    %swap3A_13 = vector.load %arg4[%swap3A, %swap3A_12] : memref<1264x128xf32, #tpu.memory_space<vmem>>, vector<1264x128xf32>
    tpu.vector_store %arg4[%swap3A, %swap3A_12], %mul3A_11 {strides = array<i32>} : memref<1264x128xf32, #tpu.memory_space<vmem>>, vector<1264x128xf32>,
    return
  }
  func.func @transform_0(%arg0: i32) -> (i32, i32) {
    %c0_i32 = arith.constant 0 : i32
    %c0_i32_0 = arith.constant 0 : i32
    return %arg0, %c0_i32 : i32, i32
  }
  func.func @transform_1(%arg0: i32) -> (i32, i32) {
    %c0_i32 = arith.constant 0 : i32
    %c0_i32_0 = arith.constant 0 : i32
    %c0_i32_1 = arith.constant 0 : i32
    return %c0_i32, %c0_i32_0 : i32, i32
  }
  func.func @transform_2(%arg0: i32) -> (i32, i32) {
    %c0_i32 = arith.constant 0 : i32
    %c0_i32_0 = arith.constant 0 : i32
    return %arg0, %c0_i32 : i32, i32
  }
  func.func @transform_3(%arg0: i32) -> (i32, i32) {
    %c0_i32 = arith.constant 0 : i32
    %c0_i32_0 = arith.constant 0 : i32
    return %arg0, %c0_i32 : i32, i32
  }
}

module attributes {stable_mosaic.version = 14 : i64} {
  func.func @_t2_body(%arg0: i32, %arg1: memref<1264x128xf32, #tpu.memory_space<vmem>>, %arg2: memref<1264x128xf32, #tpu.memory_space<vmem>>, %arg3: memref<1264x1xf32, #tpu.memory_space<vmem>>, %arg4: memref<1x128xf32, #tpu.memory_space<vmem>>, %arg5: memref<128x128xf32, #tpu.memory_space<vmem>>, %arg6: memref<1264x128xf32, #tpu.memory_space<vmem>>) attributes {dimension_semantics = [#tpu.dimension_semantics<arbitrary>], iteration_bounds = array<i64: 8>, scalar_prefetch = 0 : i64, scratch_operands = 0 : i64, tpu.core_type = #tpu.core_type<tc>, window_params = [{transform_indices = @transform_0, window_bounds = array<i64: 1264, 128>}, {transform_indices = @transform_1, window_bounds = array<i64: 1264, 128>}, {transform_indices = @transform_2, window_bounds = array<i64: 1264, 1>}, {pipeline_mode = #tpu.pipeline_mode<synchronous>, transform_indices = @transform_3, window_bounds = array<i64: 1, 128>}, {pipeline_mode = #tpu.pipeline_mode<synchronous>, transform_indices = @transform_4, window_bounds = array<i64: 128, 128>}, {transform_indices = @transform_5, window_bounds = array<i64: 1264, 128>}]} {
    %get3A = arith.constant 0 : index
    %get3A_0 = arith.constant 0 : index
    %get3A_1 = vector.load %arg3[%get3A, %get3A_0] : memref<1264x1xf32, #tpu.memory_space<vmem>>, vector<1264x1xf32>
    %add3A = arith.constant 1.000000e+00 : f32
    %add3A_2 = vector.broadcast %add3A : f32 to vector<1264x1xf32>
    %add3A_3 = arith.addf %get3A_1, %add3A_2 : vector<1264x1xf32>
    %rsqrt3A = math.rsqrt %add3A_3 : vector<1264x1xf32>
    %get3A_4 = arith.constant 0 : index
    %get3A_5 = arith.constant 0 : index
    %get3A_6 = vector.load %arg1[%get3A_4, %get3A_5] : memref<1264x128xf32, #tpu.memory_space<vmem>>, vector<1264x128xf32>
    %get3A_7 = arith.constant 0 : index
    %get3A_8 = arith.constant 0 : index
    %get3A_9 = vector.load %arg2[%get3A_7, %get3A_8] : memref<1264x128xf32, #tpu.memory_space<vmem>>, vector<1264x128xf32>
    %add3A_10 = arith.addf %get3A_6, %get3A_9 : vector<1264x128xf32>
    %mul3A = vector.broadcast %rsqrt3A : vector<1264x1xf32> to vector<1264x128xf32>
    %mul3A_11 = arith.mulf %mul3A, %add3A_10 : vector<1264x128xf32>
    %get3A_12 = arith.constant 0 : index
    %get3A_13 = arith.constant 0 : index
    %get3A_14 = vector.load %arg4[%get3A_12, %get3A_13] : memref<1x128xf32, #tpu.memory_space<vmem>>, vector<1x128xf32>
    %add3A_15 = vector.broadcast %get3A_14 : vector<1x128xf32> to vector<1264x128xf32>
    %add3A_16 = arith.addf %mul3A_11, %add3A_15 : vector<1264x128xf32>
    %max3A = arith.constant 0.000000e+00 : f32
    %max3A_17 = vector.broadcast %max3A : f32 to vector<1264x128xf32>
    %max3A_18 = arith.maximumf %add3A_16, %max3A_17 : vector<1264x128xf32>
    %get3A_19 = arith.constant 0 : index
    %get3A_20 = arith.constant 0 : index
    %get3A_21 = vector.load %arg5[%get3A_19, %get3A_20] : memref<128x128xf32, #tpu.memory_space<vmem>>, vector<128x128xf32>
    %dot_general3A = arith.constant dense<0.000000e+00> : vector<1264x128xf32>
    %dot_general3A_22 = tpu.matmul %max3A_18, %get3A_21, %dot_general3A {dimension_numbers = #tpu.dot_dimension_numbers<[1], [0], [0], [1], [0, 0, 1, 1], [], []>, transpose_lhs_hint = false} : vector<1264x128xf32>, vector<128x128xf32>, vector<1264x128xf32> -> vector<1264x128xf32>
    %mul3A_23 = vector.broadcast %rsqrt3A : vector<1264x1xf32> to vector<1264x128xf32>
    %mul3A_24 = arith.mulf %mul3A_23, %dot_general3A_22 : vector<1264x128xf32>
    %swap3A = arith.constant 0 : index
    %swap3A_25 = arith.constant 0 : index
    %swap3A_26 = vector.load %arg6[%swap3A, %swap3A_25] : memref<1264x128xf32, #tpu.memory_space<vmem>>, vector<1264x128xf32>
    tpu.vector_store %arg6[%swap3A, %swap3A_25], %mul3A_24 {strides = array<i32>} : memref<1264x128xf32, #tpu.memory_space<vmem>>, vector<1264x128xf32>,
    return
  }
  func.func @transform_0(%arg0: i32) -> (i32, i32) {
    %c0_i32 = arith.constant 0 : i32
    %c0_i32_0 = arith.constant 0 : i32
    return %arg0, %c0_i32 : i32, i32
  }
  func.func @transform_1(%arg0: i32) -> (i32, i32) {
    %c0_i32 = arith.constant 0 : i32
    %c0_i32_0 = arith.constant 0 : i32
    return %arg0, %c0_i32 : i32, i32
  }
  func.func @transform_2(%arg0: i32) -> (i32, i32) {
    %c0_i32 = arith.constant 0 : i32
    %c0_i32_0 = arith.constant 0 : i32
    return %arg0, %c0_i32 : i32, i32
  }
  func.func @transform_3(%arg0: i32) -> (i32, i32) {
    %c0_i32 = arith.constant 0 : i32
    %c0_i32_0 = arith.constant 0 : i32
    %c0_i32_1 = arith.constant 0 : i32
    return %c0_i32, %c0_i32_0 : i32, i32
  }
  func.func @transform_4(%arg0: i32) -> (i32, i32) {
    %c0_i32 = arith.constant 0 : i32
    %c0_i32_0 = arith.constant 0 : i32
    %c0_i32_1 = arith.constant 0 : i32
    return %c0_i32, %c0_i32_0 : i32, i32
  }
  func.func @transform_5(%arg0: i32) -> (i32, i32) {
    %c0_i32 = arith.constant 0 : i32
    %c0_i32_0 = arith.constant 0 : i32
    return %arg0, %c0_i32 : i32, i32
  }
}

module attributes {stable_mosaic.version = 14 : i64} {
  func.func @_t3_body(%arg0: i32, %arg1: memref<1264x128xf32, #tpu.memory_space<vmem>>, %arg2: memref<1264x128xf32, #tpu.memory_space<vmem>>, %arg3: memref<1264x1xf32, #tpu.memory_space<vmem>>, %arg4: memref<1x128xf32, #tpu.memory_space<vmem>>, %arg5: memref<1264x128xf32, #tpu.memory_space<vmem>>) attributes {dimension_semantics = [#tpu.dimension_semantics<arbitrary>], iteration_bounds = array<i64: 8>, scalar_prefetch = 0 : i64, scratch_operands = 0 : i64, tpu.core_type = #tpu.core_type<tc>, window_params = [{transform_indices = @transform_0, window_bounds = array<i64: 1264, 128>}, {transform_indices = @transform_1, window_bounds = array<i64: 1264, 128>}, {transform_indices = @transform_2, window_bounds = array<i64: 1264, 1>}, {pipeline_mode = #tpu.pipeline_mode<synchronous>, transform_indices = @transform_3, window_bounds = array<i64: 1, 128>}, {transform_indices = @transform_4, window_bounds = array<i64: 1264, 128>}]} {
    %get3A = arith.constant 0 : index
    %get3A_0 = arith.constant 0 : index
    %get3A_1 = vector.load %arg3[%get3A, %get3A_0] : memref<1264x1xf32, #tpu.memory_space<vmem>>, vector<1264x1xf32>
    %add3A = arith.constant 1.000000e+00 : f32
    %add3A_2 = vector.broadcast %add3A : f32 to vector<1264x1xf32>
    %add3A_3 = arith.addf %get3A_1, %add3A_2 : vector<1264x1xf32>
    %rsqrt3A = math.rsqrt %add3A_3 : vector<1264x1xf32>
    %get3A_4 = arith.constant 0 : index
    %get3A_5 = arith.constant 0 : index
    %get3A_6 = vector.load %arg1[%get3A_4, %get3A_5] : memref<1264x128xf32, #tpu.memory_space<vmem>>, vector<1264x128xf32>
    %get3A_7 = arith.constant 0 : index
    %get3A_8 = arith.constant 0 : index
    %get3A_9 = vector.load %arg2[%get3A_7, %get3A_8] : memref<1264x128xf32, #tpu.memory_space<vmem>>, vector<1264x128xf32>
    %add3A_10 = arith.addf %get3A_6, %get3A_9 : vector<1264x128xf32>
    %mul3A = vector.broadcast %rsqrt3A : vector<1264x1xf32> to vector<1264x128xf32>
    %mul3A_11 = arith.mulf %mul3A, %add3A_10 : vector<1264x128xf32>
    %get3A_12 = arith.constant 0 : index
    %get3A_13 = arith.constant 0 : index
    %get3A_14 = vector.load %arg4[%get3A_12, %get3A_13] : memref<1x128xf32, #tpu.memory_space<vmem>>, vector<1x128xf32>
    %add3A_15 = vector.broadcast %get3A_14 : vector<1x128xf32> to vector<1264x128xf32>
    %add3A_16 = arith.addf %mul3A_11, %add3A_15 : vector<1264x128xf32>
    %swap3A = arith.constant 0 : index
    %swap3A_17 = arith.constant 0 : index
    %swap3A_18 = vector.load %arg5[%swap3A, %swap3A_17] : memref<1264x128xf32, #tpu.memory_space<vmem>>, vector<1264x128xf32>
    tpu.vector_store %arg5[%swap3A, %swap3A_17], %add3A_16 {strides = array<i32>} : memref<1264x128xf32, #tpu.memory_space<vmem>>, vector<1264x128xf32>,
    return
  }
  func.func @transform_0(%arg0: i32) -> (i32, i32) {
    %c0_i32 = arith.constant 0 : i32
    %c0_i32_0 = arith.constant 0 : i32
    return %arg0, %c0_i32 : i32, i32
  }
  func.func @transform_1(%arg0: i32) -> (i32, i32) {
    %c0_i32 = arith.constant 0 : i32
    %c0_i32_0 = arith.constant 0 : i32
    return %arg0, %c0_i32 : i32, i32
  }
  func.func @transform_2(%arg0: i32) -> (i32, i32) {
    %c0_i32 = arith.constant 0 : i32
    %c0_i32_0 = arith.constant 0 : i32
    return %arg0, %c0_i32 : i32, i32
  }
  func.func @transform_3(%arg0: i32) -> (i32, i32) {
    %c0_i32 = arith.constant 0 : i32
    %c0_i32_0 = arith.constant 0 : i32
    %c0_i32_1 = arith.constant 0 : i32
    return %c0_i32, %c0_i32_0 : i32, i32
  }
  func.func @transform_4(%arg0: i32) -> (i32, i32) {
    %c0_i32 = arith.constant 0 : i32
    %c0_i32_0 = arith.constant 0 : i32
    return %arg0, %c0_i32 : i32, i32
  }
}

</mosaic_0001>

<sc_bundles>
// kernel: kernel.11.cloned.1.call-start
scs
__scs_entry_jumppad:
0x0: {  	(pc) =	sbr.rel $0x88, $3  }
0x1: {  	(tag) =	ssettag $0x0;
	lr =	simm.s32 $0x1  }
0x2: {  	[smem:$0x3F9B] =	sst lr;
	_ =	strace $0xD0000000  }
0x3: {  	_ = 	snop  }
0x4: {  	_ = 	snop  }
0x5: {  	_ = 	snop  }
0x6: {  	_ = 	snop  }
0x7: {  	_ = 	snop  }
__scs_overlays_trampoline_lowered:
0x8: {  	[smem:$0x3FAA] =	sst s0  }
0x9: {  	[smem:$0x3FAB] =	sst s1  }
0xa: {  	[smem:$0x3FAC] =	sst s2  }
0xb: {  	[smem:$0x3FAD] =	sst s3  }
0xc: {  	[smem:$0x3FAE] =	sst s4  }
0xd: {  	[smem:$0x3FAF] =	sst s5  }
0xe: {  	[smem:$0x3FB0] =	sst s6  }
0xf: {  	[smem:$0x3FB1] =	sst s7  }
0x10: {  	[smem:$0x3FB2] =	sst s8  }
0x11: {  	[smem:$0x3FB3] =	sst s9;
	s0 =	simm.s32 @!p0 $0x0  }
0x12: {  	s1 =	sld [smem:$0x3F99];
	s0 =	simm.s32 @p0 $0x1  }
0x13: {  	[smem:$0x3FB4] =	sst s0;
	s0 =	simm.s32 @!p1 $0x0  }
0x14: {  	s2 =	sld [smem:$0x3F98];
	s0 =	simm.s32 @p1 $0x1  }
0x15: {  	[smem:$0x3FB5] =	sst s0;
	s0 =	simm.s32 @!p2 $0x0  }
0x16: {  	s3 =	sld [smem:$0x3FDB];
	s0 =	simm.s32 @p2 $0x1  }
0x17: {  	s4 =	simm.s32 $0x1BF5;
	[smem:$0x3FB7] =	sst s0  }
0x18: {  	s0 =	sld [smem:$0x3F9A];
	_ =	swait.ge [sflag:s4], $0x0  }
0x19: {  	s7 =	sld [smem:$0x3F9B]  }
0x1a: {  	s8 =	sadd.s32 $0xFFFFE003, lr  }
0x1b: {  	s9 =	sadd.s32 $0xFFFFFEF7, lr;
	s5 =	simm.s32 $0xFFFFFFFF;
	p2 =	slt.u32 s8, $0xFFFFF086  }
0x1c: {  	p1 =	slt.u32 s9, $0xF7A;
	s5 =	simm.s32 @!p2 $0x0  }
0x1d: {  	s5 =	simm.s32 @p1 $0x1;
	p0 =	seq.s32 s7, s2  }
0x1e: {  	s7 =	smul.u32 @!p0 $0xF7A, s2;
	p2 =	seq.s32 @!p0 s5, $0x0  }
0x1f: {  	s9 =	smul.u32 $0xF7A, s1;
	s8 =	simm.s32 @!p0 $0x1BF5;
	p2 =	por !p2, p0  }
0x20: {  	[sflag:s8] =	ssyncset.s32 @!p0 $0xFFFFF086;
	s6 =	sadd.s32 @!p0 s3, s7;
	s7 =	simm.s32 @!p0 $0x108  }
0x21: {  	s3 =	sadd.s32 s3, s9;
	s6 =	sadd.s32 @!p0 $0x88, s6;
	s7 =	simm.s32 @p2 $0x1082  }
0x22: {  	[simem:s7], [sflag:s8] =	dma.local @!p0 [hbm:s6], $0xF7A  }
0x23: {  	s9 =	sor.u32 $0xD0000000, s2;
	s6 =	simm.s32 $0x108;
	_ =	swait.ge @!p0 [sflag:s8], $0x0  }
0x24: {  	s3 =	sadd.s32 $0x88, s3;
	s6 =	simm.s32 @!p1 $0x1082;
	[sflag:s4] =	ssyncset.s32 $0xFFFFF086  }
0x25: {  	[simem:s6], [sflag:s4] =	dma.local [hbm:s3], $0xF7A  }
0x26: {  	[smem:$0x3F9B] =	sst s1;
	(tag) =	ssettag s2;
	_ =	strace s9  }
0x27: {  	s1 =	sld [smem:$0x3FAB]  }
0x28: {  	s2 =	sld [smem:$0x3FAC]  }
0x29: {  	s4 =	sld [smem:$0x3FAE]  }
0x2a: {  	p0 =	seq.s32 s5, $0x0;
	s5 =	sld [smem:$0x3FAF]  }
0x2b: {  	s6 =	sld [smem:$0x3FB0]  }
0x2c: {  	s7 =	sld [smem:$0x3FB1]  }
0x2d: {  	s3 =	simm.s32 $0x108;
	s8 =	sld [smem:$0x3FB2]  }
0x2e: {  	s3 =	simm.s32 @!p0 $0x1082;
	s9 =	sld [smem:$0x3FB3]  }
0x2f: {  	lr =	sadd.s32 s0, s3;
	s0 =	sld [smem:$0x3FAA]  }
0x30: {  	s3 =	sld [smem:$0x3FAD]  }
0x31: {  	[smem:$0x3FB6] =	sst s10  }
0x32: {  	s10 =	sld [smem:$0x3FB4];
	_ =	sdelay $0x3  }
0x33: {  	p0 =	seq.s32 s10, $0x1;
	s10 =	sld [smem:$0x3FB6];
	_ =	sdelay $0x3  }
0x34: {  	[smem:$0x3FB6] =	sst s10  }
0x35: {  	s10 =	sld [smem:$0x3FB5];
	_ =	sdelay $0x3  }
0x36: {  	p1 =	seq.s32 s10, $0x1;
	s10 =	sld [smem:$0x3FB6];
	_ =	sdelay $0x3  }
0x37: {  	[smem:$0x3FB6] =	sst s10  }
0x38: {  	s10 =	sld [smem:$0x3FB7]  }
0x39: {  	_ = 	snop;
	(pc) =	sbr.ind lr, $3  }
0x3a: {  	_ = 	snop  }
0x3b: {  	_ = 	snop  }
0x3c: {  	p2 =	seq.s32 s10, $0x1;
	s10 =	sld [smem:$0x3FB6]  }
0x3d: {  	_ =	shalt  }
0x3e: {  	_ =	shalt  }
0x3f: {  	_ =	shalt  }
0x40: {  	_ =	shalt  }
0x41: {  	_ =	shalt  }
0x42: {  	_ =	shalt  }
0x43: {  	_ =	shalt  }
0x44: {  	_ =	shalt  }
0x45: {  	_ =	shalt  }
0x46: {  	_ =	shalt  }
0x47: {  	_ =	shalt  }
0x48: {  	_ =	shalt  }
0x49: {  	_ =	shalt  }
0x4a: {  	_ =	shalt  }
0x4b: {  	_ =	shalt  }
0x4c: {  	_ =	shalt  }
0x4d: {  	_ =	shalt  }
0x4e: {  	_ =	shalt  }
0x4f: {  	_ =	shalt  }
0x50: {  	_ =	shalt  }
0x51: {  	_ =	shalt  }
0x52: {  	_ =	shalt  }
0x53: {  	_ =	shalt  }
0x54: {  	_ =	shalt  }
0x55: {  	_ =	shalt  }
0x56: {  	_ =	shalt  }
0x57: {  	_ =	shalt  }
0x58: {  	_ =	shalt  }
0x59: {  	_ =	shalt  }
0x5a: {  	_ =	shalt  }
0x5b: {  	_ =	shalt  }
0x5c: {  	_ =	shalt  }
0x5d: {  	_ =	shalt  }
0x5e: {  	_ =	shalt  }
0x5f: {  	_ =	shalt  }
0x60: {  	_ =	shalt  }
0x61: {  	_ =	shalt  }
0x62: {  	_ =	shalt  }
0x63: {  	_ =	shalt  }
0x64: {  	_ =	shalt  }
0x65: {  	_ =	shalt  }
0x66: {  	_ =	shalt  }
0x67: {  	_ =	shalt  }
0x68: {  	_ =	shalt  }
0x69: {  	_ =	shalt  }
0x6a: {  	_ =	shalt  }
0x6b: {  	_ =	shalt  }
0x6c: {  	_ =	shalt  }
0x6d: {  	_ =	shalt  }
0x6e: {  	_ =	shalt  }
0x6f: {  	_ =	shalt  }
0x70: {  	_ =	shalt  }
0x71: {  	_ =	shalt  }
0x72: {  	_ =	shalt  }
0x73: {  	_ =	shalt  }
0x74: {  	_ =	shalt  }
0x75: {  	_ =	shalt  }
0x76: {  	_ =	shalt  }
0x77: {  	_ =	shalt  }
0x78: {  	_ =	shalt  }
0x79: {  	_ =	shalt  }
0x7a: {  	_ =	shalt  }
0x7b: {  	_ =	shalt  }
0x7c: {  	_ =	shalt  }
0x7d: {  	_ =	shalt  }
0x7e: {  	_ =	shalt  }
0x7f: {  	_ =	shalt  }
0x80: {  	_ =	shalt  }
0x81: {  	_ =	shalt  }
0x82: {  	_ =	shalt  }
0x83: {  	_ =	shalt  }
0x84: {  	_ =	shalt  }
0x85: {  	_ =	shalt  }
0x86: {  	_ =	shalt  }
0x87: {  	_ =	shalt  }
.Lfunc_end0:
.L_simem_size_0:
called_computation.1_lowered:
.L_overlay_start_0:
0x88: {  	s2 =	sld [smem:$0x3FD9]  }
0x89: {  	s3 =	sld [smem:$0x3FFE];
	_ =	sdelay $0x1  }
0x8a: {  	s1 =	srdreg.scid  }
0x8b: {  	s0 =	sand.u32 $0x1, s1  }
0x8c: {  	s16 =	sshll.u32 s0, $0xA;
	s2 =	sadd.s32 s3, s2  }
0x8d: {  	s2 =	sadd.s32 s2, s16  }
0x8e: {  	[smem:$0x3FC2] =	sst s2  }
0x8f: {  	_ = 	snop  }
0x90: {  	(tm) =	ssettm $0x1  }
0x91: {  	s17 =	sld [smem:$0x3FFB];
	_ =	sdelay $0x3  }
0x92: {  	_ =	strace s17  }
0x93: {  	s2 =	sld [smem:$0x3FFC];
	_ =	sdelay $0x3  }
0x94: {  	_ =	strace s2  }
0x95: {  	s2 =	sld [smem:$0x3FFD];
	_ =	sdelay $0x3  }
0x96: {  	_ =	strace s2  }
0x97: {  	_ =	strace $0x8FFFFFFF  }
0x98: {  	s18 =	sld [smem:$0x3FDB];
	_ =	sdelay $0x1  }
0x99: {  	s19 =	simm.s32 $_scs_section_size  }
0x9a: {  	s4 =	simm.s32 $_size__tile_overlayer_lowered;
	s5 =	simm.s32 $_tile_overlayer_lowered  }
0x9b: {  	s22 =	simm.s32 $0x1BFF;
	s21 =	sshll.u32 s5, $0x1;
	s2 =	sadd.s32 s19, s18  }
0x9c: {  	s6 =	simm.s32 $0x0;
	s20 =	sshll.u32 s4, $0x1;
	s4 =	sadd.s32 s21, s2  }
0x9d: {  	[timem:s6], [sflag:s22] =	dma.local [hbm:s4], s20  }
0x9e: {  	_ =	swait.ge [sflag:s22], s20  }
0x9f: {  	s3 =	ssub.s32 $0x0, s20;
	[sflag:s22] =	ssyncset.done $0x0  }
0xa0: {  	[sflag:s22] =	ssyncadd.s32 s3;
	_ =	sdelay $0x1  }
0xa1: {  	s23 =	simm.s32 $0x1B8B  }
0xa2: {  	_ =	swait.ge [sflag:s23], $0x1  }
0xa3: {  	[sflag:s23] =	ssyncset.done $0x0  }
0xa4: {  	s25 =	simm.s32 $0x1B8E;
	s24 =	sld [smem:$0x3FFE];
	[sflag:s23] =	ssyncadd.s32 $0xFFFFFFFF  }
0xa5: {  	s26 =	simm.s32 $execute0_lowered;
	[smem:$0x3FD2] =	sst s25  }
0xa6: {  	s4 =	sshll.u32 s26, $0x1;
	_ =	strace $0x80000049;
	[dreg:$0x1] =	wrdreg $0xFFFFFFFF  }
0xa7: {  	s28 =	simm.s32 $_size_execute0_lowered;
	s2 =	sadd.s32 s2, s4;
	[dreg:$0x0] =	wrdreg $0x0  }
0xa8: {  	s4 =	sshll.u32 s28, $0x1;
	[dreg:$0x2] =	wrdreg s2  }
0xa9: {  	[dreg:$0x3] =	wrdreg s4  }
0xaa: {  	[dreg:$0x4] =	wrdreg $0xC0  }
0xab: {  	_ =	task [dreg:s6], $0x5FFFF  }
0xac: {  	[dreg:$0x1] =	wrdreg $0xFFFFFFFF  }
0xad: {  	[dreg:$0x0] =	wrdreg $0x60  }
0xae: {  	[dreg:$0x2] =	wrdreg s24  }
0xaf: {  	[dreg:$0x3] =	wrdreg $0x0  }
0xb0: {  	[dreg:$0x4] =	wrdreg $0x9  }
0xb1: {  	_ =	task.clear_ibuf [dreg:s6], $0x5FFFF;
	_ =	strace $0x90000049  }
0xb2: {  	s29 =	simm.s32 $0x9;
	_ =	strace $0x8000004B  }
0xb3: {  	_ =	swait.ge [sflag:s29], $0x1  }
0xb4: {  	[sflag:s29] =	ssyncadd.s32 $0xFFFFFFFF  }
0xb5: {  	_ =	strace $0x9000004B  }
0xb6: {  	_ =	sfence  }
0xb7: {  	s30 =	sld [smem:$0x0];
	_ =	sdelay $0x2  }
0xb8: {  	s31 =	sshll.u32 s1, $0xD;
	s1 =	sshrl.u32 s1, $0x2  }
0xb9: {  	s3 =	sand.u32 $0x4000, s31;
	s1 =	sadd.s32 s1, s30  }
0xba: {  	s0 =	sor.u32 s3, s0;
	s1 =	sshll.u32 s1, $0x11  }
0xbb: {  	s0 =	sor.u32 s1, s0  }
0xbc: {  	s0 =	sadd.s32 $0x8F2B, s0  }
0xbd: {  	[sflag:s0] =	ssyncadd.remote.s32 $0x1  }
0xbe: {  	_ =	sfence.sel $0xFFFF  }
0xbf: {  	[dreg:$0x0] =	wrdreg $0xFFFFFFFF;
	(pc) =	sbr.abs _section_cstart, $3  }
0xc0: {  	[dreg:$0x1] =	wrdreg $0xFFFFFFFF  }
0xc1: {  	_ =	task.clear_ibuf [dreg:s6], $0x2FFFF;
	_ =	strace $0x9FFFFFFF  }
0xc2: {  	(tm) =	ssettm $0x7FFFFFFF  }
0xc3: {  	_ =	shalt  }
tec
execute0_lowered:
.L_overlay_start_1:
0x0: {  	(tag) =	ssettag $0x1  }
0x1: {  	s0 =	rddreg [dreg:$0x0]  }
0x2: {  	s1 =	rddreg [dreg:$0x1]  }
0x3: {  	s2 =	simm.s32 $0x0;
	s24 =	srdreg.scid;
	s10 =	stileid.u32  }
0x4: {  	s29 =	simm.s32 $0x18400;
	s31 =	simm.s32 $0x1AC00;
	s30 =	simm.s32 $0x6  }
0x5: {  	s28 =	simm.s32 $0x15480;
	[smem:$0x7FF] =	sst s2;
	s6 =	smul.u32 $0x4F000, s10  }
0x6: {  	s2 =	sand.u32 $0x1, s24;
	s4 =	sadd.s32 $0x2B400, s0;
	s26 =	smul.u32 $0x2780, s10  }
0x7: {  	s5 =	sadd.s32 $0x3400, s0;
	s18 =	smul.u32 $0x5000, s10;
	s24 =	sshll.u32 s10, $0x6  }
0x8: {  	_ =	strace $0x8000004A;
	s3 =	ssub.s32 $0x2, s2;
	s8 =	sshll.u32 s2, $0x4  }
0x9: {  	p0 =	seq.s32 s2, $0x0;
	s16 =	smul.u32 $0x50000, s2;
	s7 =	sshrl.u32 s3, $0x1  }
0xa: {  	s25 =	sor.u32 s10, s8;
	s6 =	sshrl.u32 s6, $0x2;
	s19 =	sadd.s32 s4, s26  }
0xb: {  	s10 =	simm.s32 $0x3;
	s3 =	ssub.s32 s3, s7;
	s11 =	sadd.s32 s6, s1  }
0xc: {  	s7 =	smul.u32 $0x5000, s25;
	[dreg:$0xb] =	wrdreg s19;
	s8 =	sadd.s32 s18, s16  }
0xd: {  	s16 =	simm.s32 $0xA;
	s12 =	sadd.s32 $0x2800, s11;
	[dreg:$0x3] =	wrdreg s11  }
0xe: {  	s18 =	simm.s32 $0x14C00;
	s13 =	sadd.s32 $0x5000, s11;
	[dreg:$0x4] =	wrdreg s12  }
0xf: {  	s6 =	simm.s32 $0x7;
	s14 =	sadd.s32 $0x7800, s11;
	[dreg:$0x5] =	wrdreg s13  }
0x10: {  	s15 =	sadd.s32 $0xA000, s11;
	s9 =	sadd.s32 $0xC800, s11;
	[dreg:$0x6] =	wrdreg s14  }
0x11: {  	s17 =	sadd.s32 $0xF000, s11;
	s22 =	sadd.s32 $0xA1000, s8;
	[dreg:$0x7] =	wrdreg s15  }
0x12: {  	s3 =	smax.u32 s3, $0x1;
	s25 =	sadd.s32 $0x1000, s8;
	[dreg:$0x8] =	wrdreg s9  }
0x13: {  	s8 =	simm.s32 $0x2;
	[dreg:$0x9] =	wrdreg s17;
	s12 =	sadd.s32 $0x11800, s11  }
0x14: {  	s7 =	sshrl.u32 s7, $0x3;
	[dreg:$0xe] =	wrdreg s3;
	s23 =	sshrl.u32 s22, $0x3  }
0x15: {  	[dreg:$0x10] =	wrdreg s25;
	s25 =	simm.s32 $0x50;
	s14 =	simm.s32 $0x5  }
0x16: {  	s17 =	simm.s32 $0x8;
	s3 =	simm.s32 $0x0;
	s22 =	simm.s32 $0x14400  }
0x17: {  	s9 =	simm.s32 $0x14500;
	s13 =	simm.s32 $0x15400;
	[dreg:$0xa] =	wrdreg s12  }
0x18: {  	s20 =	sadd.s32 s5, s7;
	s7 =	simm.s32 $0x52C00;
	s19 =	sadd.s32 s23, s5  }
0x19: {  	s12 =	simm.s32 $0x4;
	s23 =	simm.s32 $0x14480;
	[dreg:$0xc] =	wrdreg s20  }
0x1a: {  	s21 =	sadd.s32 $0x14000, s20;
	s7 =	simm.s32 @!p0 $0x7A400;
	p0 =	sne.s32 s2, $0x0  }
0x1b: {  	s2 =	simm.s32 $0x1D400;
	s20 =	simm.s32 $0x15500;
	s0 =	sadd.s32 s7, s0  }
0x1c: {  	[dreg:$0xd] =	wrdreg s21;
	s7 =	simm.s32 $0x1;
	s0 =	sadd.s32 s0, s26  }
0x1d: {  	s21 =	simm.s32 $0x15380;
	s26 =	sshrl.u32 s11, $0x3;
	[dreg:$0xf] =	wrdreg s0  }
0x1e: {  	s11 =	simm.s32 $0x14580;
	s0 =	sor.u32 $0x1C0A, s24;
	[dreg:$0x12] =	wrdreg s26  }
0x1f: {  	v0 =	vimm.f32 $0.0e+00;
	s26 =	simm.s32 $0x15C00;
	s24 =	simm.s32 $0x14C80;
	[dreg:$0x11] =	wrdreg s0  }
.LBB2_1:
.Ltmp0:
0x20: {  	(pc) =	sbr.rel @p0 .LBB2_3-.Ltmp0, $2  }
0x21: {  	_ =	sdelay $0x2  }
0x22: {  	[dreg:$0x13] =	wrdreg s3  }
0x23: {  	s0 =	rddreg [dreg:$0xb]  }
0x24: {  	s3 =	rddreg [dreg:$0x11]  }
.Ltmp1:
0x25: {  	s15 =	rddreg [dreg:$0x12];
	(pc) =	sbr.rel .LBB2_6-.Ltmp1, $4  }
0x26: {  	[spmem:s15], [sflag:s3] =	dma.local [hbm:s0], $0x2780  }
0x27: {  	_ =	swait.ge [sflag:s16], $0x2780  }
0x28: {  	[sflag:s16] =	ssyncset.done $0x0  }
0x29: {  	[sflag:s16] =	ssyncadd.s32 $0xFFFFD880  }
.LBB2_3:
0x2a: {  	s3 =	simm.s32 $0x0  }
0x2b: {  	s0 =	sshra.s32 s3, $0x2;
	s3 =	sadd.s32 $0x200, s3  }
.LBB2_4:
0x2c: {  	p1 =	sne.s32 s3, $0x9E00;
	[tilespmem:s0+$0x15C70] =	vst v0  }
0x2d: {  	[tilespmem:s0+$0x15C00] =	vst v0  }
0x2e: {  	[tilespmem:s0+$0x15C10] =	vst v0  }
.Ltmp2:
0x2f: {  	[tilespmem:s0+$0x15C20] =	vst v0;
	(pc) =	sbr.rel @p1 .LBB2_4-.Ltmp2, $4  }
0x30: {  	[tilespmem:s0+$0x15C30] =	vst v0  }
0x31: {  	[tilespmem:s0+$0x15C40] =	vst v0  }
0x32: {  	[tilespmem:s0+$0x15C50] =	vst v0  }
0x33: {  	[tilespmem:s0+$0x15C60] =	vst v0;
	s0 =	sshra.s32 s3, $0x2;
	s3 =	sadd.s32 $0x200, s3  }
0x34: {  	[tilespmem:s0+$0x15C70] =	vst v0  }
0x35: {  	[tilespmem:s0+$0x15C00] =	vst v0  }
0x36: {  	[tilespmem:s0+$0x15C10] =	vst v0  }
0x37: {  	[tilespmem:s0+$0x15C20] =	vst v0  }
0x38: {  	[tilespmem:s0+$0x15C30] =	vst v0  }
0x39: {  	[tilespmem:s0+$0x15C40] =	vst v0  }
0x3a: {  	[tilespmem:s0+$0x15C50] =	vst v0  }
0x3b: {  	[tilespmem:s0+$0x15C60] =	vst v0;
	s3 =	rddreg [dreg:$0x3]  }
0x3c: {  	[spmem:s3] =	stream.linear.scatter [tilespmem:s26], [sflag:$0xA], $0x2800, $0x38;
	[tilespmem:$0x1FC00] =	vst v63  }
0x3d: {  	_ =	swait.ge [sflag:s16], $0x2800  }
0x3e: {  	[sflag:s16] =	ssyncset.done $0x0  }
0x3f: {  	s15 =	rddreg [dreg:$0x4];
	[sflag:s16] =	ssyncadd.s32 $0xFFFFD800  }
0x40: {  	[spmem:s15] =	stream.linear.scatter [tilespmem:s26], [sflag:$0xA], $0x2800, $0x38;
	[tilespmem:$0x1FC00] =	vst v63  }
0x41: {  	_ =	swait.ge [sflag:s16], $0x2800  }
0x42: {  	[sflag:s16] =	ssyncset.done $0x0  }
0x43: {  	s3 =	rddreg [dreg:$0x5];
	[sflag:s16] =	ssyncadd.s32 $0xFFFFD800  }
0x44: {  	[spmem:s3] =	stream.linear.scatter [tilespmem:s26], [sflag:$0xA], $0x2800, $0x38;
	[tilespmem:$0x1FC00] =	vst v63  }
0x45: {  	_ =	swait.ge [sflag:s16], $0x2800  }
0x46: {  	[sflag:s16] =	ssyncset.done $0x0  }
0x47: {  	s15 =	rddreg [dreg:$0x6];
	[sflag:s16] =	ssyncadd.s32 $0xFFFFD800  }
0x48: {  	[spmem:s15] =	stream.linear.scatter [tilespmem:s26], [sflag:$0xA], $0x2800, $0x38;
	[tilespmem:$0x1FC00] =	vst v63  }
0x49: {  	_ =	swait.ge [sflag:s16], $0x2800  }
0x4a: {  	[sflag:s16] =	ssyncset.done $0x0  }
0x4b: {  	s3 =	rddreg [dreg:$0x7];
	[sflag:s16] =	ssyncadd.s32 $0xFFFFD800  }
0x4c: {  	[spmem:s3] =	stream.linear.scatter [tilespmem:s26], [sflag:$0xA], $0x2800, $0x38;
	[tilespmem:$0x1FC00] =	vst v63  }
0x4d: {  	_ =	swait.ge [sflag:s16], $0x2800  }
0x4e: {  	[sflag:s16] =	ssyncset.done $0x0  }
0x4f: {  	s15 =	rddreg [dreg:$0x8];
	[sflag:s16] =	ssyncadd.s32 $0xFFFFD800  }
0x50: {  	[spmem:s15] =	stream.linear.scatter [tilespmem:s26], [sflag:$0xA], $0x2800, $0x38;
	[tilespmem:$0x1FC00] =	vst v63  }
0x51: {  	_ =	swait.ge [sflag:s16], $0x2800  }
0x52: {  	[sflag:s16] =	ssyncset.done $0x0  }
0x53: {  	s3 =	rddreg [dreg:$0x9];
	[sflag:s16] =	ssyncadd.s32 $0xFFFFD800  }
0x54: {  	[spmem:s3] =	stream.linear.scatter [tilespmem:s26], [sflag:$0xA], $0x2800, $0x38;
	[tilespmem:$0x1FC00] =	vst v63  }
0x55: {  	_ =	swait.ge [sflag:s16], $0x2800  }
0x56: {  	[sflag:s16] =	ssyncset.done $0x0  }
0x57: {  	s15 =	rddreg [dreg:$0xa];
	[sflag:s16] =	ssyncadd.s32 $0xFFFFD800  }
0x58: {  	[spmem:s15] =	stream.linear.scatter [tilespmem:s26], [sflag:$0xA], $0x2400, $0x38;
	[tilespmem:$0x1FC00] =	vst v63  }
0x59: {  	_ =	swait.ge [sflag:s16], $0x2400  }
0x5a: {  	[sflag:s16] =	ssyncset.done $0x0  }
0x5b: {  	[sflag:s16] =	ssyncadd.s32 $0xFFFFDC00  }
.LBB2_6:
0x5c: {  	[bflag:$0x0] =	sbarrier.arrive $0xFFFF  }
0x5d: {  	s0 =	simm.s32 $0x0;
	s15 =	simm.s32 $0x13C00;
	s3 =	rddreg [dreg:$0xc]  }
0x5e: {  	[tilespmem:s15], [sflag:$0xA] =	stream.linear.gather [hbm4b:s3+s0], $0xC80, $0x38;
	[tilespmem:$0x1FC00] =	vst v63  }
0x5f: {  	_ =	swait.ge [sflag:s16], $0xC80  }
0x60: {  	[sflag:s16] =	ssyncset.done $0x0  }
0x61: {  	[sflag:s16] =	ssyncadd.s32 $0xFFFFF380  }
0x62: {  	[tilespmem:s26], [sflag:$0x1] =	stream.indirect.gather [hbm4b:s4+s25], $0x80, s15, s25, $0xb8;
	[tilespmem:$0x1FC00] =	vst v63  }
0x63: {  	s15 =	simm.s32 $0x13C80  }
0x64: {  	[tilespmem:s29], [sflag:$0x2] =	stream.indirect.gather [hbm4b:s4+s25], $0x80, s15, s25, $0xb8;
	[tilespmem:$0x1FC00] =	vst v63  }
0x65: {  	s15 =	simm.s32 $0x13D00  }
0x66: {  	[tilespmem:s31], [sflag:$0x3] =	stream.indirect.gather [hbm4b:s4+s25], $0x80, s15, s25, $0xb8;
	[tilespmem:$0x1FC00] =	vst v63  }
0x67: {  	s15 =	simm.s32 $0x13D80  }
0x68: {  	[tilespmem:s2], [sflag:$0x4] =	stream.indirect.gather [hbm4b:s4+s25], $0x80, s15, s25, $0xb8;
	[tilespmem:$0x1FC00] =	vst v63  }
0x69: {  	s15 =	rddreg [dreg:$0xd]  }
0x6a: {  	[tilespmem:s18], [sflag:$0xA] =	stream.linear.gather [hbm4b:s15+s0], $0xC80, $0x38;
	[tilespmem:$0x1FC00] =	vst v63  }
0x6b: {  	_ =	swait.ge [sflag:s16], $0xC80  }
0x6c: {  	[sflag:s16] =	ssyncset.done $0x0  }
0x6d: {  	s3 =	rddreg [dreg:$0x10];
	[sflag:s16] =	ssyncadd.s32 $0xFFFFF380  }
.LBB2_7:
0x6e: {  	_ =	swait.ge [sflag:s7], $0x2800  }
0x6f: {  	[sflag:s7] =	ssyncset.done $0x0  }
0x70: {  	[sflag:s7] =	ssyncadd.s32 $0xFFFFD800  }
0x71: {  	[spmem:s1] =	stream.indirect.scatter.add.f32 [tilespmem:s26], [sflag:$0x5], $0x80, s18, s25, $0xb8;
	[tilespmem:$0x1FC00] =	vst v63  }
0x72: {  	_ =	swait.ge [sflag:s8], $0x2800  }
0x73: {  	[sflag:s8] =	ssyncset.done $0x0  }
0x74: {  	[sflag:s8] =	ssyncadd.s32 $0xFFFFD800  }
0x75: {  	[spmem:s1] =	stream.indirect.scatter.add.f32 [tilespmem:s29], [sflag:$0x6], $0x80, s24, s25, $0xb8;
	[tilespmem:$0x1FC00] =	vst v63  }
0x76: {  	_ =	swait.ge [sflag:s10], $0x2800  }
0x77: {  	[sflag:s10] =	ssyncset.done $0x0  }
0x78: {  	s15 =	simm.s32 $0x14D00;
	[sflag:s10] =	ssyncadd.s32 $0xFFFFD800  }
0x79: {  	[spmem:s1] =	stream.indirect.scatter.add.f32 [tilespmem:s31], [sflag:$0x7], $0x80, s15, s25, $0xb8;
	[tilespmem:$0x1FC00] =	vst v63  }
0x7a: {  	_ =	swait.ge [sflag:s12], $0x2800  }
0x7b: {  	[sflag:s12] =	ssyncset.done $0x0  }
0x7c: {  	s18 =	simm.s32 $0x14D80;
	[sflag:s12] =	ssyncadd.s32 $0xFFFFD800  }
0x7d: {  	[spmem:s1] =	stream.indirect.scatter.add.f32 [tilespmem:s2], [sflag:$0x8], $0x80, s18, s25, $0xb8;
	[tilespmem:$0x1FC00] =	vst v63  }
0x7e: {  	_ =	swait.ge [sflag:s14], $0x2800  }
0x7f: {  	[sflag:s14] =	ssyncset.done $0x0  }
0x80: {  	s24 =	simm.s32 $0x13E00;
	[sflag:s14] =	ssyncadd.s32 $0xFFFFD800  }
0x81: {  	[tilespmem:s26], [sflag:$0x1] =	stream.indirect.gather [hbm4b:s4+s25], $0x80, s24, s25, $0xb8;
	[tilespmem:$0x1FC00] =	vst v63  }
0x82: {  	_ =	swait.ge [sflag:s30], $0x2800  }
0x83: {  	[sflag:s30] =	ssyncset.done $0x0  }
0x84: {  	s16 =	simm.s32 $0x13E80;
	[sflag:s30] =	ssyncadd.s32 $0xFFFFD800  }
0x85: {  	[tilespmem:s29], [sflag:$0x2] =	stream.indirect.gather [hbm4b:s4+s25], $0x80, s16, s25, $0xb8;
	[tilespmem:$0x1FC00] =	vst v63  }
0x86: {  	_ =	swait.ge [sflag:s6], $0x2800  }
0x87: {  	[sflag:s6] =	ssyncset.done $0x0  }
0x88: {  	s18 =	simm.s32 $0x13F00;
	[sflag:s6] =	ssyncadd.s32 $0xFFFFD800  }
0x89: {  	[tilespmem:s31], [sflag:$0x3] =	stream.indirect.gather [hbm4b:s4+s25], $0x80, s18, s25, $0xb8;
	[tilespmem:$0x1FC00] =	vst v63  }
0x8a: {  	_ =	swait.ge [sflag:s17], $0x2800  }
0x8b: {  	[sflag:s17] =	ssyncset.done $0x0  }
0x8c: {  	s24 =	simm.s32 $0x13F80;
	[sflag:s17] =	ssyncadd.s32 $0xFFFFD800  }
0x8d: {  	[tilespmem:s2], [sflag:$0x4] =	stream.indirect.gather [hbm4b:s4+s25], $0x80, s24, s25, $0xb8;
	[tilespmem:$0x1FC00] =	vst v63  }
0x8e: {  	_ =	swait.ge [sflag:s7], $0x2800  }
0x8f: {  	[sflag:s7] =	ssyncset.done $0x0  }
0x90: {  	s16 =	simm.s32 $0x14E00;
	[sflag:s7] =	ssyncadd.s32 $0xFFFFD800  }
0x91: {  	[spmem:s1] =	stream.indirect.scatter.add.f32 [tilespmem:s26], [sflag:$0x5], $0x80, s16, s25, $0xb8;
	[tilespmem:$0x1FC00] =	vst v63  }
0x92: {  	_ =	swait.ge [sflag:s8], $0x2800  }
0x93: {  	[sflag:s8] =	ssyncset.done $0x0  }
0x94: {  	s18 =	simm.s32 $0x14E80;
	[sflag:s8] =	ssyncadd.s32 $0xFFFFD800  }
0x95: {  	[spmem:s1] =	stream.indirect.scatter.add.f32 [tilespmem:s29], [sflag:$0x6], $0x80, s18, s25, $0xb8;
	[tilespmem:$0x1FC00] =	vst v63  }
0x96: {  	_ =	swait.ge [sflag:s10], $0x2800  }
0x97: {  	[sflag:s10] =	ssyncset.done $0x0  }
0x98: {  	s24 =	simm.s32 $0x14F00;
	[sflag:s10] =	ssyncadd.s32 $0xFFFFD800  }
0x99: {  	[spmem:s1] =	stream.indirect.scatter.add.f32 [tilespmem:s31], [sflag:$0x7], $0x80, s24, s25, $0xb8;
	[tilespmem:$0x1FC00] =	vst v63  }
0x9a: {  	_ =	swait.ge [sflag:s12], $0x2800  }
0x9b: {  	[sflag:s12] =	ssyncset.done $0x0  }
0x9c: {  	s16 =	simm.s32 $0x14F80;
	[sflag:s12] =	ssyncadd.s32 $0xFFFFD800  }
0x9d: {  	[spmem:s1] =	stream.indirect.scatter.add.f32 [tilespmem:s2], [sflag:$0x8], $0x80, s16, s25, $0xb8;
	[tilespmem:$0x1FC00] =	vst v63  }
0x9e: {  	_ =	swait.ge [sflag:s14], $0x2800  }
0x9f: {  	[sflag:s14] =	ssyncset.done $0x0  }
0xa0: {  	s18 =	simm.s32 $0x14000;
	[sflag:s14] =	ssyncadd.s32 $0xFFFFD800  }
0xa1: {  	[tilespmem:s26], [sflag:$0x1] =	stream.indirect.gather [hbm4b:s4+s25], $0x80, s18, s25, $0xb8;
	[tilespmem:$0x1FC00] =	vst v63  }
0xa2: {  	_ =	swait.ge [sflag:s30], $0x2800  }
0xa3: {  	[sflag:s30] =	ssyncset.done $0x0  }
0xa4: {  	s24 =	simm.s32 $0x14080;
	[sflag:s30] =	ssyncadd.s32 $0xFFFFD800  }
0xa5: {  	[tilespmem:s29], [sflag:$0x2] =	stream.indirect.gather [hbm4b:s4+s25], $0x80, s24, s25, $0xb8;
	[tilespmem:$0x1FC00] =	vst v63  }
0xa6: {  	_ =	swait.ge [sflag:s6], $0x2800  }
0xa7: {  	[sflag:s6] =	ssyncset.done $0x0  }
0xa8: {  	s16 =	simm.s32 $0x14100;
	[sflag:s6] =	ssyncadd.s32 $0xFFFFD800  }
0xa9: {  	[tilespmem:s31], [sflag:$0x3] =	stream.indirect.gather [hbm4b:s4+s25], $0x80, s16, s25, $0xb8;
	[tilespmem:$0x1FC00] =	vst v63  }
0xaa: {  	_ =	swait.ge [sflag:s17], $0x2800  }
0xab: {  	[sflag:s17] =	ssyncset.done $0x0  }
0xac: {  	s18 =	simm.s32 $0x14180;
	[sflag:s17] =	ssyncadd.s32 $0xFFFFD800  }
0xad: {  	[tilespmem:s2], [sflag:$0x4] =	stream.indirect.gather [hbm4b:s4+s25], $0x80, s18, s25, $0xb8;
	[tilespmem:$0x1FC00] =	vst v63  }
0xae: {  	_ =	swait.ge [sflag:s7], $0x2800  }
0xaf: {  	[sflag:s7] =	ssyncset.done $0x0  }
0xb0: {  	s24 =	simm.s32 $0x15000;
	[sflag:s7] =	ssyncadd.s32 $0xFFFFD800  }
0xb1: {  	[spmem:s1] =	stream.indirect.scatter.add.f32 [tilespmem:s26], [sflag:$0x5], $0x80, s24, s25, $0xb8;
	[tilespmem:$0x1FC00] =	vst v63  }
0xb2: {  	_ =	swait.ge [sflag:s8], $0x2800  }
0xb3: {  	[sflag:s8] =	ssyncset.done $0x0  }
0xb4: {  	s16 =	simm.s32 $0x15080;
	[sflag:s8] =	ssyncadd.s32 $0xFFFFD800  }
0xb5: {  	[spmem:s1] =	stream.indirect.scatter.add.f32 [tilespmem:s29], [sflag:$0x6], $0x80, s16, s25, $0xb8;
	[tilespmem:$0x1FC00] =	vst v63  }
0xb6: {  	_ =	swait.ge [sflag:s10], $0x2800  }
0xb7: {  	[sflag:s10] =	ssyncset.done $0x0  }
0xb8: {  	s18 =	simm.s32 $0x15100;
	[sflag:s10] =	ssyncadd.s32 $0xFFFFD800  }
0xb9: {  	[spmem:s1] =	stream.indirect.scatter.add.f32 [tilespmem:s31], [sflag:$0x7], $0x80, s18, s25, $0xb8;
	[tilespmem:$0x1FC00] =	vst v63  }
0xba: {  	_ =	swait.ge [sflag:s12], $0x2800  }
0xbb: {  	[sflag:s12] =	ssyncset.done $0x0  }
0xbc: {  	s24 =	simm.s32 $0x15180;
	[sflag:s12] =	ssyncadd.s32 $0xFFFFD800  }
0xbd: {  	[spmem:s1] =	stream.indirect.scatter.add.f32 [tilespmem:s2], [sflag:$0x8], $0x80, s24, s25, $0xb8;
	[tilespmem:$0x1FC00] =	vst v63  }
0xbe: {  	_ =	swait.ge [sflag:s14], $0x2800  }
0xbf: {  	[sflag:s14] =	ssyncset.done $0x0  }
0xc0: {  	s16 =	simm.s32 $0x14200;
	[sflag:s14] =	ssyncadd.s32 $0xFFFFD800  }
0xc1: {  	[tilespmem:s26], [sflag:$0x1] =	stream.indirect.gather [hbm4b:s4+s25], $0x80, s16, s25, $0xb8;
	[tilespmem:$0x1FC00] =	vst v63  }
0xc2: {  	_ =	swait.ge [sflag:s30], $0x2800  }
0xc3: {  	[sflag:s30] =	ssyncset.done $0x0  }
0xc4: {  	s18 =	simm.s32 $0x14280;
	[sflag:s30] =	ssyncadd.s32 $0xFFFFD800  }
0xc5: {  	[tilespmem:s29], [sflag:$0x2] =	stream.indirect.gather [hbm4b:s4+s25], $0x80, s18, s25, $0xb8;
	[tilespmem:$0x1FC00] =	vst v63  }
0xc6: {  	_ =	swait.ge [sflag:s6], $0x2800  }
0xc7: {  	[sflag:s6] =	ssyncset.done $0x0  }
0xc8: {  	s24 =	simm.s32 $0x14300;
	[sflag:s6] =	ssyncadd.s32 $0xFFFFD800  }
0xc9: {  	[tilespmem:s31], [sflag:$0x3] =	stream.indirect.gather [hbm4b:s4+s25], $0x80, s24, s25, $0xb8;
	[tilespmem:$0x1FC00] =	vst v63  }
0xca: {  	_ =	swait.ge [sflag:s17], $0x2800  }
0xcb: {  	[sflag:s17] =	ssyncset.done $0x0  }
0xcc: {  	s16 =	simm.s32 $0x14380;
	[sflag:s17] =	ssyncadd.s32 $0xFFFFD800  }
0xcd: {  	[tilespmem:s2], [sflag:$0x4] =	stream.indirect.gather [hbm4b:s4+s25], $0x80, s16, s25, $0xb8;
	[tilespmem:$0x1FC00] =	vst v63  }
0xce: {  	_ =	swait.ge [sflag:s7], $0x2800  }
0xcf: {  	[sflag:s7] =	ssyncset.done $0x0  }
0xd0: {  	s18 =	simm.s32 $0x15200;
	[sflag:s7] =	ssyncadd.s32 $0xFFFFD800  }
0xd1: {  	[spmem:s1] =	stream.indirect.scatter.add.f32 [tilespmem:s26], [sflag:$0x5], $0x80, s18, s25, $0xb8;
	[tilespmem:$0x1FC00] =	vst v63  }
0xd2: {  	_ =	swait.ge [sflag:s8], $0x2800  }
0xd3: {  	[sflag:s8] =	ssyncset.done $0x0  }
0xd4: {  	s24 =	simm.s32 $0x15280;
	[sflag:s8] =	ssyncadd.s32 $0xFFFFD800  }
0xd5: {  	[spmem:s1] =	stream.indirect.scatter.add.f32 [tilespmem:s29], [sflag:$0x6], $0x80, s24, s25, $0xb8;
	[tilespmem:$0x1FC00] =	vst v63  }
0xd6: {  	_ =	swait.ge [sflag:s10], $0x2800  }
0xd7: {  	[sflag:s10] =	ssyncset.done $0x0  }
0xd8: {  	s16 =	simm.s32 $0x15300;
	[sflag:s10] =	ssyncadd.s32 $0xFFFFD800  }
0xd9: {  	[spmem:s1] =	stream.indirect.scatter.add.f32 [tilespmem:s31], [sflag:$0x7], $0x80, s16, s25, $0xb8;
	[tilespmem:$0x1FC00] =	vst v63  }
0xda: {  	_ =	swait.ge [sflag:s12], $0x2800  }
0xdb: {  	[sflag:s12] =	ssyncset.done $0x0  }
0xdc: {  	[sflag:s12] =	ssyncadd.s32 $0xFFFFD800  }
0xdd: {  	[spmem:s1] =	stream.indirect.scatter.add.f32 [tilespmem:s2], [sflag:$0x8], $0x80, s21, s25, $0xb8;
	[tilespmem:$0x1FC00] =	vst v63  }
0xde: {  	_ =	swait.ge [sflag:s14], $0x2800  }
0xdf: {  	[sflag:s14] =	ssyncset.done $0x0  }
0xe0: {  	[sflag:s14] =	ssyncadd.s32 $0xFFFFD800  }
0xe1: {  	[tilespmem:s26], [sflag:$0x1] =	stream.indirect.gather [hbm4b:s4+s25], $0x80, s22, s25, $0xb8;
	[tilespmem:$0x1FC00] =	vst v63  }
0xe2: {  	_ =	swait.ge [sflag:s30], $0x2800  }
0xe3: {  	[sflag:s30] =	ssyncset.done $0x0  }
0xe4: {  	[sflag:s30] =	ssyncadd.s32 $0xFFFFD800  }
0xe5: {  	[tilespmem:s29], [sflag:$0x2] =	stream.indirect.gather [hbm4b:s4+s25], $0x80, s23, s25, $0xb8;
	[tilespmem:$0x1FC00] =	vst v63  }
0xe6: {  	_ =	swait.ge [sflag:s6], $0x2800  }
0xe7: {  	[sflag:s6] =	ssyncset.done $0x0  }
0xe8: {  	[sflag:s6] =	ssyncadd.s32 $0xFFFFD800  }
0xe9: {  	[tilespmem:s31], [sflag:$0x3] =	stream.indirect.gather [hbm4b:s4+s25], $0x80, s9, s25, $0xb8;
	[tilespmem:$0x1FC00] =	vst v63  }
0xea: {  	_ =	swait.ge [sflag:s17], $0x2800  }
0xeb: {  	[sflag:s17] =	ssyncset.done $0x0  }
0xec: {  	[sflag:s17] =	ssyncadd.s32 $0xFFFFD800  }
0xed: {  	[tilespmem:s2], [sflag:$0x4] =	stream.indirect.gather [hbm4b:s4+s25], $0x80, s11, s25, $0xb8;
	[tilespmem:$0x1FC00] =	vst v63  }
0xee: {  	_ =	swait.ge [sflag:s7], $0x2800  }
0xef: {  	[sflag:s7] =	ssyncset.done $0x0  }
0xf0: {  	[sflag:s7] =	ssyncadd.s32 $0xFFFFD800  }
0xf1: {  	[spmem:s1] =	stream.indirect.scatter.add.f32 [tilespmem:s26], [sflag:$0x5], $0x80, s13, s25, $0xb8;
	[tilespmem:$0x1FC00] =	vst v63  }
0xf2: {  	_ =	swait.ge [sflag:s8], $0x2800  }
0xf3: {  	[sflag:s8] =	ssyncset.done $0x0  }
0xf4: {  	[sflag:s8] =	ssyncadd.s32 $0xFFFFD800  }
0xf5: {  	[spmem:s1] =	stream.indirect.scatter.add.f32 [tilespmem:s29], [sflag:$0x6], $0x80, s28, s25, $0xb8;
	[tilespmem:$0x1FC00] =	vst v63  }
0xf6: {  	_ =	swait.ge [sflag:s10], $0x2800  }
0xf7: {  	[sflag:s10] =	ssyncset.done $0x0  }
0xf8: {  	[sflag:s10] =	ssyncadd.s32 $0xFFFFD800  }
0xf9: {  	[spmem:s1] =	stream.indirect.scatter.add.f32 [tilespmem:s31], [sflag:$0x7], $0x80, s20, s25, $0xb8;
	[tilespmem:$0x1FC00] =	vst v63  }
0xfa: {  	_ =	swait.ge [sflag:s12], $0x2800  }
0xfb: {  	[sflag:s12] =	ssyncset.done $0x0  }
0xfc: {  	s18 =	simm.s32 $0x15580;
	[sflag:s12] =	ssyncadd.s32 $0xFFFFD800  }
0xfd: {  	[spmem:s1] =	stream.indirect.scatter.add.f32 [tilespmem:s2], [sflag:$0x8], $0x80, s18, s25, $0xb8;
	[tilespmem:$0x1FC00] =	vst v63  }
0xfe: {  	_ =	swait.ge [sflag:s14], $0x2800  }
0xff: {  	[sflag:s14] =	ssyncset.done $0x0  }
0x100: {  	s24 =	simm.s32 $0x14600;
	[sflag:s14] =	ssyncadd.s32 $0xFFFFD800  }
0x101: {  	[tilespmem:s26], [sflag:$0x1] =	stream.indirect.gather [hbm4b:s4+s25], $0x80, s24, s25, $0xb8;
	[tilespmem:$0x1FC00] =	vst v63  }
0x102: {  	_ =	swait.ge [sflag:s30], $0x2800  }
0x103: {  	[sflag:s30] =	ssyncset.done $0x0  }
0x104: {  	s16 =	simm.s32 $0x14680;
	[sflag:s30] =	ssyncadd.s32 $0xFFFFD800  }
0x105: {  	[tilespmem:s29], [sflag:$0x2] =	stream.indirect.gather [hbm4b:s4+s25], $0x80, s16, s25, $0xb8;
	[tilespmem:$0x1FC00] =	vst v63  }
0x106: {  	_ =	swait.ge [sflag:s6], $0x2800  }
0x107: {  	[sflag:s6] =	ssyncset.done $0x0  }
0x108: {  	s18 =	simm.s32 $0x14700;
	[sflag:s6] =	ssyncadd.s32 $0xFFFFD800  }
0x109: {  	[tilespmem:s31], [sflag:$0x3] =	stream.indirect.gather [hbm4b:s4+s25], $0x80, s18, s25, $0xb8;
	[tilespmem:$0x1FC00] =	vst v63  }
0x10a: {  	_ =	swait.ge [sflag:s17], $0x2800  }
0x10b: {  	[sflag:s17] =	ssyncset.done $0x0  }
0x10c: {  	s24 =	simm.s32 $0x14780;
	[sflag:s17] =	ssyncadd.s32 $0xFFFFD800  }
0x10d: {  	[tilespmem:s2], [sflag:$0x4] =	stream.indirect.gather [hbm4b:s4+s25], $0x80, s24, s25, $0xb8;
	[tilespmem:$0x1FC00] =	vst v63  }
0x10e: {  	_ =	swait.ge [sflag:s7], $0x2800  }
0x10f: {  	[sflag:s7] =	ssyncset.done $0x0  }
0x110: {  	s16 =	simm.s32 $0x15600;
	[sflag:s7] =	ssyncadd.s32 $0xFFFFD800  }
0x111: {  	[spmem:s1] =	stream.indirect.scatter.add.f32 [tilespmem:s26], [sflag:$0x5], $0x80, s16, s25, $0xb8;
	[tilespmem:$0x1FC00] =	vst v63  }
0x112: {  	_ =	swait.ge [sflag:s8], $0x2800  }
0x113: {  	[sflag:s8] =	ssyncset.done $0x0  }
0x114: {  	s18 =	simm.s32 $0x15680;
	[sflag:s8] =	ssyncadd.s32 $0xFFFFD800  }
0x115: {  	[spmem:s1] =	stream.indirect.scatter.add.f32 [tilespmem:s29], [sflag:$0x6], $0x80, s18, s25, $0xb8;
	[tilespmem:$0x1FC00] =	vst v63  }
0x116: {  	_ =	swait.ge [sflag:s10], $0x2800  }
0x117: {  	[sflag:s10] =	ssyncset.done $0x0  }
0x118: {  	s24 =	simm.s32 $0x15700;
	[sflag:s10] =	ssyncadd.s32 $0xFFFFD800  }
0x119: {  	[spmem:s1] =	stream.indirect.scatter.add.f32 [tilespmem:s31], [sflag:$0x7], $0x80, s24, s25, $0xb8;
	[tilespmem:$0x1FC00] =	vst v63  }
0x11a: {  	_ =	swait.ge [sflag:s12], $0x2800  }
0x11b: {  	[sflag:s12] =	ssyncset.done $0x0  }
0x11c: {  	s16 =	simm.s32 $0x15780;
	[sflag:s12] =	ssyncadd.s32 $0xFFFFD800  }
0x11d: {  	[spmem:s1] =	stream.indirect.scatter.add.f32 [tilespmem:s2], [sflag:$0x8], $0x80, s16, s25, $0xb8;
	[tilespmem:$0x1FC00] =	vst v63  }
0x11e: {  	_ =	swait.ge [sflag:s14], $0x2800  }
0x11f: {  	[sflag:s14] =	ssyncset.done $0x0  }
0x120: {  	s18 =	simm.s32 $0x14800;
	[sflag:s14] =	ssyncadd.s32 $0xFFFFD800  }
0x121: {  	[tilespmem:s26], [sflag:$0x1] =	stream.indirect.gather [hbm4b:s4+s25], $0x80, s18, s25, $0xb8;
	[tilespmem:$0x1FC00] =	vst v63  }
0x122: {  	_ =	swait.ge [sflag:s7], $0x2800  }
0x123: {  	p1 =	seq.s32 s0, $0x800;
	[sflag:s7] =	ssyncset.done $0x0  }
0x124: {  	s24 =	simm.s32 $0x15800;
	s16 =	sshrl.u32 @!p1 s3, $0x3;
	[sflag:s7] =	ssyncadd.s32 $0xFFFFD800  }
0x125: {  	[spmem:s1] =	stream.indirect.scatter.add.f32 [tilespmem:s26], [sflag:$0x5], $0x80, s24, s25, $0xb8;
	[tilespmem:$0x1FC00] =	vst v63  }
0x126: {  	s16 =	sadd.s32 @!p1 s5, s16;
	s18 =	simm.s32 @!p1 $0x0;
	s24 =	simm.s32 @!p1 $0x13C00  }
0x127: {  	[tilespmem:s24], [sflag:$0x9] =	stream.linear.gather @!p1 [hbm4b:s16+s18], $0xC80, $0x38;
	[tilespmem:$0x1FC00] =	vst v63  }
0x128: {  	_ =	swait.ge [sflag:s14], $0x2800  }
0x129: {  	[sflag:s14] =	ssyncset.done $0x0  }
0x12a: {  	[sflag:s14] =	ssyncadd.s32 $0xFFFFD800  }
0x12b: {  	_ =	swait.ge [sflag:s30], $0x2800  }
0x12c: {  	[sflag:s30] =	ssyncset.done $0x0  }
0x12d: {  	[sflag:s30] =	ssyncadd.s32 $0xFFFFD800  }
0x12e: {  	_ =	swait.ge [sflag:s6], $0x2800  }
0x12f: {  	[sflag:s6] =	ssyncset.done $0x0  }
0x130: {  	[sflag:s6] =	ssyncadd.s32 $0xFFFFD800  }
0x131: {  	_ =	swait.ge [sflag:s17], $0x2800  }
0x132: {  	[sflag:s17] =	ssyncset.done $0x0  }
0x133: {  	s16 =	simm.s32 @!p1 $0x9;
	[sflag:s17] =	ssyncadd.s32 $0xFFFFD800  }
0x134: {  	_ =	swait.ge @!p1 [sflag:s16], $0xC80  }
0x135: {  	[sflag:s16] =	ssyncset.done @!p1 $0x0  }
0x136: {  	s15 =	simm.s32 @!p1 $0x15C00;
	[sflag:s16] =	ssyncadd.s32 @!p1 $0xFFFFF380;
	s16 =	simm.s32 @!p1 $0x50  }
0x137: {  	[tilespmem:s15], [sflag:$0x1] =	stream.indirect.gather @!p1 [hbm4b:s4+s16], $0x80, s24, s16, $0xb8;
	[tilespmem:$0x1FC00] =	vst v63  }
0x138: {  	s15 =	simm.s32 @!p1 $0x13C80;
	s24 =	simm.s32 @!p1 $0x18400  }
0x139: {  	[tilespmem:s24], [sflag:$0x2] =	stream.indirect.gather @!p1 [hbm4b:s4+s16], $0x80, s15, s16, $0xb8;
	[tilespmem:$0x1FC00] =	vst v63  }
0x13a: {  	s15 =	simm.s32 @!p1 $0x13D00;
	s24 =	simm.s32 @!p1 $0x1AC00  }
0x13b: {  	[tilespmem:s24], [sflag:$0x3] =	stream.indirect.gather @!p1 [hbm4b:s4+s16], $0x80, s15, s16, $0xb8;
	[tilespmem:$0x1FC00] =	vst v63  }
0x13c: {  	s15 =	simm.s32 @!p1 $0x13D80;
	s24 =	simm.s32 @!p1 $0x1D400  }
0x13d: {  	[tilespmem:s24], [sflag:$0x4] =	stream.indirect.gather @!p1 [hbm4b:s4+s16], $0x80, s15, s16, $0xb8;
	[tilespmem:$0x1FC00] =	vst v63  }
0x13e: {  	s15 =	sadd.s32 @!p1 s0, s19;
	s0 =	sadd.s32 @!p1 $0x200, s0  }
0x13f: {  	s16 =	simm.s32 @!p1 $0x14C00;
	p2 =	sne.s32 @!p1 s0, $0xA00  }
0x140: {  	[tilespmem:s16], [sflag:$0xA] =	stream.linear.gather @!p1 [hbm4b:s15+s18], $0xC80, $0x38;
	[tilespmem:$0x1FC00] =	vst v63  }
0x141: {  	p2 =	por p1, !p2  }
.Ltmp3:
0x142: {  	_ = 	snop;
	(pc) =	sbr.rel @!p2 .LBB2_7-.Ltmp3, $4  }
0x143: {  	s15 =	simm.s32 @!p1 $0xA  }
0x144: {  	_ =	swait.ge @!p1 [sflag:s15], $0xC80  }
0x145: {  	s3 =	sadd.s32 @!p1 $0x1000, s3;
	[sflag:s15] =	ssyncset.done @!p1 $0x0  }
0x146: {  	s24 =	simm.s32 $0x14C80;
	s18 =	simm.s32 $0x14C00;
	[sflag:s15] =	ssyncadd.s32 @!p1 $0xFFFFF380  }
0x147: {  	[bflag:$0x0] =	sbarrier.arrive $0xFFFF  }
0x148: {  	s0 =	rddreg [dreg:$0xf]  }
0x149: {  	s3 =	rddreg [dreg:$0x11]  }
0x14a: {  	s16 =	simm.s32 $0xA;
	s15 =	rddreg [dreg:$0x12]  }
0x14b: {  	[hbm:s0], [sflag:s3] =	dma.local [spmem:s15], $0x2780  }
0x14c: {  	_ =	swait.ge [sflag:s16], $0x2780  }
0x14d: {  	s0 =	rddreg [dreg:$0x13]  }
0x14e: {  	s15 =	rddreg [dreg:$0xe];
	s3 =	sadd.s32 $0x1, s0  }
0x14f: {  	p1 =	sne.s32 s3, s15  }
.Ltmp4:
0x150: {  	_ = 	snop;
	(pc) =	sbr.rel @p1 .LBB2_1-.Ltmp4, $3  }
0x151: {  	_ =	sdelay $0x1  }
0x152: {  	[sflag:s16] =	ssyncset.done $0x0  }
0x153: {  	[sflag:s16] =	ssyncadd.s32 $0xFFFFD880  }
0x154: {  	_ =	sfence.sel $0x180000  }
0x155: {  	[bflag:$0x0] =	sbarrier.arrive $0xFFFF  }
0x156: {  	_ =	strace $0x9000004A  }
0x157: {  	s0 =	stileid.u32;
	[bflag:$0x2] =	sbarrier.arrive $0xFFFF  }
0x158: {  	p0 =	sne.s32 s0, $0x0;
	s0 =	rddreg [dreg:$0x2]  }
0x159: {  	s0 =	sadd.s32 @!p0 $0x100000, s0  }
0x15a: {  	[sflag:s0] =	ssyncadd.tile.s32 @!p0 $0x1;
	_ =	shalt  }
.Lfunc_end2:
_tile_overlayer_lowered:
.L_overlay_start_2:
0x15b: {  	(tag) =	ssettag $0x2  }
0x15c: {  	s0 =	rddreg [dreg:$0x0];
	s2 =	stileid.u32  }
0x15d: {  	s1 =	rddreg [dreg:$0x1];
	p0 =	sne.s32 s2, $0x0  }
0x15e: {  	s3 =	rddreg [dreg:$0x2];
	[bflag:$0x3] =	sbarrier.arrive $0xFFFF;
	s2 =	simm.s32 @!p0 $0x1C0A  }
0x15f: {  	[timem:s3], [sflag:s2] =	dma.local @!p0 [hbm:s0], s1  }
0x160: {  	s0 =	simm.s32 @!p0 $0xA  }
0x161: {  	_ =	swait.ge @!p0 [sflag:s0], s1  }
0x162: {  	s1 =	ssub.s32 @!p0 $0x0, s1;
	[sflag:s0] =	ssyncset.done @!p0 $0x0  }
0x163: {  	[sflag:s0] =	ssyncadd.s32 @!p0 s1  }
0x164: {  	[bflag:$0x3] =	sbarrier.arrive $0xFFFF  }
0x165: {  	_ =	shalt  }

// kernel: kernel.14.cloned.1.call-start
scs
__scs_entry_jumppad:
0x0: {  	(pc) =	sbr.rel $0x88, $3  }
0x1: {  	(tag) =	ssettag $0x0;
	lr =	simm.s32 $0x1  }
0x2: {  	[smem:$0x3F9B] =	sst lr;
	_ =	strace $0xD0000000  }
0x3: {  	_ = 	snop  }
0x4: {  	_ = 	snop  }
0x5: {  	_ = 	snop  }
0x6: {  	_ = 	snop  }
0x7: {  	_ = 	snop  }
__scs_overlays_trampoline_lowered:
0x8: {  	[smem:$0x3FAA] =	sst s0  }
0x9: {  	[smem:$0x3FAB] =	sst s1  }
0xa: {  	[smem:$0x3FAC] =	sst s2  }
0xb: {  	[smem:$0x3FAD] =	sst s3  }
0xc: {  	[smem:$0x3FAE] =	sst s4  }
0xd: {  	[smem:$0x3FAF] =	sst s5  }
0xe: {  	[smem:$0x3FB0] =	sst s6  }
0xf: {  	[smem:$0x3FB1] =	sst s7  }
0x10: {  	[smem:$0x3FB2] =	sst s8  }
0x11: {  	[smem:$0x3FB3] =	sst s9;
	s0 =	simm.s32 @!p0 $0x0  }
0x12: {  	s1 =	sld [smem:$0x3F99];
	s0 =	simm.s32 @p0 $0x1  }
0x13: {  	[smem:$0x3FB4] =	sst s0;
	s0 =	simm.s32 @!p1 $0x0  }
0x14: {  	s2 =	sld [smem:$0x3F98];
	s0 =	simm.s32 @p1 $0x1  }
0x15: {  	[smem:$0x3FB5] =	sst s0;
	s0 =	simm.s32 @!p2 $0x0  }
0x16: {  	s3 =	sld [smem:$0x3FDB];
	s0 =	simm.s32 @p2 $0x1  }
0x17: {  	s4 =	simm.s32 $0x1BF5;
	[smem:$0x3FB7] =	sst s0  }
0x18: {  	s0 =	sld [smem:$0x3F9A];
	_ =	swait.ge [sflag:s4], $0x0  }
0x19: {  	s7 =	sld [smem:$0x3F9B]  }
0x1a: {  	s8 =	sadd.s32 $0xFFFFE003, lr  }
0x1b: {  	s9 =	sadd.s32 $0xFFFFFEF7, lr;
	s5 =	simm.s32 $0xFFFFFFFF;
	p2 =	slt.u32 s8, $0xFFFFF086  }
0x1c: {  	p1 =	slt.u32 s9, $0xF7A;
	s5 =	simm.s32 @!p2 $0x0  }
0x1d: {  	s5 =	simm.s32 @p1 $0x1;
	p0 =	seq.s32 s7, s2  }
0x1e: {  	s7 =	smul.u32 @!p0 $0xF7A, s2;
	p2 =	seq.s32 @!p0 s5, $0x0  }
0x1f: {  	s9 =	smul.u32 $0xF7A, s1;
	s8 =	simm.s32 @!p0 $0x1BF5;
	p2 =	por !p2, p0  }
0x20: {  	[sflag:s8] =	ssyncset.s32 @!p0 $0xFFFFF086;
	s6 =	sadd.s32 @!p0 s3, s7;
	s7 =	simm.s32 @!p0 $0x108  }
0x21: {  	s3 =	sadd.s32 s3, s9;
	s6 =	sadd.s32 @!p0 $0x88, s6;
	s7 =	simm.s32 @p2 $0x1082  }
0x22: {  	[simem:s7], [sflag:s8] =	dma.local @!p0 [hbm:s6], $0xF7A  }
0x23: {  	s9 =	sor.u32 $0xD0000000, s2;
	s6 =	simm.s32 $0x108;
	_ =	swait.ge @!p0 [sflag:s8], $0x0  }
0x24: {  	s3 =	sadd.s32 $0x88, s3;
	s6 =	simm.s32 @!p1 $0x1082;
	[sflag:s4] =	ssyncset.s32 $0xFFFFF086  }
0x25: {  	[simem:s6], [sflag:s4] =	dma.local [hbm:s3], $0xF7A  }
0x26: {  	[smem:$0x3F9B] =	sst s1;
	(tag) =	ssettag s2;
	_ =	strace s9  }
0x27: {  	s1 =	sld [smem:$0x3FAB]  }
0x28: {  	s2 =	sld [smem:$0x3FAC]  }
0x29: {  	s4 =	sld [smem:$0x3FAE]  }
0x2a: {  	p0 =	seq.s32 s5, $0x0;
	s5 =	sld [smem:$0x3FAF]  }
0x2b: {  	s6 =	sld [smem:$0x3FB0]  }
0x2c: {  	s7 =	sld [smem:$0x3FB1]  }
0x2d: {  	s3 =	simm.s32 $0x108;
	s8 =	sld [smem:$0x3FB2]  }
0x2e: {  	s3 =	simm.s32 @!p0 $0x1082;
	s9 =	sld [smem:$0x3FB3]  }
0x2f: {  	lr =	sadd.s32 s0, s3;
	s0 =	sld [smem:$0x3FAA]  }
0x30: {  	s3 =	sld [smem:$0x3FAD]  }
0x31: {  	[smem:$0x3FB6] =	sst s10  }
0x32: {  	s10 =	sld [smem:$0x3FB4];
	_ =	sdelay $0x3  }
0x33: {  	p0 =	seq.s32 s10, $0x1;
	s10 =	sld [smem:$0x3FB6];
	_ =	sdelay $0x3  }
0x34: {  	[smem:$0x3FB6] =	sst s10  }
0x35: {  	s10 =	sld [smem:$0x3FB5];
	_ =	sdelay $0x3  }
0x36: {  	p1 =	seq.s32 s10, $0x1;
	s10 =	sld [smem:$0x3FB6];
	_ =	sdelay $0x3  }
0x37: {  	[smem:$0x3FB6] =	sst s10  }
0x38: {  	s10 =	sld [smem:$0x3FB7]  }
0x39: {  	_ = 	snop;
	(pc) =	sbr.ind lr, $3  }
0x3a: {  	_ = 	snop  }
0x3b: {  	_ = 	snop  }
0x3c: {  	p2 =	seq.s32 s10, $0x1;
	s10 =	sld [smem:$0x3FB6]  }
0x3d: {  	_ =	shalt  }
0x3e: {  	_ =	shalt  }
0x3f: {  	_ =	shalt  }
0x40: {  	_ =	shalt  }
0x41: {  	_ =	shalt  }
0x42: {  	_ =	shalt  }
0x43: {  	_ =	shalt  }
0x44: {  	_ =	shalt  }
0x45: {  	_ =	shalt  }
0x46: {  	_ =	shalt  }
0x47: {  	_ =	shalt  }
0x48: {  	_ =	shalt  }
0x49: {  	_ =	shalt  }
0x4a: {  	_ =	shalt  }
0x4b: {  	_ =	shalt  }
0x4c: {  	_ =	shalt  }
0x4d: {  	_ =	shalt  }
0x4e: {  	_ =	shalt  }
0x4f: {  	_ =	shalt  }
0x50: {  	_ =	shalt  }
0x51: {  	_ =	shalt  }
0x52: {  	_ =	shalt  }
0x53: {  	_ =	shalt  }
0x54: {  	_ =	shalt  }
0x55: {  	_ =	shalt  }
0x56: {  	_ =	shalt  }
0x57: {  	_ =	shalt  }
0x58: {  	_ =	shalt  }
0x59: {  	_ =	shalt  }
0x5a: {  	_ =	shalt  }
0x5b: {  	_ =	shalt  }
0x5c: {  	_ =	shalt  }
0x5d: {  	_ =	shalt  }
0x5e: {  	_ =	shalt  }
0x5f: {  	_ =	shalt  }
0x60: {  	_ =	shalt  }
0x61: {  	_ =	shalt  }
0x62: {  	_ =	shalt  }
0x63: {  	_ =	shalt  }
0x64: {  	_ =	shalt  }
0x65: {  	_ =	shalt  }
0x66: {  	_ =	shalt  }
0x67: {  	_ =	shalt  }
0x68: {  	_ =	shalt  }
0x69: {  	_ =	shalt  }
0x6a: {  	_ =	shalt  }
0x6b: {  	_ =	shalt  }
0x6c: {  	_ =	shalt  }
0x6d: {  	_ =	shalt  }
0x6e: {  	_ =	shalt  }
0x6f: {  	_ =	shalt  }
0x70: {  	_ =	shalt  }
0x71: {  	_ =	shalt  }
0x72: {  	_ =	shalt  }
0x73: {  	_ =	shalt  }
0x74: {  	_ =	shalt  }
0x75: {  	_ =	shalt  }
0x76: {  	_ =	shalt  }
0x77: {  	_ =	shalt  }
0x78: {  	_ =	shalt  }
0x79: {  	_ =	shalt  }
0x7a: {  	_ =	shalt  }
0x7b: {  	_ =	shalt  }
0x7c: {  	_ =	shalt  }
0x7d: {  	_ =	shalt  }
0x7e: {  	_ =	shalt  }
0x7f: {  	_ =	shalt  }
0x80: {  	_ =	shalt  }
0x81: {  	_ =	shalt  }
0x82: {  	_ =	shalt  }
0x83: {  	_ =	shalt  }
0x84: {  	_ =	shalt  }
0x85: {  	_ =	shalt  }
0x86: {  	_ =	shalt  }
0x87: {  	_ =	shalt  }
.Lfunc_end0:
.L_simem_size_0:
called_computation.2_lowered:
.L_overlay_start_0:
0x88: {  	s2 =	sld [smem:$0x3FD9]  }
0x89: {  	s3 =	sld [smem:$0x3FFE];
	_ =	sdelay $0x1  }
0x8a: {  	s1 =	srdreg.scid  }
0x8b: {  	s0 =	sand.u32 $0x1, s1  }
0x8c: {  	s16 =	sshll.u32 s0, $0xA;
	s2 =	sadd.s32 s3, s2  }
0x8d: {  	s2 =	sadd.s32 s2, s16  }
0x8e: {  	[smem:$0x3FC2] =	sst s2  }
0x8f: {  	_ = 	snop  }
0x90: {  	(tm) =	ssettm $0x1  }
0x91: {  	s17 =	sld [smem:$0x3FFB];
	_ =	sdelay $0x3  }
0x92: {  	_ =	strace s17  }
0x93: {  	s2 =	sld [smem:$0x3FFC];
	_ =	sdelay $0x3  }
0x94: {  	_ =	strace s2  }
0x95: {  	s2 =	sld [smem:$0x3FFD];
	_ =	sdelay $0x3  }
0x96: {  	_ =	strace s2  }
0x97: {  	_ =	strace $0x8FFFFFFF  }
0x98: {  	s18 =	sld [smem:$0x3FDB];
	_ =	sdelay $0x1  }
0x99: {  	s19 =	simm.s32 $_scs_section_size  }
0x9a: {  	s4 =	simm.s32 $_size__tile_overlayer_lowered;
	s5 =	simm.s32 $_tile_overlayer_lowered  }
0x9b: {  	s22 =	simm.s32 $0x1BFF;
	s21 =	sshll.u32 s5, $0x1;
	s2 =	sadd.s32 s19, s18  }
0x9c: {  	s6 =	simm.s32 $0x0;
	s20 =	sshll.u32 s4, $0x1;
	s4 =	sadd.s32 s21, s2  }
0x9d: {  	[timem:s6], [sflag:s22] =	dma.local [hbm:s4], s20  }
0x9e: {  	_ =	swait.ge [sflag:s22], s20  }
0x9f: {  	s3 =	ssub.s32 $0x0, s20;
	[sflag:s22] =	ssyncset.done $0x0  }
0xa0: {  	[sflag:s22] =	ssyncadd.s32 s3;
	_ =	sdelay $0x1  }
0xa1: {  	s23 =	simm.s32 $0x1B8B  }
0xa2: {  	_ =	swait.ge [sflag:s23], $0x1  }
0xa3: {  	[sflag:s23] =	ssyncset.done $0x0  }
0xa4: {  	s25 =	simm.s32 $0x1B8E;
	s24 =	sld [smem:$0x3FFE];
	[sflag:s23] =	ssyncadd.s32 $0xFFFFFFFF  }
0xa5: {  	s26 =	simm.s32 $execute0_lowered;
	[smem:$0x3FD2] =	sst s25  }
0xa6: {  	s4 =	sshll.u32 s26, $0x1;
	_ =	strace $0x8000004C;
	[dreg:$0x1] =	wrdreg $0xFFFFFFFF  }
0xa7: {  	s28 =	simm.s32 $_size_execute0_lowered;
	s2 =	sadd.s32 s2, s4;
	[dreg:$0x0] =	wrdreg $0x0  }
0xa8: {  	s4 =	sshll.u32 s28, $0x1;
	[dreg:$0x2] =	wrdreg s2  }
0xa9: {  	[dreg:$0x3] =	wrdreg s4  }
0xaa: {  	[dreg:$0x4] =	wrdreg $0xC0  }
0xab: {  	_ =	task [dreg:s6], $0x5FFFF  }
0xac: {  	[dreg:$0x1] =	wrdreg $0xFFFFFFFF  }
0xad: {  	[dreg:$0x0] =	wrdreg $0x60  }
0xae: {  	[dreg:$0x2] =	wrdreg s24  }
0xaf: {  	[dreg:$0x3] =	wrdreg $0x0  }
0xb0: {  	[dreg:$0x4] =	wrdreg $0x9  }
0xb1: {  	_ =	task.clear_ibuf [dreg:s6], $0x5FFFF;
	_ =	strace $0x9000004C  }
0xb2: {  	s29 =	simm.s32 $0x9;
	_ =	strace $0x8000004E  }
0xb3: {  	_ =	swait.ge [sflag:s29], $0x1  }
0xb4: {  	[sflag:s29] =	ssyncadd.s32 $0xFFFFFFFF  }
0xb5: {  	_ =	strace $0x9000004E  }
0xb6: {  	_ =	sfence  }
0xb7: {  	s30 =	sld [smem:$0x0];
	_ =	sdelay $0x2  }
0xb8: {  	s31 =	sshll.u32 s1, $0xD;
	s1 =	sshrl.u32 s1, $0x2  }
0xb9: {  	s3 =	sand.u32 $0x4000, s31;
	s1 =	sadd.s32 s1, s30  }
0xba: {  	s0 =	sor.u32 s3, s0;
	s1 =	sshll.u32 s1, $0x11  }
0xbb: {  	s0 =	sor.u32 s1, s0  }
0xbc: {  	s0 =	sadd.s32 $0x8F2B, s0  }
0xbd: {  	[sflag:s0] =	ssyncadd.remote.s32 $0x1  }
0xbe: {  	_ =	sfence.sel $0xFFFF  }
0xbf: {  	[dreg:$0x0] =	wrdreg $0xFFFFFFFF;
	(pc) =	sbr.abs _section_cstart, $3  }
0xc0: {  	[dreg:$0x1] =	wrdreg $0xFFFFFFFF  }
0xc1: {  	_ =	task.clear_ibuf [dreg:s6], $0x2FFFF;
	_ =	strace $0x9FFFFFFF  }
0xc2: {  	(tm) =	ssettm $0x7FFFFFFF  }
0xc3: {  	_ =	shalt  }
tec
execute0_lowered:
.L_overlay_start_1:
0x0: {  	(tag) =	ssettag $0x1  }
0x1: {  	s0 =	rddreg [dreg:$0x0]  }
0x2: {  	s1 =	rddreg [dreg:$0x1]  }
0x3: {  	s2 =	simm.s32 $0x0;
	s24 =	srdreg.scid;
	s10 =	stileid.u32  }
0x4: {  	s29 =	simm.s32 $0x18400;
	s31 =	simm.s32 $0x1AC00;
	s30 =	simm.s32 $0x6  }
0x5: {  	s28 =	simm.s32 $0x15480;
	[smem:$0x7FF] =	sst s2;
	s6 =	smul.u32 $0x4F000, s10  }
0x6: {  	s2 =	sand.u32 $0x1, s24;
	s4 =	sadd.s32 $0x2B400, s0;
	s26 =	smul.u32 $0x2780, s10  }
0x7: {  	s5 =	sadd.s32 $0x3400, s0;
	s18 =	smul.u32 $0x5000, s10;
	s24 =	sshll.u32 s10, $0x6  }
0x8: {  	_ =	strace $0x8000004D;
	s3 =	ssub.s32 $0x2, s2;
	s8 =	sshll.u32 s2, $0x4  }
0x9: {  	p0 =	seq.s32 s2, $0x0;
	s16 =	smul.u32 $0x50000, s2;
	s7 =	sshrl.u32 s3, $0x1  }
0xa: {  	s25 =	sor.u32 s10, s8;
	s6 =	sshrl.u32 s6, $0x2;
	s19 =	sadd.s32 s4, s26  }
0xb: {  	s10 =	simm.s32 $0x3;
	s3 =	ssub.s32 s3, s7;
	s11 =	sadd.s32 s6, s1  }
0xc: {  	s7 =	smul.u32 $0x5000, s25;
	[dreg:$0xb] =	wrdreg s19;
	s8 =	sadd.s32 s18, s16  }
0xd: {  	s16 =	simm.s32 $0xA;
	s12 =	sadd.s32 $0x2800, s11;
	[dreg:$0x3] =	wrdreg s11  }
0xe: {  	s18 =	simm.s32 $0x14C00;
	s13 =	sadd.s32 $0x5000, s11;
	[dreg:$0x4] =	wrdreg s12  }
0xf: {  	s6 =	simm.s32 $0x7;
	s14 =	sadd.s32 $0x7800, s11;
	[dreg:$0x5] =	wrdreg s13  }
0x10: {  	s15 =	sadd.s32 $0xA000, s11;
	s9 =	sadd.s32 $0xC800, s11;
	[dreg:$0x6] =	wrdreg s14  }
0x11: {  	s17 =	sadd.s32 $0xF000, s11;
	s22 =	sadd.s32 $0xA1000, s8;
	[dreg:$0x7] =	wrdreg s15  }
0x12: {  	s3 =	smax.u32 s3, $0x1;
	s25 =	sadd.s32 $0x1000, s8;
	[dreg:$0x8] =	wrdreg s9  }
0x13: {  	s8 =	simm.s32 $0x2;
	[dreg:$0x9] =	wrdreg s17;
	s12 =	sadd.s32 $0x11800, s11  }
0x14: {  	s7 =	sshrl.u32 s7, $0x3;
	[dreg:$0xe] =	wrdreg s3;
	s23 =	sshrl.u32 s22, $0x3  }
0x15: {  	[dreg:$0x10] =	wrdreg s25;
	s25 =	simm.s32 $0x50;
	s14 =	simm.s32 $0x5  }
0x16: {  	s17 =	simm.s32 $0x8;
	s3 =	simm.s32 $0x0;
	s22 =	simm.s32 $0x14400  }
0x17: {  	s9 =	simm.s32 $0x14500;
	s13 =	simm.s32 $0x15400;
	[dreg:$0xa] =	wrdreg s12  }
0x18: {  	s20 =	sadd.s32 s5, s7;
	s7 =	simm.s32 $0x52C00;
	s19 =	sadd.s32 s23, s5  }
0x19: {  	s12 =	simm.s32 $0x4;
	s23 =	simm.s32 $0x14480;
	[dreg:$0xc] =	wrdreg s20  }
0x1a: {  	s21 =	sadd.s32 $0x14000, s20;
	s7 =	simm.s32 @!p0 $0x7A400;
	p0 =	sne.s32 s2, $0x0  }
0x1b: {  	s2 =	simm.s32 $0x1D400;
	s20 =	simm.s32 $0x15500;
	s0 =	sadd.s32 s7, s0  }
0x1c: {  	[dreg:$0xd] =	wrdreg s21;
	s7 =	simm.s32 $0x1;
	s0 =	sadd.s32 s0, s26  }
0x1d: {  	s21 =	simm.s32 $0x15380;
	s26 =	sshrl.u32 s11, $0x3;
	[dreg:$0xf] =	wrdreg s0  }
0x1e: {  	s11 =	simm.s32 $0x14580;
	s0 =	sor.u32 $0x1C0A, s24;
	[dreg:$0x12] =	wrdreg s26  }
0x1f: {  	v0 =	vimm.f32 $0.0e+00;
	s26 =	simm.s32 $0x15C00;
	s24 =	simm.s32 $0x14C80;
	[dreg:$0x11] =	wrdreg s0  }
.LBB2_1:
.Ltmp0:
0x20: {  	(pc) =	sbr.rel @p0 .LBB2_3-.Ltmp0, $2  }
0x21: {  	_ =	sdelay $0x2  }
0x22: {  	[dreg:$0x13] =	wrdreg s3  }
0x23: {  	s0 =	rddreg [dreg:$0xb]  }
0x24: {  	s3 =	rddreg [dreg:$0x11]  }
.Ltmp1:
0x25: {  	s15 =	rddreg [dreg:$0x12];
	(pc) =	sbr.rel .LBB2_6-.Ltmp1, $4  }
0x26: {  	[spmem:s15], [sflag:s3] =	dma.local [hbm:s0], $0x2780  }
0x27: {  	_ =	swait.ge [sflag:s16], $0x2780  }
0x28: {  	[sflag:s16] =	ssyncset.done $0x0  }
0x29: {  	[sflag:s16] =	ssyncadd.s32 $0xFFFFD880  }
.LBB2_3:
0x2a: {  	s3 =	simm.s32 $0x0  }
0x2b: {  	s0 =	sshra.s32 s3, $0x2;
	s3 =	sadd.s32 $0x200, s3  }
.LBB2_4:
0x2c: {  	p1 =	sne.s32 s3, $0x9E00;
	[tilespmem:s0+$0x15C70] =	vst v0  }
0x2d: {  	[tilespmem:s0+$0x15C00] =	vst v0  }
0x2e: {  	[tilespmem:s0+$0x15C10] =	vst v0  }
.Ltmp2:
0x2f: {  	[tilespmem:s0+$0x15C20] =	vst v0;
	(pc) =	sbr.rel @p1 .LBB2_4-.Ltmp2, $4  }
0x30: {  	[tilespmem:s0+$0x15C30] =	vst v0  }
0x31: {  	[tilespmem:s0+$0x15C40] =	vst v0  }
0x32: {  	[tilespmem:s0+$0x15C50] =	vst v0  }
0x33: {  	[tilespmem:s0+$0x15C60] =	vst v0;
	s0 =	sshra.s32 s3, $0x2;
	s3 =	sadd.s32 $0x200, s3  }
0x34: {  	[tilespmem:s0+$0x15C70] =	vst v0  }
0x35: {  	[tilespmem:s0+$0x15C00] =	vst v0  }
0x36: {  	[tilespmem:s0+$0x15C10] =	vst v0  }
0x37: {  	[tilespmem:s0+$0x15C20] =	vst v0  }
0x38: {  	[tilespmem:s0+$0x15C30] =	vst v0  }
0x39: {  	[tilespmem:s0+$0x15C40] =	vst v0  }
0x3a: {  	[tilespmem:s0+$0x15C50] =	vst v0  }
0x3b: {  	[tilespmem:s0+$0x15C60] =	vst v0;
	s3 =	rddreg [dreg:$0x3]  }
0x3c: {  	[spmem:s3] =	stream.linear.scatter [tilespmem:s26], [sflag:$0xA], $0x2800, $0x38;
	[tilespmem:$0x1FC00] =	vst v63  }
0x3d: {  	_ =	swait.ge [sflag:s16], $0x2800  }
0x3e: {  	[sflag:s16] =	ssyncset.done $0x0  }
0x3f: {  	s15 =	rddreg [dreg:$0x4];
	[sflag:s16] =	ssyncadd.s32 $0xFFFFD800  }
0x40: {  	[spmem:s15] =	stream.linear.scatter [tilespmem:s26], [sflag:$0xA], $0x2800, $0x38;
	[tilespmem:$0x1FC00] =	vst v63  }
0x41: {  	_ =	swait.ge [sflag:s16], $0x2800  }
0x42: {  	[sflag:s16] =	ssyncset.done $0x0  }
0x43: {  	s3 =	rddreg [dreg:$0x5];
	[sflag:s16] =	ssyncadd.s32 $0xFFFFD800  }
0x44: {  	[spmem:s3] =	stream.linear.scatter [tilespmem:s26], [sflag:$0xA], $0x2800, $0x38;
	[tilespmem:$0x1FC00] =	vst v63  }
0x45: {  	_ =	swait.ge [sflag:s16], $0x2800  }
0x46: {  	[sflag:s16] =	ssyncset.done $0x0  }
0x47: {  	s15 =	rddreg [dreg:$0x6];
	[sflag:s16] =	ssyncadd.s32 $0xFFFFD800  }
0x48: {  	[spmem:s15] =	stream.linear.scatter [tilespmem:s26], [sflag:$0xA], $0x2800, $0x38;
	[tilespmem:$0x1FC00] =	vst v63  }
0x49: {  	_ =	swait.ge [sflag:s16], $0x2800  }
0x4a: {  	[sflag:s16] =	ssyncset.done $0x0  }
0x4b: {  	s3 =	rddreg [dreg:$0x7];
	[sflag:s16] =	ssyncadd.s32 $0xFFFFD800  }
0x4c: {  	[spmem:s3] =	stream.linear.scatter [tilespmem:s26], [sflag:$0xA], $0x2800, $0x38;
	[tilespmem:$0x1FC00] =	vst v63  }
0x4d: {  	_ =	swait.ge [sflag:s16], $0x2800  }
0x4e: {  	[sflag:s16] =	ssyncset.done $0x0  }
0x4f: {  	s15 =	rddreg [dreg:$0x8];
	[sflag:s16] =	ssyncadd.s32 $0xFFFFD800  }
0x50: {  	[spmem:s15] =	stream.linear.scatter [tilespmem:s26], [sflag:$0xA], $0x2800, $0x38;
	[tilespmem:$0x1FC00] =	vst v63  }
0x51: {  	_ =	swait.ge [sflag:s16], $0x2800  }
0x52: {  	[sflag:s16] =	ssyncset.done $0x0  }
0x53: {  	s3 =	rddreg [dreg:$0x9];
	[sflag:s16] =	ssyncadd.s32 $0xFFFFD800  }
0x54: {  	[spmem:s3] =	stream.linear.scatter [tilespmem:s26], [sflag:$0xA], $0x2800, $0x38;
	[tilespmem:$0x1FC00] =	vst v63  }
0x55: {  	_ =	swait.ge [sflag:s16], $0x2800  }
0x56: {  	[sflag:s16] =	ssyncset.done $0x0  }
0x57: {  	s15 =	rddreg [dreg:$0xa];
	[sflag:s16] =	ssyncadd.s32 $0xFFFFD800  }
0x58: {  	[spmem:s15] =	stream.linear.scatter [tilespmem:s26], [sflag:$0xA], $0x2400, $0x38;
	[tilespmem:$0x1FC00] =	vst v63  }
0x59: {  	_ =	swait.ge [sflag:s16], $0x2400  }
0x5a: {  	[sflag:s16] =	ssyncset.done $0x0  }
0x5b: {  	[sflag:s16] =	ssyncadd.s32 $0xFFFFDC00  }
.LBB2_6:
0x5c: {  	[bflag:$0x0] =	sbarrier.arrive $0xFFFF  }
0x5d: {  	s0 =	simm.s32 $0x0;
	s15 =	simm.s32 $0x13C00;
	s3 =	rddreg [dreg:$0xc]  }
0x5e: {  	[tilespmem:s15], [sflag:$0xA] =	stream.linear.gather [hbm4b:s3+s0], $0xC80, $0x38;
	[tilespmem:$0x1FC00] =	vst v63  }
0x5f: {  	_ =	swait.ge [sflag:s16], $0xC80  }
0x60: {  	[sflag:s16] =	ssyncset.done $0x0  }
0x61: {  	[sflag:s16] =	ssyncadd.s32 $0xFFFFF380  }
0x62: {  	[tilespmem:s26], [sflag:$0x1] =	stream.indirect.gather [hbm4b:s4+s25], $0x80, s15, s25, $0xb8;
	[tilespmem:$0x1FC00] =	vst v63  }
0x63: {  	s15 =	simm.s32 $0x13C80  }
0x64: {  	[tilespmem:s29], [sflag:$0x2] =	stream.indirect.gather [hbm4b:s4+s25], $0x80, s15, s25, $0xb8;
	[tilespmem:$0x1FC00] =	vst v63  }
0x65: {  	s15 =	simm.s32 $0x13D00  }
0x66: {  	[tilespmem:s31], [sflag:$0x3] =	stream.indirect.gather [hbm4b:s4+s25], $0x80, s15, s25, $0xb8;
	[tilespmem:$0x1FC00] =	vst v63  }
0x67: {  	s15 =	simm.s32 $0x13D80  }
0x68: {  	[tilespmem:s2], [sflag:$0x4] =	stream.indirect.gather [hbm4b:s4+s25], $0x80, s15, s25, $0xb8;
	[tilespmem:$0x1FC00] =	vst v63  }
0x69: {  	s15 =	rddreg [dreg:$0xd]  }
0x6a: {  	[tilespmem:s18], [sflag:$0xA] =	stream.linear.gather [hbm4b:s15+s0], $0xC80, $0x38;
	[tilespmem:$0x1FC00] =	vst v63  }
0x6b: {  	_ =	swait.ge [sflag:s16], $0xC80  }
0x6c: {  	[sflag:s16] =	ssyncset.done $0x0  }
0x6d: {  	s3 =	rddreg [dreg:$0x10];
	[sflag:s16] =	ssyncadd.s32 $0xFFFFF380  }
.LBB2_7:
0x6e: {  	_ =	swait.ge [sflag:s7], $0x2800  }
0x6f: {  	[sflag:s7] =	ssyncset.done $0x0  }
0x70: {  	[sflag:s7] =	ssyncadd.s32 $0xFFFFD800  }
0x71: {  	[spmem:s1] =	stream.indirect.scatter.add.f32 [tilespmem:s26], [sflag:$0x5], $0x80, s18, s25, $0xb8;
	[tilespmem:$0x1FC00] =	vst v63  }
0x72: {  	_ =	swait.ge [sflag:s8], $0x2800  }
0x73: {  	[sflag:s8] =	ssyncset.done $0x0  }
0x74: {  	[sflag:s8] =	ssyncadd.s32 $0xFFFFD800  }
0x75: {  	[spmem:s1] =	stream.indirect.scatter.add.f32 [tilespmem:s29], [sflag:$0x6], $0x80, s24, s25, $0xb8;
	[tilespmem:$0x1FC00] =	vst v63  }
0x76: {  	_ =	swait.ge [sflag:s10], $0x2800  }
0x77: {  	[sflag:s10] =	ssyncset.done $0x0  }
0x78: {  	s15 =	simm.s32 $0x14D00;
	[sflag:s10] =	ssyncadd.s32 $0xFFFFD800  }
0x79: {  	[spmem:s1] =	stream.indirect.scatter.add.f32 [tilespmem:s31], [sflag:$0x7], $0x80, s15, s25, $0xb8;
	[tilespmem:$0x1FC00] =	vst v63  }
0x7a: {  	_ =	swait.ge [sflag:s12], $0x2800  }
0x7b: {  	[sflag:s12] =	ssyncset.done $0x0  }
0x7c: {  	s18 =	simm.s32 $0x14D80;
	[sflag:s12] =	ssyncadd.s32 $0xFFFFD800  }
0x7d: {  	[spmem:s1] =	stream.indirect.scatter.add.f32 [tilespmem:s2], [sflag:$0x8], $0x80, s18, s25, $0xb8;
	[tilespmem:$0x1FC00] =	vst v63  }
0x7e: {  	_ =	swait.ge [sflag:s14], $0x2800  }
0x7f: {  	[sflag:s14] =	ssyncset.done $0x0  }
0x80: {  	s24 =	simm.s32 $0x13E00;
	[sflag:s14] =	ssyncadd.s32 $0xFFFFD800  }
0x81: {  	[tilespmem:s26], [sflag:$0x1] =	stream.indirect.gather [hbm4b:s4+s25], $0x80, s24, s25, $0xb8;
	[tilespmem:$0x1FC00] =	vst v63  }
0x82: {  	_ =	swait.ge [sflag:s30], $0x2800  }
0x83: {  	[sflag:s30] =	ssyncset.done $0x0  }
0x84: {  	s16 =	simm.s32 $0x13E80;
	[sflag:s30] =	ssyncadd.s32 $0xFFFFD800  }
0x85: {  	[tilespmem:s29], [sflag:$0x2] =	stream.indirect.gather [hbm4b:s4+s25], $0x80, s16, s25, $0xb8;
	[tilespmem:$0x1FC00] =	vst v63  }
0x86: {  	_ =	swait.ge [sflag:s6], $0x2800  }
0x87: {  	[sflag:s6] =	ssyncset.done $0x0  }
0x88: {  	s18 =	simm.s32 $0x13F00;
	[sflag:s6] =	ssyncadd.s32 $0xFFFFD800  }
0x89: {  	[tilespmem:s31], [sflag:$0x3] =	stream.indirect.gather [hbm4b:s4+s25], $0x80, s18, s25, $0xb8;
	[tilespmem:$0x1FC00] =	vst v63  }
0x8a: {  	_ =	swait.ge [sflag:s17], $0x2800  }
0x8b: {  	[sflag:s17] =	ssyncset.done $0x0  }
0x8c: {  	s24 =	simm.s32 $0x13F80;
	[sflag:s17] =	ssyncadd.s32 $0xFFFFD800  }
0x8d: {  	[tilespmem:s2], [sflag:$0x4] =	stream.indirect.gather [hbm4b:s4+s25], $0x80, s24, s25, $0xb8;
	[tilespmem:$0x1FC00] =	vst v63  }
0x8e: {  	_ =	swait.ge [sflag:s7], $0x2800  }
0x8f: {  	[sflag:s7] =	ssyncset.done $0x0  }
0x90: {  	s16 =	simm.s32 $0x14E00;
	[sflag:s7] =	ssyncadd.s32 $0xFFFFD800  }
0x91: {  	[spmem:s1] =	stream.indirect.scatter.add.f32 [tilespmem:s26], [sflag:$0x5], $0x80, s16, s25, $0xb8;
	[tilespmem:$0x1FC00] =	vst v63  }
0x92: {  	_ =	swait.ge [sflag:s8], $0x2800  }
0x93: {  	[sflag:s8] =	ssyncset.done $0x0  }
0x94: {  	s18 =	simm.s32 $0x14E80;
	[sflag:s8] =	ssyncadd.s32 $0xFFFFD800  }
0x95: {  	[spmem:s1] =	stream.indirect.scatter.add.f32 [tilespmem:s29], [sflag:$0x6], $0x80, s18, s25, $0xb8;
	[tilespmem:$0x1FC00] =	vst v63  }
0x96: {  	_ =	swait.ge [sflag:s10], $0x2800  }
0x97: {  	[sflag:s10] =	ssyncset.done $0x0  }
0x98: {  	s24 =	simm.s32 $0x14F00;
	[sflag:s10] =	ssyncadd.s32 $0xFFFFD800  }
0x99: {  	[spmem:s1] =	stream.indirect.scatter.add.f32 [tilespmem:s31], [sflag:$0x7], $0x80, s24, s25, $0xb8;
	[tilespmem:$0x1FC00] =	vst v63  }
0x9a: {  	_ =	swait.ge [sflag:s12], $0x2800  }
0x9b: {  	[sflag:s12] =	ssyncset.done $0x0  }
0x9c: {  	s16 =	simm.s32 $0x14F80;
	[sflag:s12] =	ssyncadd.s32 $0xFFFFD800  }
0x9d: {  	[spmem:s1] =	stream.indirect.scatter.add.f32 [tilespmem:s2], [sflag:$0x8], $0x80, s16, s25, $0xb8;
	[tilespmem:$0x1FC00] =	vst v63  }
0x9e: {  	_ =	swait.ge [sflag:s14], $0x2800  }
0x9f: {  	[sflag:s14] =	ssyncset.done $0x0  }
0xa0: {  	s18 =	simm.s32 $0x14000;
	[sflag:s14] =	ssyncadd.s32 $0xFFFFD800  }
0xa1: {  	[tilespmem:s26], [sflag:$0x1] =	stream.indirect.gather [hbm4b:s4+s25], $0x80, s18, s25, $0xb8;
	[tilespmem:$0x1FC00] =	vst v63  }
0xa2: {  	_ =	swait.ge [sflag:s30], $0x2800  }
0xa3: {  	[sflag:s30] =	ssyncset.done $0x0  }
0xa4: {  	s24 =	simm.s32 $0x14080;
	[sflag:s30] =	ssyncadd.s32 $0xFFFFD800  }
0xa5: {  	[tilespmem:s29], [sflag:$0x2] =	stream.indirect.gather [hbm4b:s4+s25], $0x80, s24, s25, $0xb8;
	[tilespmem:$0x1FC00] =	vst v63  }
0xa6: {  	_ =	swait.ge [sflag:s6], $0x2800  }
0xa7: {  	[sflag:s6] =	ssyncset.done $0x0  }
0xa8: {  	s16 =	simm.s32 $0x14100;
	[sflag:s6] =	ssyncadd.s32 $0xFFFFD800  }
0xa9: {  	[tilespmem:s31], [sflag:$0x3] =	stream.indirect.gather [hbm4b:s4+s25], $0x80, s16, s25, $0xb8;
	[tilespmem:$0x1FC00] =	vst v63  }
0xaa: {  	_ =	swait.ge [sflag:s17], $0x2800  }
0xab: {  	[sflag:s17] =	ssyncset.done $0x0  }
0xac: {  	s18 =	simm.s32 $0x14180;
	[sflag:s17] =	ssyncadd.s32 $0xFFFFD800  }
0xad: {  	[tilespmem:s2], [sflag:$0x4] =	stream.indirect.gather [hbm4b:s4+s25], $0x80, s18, s25, $0xb8;
	[tilespmem:$0x1FC00] =	vst v63  }
0xae: {  	_ =	swait.ge [sflag:s7], $0x2800  }
0xaf: {  	[sflag:s7] =	ssyncset.done $0x0  }
0xb0: {  	s24 =	simm.s32 $0x15000;
	[sflag:s7] =	ssyncadd.s32 $0xFFFFD800  }
0xb1: {  	[spmem:s1] =	stream.indirect.scatter.add.f32 [tilespmem:s26], [sflag:$0x5], $0x80, s24, s25, $0xb8;
	[tilespmem:$0x1FC00] =	vst v63  }
0xb2: {  	_ =	swait.ge [sflag:s8], $0x2800  }
0xb3: {  	[sflag:s8] =	ssyncset.done $0x0  }
0xb4: {  	s16 =	simm.s32 $0x15080;
	[sflag:s8] =	ssyncadd.s32 $0xFFFFD800  }
0xb5: {  	[spmem:s1] =	stream.indirect.scatter.add.f32 [tilespmem:s29], [sflag:$0x6], $0x80, s16, s25, $0xb8;
	[tilespmem:$0x1FC00] =	vst v63  }
0xb6: {  	_ =	swait.ge [sflag:s10], $0x2800  }
0xb7: {  	[sflag:s10] =	ssyncset.done $0x0  }
0xb8: {  	s18 =	simm.s32 $0x15100;
	[sflag:s10] =	ssyncadd.s32 $0xFFFFD800  }
0xb9: {  	[spmem:s1] =	stream.indirect.scatter.add.f32 [tilespmem:s31], [sflag:$0x7], $0x80, s18, s25, $0xb8;
	[tilespmem:$0x1FC00] =	vst v63  }
0xba: {  	_ =	swait.ge [sflag:s12], $0x2800  }
0xbb: {  	[sflag:s12] =	ssyncset.done $0x0  }
0xbc: {  	s24 =	simm.s32 $0x15180;
	[sflag:s12] =	ssyncadd.s32 $0xFFFFD800  }
0xbd: {  	[spmem:s1] =	stream.indirect.scatter.add.f32 [tilespmem:s2], [sflag:$0x8], $0x80, s24, s25, $0xb8;
	[tilespmem:$0x1FC00] =	vst v63  }
0xbe: {  	_ =	swait.ge [sflag:s14], $0x2800  }
0xbf: {  	[sflag:s14] =	ssyncset.done $0x0  }
0xc0: {  	s16 =	simm.s32 $0x14200;
	[sflag:s14] =	ssyncadd.s32 $0xFFFFD800  }
0xc1: {  	[tilespmem:s26], [sflag:$0x1] =	stream.indirect.gather [hbm4b:s4+s25], $0x80, s16, s25, $0xb8;
	[tilespmem:$0x1FC00] =	vst v63  }
0xc2: {  	_ =	swait.ge [sflag:s30], $0x2800  }
0xc3: {  	[sflag:s30] =	ssyncset.done $0x0  }
0xc4: {  	s18 =	simm.s32 $0x14280;
	[sflag:s30] =	ssyncadd.s32 $0xFFFFD800  }
0xc5: {  	[tilespmem:s29], [sflag:$0x2] =	stream.indirect.gather [hbm4b:s4+s25], $0x80, s18, s25, $0xb8;
	[tilespmem:$0x1FC00] =	vst v63  }
0xc6: {  	_ =	swait.ge [sflag:s6], $0x2800  }
0xc7: {  	[sflag:s6] =	ssyncset.done $0x0  }
0xc8: {  	s24 =	simm.s32 $0x14300;
	[sflag:s6] =	ssyncadd.s32 $0xFFFFD800  }
0xc9: {  	[tilespmem:s31], [sflag:$0x3] =	stream.indirect.gather [hbm4b:s4+s25], $0x80, s24, s25, $0xb8;
	[tilespmem:$0x1FC00] =	vst v63  }
0xca: {  	_ =	swait.ge [sflag:s17], $0x2800  }
0xcb: {  	[sflag:s17] =	ssyncset.done $0x0  }
0xcc: {  	s16 =	simm.s32 $0x14380;
	[sflag:s17] =	ssyncadd.s32 $0xFFFFD800  }
0xcd: {  	[tilespmem:s2], [sflag:$0x4] =	stream.indirect.gather [hbm4b:s4+s25], $0x80, s16, s25, $0xb8;
	[tilespmem:$0x1FC00] =	vst v63  }
0xce: {  	_ =	swait.ge [sflag:s7], $0x2800  }
0xcf: {  	[sflag:s7] =	ssyncset.done $0x0  }
0xd0: {  	s18 =	simm.s32 $0x15200;
	[sflag:s7] =	ssyncadd.s32 $0xFFFFD800  }
0xd1: {  	[spmem:s1] =	stream.indirect.scatter.add.f32 [tilespmem:s26], [sflag:$0x5], $0x80, s18, s25, $0xb8;
	[tilespmem:$0x1FC00] =	vst v63  }
0xd2: {  	_ =	swait.ge [sflag:s8], $0x2800  }
0xd3: {  	[sflag:s8] =	ssyncset.done $0x0  }
0xd4: {  	s24 =	simm.s32 $0x15280;
	[sflag:s8] =	ssyncadd.s32 $0xFFFFD800  }
0xd5: {  	[spmem:s1] =	stream.indirect.scatter.add.f32 [tilespmem:s29], [sflag:$0x6], $0x80, s24, s25, $0xb8;
	[tilespmem:$0x1FC00] =	vst v63  }
0xd6: {  	_ =	swait.ge [sflag:s10], $0x2800  }
0xd7: {  	[sflag:s10] =	ssyncset.done $0x0  }
0xd8: {  	s16 =	simm.s32 $0x15300;
	[sflag:s10] =	ssyncadd.s32 $0xFFFFD800  }
0xd9: {  	[spmem:s1] =	stream.indirect.scatter.add.f32 [tilespmem:s31], [sflag:$0x7], $0x80, s16, s25, $0xb8;
	[tilespmem:$0x1FC00] =	vst v63  }
0xda: {  	_ =	swait.ge [sflag:s12], $0x2800  }
0xdb: {  	[sflag:s12] =	ssyncset.done $0x0  }
0xdc: {  	[sflag:s12] =	ssyncadd.s32 $0xFFFFD800  }
0xdd: {  	[spmem:s1] =	stream.indirect.scatter.add.f32 [tilespmem:s2], [sflag:$0x8], $0x80, s21, s25, $0xb8;
	[tilespmem:$0x1FC00] =	vst v63  }
0xde: {  	_ =	swait.ge [sflag:s14], $0x2800  }
0xdf: {  	[sflag:s14] =	ssyncset.done $0x0  }
0xe0: {  	[sflag:s14] =	ssyncadd.s32 $0xFFFFD800  }
0xe1: {  	[tilespmem:s26], [sflag:$0x1] =	stream.indirect.gather [hbm4b:s4+s25], $0x80, s22, s25, $0xb8;
	[tilespmem:$0x1FC00] =	vst v63  }
0xe2: {  	_ =	swait.ge [sflag:s30], $0x2800  }
0xe3: {  	[sflag:s30] =	ssyncset.done $0x0  }
0xe4: {  	[sflag:s30] =	ssyncadd.s32 $0xFFFFD800  }
0xe5: {  	[tilespmem:s29], [sflag:$0x2] =	stream.indirect.gather [hbm4b:s4+s25], $0x80, s23, s25, $0xb8;
	[tilespmem:$0x1FC00] =	vst v63  }
0xe6: {  	_ =	swait.ge [sflag:s6], $0x2800  }
0xe7: {  	[sflag:s6] =	ssyncset.done $0x0  }
0xe8: {  	[sflag:s6] =	ssyncadd.s32 $0xFFFFD800  }
0xe9: {  	[tilespmem:s31], [sflag:$0x3] =	stream.indirect.gather [hbm4b:s4+s25], $0x80, s9, s25, $0xb8;
	[tilespmem:$0x1FC00] =	vst v63  }
0xea: {  	_ =	swait.ge [sflag:s17], $0x2800  }
0xeb: {  	[sflag:s17] =	ssyncset.done $0x0  }
0xec: {  	[sflag:s17] =	ssyncadd.s32 $0xFFFFD800  }
0xed: {  	[tilespmem:s2], [sflag:$0x4] =	stream.indirect.gather [hbm4b:s4+s25], $0x80, s11, s25, $0xb8;
	[tilespmem:$0x1FC00] =	vst v63  }
0xee: {  	_ =	swait.ge [sflag:s7], $0x2800  }
0xef: {  	[sflag:s7] =	ssyncset.done $0x0  }
0xf0: {  	[sflag:s7] =	ssyncadd.s32 $0xFFFFD800  }
0xf1: {  	[spmem:s1] =	stream.indirect.scatter.add.f32 [tilespmem:s26], [sflag:$0x5], $0x80, s13, s25, $0xb8;
	[tilespmem:$0x1FC00] =	vst v63  }
0xf2: {  	_ =	swait.ge [sflag:s8], $0x2800  }
0xf3: {  	[sflag:s8] =	ssyncset.done $0x0  }
0xf4: {  	[sflag:s8] =	ssyncadd.s32 $0xFFFFD800  }
0xf5: {  	[spmem:s1] =	stream.indirect.scatter.add.f32 [tilespmem:s29], [sflag:$0x6], $0x80, s28, s25, $0xb8;
	[tilespmem:$0x1FC00] =	vst v63  }
0xf6: {  	_ =	swait.ge [sflag:s10], $0x2800  }
0xf7: {  	[sflag:s10] =	ssyncset.done $0x0  }
0xf8: {  	[sflag:s10] =	ssyncadd.s32 $0xFFFFD800  }
0xf9: {  	[spmem:s1] =	stream.indirect.scatter.add.f32 [tilespmem:s31], [sflag:$0x7], $0x80, s20, s25, $0xb8;
	[tilespmem:$0x1FC00] =	vst v63  }
0xfa: {  	_ =	swait.ge [sflag:s12], $0x2800  }
0xfb: {  	[sflag:s12] =	ssyncset.done $0x0  }
0xfc: {  	s18 =	simm.s32 $0x15580;
	[sflag:s12] =	ssyncadd.s32 $0xFFFFD800  }
0xfd: {  	[spmem:s1] =	stream.indirect.scatter.add.f32 [tilespmem:s2], [sflag:$0x8], $0x80, s18, s25, $0xb8;
	[tilespmem:$0x1FC00] =	vst v63  }
0xfe: {  	_ =	swait.ge [sflag:s14], $0x2800  }
0xff: {  	[sflag:s14] =	ssyncset.done $0x0  }
0x100: {  	s24 =	simm.s32 $0x14600;
	[sflag:s14] =	ssyncadd.s32 $0xFFFFD800  }
0x101: {  	[tilespmem:s26], [sflag:$0x1] =	stream.indirect.gather [hbm4b:s4+s25], $0x80, s24, s25, $0xb8;
	[tilespmem:$0x1FC00] =	vst v63  }
0x102: {  	_ =	swait.ge [sflag:s30], $0x2800  }
0x103: {  	[sflag:s30] =	ssyncset.done $0x0  }
0x104: {  	s16 =	simm.s32 $0x14680;
	[sflag:s30] =	ssyncadd.s32 $0xFFFFD800  }
0x105: {  	[tilespmem:s29], [sflag:$0x2] =	stream.indirect.gather [hbm4b:s4+s25], $0x80, s16, s25, $0xb8;
	[tilespmem:$0x1FC00] =	vst v63  }
0x106: {  	_ =	swait.ge [sflag:s6], $0x2800  }
0x107: {  	[sflag:s6] =	ssyncset.done $0x0  }
0x108: {  	s18 =	simm.s32 $0x14700;
	[sflag:s6] =	ssyncadd.s32 $0xFFFFD800  }
0x109: {  	[tilespmem:s31], [sflag:$0x3] =	stream.indirect.gather [hbm4b:s4+s25], $0x80, s18, s25, $0xb8;
	[tilespmem:$0x1FC00] =	vst v63  }
0x10a: {  	_ =	swait.ge [sflag:s17], $0x2800  }
0x10b: {  	[sflag:s17] =	ssyncset.done $0x0  }
0x10c: {  	s24 =	simm.s32 $0x14780;
	[sflag:s17] =	ssyncadd.s32 $0xFFFFD800  }
0x10d: {  	[tilespmem:s2], [sflag:$0x4] =	stream.indirect.gather [hbm4b:s4+s25], $0x80, s24, s25, $0xb8;
	[tilespmem:$0x1FC00] =	vst v63  }
0x10e: {  	_ =	swait.ge [sflag:s7], $0x2800  }
0x10f: {  	[sflag:s7] =	ssyncset.done $0x0  }
0x110: {  	s16 =	simm.s32 $0x15600;
	[sflag:s7] =	ssyncadd.s32 $0xFFFFD800  }
0x111: {  	[spmem:s1] =	stream.indirect.scatter.add.f32 [tilespmem:s26], [sflag:$0x5], $0x80, s16, s25, $0xb8;
	[tilespmem:$0x1FC00] =	vst v63  }
0x112: {  	_ =	swait.ge [sflag:s8], $0x2800  }
0x113: {  	[sflag:s8] =	ssyncset.done $0x0  }
0x114: {  	s18 =	simm.s32 $0x15680;
	[sflag:s8] =	ssyncadd.s32 $0xFFFFD800  }
0x115: {  	[spmem:s1] =	stream.indirect.scatter.add.f32 [tilespmem:s29], [sflag:$0x6], $0x80, s18, s25, $0xb8;
	[tilespmem:$0x1FC00] =	vst v63  }
0x116: {  	_ =	swait.ge [sflag:s10], $0x2800  }
0x117: {  	[sflag:s10] =	ssyncset.done $0x0  }
0x118: {  	s24 =	simm.s32 $0x15700;
	[sflag:s10] =	ssyncadd.s32 $0xFFFFD800  }
0x119: {  	[spmem:s1] =	stream.indirect.scatter.add.f32 [tilespmem:s31], [sflag:$0x7], $0x80, s24, s25, $0xb8;
	[tilespmem:$0x1FC00] =	vst v63  }
0x11a: {  	_ =	swait.ge [sflag:s12], $0x2800  }
0x11b: {  	[sflag:s12] =	ssyncset.done $0x0  }
0x11c: {  	s16 =	simm.s32 $0x15780;
	[sflag:s12] =	ssyncadd.s32 $0xFFFFD800  }
0x11d: {  	[spmem:s1] =	stream.indirect.scatter.add.f32 [tilespmem:s2], [sflag:$0x8], $0x80, s16, s25, $0xb8;
	[tilespmem:$0x1FC00] =	vst v63  }
0x11e: {  	_ =	swait.ge [sflag:s14], $0x2800  }
0x11f: {  	[sflag:s14] =	ssyncset.done $0x0  }
0x120: {  	s18 =	simm.s32 $0x14800;
	[sflag:s14] =	ssyncadd.s32 $0xFFFFD800  }
0x121: {  	[tilespmem:s26], [sflag:$0x1] =	stream.indirect.gather [hbm4b:s4+s25], $0x80, s18, s25, $0xb8;
	[tilespmem:$0x1FC00] =	vst v63  }
0x122: {  	_ =	swait.ge [sflag:s7], $0x2800  }
0x123: {  	p1 =	seq.s32 s0, $0x800;
	[sflag:s7] =	ssyncset.done $0x0  }
0x124: {  	s24 =	simm.s32 $0x15800;
	s16 =	sshrl.u32 @!p1 s3, $0x3;
	[sflag:s7] =	ssyncadd.s32 $0xFFFFD800  }
0x125: {  	[spmem:s1] =	stream.indirect.scatter.add.f32 [tilespmem:s26], [sflag:$0x5], $0x80, s24, s25, $0xb8;
	[tilespmem:$0x1FC00] =	vst v63  }
0x126: {  	s16 =	sadd.s32 @!p1 s5, s16;
	s18 =	simm.s32 @!p1 $0x0;
	s24 =	simm.s32 @!p1 $0x13C00  }
0x127: {  	[tilespmem:s24], [sflag:$0x9] =	stream.linear.gather @!p1 [hbm4b:s16+s18], $0xC80, $0x38;
	[tilespmem:$0x1FC00] =	vst v63  }
0x128: {  	_ =	swait.ge [sflag:s14], $0x2800  }
0x129: {  	[sflag:s14] =	ssyncset.done $0x0  }
0x12a: {  	[sflag:s14] =	ssyncadd.s32 $0xFFFFD800  }
0x12b: {  	_ =	swait.ge [sflag:s30], $0x2800  }
0x12c: {  	[sflag:s30] =	ssyncset.done $0x0  }
0x12d: {  	[sflag:s30] =	ssyncadd.s32 $0xFFFFD800  }
0x12e: {  	_ =	swait.ge [sflag:s6], $0x2800  }
0x12f: {  	[sflag:s6] =	ssyncset.done $0x0  }
0x130: {  	[sflag:s6] =	ssyncadd.s32 $0xFFFFD800  }
0x131: {  	_ =	swait.ge [sflag:s17], $0x2800  }
0x132: {  	[sflag:s17] =	ssyncset.done $0x0  }
0x133: {  	s16 =	simm.s32 @!p1 $0x9;
	[sflag:s17] =	ssyncadd.s32 $0xFFFFD800  }
0x134: {  	_ =	swait.ge @!p1 [sflag:s16], $0xC80  }
0x135: {  	[sflag:s16] =	ssyncset.done @!p1 $0x0  }
0x136: {  	s15 =	simm.s32 @!p1 $0x15C00;
	[sflag:s16] =	ssyncadd.s32 @!p1 $0xFFFFF380;
	s16 =	simm.s32 @!p1 $0x50  }
0x137: {  	[tilespmem:s15], [sflag:$0x1] =	stream.indirect.gather @!p1 [hbm4b:s4+s16], $0x80, s24, s16, $0xb8;
	[tilespmem:$0x1FC00] =	vst v63  }
0x138: {  	s15 =	simm.s32 @!p1 $0x13C80;
	s24 =	simm.s32 @!p1 $0x18400  }
0x139: {  	[tilespmem:s24], [sflag:$0x2] =	stream.indirect.gather @!p1 [hbm4b:s4+s16], $0x80, s15, s16, $0xb8;
	[tilespmem:$0x1FC00] =	vst v63  }
0x13a: {  	s15 =	simm.s32 @!p1 $0x13D00;
	s24 =	simm.s32 @!p1 $0x1AC00  }
0x13b: {  	[tilespmem:s24], [sflag:$0x3] =	stream.indirect.gather @!p1 [hbm4b:s4+s16], $0x80, s15, s16, $0xb8;
	[tilespmem:$0x1FC00] =	vst v63  }
0x13c: {  	s15 =	simm.s32 @!p1 $0x13D80;
	s24 =	simm.s32 @!p1 $0x1D400  }
0x13d: {  	[tilespmem:s24], [sflag:$0x4] =	stream.indirect.gather @!p1 [hbm4b:s4+s16], $0x80, s15, s16, $0xb8;
	[tilespmem:$0x1FC00] =	vst v63  }
0x13e: {  	s15 =	sadd.s32 @!p1 s0, s19;
	s0 =	sadd.s32 @!p1 $0x200, s0  }
0x13f: {  	s16 =	simm.s32 @!p1 $0x14C00;
	p2 =	sne.s32 @!p1 s0, $0xA00  }
0x140: {  	[tilespmem:s16], [sflag:$0xA] =	stream.linear.gather @!p1 [hbm4b:s15+s18], $0xC80, $0x38;
	[tilespmem:$0x1FC00] =	vst v63  }
0x141: {  	p2 =	por p1, !p2  }
.Ltmp3:
0x142: {  	_ = 	snop;
	(pc) =	sbr.rel @!p2 .LBB2_7-.Ltmp3, $4  }
0x143: {  	s15 =	simm.s32 @!p1 $0xA  }
0x144: {  	_ =	swait.ge @!p1 [sflag:s15], $0xC80  }
0x145: {  	s3 =	sadd.s32 @!p1 $0x1000, s3;
	[sflag:s15] =	ssyncset.done @!p1 $0x0  }
0x146: {  	s24 =	simm.s32 $0x14C80;
	s18 =	simm.s32 $0x14C00;
	[sflag:s15] =	ssyncadd.s32 @!p1 $0xFFFFF380  }
0x147: {  	[bflag:$0x0] =	sbarrier.arrive $0xFFFF  }
0x148: {  	s0 =	rddreg [dreg:$0xf]  }
0x149: {  	s3 =	rddreg [dreg:$0x11]  }
0x14a: {  	s16 =	simm.s32 $0xA;
	s15 =	rddreg [dreg:$0x12]  }
0x14b: {  	[hbm:s0], [sflag:s3] =	dma.local [spmem:s15], $0x2780  }
0x14c: {  	_ =	swait.ge [sflag:s16], $0x2780  }
0x14d: {  	s0 =	rddreg [dreg:$0x13]  }
0x14e: {  	s15 =	rddreg [dreg:$0xe];
	s3 =	sadd.s32 $0x1, s0  }
0x14f: {  	p1 =	sne.s32 s3, s15  }
.Ltmp4:
0x150: {  	_ = 	snop;
	(pc) =	sbr.rel @p1 .LBB2_1-.Ltmp4, $3  }
0x151: {  	_ =	sdelay $0x1  }
0x152: {  	[sflag:s16] =	ssyncset.done $0x0  }
0x153: {  	[sflag:s16] =	ssyncadd.s32 $0xFFFFD880  }
0x154: {  	_ =	sfence.sel $0x180000  }
0x155: {  	[bflag:$0x0] =	sbarrier.arrive $0xFFFF  }
0x156: {  	_ =	strace $0x9000004D  }
0x157: {  	s0 =	stileid.u32;
	[bflag:$0x2] =	sbarrier.arrive $0xFFFF  }
0x158: {  	p0 =	sne.s32 s0, $0x0;
	s0 =	rddreg [dreg:$0x2]  }
0x159: {  	s0 =	sadd.s32 @!p0 $0x100000, s0  }
0x15a: {  	[sflag:s0] =	ssyncadd.tile.s32 @!p0 $0x1;
	_ =	shalt  }
.Lfunc_end2:
_tile_overlayer_lowered:
.L_overlay_start_2:
0x15b: {  	(tag) =	ssettag $0x2  }
0x15c: {  	s0 =	rddreg [dreg:$0x0];
	s2 =	stileid.u32  }
0x15d: {  	s1 =	rddreg [dreg:$0x1];
	p0 =	sne.s32 s2, $0x0  }
0x15e: {  	s3 =	rddreg [dreg:$0x2];
	[bflag:$0x3] =	sbarrier.arrive $0xFFFF;
	s2 =	simm.s32 @!p0 $0x1C0A  }
0x15f: {  	[timem:s3], [sflag:s2] =	dma.local @!p0 [hbm:s0], s1  }
0x160: {  	s0 =	simm.s32 @!p0 $0xA  }
0x161: {  	_ =	swait.ge @!p0 [sflag:s0], s1  }
0x162: {  	s1 =	ssub.s32 @!p0 $0x0, s1;
	[sflag:s0] =	ssyncset.done @!p0 $0x0  }
0x163: {  	[sflag:s0] =	ssyncadd.s32 @!p0 s1  }
0x164: {  	[bflag:$0x3] =	sbarrier.arrive $0xFFFF  }
0x165: {  	_ =	shalt  }

// kernel: kernel.8.cloned.1.call-start
scs
__scs_entry_jumppad:
0x0: {  	(pc) =	sbr.rel $0x88, $3  }
0x1: {  	(tag) =	ssettag $0x0;
	lr =	simm.s32 $0x1  }
0x2: {  	[smem:$0x3F9B] =	sst lr;
	_ =	strace $0xD0000000  }
0x3: {  	_ = 	snop  }
0x4: {  	_ = 	snop  }
0x5: {  	_ = 	snop  }
0x6: {  	_ = 	snop  }
0x7: {  	_ = 	snop  }
__scs_overlays_trampoline_lowered:
0x8: {  	[smem:$0x3FAA] =	sst s0  }
0x9: {  	[smem:$0x3FAB] =	sst s1  }
0xa: {  	[smem:$0x3FAC] =	sst s2  }
0xb: {  	[smem:$0x3FAD] =	sst s3  }
0xc: {  	[smem:$0x3FAE] =	sst s4  }
0xd: {  	[smem:$0x3FAF] =	sst s5  }
0xe: {  	[smem:$0x3FB0] =	sst s6  }
0xf: {  	[smem:$0x3FB1] =	sst s7  }
0x10: {  	[smem:$0x3FB2] =	sst s8  }
0x11: {  	[smem:$0x3FB3] =	sst s9;
	s0 =	simm.s32 @!p0 $0x0  }
0x12: {  	s1 =	sld [smem:$0x3F99];
	s0 =	simm.s32 @p0 $0x1  }
0x13: {  	[smem:$0x3FB4] =	sst s0;
	s0 =	simm.s32 @!p1 $0x0  }
0x14: {  	s2 =	sld [smem:$0x3F98];
	s0 =	simm.s32 @p1 $0x1  }
0x15: {  	[smem:$0x3FB5] =	sst s0;
	s0 =	simm.s32 @!p2 $0x0  }
0x16: {  	s3 =	sld [smem:$0x3FDB];
	s0 =	simm.s32 @p2 $0x1  }
0x17: {  	s4 =	simm.s32 $0x1BF5;
	[smem:$0x3FB7] =	sst s0  }
0x18: {  	s0 =	sld [smem:$0x3F9A];
	_ =	swait.ge [sflag:s4], $0x0  }
0x19: {  	s7 =	sld [smem:$0x3F9B]  }
0x1a: {  	s8 =	sadd.s32 $0xFFFFE003, lr  }
0x1b: {  	s9 =	sadd.s32 $0xFFFFFEF7, lr;
	s5 =	simm.s32 $0xFFFFFFFF;
	p2 =	slt.u32 s8, $0xFFFFF086  }
0x1c: {  	p1 =	slt.u32 s9, $0xF7A;
	s5 =	simm.s32 @!p2 $0x0  }
0x1d: {  	s5 =	simm.s32 @p1 $0x1;
	p0 =	seq.s32 s7, s2  }
0x1e: {  	s7 =	smul.u32 @!p0 $0xF7A, s2;
	p2 =	seq.s32 @!p0 s5, $0x0  }
0x1f: {  	s9 =	smul.u32 $0xF7A, s1;
	s8 =	simm.s32 @!p0 $0x1BF5;
	p2 =	por !p2, p0  }
0x20: {  	[sflag:s8] =	ssyncset.s32 @!p0 $0xFFFFF086;
	s6 =	sadd.s32 @!p0 s3, s7;
	s7 =	simm.s32 @!p0 $0x108  }
0x21: {  	s3 =	sadd.s32 s3, s9;
	s6 =	sadd.s32 @!p0 $0x88, s6;
	s7 =	simm.s32 @p2 $0x1082  }
0x22: {  	[simem:s7], [sflag:s8] =	dma.local @!p0 [hbm:s6], $0xF7A  }
0x23: {  	s9 =	sor.u32 $0xD0000000, s2;
	s6 =	simm.s32 $0x108;
	_ =	swait.ge @!p0 [sflag:s8], $0x0  }
0x24: {  	s3 =	sadd.s32 $0x88, s3;
	s6 =	simm.s32 @!p1 $0x1082;
	[sflag:s4] =	ssyncset.s32 $0xFFFFF086  }
0x25: {  	[simem:s6], [sflag:s4] =	dma.local [hbm:s3], $0xF7A  }
0x26: {  	[smem:$0x3F9B] =	sst s1;
	(tag) =	ssettag s2;
	_ =	strace s9  }
0x27: {  	s1 =	sld [smem:$0x3FAB]  }
0x28: {  	s2 =	sld [smem:$0x3FAC]  }
0x29: {  	s4 =	sld [smem:$0x3FAE]  }
0x2a: {  	p0 =	seq.s32 s5, $0x0;
	s5 =	sld [smem:$0x3FAF]  }
0x2b: {  	s6 =	sld [smem:$0x3FB0]  }
0x2c: {  	s7 =	sld [smem:$0x3FB1]  }
0x2d: {  	s3 =	simm.s32 $0x108;
	s8 =	sld [smem:$0x3FB2]  }
0x2e: {  	s3 =	simm.s32 @!p0 $0x1082;
	s9 =	sld [smem:$0x3FB3]  }
0x2f: {  	lr =	sadd.s32 s0, s3;
	s0 =	sld [smem:$0x3FAA]  }
0x30: {  	s3 =	sld [smem:$0x3FAD]  }
0x31: {  	[smem:$0x3FB6] =	sst s10  }
0x32: {  	s10 =	sld [smem:$0x3FB4];
	_ =	sdelay $0x3  }
0x33: {  	p0 =	seq.s32 s10, $0x1;
	s10 =	sld [smem:$0x3FB6];
	_ =	sdelay $0x3  }
0x34: {  	[smem:$0x3FB6] =	sst s10  }
0x35: {  	s10 =	sld [smem:$0x3FB5];
	_ =	sdelay $0x3  }
0x36: {  	p1 =	seq.s32 s10, $0x1;
	s10 =	sld [smem:$0x3FB6];
	_ =	sdelay $0x3  }
0x37: {  	[smem:$0x3FB6] =	sst s10  }
0x38: {  	s10 =	sld [smem:$0x3FB7]  }
0x39: {  	_ = 	snop;
	(pc) =	sbr.ind lr, $3  }
0x3a: {  	_ = 	snop  }
0x3b: {  	_ = 	snop  }
0x3c: {  	p2 =	seq.s32 s10, $0x1;
	s10 =	sld [smem:$0x3FB6]  }
0x3d: {  	_ =	shalt  }
0x3e: {  	_ =	shalt  }
0x3f: {  	_ =	shalt  }
0x40: {  	_ =	shalt  }
0x41: {  	_ =	shalt  }
0x42: {  	_ =	shalt  }
0x43: {  	_ =	shalt  }
0x44: {  	_ =	shalt  }
0x45: {  	_ =	shalt  }
0x46: {  	_ =	shalt  }
0x47: {  	_ =	shalt  }
0x48: {  	_ =	shalt  }
0x49: {  	_ =	shalt  }
0x4a: {  	_ =	shalt  }
0x4b: {  	_ =	shalt  }
0x4c: {  	_ =	shalt  }
0x4d: {  	_ =	shalt  }
0x4e: {  	_ =	shalt  }
0x4f: {  	_ =	shalt  }
0x50: {  	_ =	shalt  }
0x51: {  	_ =	shalt  }
0x52: {  	_ =	shalt  }
0x53: {  	_ =	shalt  }
0x54: {  	_ =	shalt  }
0x55: {  	_ =	shalt  }
0x56: {  	_ =	shalt  }
0x57: {  	_ =	shalt  }
0x58: {  	_ =	shalt  }
0x59: {  	_ =	shalt  }
0x5a: {  	_ =	shalt  }
0x5b: {  	_ =	shalt  }
0x5c: {  	_ =	shalt  }
0x5d: {  	_ =	shalt  }
0x5e: {  	_ =	shalt  }
0x5f: {  	_ =	shalt  }
0x60: {  	_ =	shalt  }
0x61: {  	_ =	shalt  }
0x62: {  	_ =	shalt  }
0x63: {  	_ =	shalt  }
0x64: {  	_ =	shalt  }
0x65: {  	_ =	shalt  }
0x66: {  	_ =	shalt  }
0x67: {  	_ =	shalt  }
0x68: {  	_ =	shalt  }
0x69: {  	_ =	shalt  }
0x6a: {  	_ =	shalt  }
0x6b: {  	_ =	shalt  }
0x6c: {  	_ =	shalt  }
0x6d: {  	_ =	shalt  }
0x6e: {  	_ =	shalt  }
0x6f: {  	_ =	shalt  }
0x70: {  	_ =	shalt  }
0x71: {  	_ =	shalt  }
0x72: {  	_ =	shalt  }
0x73: {  	_ =	shalt  }
0x74: {  	_ =	shalt  }
0x75: {  	_ =	shalt  }
0x76: {  	_ =	shalt  }
0x77: {  	_ =	shalt  }
0x78: {  	_ =	shalt  }
0x79: {  	_ =	shalt  }
0x7a: {  	_ =	shalt  }
0x7b: {  	_ =	shalt  }
0x7c: {  	_ =	shalt  }
0x7d: {  	_ =	shalt  }
0x7e: {  	_ =	shalt  }
0x7f: {  	_ =	shalt  }
0x80: {  	_ =	shalt  }
0x81: {  	_ =	shalt  }
0x82: {  	_ =	shalt  }
0x83: {  	_ =	shalt  }
0x84: {  	_ =	shalt  }
0x85: {  	_ =	shalt  }
0x86: {  	_ =	shalt  }
0x87: {  	_ =	shalt  }
.Lfunc_end0:
.L_simem_size_0:
called_computation_lowered:
.L_overlay_start_0:
0x88: {  	s2 =	sld [smem:$0x3FD9]  }
0x89: {  	s3 =	sld [smem:$0x3FFE];
	_ =	sdelay $0x1  }
0x8a: {  	s1 =	srdreg.scid  }
0x8b: {  	s0 =	sand.u32 $0x1, s1  }
0x8c: {  	s17 =	sshll.u32 s0, $0xA;
	s2 =	sadd.s32 s3, s2  }
0x8d: {  	s2 =	sadd.s32 s2, s17  }
0x8e: {  	[smem:$0x3FC2] =	sst s2  }
0x8f: {  	_ = 	snop  }
0x90: {  	s2 =	sld [smem:$0x3FD0];
	(tm) =	ssettm $0x1  }
0x91: {  	s18 =	sld [smem:$0x3FFB];
	_ =	sdelay $0x3  }
0x92: {  	_ =	strace s18  }
0x93: {  	s3 =	sld [smem:$0x3FFC];
	_ =	sdelay $0x3  }
0x94: {  	_ =	strace s3  }
0x95: {  	s3 =	sld [smem:$0x3FFD];
	_ =	sdelay $0x3  }
0x96: {  	_ =	strace s3  }
0x97: {  	_ =	strace $0x8FFFFFFF  }
0x98: {  	s19 =	sld [smem:$0x3FDB];
	_ =	sdelay $0x1  }
0x99: {  	s4 =	simm.s32 $_scs_section_size  }
0x9a: {  	s5 =	simm.s32 $_size__tile_overlayer_lowered;
	s6 =	simm.s32 $_tile_overlayer_lowered  }
0x9b: {  	s22 =	simm.s32 $0x1BFF;
	s21 =	sshll.u32 s6, $0x1;
	s3 =	sadd.s32 s4, s19  }
0x9c: {  	s7 =	simm.s32 $0x0;
	s20 =	sshll.u32 s5, $0x1;
	s5 =	sadd.s32 s21, s3  }
0x9d: {  	[timem:s7], [sflag:s22] =	dma.local [hbm:s5], s20  }
0x9e: {  	_ =	swait.ge [sflag:s22], s20  }
0x9f: {  	s4 =	ssub.s32 $0x0, s20;
	[sflag:s22] =	ssyncset.done $0x0  }
0xa0: {  	[sflag:s22] =	ssyncadd.s32 s4;
	_ =	sdelay $0x1  }
0xa1: {  	s23 =	simm.s32 $0x1B8B  }
0xa2: {  	_ =	swait.ge [sflag:s23], $0x1  }
0xa3: {  	[sflag:s23] =	ssyncset.done $0x0  }
0xa4: {  	s25 =	simm.s32 $0x1B8E;
	s24 =	sld [smem:$0x3FFE];
	[sflag:s23] =	ssyncadd.s32 $0xFFFFFFFF  }
0xa5: {  	s26 =	simm.s32 $execute0_lowered;
	[smem:$0x3FD2] =	sst s25  }
0xa6: {  	s5 =	sshll.u32 s26, $0x1;
	_ =	strace $0x80000046;
	[dreg:$0x1] =	wrdreg $0xFFFFFFFF  }
0xa7: {  	s28 =	simm.s32 $_size_execute0_lowered;
	s3 =	sadd.s32 s3, s5;
	[dreg:$0x0] =	wrdreg $0x0  }
0xa8: {  	s5 =	sshll.u32 s28, $0x1;
	[dreg:$0x2] =	wrdreg s3  }
0xa9: {  	[dreg:$0x3] =	wrdreg s5  }
0xaa: {  	[dreg:$0x4] =	wrdreg $0xC0  }
0xab: {  	_ =	task [dreg:s7], $0x5FFFF  }
0xac: {  	[dreg:$0x1] =	wrdreg $0xFFFFFFFF  }
0xad: {  	[dreg:$0x0] =	wrdreg $0x60  }
0xae: {  	[dreg:$0x2] =	wrdreg s24  }
0xaf: {  	[dreg:$0x3] =	wrdreg s2  }
0xb0: {  	[dreg:$0x4] =	wrdreg $0x0  }
0xb1: {  	[dreg:$0x5] =	wrdreg $0x9  }
0xb2: {  	_ =	task.clear_ibuf [dreg:s7], $0x6FFFF;
	_ =	strace $0x90000046  }
0xb3: {  	s29 =	simm.s32 $0x9;
	_ =	strace $0x80000048  }
0xb4: {  	_ =	swait.ge [sflag:s29], $0x1  }
0xb5: {  	[sflag:s29] =	ssyncadd.s32 $0xFFFFFFFF  }
0xb6: {  	_ =	strace $0x90000048  }
0xb7: {  	_ =	sfence  }
0xb8: {  	s30 =	sld [smem:$0x0];
	_ =	sdelay $0x2  }
0xb9: {  	s31 =	sshll.u32 s1, $0xD;
	s1 =	sshrl.u32 s1, $0x2  }
0xba: {  	s3 =	sand.u32 $0x4000, s31;
	s1 =	sadd.s32 s1, s30  }
0xbb: {  	s0 =	sor.u32 s3, s0;
	s1 =	sshll.u32 s1, $0x11  }
0xbc: {  	s0 =	sor.u32 s1, s0  }
0xbd: {  	s0 =	sadd.s32 $0x8F2B, s0  }
0xbe: {  	[sflag:s0] =	ssyncadd.remote.s32 $0x1  }
0xbf: {  	_ =	sfence.sel $0xFFFF  }
0xc0: {  	[dreg:$0x0] =	wrdreg $0xFFFFFFFF;
	(pc) =	sbr.abs _section_cstart, $3  }
0xc1: {  	[dreg:$0x1] =	wrdreg $0xFFFFFFFF  }
0xc2: {  	_ =	task.clear_ibuf [dreg:s7], $0x2FFFF;
	_ =	strace $0x9FFFFFFF  }
0xc3: {  	(tm) =	ssettm $0x7FFFFFFF  }
tec
execute0_lowered:
.L_overlay_start_1:
0x0: {  	(tag) =	ssettag $0x1  }
0x1: {  	s4 =	rddreg [dreg:$0x0]  }
0x2: {  	s0 =	srdreg.scid;
	s11 =	rddreg [dreg:$0x1]  }
0x3: {  	s2 =	rddreg [dreg:$0x2];
	s3 =	simm.s32 $0x0;
	s15 =	simm.s32 $0xF00  }
0x4: {  	s16 =	simm.s32 $0x1B80;
	s17 =	simm.s32 $0x2800;
	s18 =	simm.s32 $0x3480  }
0x5: {  	s19 =	simm.s32 $0x50;
	s20 =	simm.s32 $0x4280;
	s21 =	simm.s32 $0x1  }
0x6: {  	s24 =	simm.s32 $0x0;
	s10 =	sand.u32 $0x1, s0;
	s0 =	stileid.u32  }
0x7: {  	[smem:$0x7FF] =	sst s3;
	s13 =	sadd.s32 $0x2B400, s4;
	s1 =	sshll.u32 s10, $0x4  }
0x8: {  	s6 =	ssub.s32 $0x2, s10;
	s12 =	smul.u32 $0x280, s0;
	p0 =	seq.s32 s10, $0x0  }
0x9: {  	s22 =	sshll.u32 s0, $0x6;
	s5 =	sor.u32 s0, s1;
	s1 =	rddreg [dreg:$0x3]  }
0xa: {  	_ =	strace $0x80000047;
	s31 =	sshrl.u32 s6, $0x1;
	s5 =	smul.u32 $0x5000, s5  }
0xb: {  	s13 =	smov.u32 @p0 s11;
	s22 =	sor.u32 $0x1C02, s22;
	s14 =	ssub.s32 s6, s31  }
0xc: {  	s10 =	smax.u32 s14, $0x1;
	s14 =	simm.s32 $0x280;
	s5 =	sshrl.u32 s5, $0x3  }
0xd: {  	s9 =	sadd.s32 s5, s4;
	s4 =	sadd.s32 s12, s2;
	s12 =	sshrl.u32 s12, $0x3  }
0xe: {  	s5 =	sadd.s32 $0x17400, s9;
	s6 =	sadd.s32 $0x17600, s9;
	s7 =	sadd.s32 $0x17800, s9  }
0xf: {  	s8 =	sadd.s32 $0x17A00, s9;
	s9 =	sadd.s32 $0x17C00, s9;
	s11 =	sadd.s32 s13, s12  }
0x10: {  	v0 =	vimm.f32 $0.0e+00;
	v1 =	vimm.f32 $1.000000000e+00;
	s12 =	simm.s32 $0x4300;
	s13 =	simm.s32 $0x2;
	s23 =	sshrl.u32 s4, $0x3  }
.LBB2_1:
0x11: {  	[tilespmem:$0x4300] =	vst v0  }
0x12: {  	[tilespmem:$0x4310] =	vst v0  }
0x13: {  	[tilespmem:$0x4320] =	vst v0  }
0x14: {  	[tilespmem:$0x4330] =	vst v0  }
0x15: {  	[tilespmem:$0x4340] =	vst v0  }
0x16: {  	[tilespmem:$0x4350] =	vst v0  }
0x17: {  	[tilespmem:$0x4360] =	vst v0  }
0x18: {  	[tilespmem:$0x4370] =	vst v0  }
0x19: {  	[tilespmem:$0x4380] =	vst v0  }
0x1a: {  	[tilespmem:$0x4390] =	vst v0  }
0x1b: {  	[tilespmem:$0x43A0] =	vst v0  }
0x1c: {  	[tilespmem:$0x43B0] =	vst v0  }
0x1d: {  	[tilespmem:$0x43C0] =	vst v0  }
0x1e: {  	[tilespmem:$0x43D0] =	vst v0  }
0x1f: {  	[tilespmem:$0x43E0] =	vst v0  }
0x20: {  	[tilespmem:$0x43F0] =	vst v0  }
0x21: {  	[tilespmem:$0x4400] =	vst v0  }
0x22: {  	[tilespmem:$0x4410] =	vst v0  }
0x23: {  	[tilespmem:$0x4420] =	vst v0  }
0x24: {  	[tilespmem:$0x4430] =	vst v0  }
0x25: {  	[tilespmem:$0x4440] =	vst v0  }
0x26: {  	[tilespmem:$0x4450] =	vst v0  }
0x27: {  	[tilespmem:$0x4460] =	vst v0  }
0x28: {  	[tilespmem:$0x4470] =	vst v0  }
0x29: {  	[tilespmem:$0x4480] =	vst v0  }
0x2a: {  	[tilespmem:$0x4490] =	vst v0  }
0x2b: {  	[tilespmem:$0x44A0] =	vst v0  }
0x2c: {  	[tilespmem:$0x44B0] =	vst v0  }
0x2d: {  	[tilespmem:$0x44C0] =	vst v0  }
0x2e: {  	[tilespmem:$0x44D0] =	vst v0  }
0x2f: {  	[tilespmem:$0x44E0] =	vst v0  }
0x30: {  	[tilespmem:$0x44F0] =	vst v0  }
0x31: {  	[tilespmem:$0x4500] =	vst v0  }
0x32: {  	[tilespmem:$0x4510] =	vst v0  }
0x33: {  	[tilespmem:$0x4520] =	vst v0  }
0x34: {  	[tilespmem:$0x4530] =	vst v0  }
0x35: {  	[tilespmem:$0x4540] =	vst v0  }
0x36: {  	[tilespmem:$0x4550] =	vst v0  }
0x37: {  	[tilespmem:$0x4560] =	vst v0  }
0x38: {  	[tilespmem:$0x4570] =	vst v0  }
0x39: {  	[tilespmem:$0x4280] =	vst v1  }
0x3a: {  	[tilespmem:$0x4290] =	vst v1  }
0x3b: {  	[tilespmem:$0x42A0] =	vst v1  }
0x3c: {  	[tilespmem:$0x42B0] =	vst v1  }
0x3d: {  	[tilespmem:$0x42C0] =	vst v1  }
0x3e: {  	[spmem:s4] =	stream.linear.scatter [tilespmem:s12], [sflag:$0x2], $0x280, $0x38;
	[tilespmem:$0x4580] =	vst v63  }
0x3f: {  	_ =	swait.ge [sflag:s13], $0x280  }
0x40: {  	[sflag:s13] =	ssyncset.done $0x0  }
0x41: {  	[sflag:s13] =	ssyncadd.s32 $0xFFFFFD80  }
0x42: {  	[tilespmem:s14], [sflag:$0x2] =	stream.linear.gather [hbm4b:s5+s3], $0xC80, $0x38;
	[tilespmem:$0x4580] =	vst v63  }
0x43: {  	_ =	swait.ge [sflag:s13], $0xC80  }
0x44: {  	[sflag:s13] =	ssyncset.done $0x0  }
0x45: {  	[sflag:s13] =	ssyncadd.s32 $0xFFFFF380  }
0x46: {  	[tilespmem:s15], [sflag:$0x2] =	stream.linear.gather [hbm4b:s6+s3], $0xC80, $0x38;
	[tilespmem:$0x4580] =	vst v63  }
0x47: {  	_ =	swait.ge [sflag:s13], $0xC80  }
0x48: {  	[sflag:s13] =	ssyncset.done $0x0  }
0x49: {  	[sflag:s13] =	ssyncadd.s32 $0xFFFFF380  }
0x4a: {  	[tilespmem:s16], [sflag:$0x2] =	stream.linear.gather [hbm4b:s7+s3], $0xC80, $0x38;
	[tilespmem:$0x4580] =	vst v63  }
0x4b: {  	_ =	swait.ge [sflag:s13], $0xC80  }
0x4c: {  	[sflag:s13] =	ssyncset.done $0x0  }
0x4d: {  	[sflag:s13] =	ssyncadd.s32 $0xFFFFF380  }
0x4e: {  	[tilespmem:s17], [sflag:$0x2] =	stream.linear.gather [hbm4b:s8+s3], $0xC80, $0x38;
	[tilespmem:$0x4580] =	vst v63  }
0x4f: {  	_ =	swait.ge [sflag:s13], $0xC80  }
0x50: {  	[sflag:s13] =	ssyncset.done $0x0  }
0x51: {  	[sflag:s13] =	ssyncadd.s32 $0xFFFFF380  }
0x52: {  	[tilespmem:s18], [sflag:$0x2] =	stream.linear.gather [hbm4b:s9+s3], $0xC80, $0x38;
	[tilespmem:$0x4580] =	vst v63  }
0x53: {  	_ =	swait.ge [sflag:s13], $0xC80  }
0x54: {  	[sflag:s13] =	ssyncset.done $0x0  }
0x55: {  	[sflag:s13] =	ssyncadd.s32 $0xFFFFF380  }
0x56: {  	s25 =	simm.s32 $0x0;
	[bflag:$0x0] =	sbarrier.arrive $0xFFFF  }
.LBB2_2:
0x57: {  	p0 =	sne.s32 s25, $0xF800  }
.Ltmp0:
0x58: {  	_ = 	snop;
	(pc) =	sbr.rel @p0 .LBB2_2-.Ltmp0, $4  }
0x59: {  	_ = 	snop  }
0x5a: {  	s26 =	sshra.s32 s25, $0x2  }
0x5b: {  	s25 =	sadd.s32 $0x200, s25;
	s26 =	sadd.s32 $0x280, s26  }
0x5c: {  	[spmem:s2] =	stream.indirect.scatter.add.f32 [tilespmem:s20], [sflag:$0x1], $0x1, s26, s19, $0xb8;
	[tilespmem:$0x4580] =	vst v63  }
0x5d: {  	_ =	swait.ge [sflag:s21], $0x50  }
0x5e: {  	s25 =	simm.s32 $0x7C;
	[sflag:s21] =	ssyncset.done $0x0  }
.LBB2_4:
0x5f: {  	p0 =	sne.s32 s25, $0x1;
	s25 =	sadd.s32 $0xFFFFFFFF, s25;
	[sflag:s21] =	ssyncadd.s32 $0xFFFFFFB0  }
.Ltmp1:
0x60: {  	(pc) =	sbr.rel @p0 .LBB2_4-.Ltmp1, $3  }
0x61: {  	_ =	sdelay $0x1  }
0x62: {  	_ =	swait.ge [sflag:s21], $0x50  }
0x63: {  	[sflag:s21] =	ssyncset.done $0x0  }
0x64: {  	s24 =	sadd.s32 $0x1, s24  }
0x65: {  	[sflag:s21] =	ssyncadd.s32 $0xFFFFFFB0;
	p0 =	sne.s32 s24, s10  }
.Ltmp2:
0x66: {  	[bflag:$0x0] =	sbarrier.arrive $0xFFFF;
	(pc) =	sbr.rel @p0 .LBB2_1-.Ltmp2, $4  }
0x67: {  	[hbm:s11], [sflag:s22] =	dma.local [spmem:s23], $0x50  }
0x68: {  	_ =	swait.ge [sflag:s13], $0x50  }
0x69: {  	[sflag:s13] =	ssyncset.done $0x0  }
0x6a: {  	[sflag:s13] =	ssyncadd.s32 $0xFFFFFFB0  }
0x6b: {  	_ =	sfence.sel $0x180000  }
0x6c: {  	[bflag:$0x0] =	sbarrier.arrive $0xFFFF  }
0x6d: {  	p0 =	sne.s32 s0, $0x0;
	_ =	strace $0x90000047  }
0x6e: {  	s0 =	sadd.s32 @!p0 $0x100000, s1;
	[bflag:$0x2] =	sbarrier.arrive $0xFFFF  }
0x6f: {  	[sflag:s0] =	ssyncadd.tile.s32 @!p0 $0x1;
	_ =	shalt  }
.Lfunc_end2:
_tile_overlayer_lowered:
.L_overlay_start_2:
0x70: {  	(tag) =	ssettag $0x2  }
0x71: {  	s0 =	rddreg [dreg:$0x0];
	s2 =	stileid.u32  }
0x72: {  	s1 =	rddreg [dreg:$0x1];
	p0 =	sne.s32 s2, $0x0  }
0x73: {  	s3 =	rddreg [dreg:$0x2];
	[bflag:$0x3] =	sbarrier.arrive $0xFFFF;
	s2 =	simm.s32 @!p0 $0x1C02  }
0x74: {  	[timem:s3], [sflag:s2] =	dma.local @!p0 [hbm:s0], s1  }
0x75: {  	s0 =	simm.s32 @!p0 $0x2  }
0x76: {  	_ =	swait.ge @!p0 [sflag:s0], s1  }
0x77: {  	s1 =	ssub.s32 @!p0 $0x0, s1;
	[sflag:s0] =	ssyncset.done @!p0 $0x0  }
0x78: {  	[sflag:s0] =	ssyncadd.s32 @!p0 s1  }
0x79: {  	[bflag:$0x3] =	sbarrier.arrive $0xFFFF  }
0x7a: {  	_ =	shalt  }

</sc_bundles>
